<compile_context>
chip_gen: v7x
topology: tpu7x:2x2x1
jax: 0.10.2.dev20260603
libtpu: 0.0.44.dev20260713+nightly
codegen_flags: <defaults>
</compile_context>

<pallas_src>
import dataclasses
import functools

import jax
import jax.numpy as jnp
from jax import lax
from jax.experimental import pallas as pl
from jax.experimental.pallas import tpu as pltpu
from jax.experimental.pallas import tpu_sc as plsc

N_NODES = 10000
IN_CH = 256
HC = 256
HALF = 128
E_RAW = 160000
E_TOT = E_RAW + N_NODES

N_TILES = 16
CHUNK = 64
CH_PER_TILE = 168
NB2 = CH_PER_TILE // 2
E_PAD = N_TILES * CH_PER_TILE * CHUNK

PH_NODES = N_NODES // 2
ACC_N_ROWS = 5184
DUMMY_N = 5120
ACC_W_ROWS = 640
DUMMY_W = 630
NZCH = ACC_N_ROWS // CHUNK
NZW = ACC_W_ROWS // CHUNK
OCH = 40
NOCH = PH_NODES // OCH
WCP = ACC_W_ROWS // CHUNK

_ROWS = 400


def _mm_body(x_ref, w_ref, b_ref, o_ref):
    o_ref[...] = jnp.dot(x_ref[...], w_ref[...],
                         preferred_element_type=jnp.float32) + b_ref[0]


def _mm(x, W, b):
    n_blk = N_NODES // _ROWS
    return pl.pallas_call(
        _mm_body,
        grid=(n_blk,),
        in_specs=[
            pl.BlockSpec((_ROWS, IN_CH), lambda i: (i, 0)),
            pl.BlockSpec((IN_CH, HC), lambda i: (0, 0)),
            pl.BlockSpec((1, HC), lambda i: (0, 0)),
        ],
        out_specs=pl.BlockSpec((_ROWS, HC), lambda i: (i, 0)),
        out_shape=jax.ShapeDtypeStruct((N_NODES, HC), jnp.float32),
    )(x, W, b.reshape(1, HC))


def _ln_elu_body(h_ref, w_ref, bias_ref, gamma_ref, beta_ref, o_ref):
    num = jnp.concatenate([h_ref[0], h_ref[1]], axis=-1)
    pieces = []
    for h in range(4):
        inv = 1.0 / (w_ref[:, h:h + 1] + 1e-16)
        pieces.append(num[:, 64 * h:64 * (h + 1)] * inv)
    full = jnp.concatenate(pieces, axis=-1) + bias_ref[0]
    mean = jnp.mean(full, axis=-1, keepdims=True)
    var = jnp.mean((full - mean) ** 2, axis=-1, keepdims=True)
    y = (full - mean) / jnp.sqrt(var + 1e-5) * gamma_ref[0] + beta_ref[0]
    o_ref[...] = jnp.where(y > 0, y, jnp.exp(jnp.minimum(y, 0.0)) - 1.0)


def _ln_elu(halves, w4, bias, gamma, beta):
    n_blk = N_NODES // _ROWS
    return pl.pallas_call(
        _ln_elu_body,
        grid=(n_blk,),
        in_specs=[
            pl.BlockSpec((2, _ROWS, HALF), lambda i: (0, i, 0)),
            pl.BlockSpec((_ROWS, 4), lambda i: (i, 0)),
            pl.BlockSpec((1, HC), lambda i: (0, 0)),
            pl.BlockSpec((1, HC), lambda i: (0, 0)),
            pl.BlockSpec((1, HC), lambda i: (0, 0)),
        ],
        out_specs=pl.BlockSpec((_ROWS, HC), lambda i: (i, 0)),
        out_shape=jax.ShapeDtypeStruct((N_NODES, HC), jnp.float32),
    )(halves, w4, bias.reshape(1, HC), gamma.reshape(1, HC),
      beta.reshape(1, HC))


def _sc_edge_body(xl_hbm, xr_hbm, src_hbm, dst_hbm, ohc_hbm, att_hbm,
                  outn_hbm, outw_hbm,
                  srcrawA, dstrawA, ohbufA, srcidxA, dgidxA, dsbufA, dswbufA,
                  xlrowsA, xrrowsA,
                  srcrawB, dstrawB, ohbufB, srcidxB, dgidxB, dsbufB, dswbufB,
                  xlrowsB, xrrowsB,
                  attbuf, stg, stgw, accn, accw,
                  sem_iA, sem_iB, sem_gA, sem_gB, sem_s0, sem_s1):
    c = lax.axis_index("c")
    s = lax.axis_index("s")

    A = (srcrawA, dstrawA, ohbufA, srcidxA, dgidxA, dsbufA, dswbufA,
         xlrowsA, xrrowsA, sem_iA, sem_gA)
    B = (srcrawB, dstrawB, ohbufB, srcidxB, dgidxB, dsbufB, dswbufB,
         xlrowsB, xrrowsB, sem_iB, sem_gB)

    def fetch(S, chunk):
        srcraw, dstraw, ohbuf, _, _, _, _, _, _, sem_i, _ = S
        base = (s * CH_PER_TILE + chunk) * CHUNK
        pltpu.async_copy(src_hbm.at[pl.ds(base, CHUNK)], srcraw, sem_i)
        pltpu.async_copy(dst_hbm.at[pl.ds(base, CHUNK)], dstraw, sem_i)
        pltpu.async_copy(ohc_hbm.at[pl.ds(base, CHUNK)], ohbuf, sem_i)

    def stage(S, p):
        (srcraw, dstraw, ohbuf, srcidx, dgidx, dsbuf, dswbuf,
         xlrows, xrrows, sem_i, sem_g) = S
        pltpu.make_async_copy(src_hbm.at[pl.ds(0, CHUNK)], srcraw,
                              sem_i).wait()
        pltpu.make_async_copy(dst_hbm.at[pl.ds(0, CHUNK)], dstraw,
                              sem_i).wait()
        pltpu.make_async_copy(ohc_hbm.at[pl.ds(0, CHUNK)], ohbuf,
                              sem_i).wait()
        coff = c * N_NODES

        @plsc.parallel_loop(0, CHUNK // 16)
        def _ids(t):
            sl = pl.ds(16 * t, 16)
            dv = dstraw[sl]
            srcidx[sl] = srcraw[sl] + coff
            dgidx[sl] = jnp.minimum(dv, N_NODES - 1) + coff
            lv = dv - p * PH_NODES
            ok = (lv >= 0) & (lv < PH_NODES)
            spread = dv & 63
            dsbuf[sl] = jnp.where(ok, lv, DUMMY_N + spread)
            dswbuf[sl] = jnp.where(ok, lv >> 3, DUMMY_W + (dv & 7))

        pltpu.async_copy(xl_hbm.at[srcidx], xlrows, sem_g)
        pltpu.async_copy(xr_hbm.at[dgidx], xrrows, sem_g)

    def drain_scatters():
        pltpu.make_async_copy(xl_hbm.at[pl.ds(0, CHUNK)], stg, sem_s0).wait()
        pltpu.make_async_copy(xr_hbm.at[pl.ds(0, CHUNK)], stgw,
                              sem_s1).wait()

    def consume(S):
        (_, _, ohbuf, _, _, dsbuf, dswbuf, xlrows, xrrows, _, sem_g) = S
        pltpu.make_async_copy(xl_hbm.at[pl.ds(0, CHUNK)], xlrows,
                              sem_g).wait()
        pltpu.make_async_copy(xr_hbm.at[pl.ds(0, CHUNK)], xrrows,
                              sem_g).wait()

        @plsc.parallel_loop(0, CHUNK, unroll=2)
        def _edge(e):
            xs = [xlrows[e, pl.ds(16 * j, 16)] for j in range(8)]
            ws = []
            for q in range(2):
                tsum = None
                for j in range(4 * q, 4 * q + 4):
                    z = xs[j] + xrrows[e, pl.ds(16 * j, 16)]
                    t = jnp.maximum(z, z * 0.2) * attbuf[pl.ds(16 * j, 16)]
                    tsum = t if tsum is None else tsum + t
                a = jnp.sum(tsum)
                ws.append(jnp.exp(jnp.full((16,), a, jnp.float32)))
            for j in range(8):
                stg[e, pl.ds(16 * j, 16)] = xs[j] * ws[j // 4]
            oc = ohbuf[e, pl.ds(0, 16)]
            zero = jnp.zeros((16,), jnp.float32)
            stgw[e, pl.ds(0, 16)] = (jnp.where(oc == 1.0, ws[0], zero) +
                                     jnp.where(oc == 2.0, ws[1], zero))

        pltpu.async_copy(stg, accn.at[dsbuf], sem_s0, add=True)
        pltpu.async_copy(stgw, accw.at[dswbuf], sem_s1, add=True)

    pltpu.sync_copy(att_hbm.at[pl.ds(c * HALF, HALF)], attbuf)

    for p in range(2):
        @pl.loop(0, CHUNK)
        def _zs(i):
            for j in range(8):
                stg[i, pl.ds(16 * j, 16)] = jnp.zeros((16,), jnp.float32)
                stgw[i, pl.ds(16 * j, 16)] = jnp.zeros((16,), jnp.float32)

        for k in range(6):
            zid = s + N_TILES * k

            @pl.when(zid < NZCH)
            def _zn():
                pltpu.sync_copy(stg, accn.at[pl.ds(zid * CHUNK, CHUNK)])

        @pl.when(s < NZW)
        def _zw():
            pltpu.sync_copy(stgw, accw.at[pl.ds(s * CHUNK, CHUNK)])

        plsc.subcore_barrier()

        fetch(A, 0)
        stage(A, p)

        @pl.loop(0, NB2)
        def _body(t):
            fetch(B, 2 * t + 1)

            @pl.when(t > 0)
            def _d0():
                drain_scatters()

            consume(A)
            stage(B, p)

            @pl.when(t < NB2 - 1)
            def _f2():
                fetch(A, 2 * t + 2)

            drain_scatters()
            consume(B)

            @pl.when(t < NB2 - 1)
            def _s2():
                stage(A, p)

        drain_scatters()
        plsc.subcore_barrier()

        for k in range(8):
            oid = s + N_TILES * k

            @pl.when(oid < NOCH)
            def _on():
                pltpu.sync_copy(
                    accn.at[pl.ds(oid * OCH, OCH)],
                    outn_hbm.at[pl.ds(c * N_NODES + p * PH_NODES + oid * OCH,
                                      OCH)])

        @pl.when(s < WCP)
        def _ow():
            pltpu.sync_copy(
                accw.at[pl.ds(s * CHUNK, CHUNK)],
                outw_hbm.at[pl.ds(((2 * c + p) * WCP + s) * CHUNK, CHUNK)])

        plsc.subcore_barrier()


_sc_cp = pltpu.CompilerParams()
if "needs_layout_passes" in pltpu.CompilerParams.__dataclass_fields__:
    _sc_cp = dataclasses.replace(_sc_cp, needs_layout_passes=False)

_IDXB = [
    pltpu.VMEM((CHUNK,), jnp.int32),
    pltpu.VMEM((CHUNK,), jnp.int32),
    pltpu.VMEM((CHUNK, 16), jnp.float32),
    pltpu.VMEM((CHUNK,), jnp.int32),
    pltpu.VMEM((CHUNK,), jnp.int32),
    pltpu.VMEM((CHUNK,), jnp.int32),
    pltpu.VMEM((CHUNK,), jnp.int32),
    pltpu.VMEM((CHUNK, HALF), jnp.float32),
    pltpu.VMEM((CHUNK, HALF), jnp.float32),
]

_sc_edge = functools.partial(
    pl.kernel,
    compiler_params=_sc_cp,
    out_type=(
        jax.ShapeDtypeStruct((2 * N_NODES, HALF), jnp.float32),
        jax.ShapeDtypeStruct((4 * ACC_W_ROWS, HALF), jnp.float32),
    ),
    mesh=plsc.VectorSubcoreMesh(core_axis_name="c", subcore_axis_name="s"),
    scratch_types=_IDXB + _IDXB + [
        pltpu.VMEM((HALF,), jnp.float32),
        pltpu.VMEM((CHUNK, HALF), jnp.float32),
        pltpu.VMEM((CHUNK, HALF), jnp.float32),
        pltpu.VMEM_SHARED((ACC_N_ROWS, HALF), jnp.float32),
        pltpu.VMEM_SHARED((ACC_W_ROWS, HALF), jnp.float32),
        pltpu.SemaphoreType.DMA,
        pltpu.SemaphoreType.DMA,
        pltpu.SemaphoreType.DMA,
        pltpu.SemaphoreType.DMA,
        pltpu.SemaphoreType.DMA,
        pltpu.SemaphoreType.DMA,
    ],
)(_sc_edge_body)


def kernel(x, edge_index, W_l, b_l, W_r, b_r, att, bias, gamma, beta):
    ei = edge_index.astype(jnp.int32)
    loops = jnp.arange(N_NODES, dtype=jnp.int32)
    src = jnp.concatenate([ei[0], loops])
    dst = jnp.concatenate([ei[1], loops])
    pad = E_PAD - E_TOT
    srcp = jnp.concatenate([src, jnp.zeros((pad,), jnp.int32)])
    dstp = jnp.concatenate([dst, jnp.full((pad,), 2 * N_NODES, jnp.int32)])
    lane0 = 2 * (dstp & 7)
    lanes = jnp.arange(16, dtype=jnp.int32)
    ohc = ((lanes[None, :] == lane0[:, None]).astype(jnp.float32) +
           2.0 * (lanes[None, :] == (lane0 + 1)[:, None]).astype(jnp.float32))
    att1 = att.reshape(HC)

    xl = _mm(x, W_l, b_l)
    xr = _mm(x, W_r, b_r)
    xlt = xl.reshape(N_NODES, 2, HALF).transpose(1, 0, 2).reshape(-1, HALF)
    xrt = xr.reshape(N_NODES, 2, HALF).transpose(1, 0, 2).reshape(-1, HALF)

    outn, outw = _sc_edge(xlt, xrt, srcp, dstp, ohc, att1)
    halves = outn.reshape(2, N_NODES, HALF)
    wq = outw.reshape(2, 2, ACC_W_ROWS, HALF)[:, :, :, :16]
    wq = wq.reshape(2, 2, ACC_W_ROWS * 8, 2)[:, :, :PH_NODES, :]
    wq = wq.reshape(2, N_NODES, 2)
    w4 = jnp.concatenate([wq[0], wq[1]], axis=-1)

    return _ln_elu(halves, w4, bias, gamma, beta)

# --- scband reference (transcript-rebuilt; emitter-appended) ---
"""Pipeline reference for scband-nifty-gatlayer-62380105007739 (READ-ONLY COPY).

The authoritative reference and input builder live on the scoring server;
editing this copy changes nothing except your own understanding.
"""

import jax, jax.numpy as jnp
import numpy as np

N_NODES = 10000
N_EDGES = 160000
IN_CH = 256
OUT_CH = 64
HEADS = 4


def setup_inputs(seed: int = 0) -> dict:
    key = jax.random.key(seed)
    ks = jax.random.split(key, 10)
    HC = HEADS * OUT_CH
    x = jax.random.normal(ks[0], (N_NODES, IN_CH), dtype=jnp.float32)
    edge_index = jax.random.randint(ks[1], (2, N_EDGES), 0, N_NODES, dtype=jnp.int64)
    glorot = float(np.sqrt(6.0 / (IN_CH + HC)))
    W_l = jax.random.uniform(ks[2], (IN_CH, HC), dtype=jnp.float32, minval=-glorot, maxval=glorot)
    W_r = jax.random.uniform(ks[3], (IN_CH, HC), dtype=jnp.float32, minval=-glorot, maxval=glorot)
    b_l = jnp.zeros((HC,), dtype=jnp.float32)
    b_r = jnp.zeros((HC,), dtype=jnp.float32)
    g_att = float(np.sqrt(6.0 / (OUT_CH + 1)))
    att = jax.random.uniform(ks[4], (1, HEADS, OUT_CH), dtype=jnp.float32, minval=-g_att, maxval=g_att)
    bias = jnp.zeros((HC,), dtype=jnp.float32)
    gamma = jnp.ones((HC,), dtype=jnp.float32)
    beta = jnp.zeros((HC,), dtype=jnp.float32)
    return {"x": x, "edge_index": edge_index, "W_l": W_l, "b_l": b_l, "W_r": W_r,
            "b_r": b_r, "att": att, "bias": bias, "gamma": gamma, "beta": beta}


def reference(x, edge_index, W_l, b_l, W_r, b_r, att, bias, gamma, beta):
    N = x.shape[0]
    H, C = att.shape[1], att.shape[2]
    # GATv2Conv (concat=True, add_self_loops=True, negative_slope=0.2)
    x_l = (x @ W_l + b_l).reshape(N, H, C)
    x_r = (x @ W_r + b_r).reshape(N, H, C)
    loops = jnp.arange(N, dtype=edge_index.dtype)
    src = jnp.concatenate([edge_index[0], loops])
    dst = jnp.concatenate([edge_index[1], loops])
    # e_ij = LeakyReLU(Wl h_j + Wr h_i), alpha = <att, e_ij>
    e = x_l[src] + x_r[dst]                       # [E, H, C]
    e = jax.nn.leaky_relu(e, negative_slope=0.2)
    alpha = jnp.sum(e * att[0], axis=-1)          # [E, H]
    # softmax over incoming edges of each dst node
    amax = jax.ops.segment_max(alpha, dst, num_segments=N)
    amax = jnp.where(jnp.isfinite(amax), amax, 0.0)
    amax = jax.lax.stop_gradient(amax)
    alpha = jnp.exp(alpha - amax[dst])
    asum = jax.ops.segment_sum(alpha, dst, num_segments=N)
    alpha = alpha / (asum[dst] + 1e-16)
    # dropout inactive at inference
    out = jax.ops.segment_sum(alpha[:, :, None] * x_l[src], dst, num_segments=N)  # [N, H, C]
    out = out.reshape(N, H * C) + bias
    # LayerNorm
    mean = jnp.mean(out, axis=-1, keepdims=True)
    var = jnp.mean((out - mean) ** 2, axis=-1, keepdims=True)
    out = (out - mean) / jnp.sqrt(var + 1e-5) * gamma + beta
    # ELU
    return jax.nn.elu(out)

if __name__ == "__main__":
    import jax
    _d = setup_inputs()
    print(jax.jit(kernel)(*tuple(_d.values())))

</pallas_src>

<mosaic_0001>
#map = affine_map<(d0, d1) -> (0, 0)>
#map1 = affine_map<(d0, d1) -> (0)>
module attributes {stable_mosaic.version = 14 : i64} {
  func.func @_sc_edge_body(%arg0: i32, %arg1: i32, %arg2: memref<20000x128xf32, #tpu.memory_space<hbm>>, %arg3: memref<20000x128xf32, #tpu.memory_space<hbm>>, %arg4: memref<172032xi32, #tpu.memory_space<hbm>>, %arg5: memref<172032xi32, #tpu.memory_space<hbm>>, %arg6: memref<172032x16xf32, #tpu.memory_space<hbm>>, %arg7: memref<256xf32, #tpu.memory_space<hbm>>, %arg8: memref<20000x128xf32, #tpu.memory_space<hbm>>, %arg9: memref<2560x128xf32, #tpu.memory_space<hbm>>, %arg10: memref<64xi32, #tpu.memory_space<vmem>>, %arg11: memref<64xi32, #tpu.memory_space<vmem>>, %arg12: memref<64x16xf32, #tpu.memory_space<vmem>>, %arg13: memref<64xi32, #tpu.memory_space<vmem>>, %arg14: memref<64xi32, #tpu.memory_space<vmem>>, %arg15: memref<64xi32, #tpu.memory_space<vmem>>, %arg16: memref<64xi32, #tpu.memory_space<vmem>>, %arg17: memref<64x128xf32, #tpu.memory_space<vmem>>, %arg18: memref<64x128xf32, #tpu.memory_space<vmem>>, %arg19: memref<64xi32, #tpu.memory_space<vmem>>, %arg20: memref<64xi32, #tpu.memory_space<vmem>>, %arg21: memref<64x16xf32, #tpu.memory_space<vmem>>, %arg22: memref<64xi32, #tpu.memory_space<vmem>>, %arg23: memref<64xi32, #tpu.memory_space<vmem>>, %arg24: memref<64xi32, #tpu.memory_space<vmem>>, %arg25: memref<64xi32, #tpu.memory_space<vmem>>, %arg26: memref<64x128xf32, #tpu.memory_space<vmem>>, %arg27: memref<64x128xf32, #tpu.memory_space<vmem>>, %arg28: memref<128xf32, #tpu.memory_space<vmem>>, %arg29: memref<64x128xf32, #tpu.memory_space<vmem>>, %arg30: memref<64x128xf32, #tpu.memory_space<vmem>>, %arg31: memref<5184x128xf32, #tpu.memory_space<vmem_shared>>, %arg32: memref<640x128xf32, #tpu.memory_space<vmem_shared>>, %arg33: memref<!tpu.dma_semaphore, #tpu.memory_space<semaphore_mem>>, %arg34: memref<!tpu.dma_semaphore, #tpu.memory_space<semaphore_mem>>, %arg35: memref<!tpu.dma_semaphore, #tpu.memory_space<semaphore_mem>>, %arg36: memref<!tpu.dma_semaphore, #tpu.memory_space<semaphore_mem>>, %arg37: memref<!tpu.dma_semaphore, #tpu.memory_space<semaphore_mem>>, %arg38: memref<!tpu.dma_semaphore, #tpu.memory_space<semaphore_mem>>) attributes {dimension_semantics = [#tpu.dimension_semantics<core_parallel>, #tpu.dimension_semantics<subcore_parallel>], iteration_bounds = array<i64: 2, 16>, scalar_prefetch = 0 : i64, scratch_operands = 29 : i64, tpu.core_type = #tpu.core_type<sc_vector_subcore>, window_params = [{transform_indices = #map}, {transform_indices = #map}, {transform_indices = #map1}, {transform_indices = #map1}, {transform_indices = #map}, {transform_indices = #map1}, {transform_indices = #map}, {transform_indices = #map}]} {
    %mul3A = arith.constant 128 : i32
    %mul3A_0 = arith.muli %arg0, %mul3A : i32
    "tpu.region"() ({
      %run_scoped3A = tpu.sem_alloc : memref<!tpu.dma_semaphore, #tpu.memory_space<semaphore_mem>>
      %dma_start3A_336 = tpu.memref_slice %arg7[%mul3A_0] : memref<256xf32, #tpu.memory_space<hbm>> -> memref<128xf32, #tpu.memory_space<hbm>>
      %dma_start3A_337 = tpu.memref_slice %arg7[%mul3A_0] : memref<256xf32, #tpu.memory_space<hbm>> -> memref<128xf32, #tpu.memory_space<hbm>>
      tpu.enqueue_dma source(%dma_start3A_337 : memref<128xf32, #tpu.memory_space<hbm>>) target(%arg28 : memref<128xf32, #tpu.memory_space<vmem>>) target_semaphore(%run_scoped3A : memref<!tpu.dma_semaphore, #tpu.memory_space<semaphore_mem>>)
      %dma_wait3A_338 = tpu.memref_slice %arg7[%mul3A_0] : memref<256xf32, #tpu.memory_space<hbm>> -> memref<128xf32, #tpu.memory_space<hbm>>
      %dma_wait3A_339 = tpu.memref_slice %arg7[%mul3A_0] : memref<256xf32, #tpu.memory_space<hbm>> -> memref<128xf32, #tpu.memory_space<hbm>>
      tpu.wait_dma2 semaphore(%run_scoped3A : memref<!tpu.dma_semaphore, #tpu.memory_space<semaphore_mem>>) src(%dma_wait3A_339 : memref<128xf32, #tpu.memory_space<hbm>>) dst(%arg28 : memref<128xf32, #tpu.memory_space<vmem>>)
      tpu.yield
    }) : () -> ()
    %scan3A = arith.constant 0 : i32
    %scan3A_1 = arith.constant 64 : i32
    %scan3A_2 = arith.addi %scan3A, %scan3A_1 : i32
    %scan3A_3 = arith.constant 1 : i32
    scf.for %scan3A_336 = %scan3A to %scan3A_2 step %scan3A_3  : i32 {
      %mul3A_337 = arith.constant 1 : i32
      %mul3A_338 = arith.muli %scan3A_336, %mul3A_337 : i32
      %add3A_339 = arith.constant 0 : i32
      %add3A_340 = arith.addi %add3A_339, %mul3A_338 : i32
      %broadcast_in_dim3A = arith.constant 0.000000e+00 : f32
      %broadcast_in_dim3A_341 = vector.broadcast %broadcast_in_dim3A : f32 to vector<16xf32>
      %swap3A = arith.index_cast %add3A_340 : i32 to index
      %swap3A_342 = arith.constant 0 : index
      %swap3A_343 = tpu.vector_load %arg29[%swap3A, %swap3A_342] {strides = array<i32>} : memref<64x128xf32, #tpu.memory_space<vmem>>, vector<16xf32>,
      tpu.vector_store %arg29[%swap3A, %swap3A_342], %broadcast_in_dim3A_341 {strides = array<i32>} : memref<64x128xf32, #tpu.memory_space<vmem>>, vector<16xf32>,
      %broadcast_in_dim3A_344 = arith.constant 0.000000e+00 : f32
      %broadcast_in_dim3A_345 = vector.broadcast %broadcast_in_dim3A_344 : f32 to vector<16xf32>
      %swap3A_346 = arith.index_cast %add3A_340 : i32 to index
      %swap3A_347 = arith.constant 0 : index
      %swap3A_348 = tpu.vector_load %arg30[%swap3A_346, %swap3A_347] {strides = array<i32>} : memref<64x128xf32, #tpu.memory_space<vmem>>, vector<16xf32>,
      tpu.vector_store %arg30[%swap3A_346, %swap3A_347], %broadcast_in_dim3A_345 {strides = array<i32>} : memref<64x128xf32, #tpu.memory_space<vmem>>, vector<16xf32>,
      %broadcast_in_dim3A_349 = arith.constant 0.000000e+00 : f32
      %broadcast_in_dim3A_350 = vector.broadcast %broadcast_in_dim3A_349 : f32 to vector<16xf32>
      %swap3A_351 = arith.index_cast %add3A_340 : i32 to index
      %swap3A_352 = arith.constant 16 : index
      %swap3A_353 = tpu.vector_load %arg29[%swap3A_351, %swap3A_352] {strides = array<i32>} : memref<64x128xf32, #tpu.memory_space<vmem>>, vector<16xf32>,
      tpu.vector_store %arg29[%swap3A_351, %swap3A_352], %broadcast_in_dim3A_350 {strides = array<i32>} : memref<64x128xf32, #tpu.memory_space<vmem>>, vector<16xf32>,
      %broadcast_in_dim3A_354 = arith.constant 0.000000e+00 : f32
      %broadcast_in_dim3A_355 = vector.broadcast %broadcast_in_dim3A_354 : f32 to vector<16xf32>
      %swap3A_356 = arith.index_cast %add3A_340 : i32 to index
      %swap3A_357 = arith.constant 16 : index
      %swap3A_358 = tpu.vector_load %arg30[%swap3A_356, %swap3A_357] {strides = array<i32>} : memref<64x128xf32, #tpu.memory_space<vmem>>, vector<16xf32>,
      tpu.vector_store %arg30[%swap3A_356, %swap3A_357], %broadcast_in_dim3A_355 {strides = array<i32>} : memref<64x128xf32, #tpu.memory_space<vmem>>, vector<16xf32>,
      %broadcast_in_dim3A_359 = arith.constant 0.000000e+00 : f32
      %broadcast_in_dim3A_360 = vector.broadcast %broadcast_in_dim3A_359 : f32 to vector<16xf32>
      %swap3A_361 = arith.index_cast %add3A_340 : i32 to index
      %swap3A_362 = arith.constant 32 : index
      %swap3A_363 = tpu.vector_load %arg29[%swap3A_361, %swap3A_362] {strides = array<i32>} : memref<64x128xf32, #tpu.memory_space<vmem>>, vector<16xf32>,
      tpu.vector_store %arg29[%swap3A_361, %swap3A_362], %broadcast_in_dim3A_360 {strides = array<i32>} : memref<64x128xf32, #tpu.memory_space<vmem>>, vector<16xf32>,
      %broadcast_in_dim3A_364 = arith.constant 0.000000e+00 : f32
      %broadcast_in_dim3A_365 = vector.broadcast %broadcast_in_dim3A_364 : f32 to vector<16xf32>
      %swap3A_366 = arith.index_cast %add3A_340 : i32 to index
      %swap3A_367 = arith.constant 32 : index
      %swap3A_368 = tpu.vector_load %arg30[%swap3A_366, %swap3A_367] {strides = array<i32>} : memref<64x128xf32, #tpu.memory_space<vmem>>, vector<16xf32>,
      tpu.vector_store %arg30[%swap3A_366, %swap3A_367], %broadcast_in_dim3A_365 {strides = array<i32>} : memref<64x128xf32, #tpu.memory_space<vmem>>, vector<16xf32>,
      %broadcast_in_dim3A_369 = arith.constant 0.000000e+00 : f32
      %broadcast_in_dim3A_370 = vector.broadcast %broadcast_in_dim3A_369 : f32 to vector<16xf32>
      %swap3A_371 = arith.index_cast %add3A_340 : i32 to index
      %swap3A_372 = arith.constant 48 : index
      %swap3A_373 = tpu.vector_load %arg29[%swap3A_371, %swap3A_372] {strides = array<i32>} : memref<64x128xf32, #tpu.memory_space<vmem>>, vector<16xf32>,
      tpu.vector_store %arg29[%swap3A_371, %swap3A_372], %broadcast_in_dim3A_370 {strides = array<i32>} : memref<64x128xf32, #tpu.memory_space<vmem>>, vector<16xf32>,
      %broadcast_in_dim3A_374 = arith.constant 0.000000e+00 : f32
      %broadcast_in_dim3A_375 = vector.broadcast %broadcast_in_dim3A_374 : f32 to vector<16xf32>
      %swap3A_376 = arith.index_cast %add3A_340 : i32 to index
      %swap3A_377 = arith.constant 48 : index
      %swap3A_378 = tpu.vector_load %arg30[%swap3A_376, %swap3A_377] {strides = array<i32>} : memref<64x128xf32, #tpu.memory_space<vmem>>, vector<16xf32>,
      tpu.vector_store %arg30[%swap3A_376, %swap3A_377], %broadcast_in_dim3A_375 {strides = array<i32>} : memref<64x128xf32, #tpu.memory_space<vmem>>, vector<16xf32>,
      %broadcast_in_dim3A_379 = arith.constant 0.000000e+00 : f32
      %broadcast_in_dim3A_380 = vector.broadcast %broadcast_in_dim3A_379 : f32 to vector<16xf32>
      %swap3A_381 = arith.index_cast %add3A_340 : i32 to index
      %swap3A_382 = arith.constant 64 : index
      %swap3A_383 = tpu.vector_load %arg29[%swap3A_381, %swap3A_382] {strides = array<i32>} : memref<64x128xf32, #tpu.memory_space<vmem>>, vector<16xf32>,
      tpu.vector_store %arg29[%swap3A_381, %swap3A_382], %broadcast_in_dim3A_380 {strides = array<i32>} : memref<64x128xf32, #tpu.memory_space<vmem>>, vector<16xf32>,
      %broadcast_in_dim3A_384 = arith.constant 0.000000e+00 : f32
      %broadcast_in_dim3A_385 = vector.broadcast %broadcast_in_dim3A_384 : f32 to vector<16xf32>
      %swap3A_386 = arith.index_cast %add3A_340 : i32 to index
      %swap3A_387 = arith.constant 64 : index
      %swap3A_388 = tpu.vector_load %arg30[%swap3A_386, %swap3A_387] {strides = array<i32>} : memref<64x128xf32, #tpu.memory_space<vmem>>, vector<16xf32>,
      tpu.vector_store %arg30[%swap3A_386, %swap3A_387], %broadcast_in_dim3A_385 {strides = array<i32>} : memref<64x128xf32, #tpu.memory_space<vmem>>, vector<16xf32>,
      %broadcast_in_dim3A_389 = arith.constant 0.000000e+00 : f32
      %broadcast_in_dim3A_390 = vector.broadcast %broadcast_in_dim3A_389 : f32 to vector<16xf32>
      %swap3A_391 = arith.index_cast %add3A_340 : i32 to index
      %swap3A_392 = arith.constant 80 : index
      %swap3A_393 = tpu.vector_load %arg29[%swap3A_391, %swap3A_392] {strides = array<i32>} : memref<64x128xf32, #tpu.memory_space<vmem>>, vector<16xf32>,
      tpu.vector_store %arg29[%swap3A_391, %swap3A_392], %broadcast_in_dim3A_390 {strides = array<i32>} : memref<64x128xf32, #tpu.memory_space<vmem>>, vector<16xf32>,
      %broadcast_in_dim3A_394 = arith.constant 0.000000e+00 : f32
      %broadcast_in_dim3A_395 = vector.broadcast %broadcast_in_dim3A_394 : f32 to vector<16xf32>
      %swap3A_396 = arith.index_cast %add3A_340 : i32 to index
      %swap3A_397 = arith.constant 80 : index
      %swap3A_398 = tpu.vector_load %arg30[%swap3A_396, %swap3A_397] {strides = array<i32>} : memref<64x128xf32, #tpu.memory_space<vmem>>, vector<16xf32>,
      tpu.vector_store %arg30[%swap3A_396, %swap3A_397], %broadcast_in_dim3A_395 {strides = array<i32>} : memref<64x128xf32, #tpu.memory_space<vmem>>, vector<16xf32>,
      %broadcast_in_dim3A_399 = arith.constant 0.000000e+00 : f32
      %broadcast_in_dim3A_400 = vector.broadcast %broadcast_in_dim3A_399 : f32 to vector<16xf32>
      %swap3A_401 = arith.index_cast %add3A_340 : i32 to index
      %swap3A_402 = arith.constant 96 : index
      %swap3A_403 = tpu.vector_load %arg29[%swap3A_401, %swap3A_402] {strides = array<i32>} : memref<64x128xf32, #tpu.memory_space<vmem>>, vector<16xf32>,
      tpu.vector_store %arg29[%swap3A_401, %swap3A_402], %broadcast_in_dim3A_400 {strides = array<i32>} : memref<64x128xf32, #tpu.memory_space<vmem>>, vector<16xf32>,
      %broadcast_in_dim3A_404 = arith.constant 0.000000e+00 : f32
      %broadcast_in_dim3A_405 = vector.broadcast %broadcast_in_dim3A_404 : f32 to vector<16xf32>
      %swap3A_406 = arith.index_cast %add3A_340 : i32 to index
      %swap3A_407 = arith.constant 96 : index
      %swap3A_408 = tpu.vector_load %arg30[%swap3A_406, %swap3A_407] {strides = array<i32>} : memref<64x128xf32, #tpu.memory_space<vmem>>, vector<16xf32>,
      tpu.vector_store %arg30[%swap3A_406, %swap3A_407], %broadcast_in_dim3A_405 {strides = array<i32>} : memref<64x128xf32, #tpu.memory_space<vmem>>, vector<16xf32>,
      %broadcast_in_dim3A_409 = arith.constant 0.000000e+00 : f32
      %broadcast_in_dim3A_410 = vector.broadcast %broadcast_in_dim3A_409 : f32 to vector<16xf32>
      %swap3A_411 = arith.index_cast %add3A_340 : i32 to index
      %swap3A_412 = arith.constant 112 : index
      %swap3A_413 = tpu.vector_load %arg29[%swap3A_411, %swap3A_412] {strides = array<i32>} : memref<64x128xf32, #tpu.memory_space<vmem>>, vector<16xf32>,
      tpu.vector_store %arg29[%swap3A_411, %swap3A_412], %broadcast_in_dim3A_410 {strides = array<i32>} : memref<64x128xf32, #tpu.memory_space<vmem>>, vector<16xf32>,
      %broadcast_in_dim3A_414 = arith.constant 0.000000e+00 : f32
      %broadcast_in_dim3A_415 = vector.broadcast %broadcast_in_dim3A_414 : f32 to vector<16xf32>
      %swap3A_416 = arith.index_cast %add3A_340 : i32 to index
      %swap3A_417 = arith.constant 112 : index
      %swap3A_418 = tpu.vector_load %arg30[%swap3A_416, %swap3A_417] {strides = array<i32>} : memref<64x128xf32, #tpu.memory_space<vmem>>, vector<16xf32>,
      tpu.vector_store %arg30[%swap3A_416, %swap3A_417], %broadcast_in_dim3A_415 {strides = array<i32>} : memref<64x128xf32, #tpu.memory_space<vmem>>, vector<16xf32>,
    }
    %scan3A_4 = arith.constant 64 : i32
    %add3A = arith.constant 0 : i32
    %add3A_5 = arith.addi %arg1, %add3A : i32
    %lt3A = arith.constant 81 : i32
    %lt3A_6 = arith.cmpi slt, %add3A_5, %lt3A : i32
    %convert_element_type3A = arith.extui %lt3A_6 : i1 to i32
    %cond3A = arith.constant 0 : i32
    %cond3A_7 = arith.cmpi ne, %convert_element_type3A, %cond3A : i32
    scf.if %cond3A_7 {
      %mul3A_336 = arith.constant 64 : i32
      %mul3A_337 = arith.muli %add3A_5, %mul3A_336 : i32
      "tpu.region"() ({
        %run_scoped3A = tpu.sem_alloc : memref<!tpu.dma_semaphore, #tpu.memory_space<semaphore_mem>>
        %dma_start3A_338 = arith.constant 0 : i32
        %dma_start3A_339 = tpu.memref_slice %arg31[%mul3A_337, %dma_start3A_338] : memref<5184x128xf32, #tpu.memory_space<vmem_shared>> -> memref<64x128xf32, #tpu.memory_space<vmem_shared>>
        %dma_start3A_340 = arith.constant 0 : i32
        %dma_start3A_341 = tpu.memref_slice %arg31[%mul3A_337, %dma_start3A_340] : memref<5184x128xf32, #tpu.memory_space<vmem_shared>> -> memref<64x128xf32, #tpu.memory_space<vmem_shared>>
        tpu.enqueue_dma source(%arg29 : memref<64x128xf32, #tpu.memory_space<vmem>>) target(%dma_start3A_341 : memref<64x128xf32, #tpu.memory_space<vmem_shared>>) target_semaphore(%run_scoped3A : memref<!tpu.dma_semaphore, #tpu.memory_space<semaphore_mem>>)
        %dma_wait3A_342 = arith.constant 0 : i32
        %dma_wait3A_343 = tpu.memref_slice %arg31[%mul3A_337, %dma_wait3A_342] : memref<5184x128xf32, #tpu.memory_space<vmem_shared>> -> memref<64x128xf32, #tpu.memory_space<vmem_shared>>
        %dma_wait3A_344 = arith.constant 0 : i32
        %dma_wait3A_345 = tpu.memref_slice %arg31[%mul3A_337, %dma_wait3A_344] : memref<5184x128xf32, #tpu.memory_space<vmem_shared>> -> memref<64x128xf32, #tpu.memory_space<vmem_shared>>
        tpu.wait_dma2 semaphore(%run_scoped3A : memref<!tpu.dma_semaphore, #tpu.memory_space<semaphore_mem>>) src(%arg29 : memref<64x128xf32, #tpu.memory_space<vmem>>) dst(%dma_wait3A_345 : memref<64x128xf32, #tpu.memory_space<vmem_shared>>)
        tpu.yield
      }) : () -> ()
    } else {
    }
    %add3A_8 = arith.constant 16 : i32
    %add3A_9 = arith.addi %arg1, %add3A_8 : i32
    %lt3A_10 = arith.constant 81 : i32
    %lt3A_11 = arith.cmpi slt, %add3A_9, %lt3A_10 : i32
    %convert_element_type3A_12 = arith.extui %lt3A_11 : i1 to i32
    %cond3A_13 = arith.constant 0 : i32
    %cond3A_14 = arith.cmpi ne, %convert_element_type3A_12, %cond3A_13 : i32
    scf.if %cond3A_14 {
      %mul3A_336 = arith.constant 64 : i32
      %mul3A_337 = arith.muli %add3A_9, %mul3A_336 : i32
      "tpu.region"() ({
        %run_scoped3A = tpu.sem_alloc : memref<!tpu.dma_semaphore, #tpu.memory_space<semaphore_mem>>
        %dma_start3A_338 = arith.constant 0 : i32
        %dma_start3A_339 = tpu.memref_slice %arg31[%mul3A_337, %dma_start3A_338] : memref<5184x128xf32, #tpu.memory_space<vmem_shared>> -> memref<64x128xf32, #tpu.memory_space<vmem_shared>>
        %dma_start3A_340 = arith.constant 0 : i32
        %dma_start3A_341 = tpu.memref_slice %arg31[%mul3A_337, %dma_start3A_340] : memref<5184x128xf32, #tpu.memory_space<vmem_shared>> -> memref<64x128xf32, #tpu.memory_space<vmem_shared>>
        tpu.enqueue_dma source(%arg29 : memref<64x128xf32, #tpu.memory_space<vmem>>) target(%dma_start3A_341 : memref<64x128xf32, #tpu.memory_space<vmem_shared>>) target_semaphore(%run_scoped3A : memref<!tpu.dma_semaphore, #tpu.memory_space<semaphore_mem>>)
        %dma_wait3A_342 = arith.constant 0 : i32
        %dma_wait3A_343 = tpu.memref_slice %arg31[%mul3A_337, %dma_wait3A_342] : memref<5184x128xf32, #tpu.memory_space<vmem_shared>> -> memref<64x128xf32, #tpu.memory_space<vmem_shared>>
        %dma_wait3A_344 = arith.constant 0 : i32
        %dma_wait3A_345 = tpu.memref_slice %arg31[%mul3A_337, %dma_wait3A_344] : memref<5184x128xf32, #tpu.memory_space<vmem_shared>> -> memref<64x128xf32, #tpu.memory_space<vmem_shared>>
        tpu.wait_dma2 semaphore(%run_scoped3A : memref<!tpu.dma_semaphore, #tpu.memory_space<semaphore_mem>>) src(%arg29 : memref<64x128xf32, #tpu.memory_space<vmem>>) dst(%dma_wait3A_345 : memref<64x128xf32, #tpu.memory_space<vmem_shared>>)
        tpu.yield
      }) : () -> ()
    } else {
    }
    %add3A_15 = arith.constant 32 : i32
    %add3A_16 = arith.addi %arg1, %add3A_15 : i32
    %lt3A_17 = arith.constant 81 : i32
    %lt3A_18 = arith.cmpi slt, %add3A_16, %lt3A_17 : i32
    %convert_element_type3A_19 = arith.extui %lt3A_18 : i1 to i32
    %cond3A_20 = arith.constant 0 : i32
    %cond3A_21 = arith.cmpi ne, %convert_element_type3A_19, %cond3A_20 : i32
    scf.if %cond3A_21 {
      %mul3A_336 = arith.constant 64 : i32
      %mul3A_337 = arith.muli %add3A_16, %mul3A_336 : i32
      "tpu.region"() ({
        %run_scoped3A = tpu.sem_alloc : memref<!tpu.dma_semaphore, #tpu.memory_space<semaphore_mem>>
        %dma_start3A_338 = arith.constant 0 : i32
        %dma_start3A_339 = tpu.memref_slice %arg31[%mul3A_337, %dma_start3A_338] : memref<5184x128xf32, #tpu.memory_space<vmem_shared>> -> memref<64x128xf32, #tpu.memory_space<vmem_shared>>
        %dma_start3A_340 = arith.constant 0 : i32
        %dma_start3A_341 = tpu.memref_slice %arg31[%mul3A_337, %dma_start3A_340] : memref<5184x128xf32, #tpu.memory_space<vmem_shared>> -> memref<64x128xf32, #tpu.memory_space<vmem_shared>>
        tpu.enqueue_dma source(%arg29 : memref<64x128xf32, #tpu.memory_space<vmem>>) target(%dma_start3A_341 : memref<64x128xf32, #tpu.memory_space<vmem_shared>>) target_semaphore(%run_scoped3A : memref<!tpu.dma_semaphore, #tpu.memory_space<semaphore_mem>>)
        %dma_wait3A_342 = arith.constant 0 : i32
        %dma_wait3A_343 = tpu.memref_slice %arg31[%mul3A_337, %dma_wait3A_342] : memref<5184x128xf32, #tpu.memory_space<vmem_shared>> -> memref<64x128xf32, #tpu.memory_space<vmem_shared>>
        %dma_wait3A_344 = arith.constant 0 : i32
        %dma_wait3A_345 = tpu.memref_slice %arg31[%mul3A_337, %dma_wait3A_344] : memref<5184x128xf32, #tpu.memory_space<vmem_shared>> -> memref<64x128xf32, #tpu.memory_space<vmem_shared>>
        tpu.wait_dma2 semaphore(%run_scoped3A : memref<!tpu.dma_semaphore, #tpu.memory_space<semaphore_mem>>) src(%arg29 : memref<64x128xf32, #tpu.memory_space<vmem>>) dst(%dma_wait3A_345 : memref<64x128xf32, #tpu.memory_space<vmem_shared>>)
        tpu.yield
      }) : () -> ()
    } else {
    }
    %add3A_22 = arith.constant 48 : i32
    %add3A_23 = arith.addi %arg1, %add3A_22 : i32
    %lt3A_24 = arith.constant 81 : i32
    %lt3A_25 = arith.cmpi slt, %add3A_23, %lt3A_24 : i32
    %convert_element_type3A_26 = arith.extui %lt3A_25 : i1 to i32
    %cond3A_27 = arith.constant 0 : i32
    %cond3A_28 = arith.cmpi ne, %convert_element_type3A_26, %cond3A_27 : i32
    scf.if %cond3A_28 {
      %mul3A_336 = arith.constant 64 : i32
      %mul3A_337 = arith.muli %add3A_23, %mul3A_336 : i32
      "tpu.region"() ({
        %run_scoped3A = tpu.sem_alloc : memref<!tpu.dma_semaphore, #tpu.memory_space<semaphore_mem>>
        %dma_start3A_338 = arith.constant 0 : i32
        %dma_start3A_339 = tpu.memref_slice %arg31[%mul3A_337, %dma_start3A_338] : memref<5184x128xf32, #tpu.memory_space<vmem_shared>> -> memref<64x128xf32, #tpu.memory_space<vmem_shared>>
        %dma_start3A_340 = arith.constant 0 : i32
        %dma_start3A_341 = tpu.memref_slice %arg31[%mul3A_337, %dma_start3A_340] : memref<5184x128xf32, #tpu.memory_space<vmem_shared>> -> memref<64x128xf32, #tpu.memory_space<vmem_shared>>
        tpu.enqueue_dma source(%arg29 : memref<64x128xf32, #tpu.memory_space<vmem>>) target(%dma_start3A_341 : memref<64x128xf32, #tpu.memory_space<vmem_shared>>) target_semaphore(%run_scoped3A : memref<!tpu.dma_semaphore, #tpu.memory_space<semaphore_mem>>)
        %dma_wait3A_342 = arith.constant 0 : i32
        %dma_wait3A_343 = tpu.memref_slice %arg31[%mul3A_337, %dma_wait3A_342] : memref<5184x128xf32, #tpu.memory_space<vmem_shared>> -> memref<64x128xf32, #tpu.memory_space<vmem_shared>>
        %dma_wait3A_344 = arith.constant 0 : i32
        %dma_wait3A_345 = tpu.memref_slice %arg31[%mul3A_337, %dma_wait3A_344] : memref<5184x128xf32, #tpu.memory_space<vmem_shared>> -> memref<64x128xf32, #tpu.memory_space<vmem_shared>>
        tpu.wait_dma2 semaphore(%run_scoped3A : memref<!tpu.dma_semaphore, #tpu.memory_space<semaphore_mem>>) src(%arg29 : memref<64x128xf32, #tpu.memory_space<vmem>>) dst(%dma_wait3A_345 : memref<64x128xf32, #tpu.memory_space<vmem_shared>>)
        tpu.yield
      }) : () -> ()
    } else {
    }
    %add3A_29 = arith.constant 64 : i32
    %add3A_30 = arith.addi %arg1, %add3A_29 : i32
    %lt3A_31 = arith.constant 81 : i32
    %lt3A_32 = arith.cmpi slt, %add3A_30, %lt3A_31 : i32
    %convert_element_type3A_33 = arith.extui %lt3A_32 : i1 to i32
    %cond3A_34 = arith.constant 0 : i32
    %cond3A_35 = arith.cmpi ne, %convert_element_type3A_33, %cond3A_34 : i32
    scf.if %cond3A_35 {
      %mul3A_336 = arith.constant 64 : i32
      %mul3A_337 = arith.muli %add3A_30, %mul3A_336 : i32
      "tpu.region"() ({
        %run_scoped3A = tpu.sem_alloc : memref<!tpu.dma_semaphore, #tpu.memory_space<semaphore_mem>>
        %dma_start3A_338 = arith.constant 0 : i32
        %dma_start3A_339 = tpu.memref_slice %arg31[%mul3A_337, %dma_start3A_338] : memref<5184x128xf32, #tpu.memory_space<vmem_shared>> -> memref<64x128xf32, #tpu.memory_space<vmem_shared>>
        %dma_start3A_340 = arith.constant 0 : i32
        %dma_start3A_341 = tpu.memref_slice %arg31[%mul3A_337, %dma_start3A_340] : memref<5184x128xf32, #tpu.memory_space<vmem_shared>> -> memref<64x128xf32, #tpu.memory_space<vmem_shared>>
        tpu.enqueue_dma source(%arg29 : memref<64x128xf32, #tpu.memory_space<vmem>>) target(%dma_start3A_341 : memref<64x128xf32, #tpu.memory_space<vmem_shared>>) target_semaphore(%run_scoped3A : memref<!tpu.dma_semaphore, #tpu.memory_space<semaphore_mem>>)
        %dma_wait3A_342 = arith.constant 0 : i32
        %dma_wait3A_343 = tpu.memref_slice %arg31[%mul3A_337, %dma_wait3A_342] : memref<5184x128xf32, #tpu.memory_space<vmem_shared>> -> memref<64x128xf32, #tpu.memory_space<vmem_shared>>
        %dma_wait3A_344 = arith.constant 0 : i32
        %dma_wait3A_345 = tpu.memref_slice %arg31[%mul3A_337, %dma_wait3A_344] : memref<5184x128xf32, #tpu.memory_space<vmem_shared>> -> memref<64x128xf32, #tpu.memory_space<vmem_shared>>
        tpu.wait_dma2 semaphore(%run_scoped3A : memref<!tpu.dma_semaphore, #tpu.memory_space<semaphore_mem>>) src(%arg29 : memref<64x128xf32, #tpu.memory_space<vmem>>) dst(%dma_wait3A_345 : memref<64x128xf32, #tpu.memory_space<vmem_shared>>)
        tpu.yield
      }) : () -> ()
    } else {
    }
    %add3A_36 = arith.constant 80 : i32
    %add3A_37 = arith.addi %arg1, %add3A_36 : i32
    %lt3A_38 = arith.constant 81 : i32
    %lt3A_39 = arith.cmpi slt, %add3A_37, %lt3A_38 : i32
    %convert_element_type3A_40 = arith.extui %lt3A_39 : i1 to i32
    %cond3A_41 = arith.constant 0 : i32
    %cond3A_42 = arith.cmpi ne, %convert_element_type3A_40, %cond3A_41 : i32
    scf.if %cond3A_42 {
      %mul3A_336 = arith.constant 64 : i32
      %mul3A_337 = arith.muli %add3A_37, %mul3A_336 : i32
      "tpu.region"() ({
        %run_scoped3A = tpu.sem_alloc : memref<!tpu.dma_semaphore, #tpu.memory_space<semaphore_mem>>
        %dma_start3A_338 = arith.constant 0 : i32
        %dma_start3A_339 = tpu.memref_slice %arg31[%mul3A_337, %dma_start3A_338] : memref<5184x128xf32, #tpu.memory_space<vmem_shared>> -> memref<64x128xf32, #tpu.memory_space<vmem_shared>>
        %dma_start3A_340 = arith.constant 0 : i32
        %dma_start3A_341 = tpu.memref_slice %arg31[%mul3A_337, %dma_start3A_340] : memref<5184x128xf32, #tpu.memory_space<vmem_shared>> -> memref<64x128xf32, #tpu.memory_space<vmem_shared>>
        tpu.enqueue_dma source(%arg29 : memref<64x128xf32, #tpu.memory_space<vmem>>) target(%dma_start3A_341 : memref<64x128xf32, #tpu.memory_space<vmem_shared>>) target_semaphore(%run_scoped3A : memref<!tpu.dma_semaphore, #tpu.memory_space<semaphore_mem>>)
        %dma_wait3A_342 = arith.constant 0 : i32
        %dma_wait3A_343 = tpu.memref_slice %arg31[%mul3A_337, %dma_wait3A_342] : memref<5184x128xf32, #tpu.memory_space<vmem_shared>> -> memref<64x128xf32, #tpu.memory_space<vmem_shared>>
        %dma_wait3A_344 = arith.constant 0 : i32
        %dma_wait3A_345 = tpu.memref_slice %arg31[%mul3A_337, %dma_wait3A_344] : memref<5184x128xf32, #tpu.memory_space<vmem_shared>> -> memref<64x128xf32, #tpu.memory_space<vmem_shared>>
        tpu.wait_dma2 semaphore(%run_scoped3A : memref<!tpu.dma_semaphore, #tpu.memory_space<semaphore_mem>>) src(%arg29 : memref<64x128xf32, #tpu.memory_space<vmem>>) dst(%dma_wait3A_345 : memref<64x128xf32, #tpu.memory_space<vmem_shared>>)
        tpu.yield
      }) : () -> ()
    } else {
    }
    %lt3A_43 = arith.constant 10 : i32
    %lt3A_44 = arith.cmpi slt, %arg1, %lt3A_43 : i32
    %convert_element_type3A_45 = arith.extui %lt3A_44 : i1 to i32
    %cond3A_46 = arith.constant 0 : i32
    %cond3A_47 = arith.cmpi ne, %convert_element_type3A_45, %cond3A_46 : i32
    scf.if %cond3A_47 {
      %mul3A_336 = arith.constant 64 : i32
      %mul3A_337 = arith.muli %arg1, %mul3A_336 : i32
      "tpu.region"() ({
        %run_scoped3A = tpu.sem_alloc : memref<!tpu.dma_semaphore, #tpu.memory_space<semaphore_mem>>
        %dma_start3A_338 = arith.constant 0 : i32
        %dma_start3A_339 = tpu.memref_slice %arg32[%mul3A_337, %dma_start3A_338] : memref<640x128xf32, #tpu.memory_space<vmem_shared>> -> memref<64x128xf32, #tpu.memory_space<vmem_shared>>
        %dma_start3A_340 = arith.constant 0 : i32
        %dma_start3A_341 = tpu.memref_slice %arg32[%mul3A_337, %dma_start3A_340] : memref<640x128xf32, #tpu.memory_space<vmem_shared>> -> memref<64x128xf32, #tpu.memory_space<vmem_shared>>
        tpu.enqueue_dma source(%arg30 : memref<64x128xf32, #tpu.memory_space<vmem>>) target(%dma_start3A_341 : memref<64x128xf32, #tpu.memory_space<vmem_shared>>) target_semaphore(%run_scoped3A : memref<!tpu.dma_semaphore, #tpu.memory_space<semaphore_mem>>)
        %dma_wait3A_342 = arith.constant 0 : i32
        %dma_wait3A_343 = tpu.memref_slice %arg32[%mul3A_337, %dma_wait3A_342] : memref<640x128xf32, #tpu.memory_space<vmem_shared>> -> memref<64x128xf32, #tpu.memory_space<vmem_shared>>
        %dma_wait3A_344 = arith.constant 0 : i32
        %dma_wait3A_345 = tpu.memref_slice %arg32[%mul3A_337, %dma_wait3A_344] : memref<640x128xf32, #tpu.memory_space<vmem_shared>> -> memref<64x128xf32, #tpu.memory_space<vmem_shared>>
        tpu.wait_dma2 semaphore(%run_scoped3A : memref<!tpu.dma_semaphore, #tpu.memory_space<semaphore_mem>>) src(%arg30 : memref<64x128xf32, #tpu.memory_space<vmem>>) dst(%dma_wait3A_345 : memref<64x128xf32, #tpu.memory_space<vmem_shared>>)
        tpu.yield
      }) : () -> ()
    } else {
    }
    %barrier3A = arith.constant 0 : index
    tpu.barrier barrier_id(%barrier3A)
    %mul3A_48 = arith.constant 168 : i32
    %mul3A_49 = arith.muli %arg1, %mul3A_48 : i32
    %add3A_50 = arith.constant 0 : i32
    %add3A_51 = arith.addi %mul3A_49, %add3A_50 : i32
    %mul3A_52 = arith.constant 64 : i32
    %mul3A_53 = arith.muli %add3A_51, %mul3A_52 : i32
    %dma_start3A = tpu.memref_slice %arg4[%mul3A_53] : memref<172032xi32, #tpu.memory_space<hbm>> -> memref<64xi32, #tpu.memory_space<hbm>>
    %dma_start3A_54 = tpu.memref_slice %arg4[%mul3A_53] : memref<172032xi32, #tpu.memory_space<hbm>> -> memref<64xi32, #tpu.memory_space<hbm>>
    tpu.enqueue_dma source(%dma_start3A_54 : memref<64xi32, #tpu.memory_space<hbm>>) target(%arg10 : memref<64xi32, #tpu.memory_space<vmem>>) target_semaphore(%arg33 : memref<!tpu.dma_semaphore, #tpu.memory_space<semaphore_mem>>)
    %dma_start3A_55 = tpu.memref_slice %arg5[%mul3A_53] : memref<172032xi32, #tpu.memory_space<hbm>> -> memref<64xi32, #tpu.memory_space<hbm>>
    %dma_start3A_56 = tpu.memref_slice %arg5[%mul3A_53] : memref<172032xi32, #tpu.memory_space<hbm>> -> memref<64xi32, #tpu.memory_space<hbm>>
    tpu.enqueue_dma source(%dma_start3A_56 : memref<64xi32, #tpu.memory_space<hbm>>) target(%arg11 : memref<64xi32, #tpu.memory_space<vmem>>) target_semaphore(%arg33 : memref<!tpu.dma_semaphore, #tpu.memory_space<semaphore_mem>>)
    %dma_start3A_57 = arith.constant 0 : i32
    %dma_start3A_58 = tpu.memref_slice %arg6[%mul3A_53, %dma_start3A_57] : memref<172032x16xf32, #tpu.memory_space<hbm>> -> memref<64x16xf32, #tpu.memory_space<hbm>>
    %dma_start3A_59 = arith.constant 0 : i32
    %dma_start3A_60 = tpu.memref_slice %arg6[%mul3A_53, %dma_start3A_59] : memref<172032x16xf32, #tpu.memory_space<hbm>> -> memref<64x16xf32, #tpu.memory_space<hbm>>
    tpu.enqueue_dma source(%dma_start3A_60 : memref<64x16xf32, #tpu.memory_space<hbm>>) target(%arg12 : memref<64x16xf32, #tpu.memory_space<vmem>>) target_semaphore(%arg33 : memref<!tpu.dma_semaphore, #tpu.memory_space<semaphore_mem>>)
    %dma_wait3A = arith.constant 0 : i32
    %dma_wait3A_61 = tpu.memref_slice %arg4[%dma_wait3A] : memref<172032xi32, #tpu.memory_space<hbm>> -> memref<64xi32, #tpu.memory_space<hbm>>
    %dma_wait3A_62 = arith.constant 0 : i32
    %dma_wait3A_63 = tpu.memref_slice %arg4[%dma_wait3A_62] : memref<172032xi32, #tpu.memory_space<hbm>> -> memref<64xi32, #tpu.memory_space<hbm>>
    tpu.wait_dma2 semaphore(%arg33 : memref<!tpu.dma_semaphore, #tpu.memory_space<semaphore_mem>>) src(%dma_wait3A_63 : memref<64xi32, #tpu.memory_space<hbm>>) dst(%arg10 : memref<64xi32, #tpu.memory_space<vmem>>)
    %dma_wait3A_64 = arith.constant 0 : i32
    %dma_wait3A_65 = tpu.memref_slice %arg5[%dma_wait3A_64] : memref<172032xi32, #tpu.memory_space<hbm>> -> memref<64xi32, #tpu.memory_space<hbm>>
    %dma_wait3A_66 = arith.constant 0 : i32
    %dma_wait3A_67 = tpu.memref_slice %arg5[%dma_wait3A_66] : memref<172032xi32, #tpu.memory_space<hbm>> -> memref<64xi32, #tpu.memory_space<hbm>>
    tpu.wait_dma2 semaphore(%arg33 : memref<!tpu.dma_semaphore, #tpu.memory_space<semaphore_mem>>) src(%dma_wait3A_67 : memref<64xi32, #tpu.memory_space<hbm>>) dst(%arg11 : memref<64xi32, #tpu.memory_space<vmem>>)
    %dma_wait3A_68 = arith.constant 0 : i32
    %dma_wait3A_69 = arith.constant 0 : i32
    %dma_wait3A_70 = tpu.memref_slice %arg6[%dma_wait3A_68, %dma_wait3A_69] : memref<172032x16xf32, #tpu.memory_space<hbm>> -> memref<64x16xf32, #tpu.memory_space<hbm>>
    %dma_wait3A_71 = arith.constant 0 : i32
    %dma_wait3A_72 = arith.constant 0 : i32
    %dma_wait3A_73 = tpu.memref_slice %arg6[%dma_wait3A_71, %dma_wait3A_72] : memref<172032x16xf32, #tpu.memory_space<hbm>> -> memref<64x16xf32, #tpu.memory_space<hbm>>
    tpu.wait_dma2 semaphore(%arg33 : memref<!tpu.dma_semaphore, #tpu.memory_space<semaphore_mem>>) src(%dma_wait3A_73 : memref<64x16xf32, #tpu.memory_space<hbm>>) dst(%arg12 : memref<64x16xf32, #tpu.memory_space<vmem>>)
    %mul3A_74 = arith.constant 10000 : i32
    %mul3A_75 = arith.muli %arg0, %mul3A_74 : i32
    %parallel_loop3A = arith.constant 0 : i32
    %parallel_loop3A_76 = arith.constant 4 : i32
    %parallel_loop3A_77 = arith.constant 1 : i32
    scf.for %parallel_loop3A_336 = %parallel_loop3A to %parallel_loop3A_76 step %parallel_loop3A_77  : i32 {
      %parallel_loop3A_337 = arith.constant 16 : i32
      %parallel_loop3A_338 = arith.muli %parallel_loop3A_337, %parallel_loop3A_336 : i32
      %parallel_loop3A_339 = arith.index_cast %parallel_loop3A_338 : i32 to index
      %parallel_loop3A_340 = tpu.vector_load %arg11[%parallel_loop3A_339] {strides = array<i32>} : memref<64xi32, #tpu.memory_space<vmem>>, vector<16xi32>,
      %parallel_loop3A_341 = arith.index_cast %parallel_loop3A_338 : i32 to index
      %parallel_loop3A_342 = tpu.vector_load %arg10[%parallel_loop3A_341] {strides = array<i32>} : memref<64xi32, #tpu.memory_space<vmem>>, vector<16xi32>,
      %parallel_loop3A_343 = vector.broadcast %mul3A_75 : i32 to vector<16xi32>
      %parallel_loop3A_344 = arith.addi %parallel_loop3A_342, %parallel_loop3A_343 : vector<16xi32>
      %parallel_loop3A_345 = arith.index_cast %parallel_loop3A_338 : i32 to index
      %parallel_loop3A_346 = tpu.vector_load %arg13[%parallel_loop3A_345] {strides = array<i32>} : memref<64xi32, #tpu.memory_space<vmem>>, vector<16xi32>,
      tpu.vector_store %arg13[%parallel_loop3A_345], %parallel_loop3A_344 {strides = array<i32>} : memref<64xi32, #tpu.memory_space<vmem>>, vector<16xi32>,
      %parallel_loop3A_347 = arith.constant 9999 : i32
      %parallel_loop3A_348 = vector.broadcast %parallel_loop3A_347 : i32 to vector<16xi32>
      %parallel_loop3A_349 = arith.minsi %parallel_loop3A_340, %parallel_loop3A_348 : vector<16xi32>
      %parallel_loop3A_350 = vector.broadcast %mul3A_75 : i32 to vector<16xi32>
      %parallel_loop3A_351 = arith.addi %parallel_loop3A_349, %parallel_loop3A_350 : vector<16xi32>
      %parallel_loop3A_352 = arith.index_cast %parallel_loop3A_338 : i32 to index
      %parallel_loop3A_353 = tpu.vector_load %arg14[%parallel_loop3A_352] {strides = array<i32>} : memref<64xi32, #tpu.memory_space<vmem>>, vector<16xi32>,
      tpu.vector_store %arg14[%parallel_loop3A_352], %parallel_loop3A_351 {strides = array<i32>} : memref<64xi32, #tpu.memory_space<vmem>>, vector<16xi32>,
      %parallel_loop3A_354 = arith.constant 0 : i32
      %parallel_loop3A_355 = vector.broadcast %parallel_loop3A_354 : i32 to vector<16xi32>
      %parallel_loop3A_356 = arith.subi %parallel_loop3A_340, %parallel_loop3A_355 : vector<16xi32>
      %parallel_loop3A_357 = arith.constant 0 : i32
      %parallel_loop3A_358 = vector.broadcast %parallel_loop3A_357 : i32 to vector<16xi32>
      %parallel_loop3A_359 = arith.cmpi sge, %parallel_loop3A_356, %parallel_loop3A_358 : vector<16xi32>
      %parallel_loop3A_360 = arith.constant 5000 : i32
      %parallel_loop3A_361 = vector.broadcast %parallel_loop3A_360 : i32 to vector<16xi32>
      %parallel_loop3A_362 = arith.cmpi slt, %parallel_loop3A_356, %parallel_loop3A_361 : vector<16xi32>
      %parallel_loop3A_363 = arith.andi %parallel_loop3A_359, %parallel_loop3A_362 : vector<16xi1>
      %parallel_loop3A_364 = arith.constant 63 : i32
      %parallel_loop3A_365 = vector.broadcast %parallel_loop3A_364 : i32 to vector<16xi32>
      %parallel_loop3A_366 = arith.andi %parallel_loop3A_340, %parallel_loop3A_365 : vector<16xi32>
      %parallel_loop3A_367 = arith.constant 5120 : i32
      %parallel_loop3A_368 = vector.broadcast %parallel_loop3A_367 : i32 to vector<16xi32>
      %parallel_loop3A_369 = arith.addi %parallel_loop3A_368, %parallel_loop3A_366 : vector<16xi32>
      %parallel_loop3A_370 = arith.select %parallel_loop3A_363, %parallel_loop3A_356, %parallel_loop3A_369 : vector<16xi1>, vector<16xi32>
      %parallel_loop3A_371 = arith.index_cast %parallel_loop3A_338 : i32 to index
      %parallel_loop3A_372 = tpu.vector_load %arg15[%parallel_loop3A_371] {strides = array<i32>} : memref<64xi32, #tpu.memory_space<vmem>>, vector<16xi32>,
      tpu.vector_store %arg15[%parallel_loop3A_371], %parallel_loop3A_370 {strides = array<i32>} : memref<64xi32, #tpu.memory_space<vmem>>, vector<16xi32>,
      %parallel_loop3A_373 = arith.constant 3 : i32
      %parallel_loop3A_374 = vector.broadcast %parallel_loop3A_373 : i32 to vector<16xi32>
      %parallel_loop3A_375 = arith.shrsi %parallel_loop3A_356, %parallel_loop3A_374 : vector<16xi32>
      %parallel_loop3A_376 = arith.constant 7 : i32
      %parallel_loop3A_377 = vector.broadcast %parallel_loop3A_376 : i32 to vector<16xi32>
      %parallel_loop3A_378 = arith.andi %parallel_loop3A_340, %parallel_loop3A_377 : vector<16xi32>
      %parallel_loop3A_379 = arith.constant 630 : i32
      %parallel_loop3A_380 = vector.broadcast %parallel_loop3A_379 : i32 to vector<16xi32>
      %parallel_loop3A_381 = arith.addi %parallel_loop3A_380, %parallel_loop3A_378 : vector<16xi32>
      %parallel_loop3A_382 = arith.select %parallel_loop3A_363, %parallel_loop3A_375, %parallel_loop3A_381 : vector<16xi1>, vector<16xi32>
      %parallel_loop3A_383 = arith.index_cast %parallel_loop3A_338 : i32 to index
      %parallel_loop3A_384 = tpu.vector_load %arg16[%parallel_loop3A_383] {strides = array<i32>} : memref<64xi32, #tpu.memory_space<vmem>>, vector<16xi32>,
      tpu.vector_store %arg16[%parallel_loop3A_383], %parallel_loop3A_382 {strides = array<i32>} : memref<64xi32, #tpu.memory_space<vmem>>, vector<16xi32>,
    } {sc.loop_unroll_factor = 1 : i64, sc.parallel_access}
    %dma_start3A_78 = arith.constant 0 : i32
    %dma_start3A_79 = arith.constant 0 : i32
    %dma_start3A_80 = tpu.memref_slice %arg2[%dma_start3A_78, %dma_start3A_79] : memref<20000x128xf32, #tpu.memory_space<hbm>> -> memref<20000x128xf32, #tpu.memory_space<hbm>>
    tpu.enqueue_indirect_dma source(%dma_start3A_80 : memref<20000x128xf32, #tpu.memory_space<hbm>>) target(%arg17 : memref<64x128xf32, #tpu.memory_space<vmem>>) offsets(%arg13 : memref<64xi32, #tpu.memory_space<vmem>>) semaphore(%arg35 : memref<!tpu.dma_semaphore, #tpu.memory_space<semaphore_mem>>)
    %dma_start3A_81 = arith.constant 0 : i32
    %dma_start3A_82 = arith.constant 0 : i32
    %dma_start3A_83 = tpu.memref_slice %arg3[%dma_start3A_81, %dma_start3A_82] : memref<20000x128xf32, #tpu.memory_space<hbm>> -> memref<20000x128xf32, #tpu.memory_space<hbm>>
    tpu.enqueue_indirect_dma source(%dma_start3A_83 : memref<20000x128xf32, #tpu.memory_space<hbm>>) target(%arg18 : memref<64x128xf32, #tpu.memory_space<vmem>>) offsets(%arg14 : memref<64xi32, #tpu.memory_space<vmem>>) semaphore(%arg35 : memref<!tpu.dma_semaphore, #tpu.memory_space<semaphore_mem>>)
    %scan3A_84 = arith.constant 0 : i32
    %scan3A_85 = arith.constant 84 : i32
    %scan3A_86 = arith.addi %scan3A_84, %scan3A_85 : i32
    %scan3A_87 = arith.constant 1 : i32
    scf.for %scan3A_336 = %scan3A_84 to %scan3A_86 step %scan3A_87  : i32 {
      %mul3A_337 = arith.constant 1 : i32
      %mul3A_338 = arith.muli %scan3A_336, %mul3A_337 : i32
      %add3A_339 = arith.constant 0 : i32
      %add3A_340 = arith.addi %add3A_339, %mul3A_338 : i32
      %mul3A_341 = arith.constant 2 : i32
      %mul3A_342 = arith.muli %mul3A_341, %add3A_340 : i32
      %add3A_343 = arith.constant 1 : i32
      %add3A_344 = arith.addi %mul3A_342, %add3A_343 : i32
      %mul3A_345 = arith.constant 168 : i32
      %mul3A_346 = arith.muli %arg1, %mul3A_345 : i32
      %add3A_347 = arith.addi %mul3A_346, %add3A_344 : i32
      %mul3A_348 = arith.constant 64 : i32
      %mul3A_349 = arith.muli %add3A_347, %mul3A_348 : i32
      %dma_start3A_350 = tpu.memref_slice %arg4[%mul3A_349] : memref<172032xi32, #tpu.memory_space<hbm>> -> memref<64xi32, #tpu.memory_space<hbm>>
      %dma_start3A_351 = tpu.memref_slice %arg4[%mul3A_349] : memref<172032xi32, #tpu.memory_space<hbm>> -> memref<64xi32, #tpu.memory_space<hbm>>
      tpu.enqueue_dma source(%dma_start3A_351 : memref<64xi32, #tpu.memory_space<hbm>>) target(%arg19 : memref<64xi32, #tpu.memory_space<vmem>>) target_semaphore(%arg34 : memref<!tpu.dma_semaphore, #tpu.memory_space<semaphore_mem>>)
      %dma_start3A_352 = tpu.memref_slice %arg5[%mul3A_349] : memref<172032xi32, #tpu.memory_space<hbm>> -> memref<64xi32, #tpu.memory_space<hbm>>
      %dma_start3A_353 = tpu.memref_slice %arg5[%mul3A_349] : memref<172032xi32, #tpu.memory_space<hbm>> -> memref<64xi32, #tpu.memory_space<hbm>>
      tpu.enqueue_dma source(%dma_start3A_353 : memref<64xi32, #tpu.memory_space<hbm>>) target(%arg20 : memref<64xi32, #tpu.memory_space<vmem>>) target_semaphore(%arg34 : memref<!tpu.dma_semaphore, #tpu.memory_space<semaphore_mem>>)
      %dma_start3A_354 = arith.constant 0 : i32
      %dma_start3A_355 = tpu.memref_slice %arg6[%mul3A_349, %dma_start3A_354] : memref<172032x16xf32, #tpu.memory_space<hbm>> -> memref<64x16xf32, #tpu.memory_space<hbm>>
      %dma_start3A_356 = arith.constant 0 : i32
      %dma_start3A_357 = tpu.memref_slice %arg6[%mul3A_349, %dma_start3A_356] : memref<172032x16xf32, #tpu.memory_space<hbm>> -> memref<64x16xf32, #tpu.memory_space<hbm>>
      tpu.enqueue_dma source(%dma_start3A_357 : memref<64x16xf32, #tpu.memory_space<hbm>>) target(%arg21 : memref<64x16xf32, #tpu.memory_space<vmem>>) target_semaphore(%arg34 : memref<!tpu.dma_semaphore, #tpu.memory_space<semaphore_mem>>)
      %gt3A = arith.constant 0 : i32
      %gt3A_358 = arith.cmpi sgt, %add3A_340, %gt3A : i32
      %convert_element_type3A_359 = arith.extui %gt3A_358 : i1 to i32
      %cond3A_360 = arith.constant 0 : i32
      %cond3A_361 = arith.cmpi ne, %convert_element_type3A_359, %cond3A_360 : i32
      scf.if %cond3A_361 {
        %dma_wait3A_451 = arith.constant 0 : i32
        %dma_wait3A_452 = arith.constant 0 : i32
        %dma_wait3A_453 = tpu.memref_slice %arg2[%dma_wait3A_451, %dma_wait3A_452] : memref<20000x128xf32, #tpu.memory_space<hbm>> -> memref<64x128xf32, #tpu.memory_space<hbm>>
        %dma_wait3A_454 = arith.constant 0 : i32
        %dma_wait3A_455 = arith.constant 0 : i32
        %dma_wait3A_456 = tpu.memref_slice %arg2[%dma_wait3A_454, %dma_wait3A_455] : memref<20000x128xf32, #tpu.memory_space<hbm>> -> memref<64x128xf32, #tpu.memory_space<hbm>>
        tpu.wait_dma2 semaphore(%arg37 : memref<!tpu.dma_semaphore, #tpu.memory_space<semaphore_mem>>) src(%dma_wait3A_456 : memref<64x128xf32, #tpu.memory_space<hbm>>) dst(%arg29 : memref<64x128xf32, #tpu.memory_space<vmem>>)
        %dma_wait3A_457 = arith.constant 0 : i32
        %dma_wait3A_458 = arith.constant 0 : i32
        %dma_wait3A_459 = tpu.memref_slice %arg3[%dma_wait3A_457, %dma_wait3A_458] : memref<20000x128xf32, #tpu.memory_space<hbm>> -> memref<64x128xf32, #tpu.memory_space<hbm>>
        %dma_wait3A_460 = arith.constant 0 : i32
        %dma_wait3A_461 = arith.constant 0 : i32
        %dma_wait3A_462 = tpu.memref_slice %arg3[%dma_wait3A_460, %dma_wait3A_461] : memref<20000x128xf32, #tpu.memory_space<hbm>> -> memref<64x128xf32, #tpu.memory_space<hbm>>
        tpu.wait_dma2 semaphore(%arg38 : memref<!tpu.dma_semaphore, #tpu.memory_space<semaphore_mem>>) src(%dma_wait3A_462 : memref<64x128xf32, #tpu.memory_space<hbm>>) dst(%arg30 : memref<64x128xf32, #tpu.memory_space<vmem>>)
      } else {
      }
      %dma_wait3A_362 = arith.constant 0 : i32
      %dma_wait3A_363 = arith.constant 0 : i32
      %dma_wait3A_364 = tpu.memref_slice %arg2[%dma_wait3A_362, %dma_wait3A_363] : memref<20000x128xf32, #tpu.memory_space<hbm>> -> memref<64x128xf32, #tpu.memory_space<hbm>>
      %dma_wait3A_365 = arith.constant 0 : i32
      %dma_wait3A_366 = arith.constant 0 : i32
      %dma_wait3A_367 = tpu.memref_slice %arg2[%dma_wait3A_365, %dma_wait3A_366] : memref<20000x128xf32, #tpu.memory_space<hbm>> -> memref<64x128xf32, #tpu.memory_space<hbm>>
      tpu.wait_dma2 semaphore(%arg35 : memref<!tpu.dma_semaphore, #tpu.memory_space<semaphore_mem>>) src(%dma_wait3A_367 : memref<64x128xf32, #tpu.memory_space<hbm>>) dst(%arg17 : memref<64x128xf32, #tpu.memory_space<vmem>>)
      %dma_wait3A_368 = arith.constant 0 : i32
      %dma_wait3A_369 = arith.constant 0 : i32
      %dma_wait3A_370 = tpu.memref_slice %arg3[%dma_wait3A_368, %dma_wait3A_369] : memref<20000x128xf32, #tpu.memory_space<hbm>> -> memref<64x128xf32, #tpu.memory_space<hbm>>
      %dma_wait3A_371 = arith.constant 0 : i32
      %dma_wait3A_372 = arith.constant 0 : i32
      %dma_wait3A_373 = tpu.memref_slice %arg3[%dma_wait3A_371, %dma_wait3A_372] : memref<20000x128xf32, #tpu.memory_space<hbm>> -> memref<64x128xf32, #tpu.memory_space<hbm>>
      tpu.wait_dma2 semaphore(%arg35 : memref<!tpu.dma_semaphore, #tpu.memory_space<semaphore_mem>>) src(%dma_wait3A_373 : memref<64x128xf32, #tpu.memory_space<hbm>>) dst(%arg18 : memref<64x128xf32, #tpu.memory_space<vmem>>)
      %parallel_loop3A_374 = arith.constant 0 : i32
      %parallel_loop3A_375 = arith.constant 64 : i32
      %parallel_loop3A_376 = arith.constant 1 : i32
      scf.for %parallel_loop3A_451 = %parallel_loop3A_374 to %parallel_loop3A_375 step %parallel_loop3A_376  : i32 {
        %parallel_loop3A_452 = arith.index_cast %parallel_loop3A_451 : i32 to index
        %parallel_loop3A_453 = arith.constant 0 : index
        %parallel_loop3A_454 = tpu.vector_load %arg17[%parallel_loop3A_452, %parallel_loop3A_453] {strides = array<i32>} : memref<64x128xf32, #tpu.memory_space<vmem>>, vector<16xf32>,
        %parallel_loop3A_455 = arith.index_cast %parallel_loop3A_451 : i32 to index
        %parallel_loop3A_456 = arith.constant 16 : index
        %parallel_loop3A_457 = tpu.vector_load %arg17[%parallel_loop3A_455, %parallel_loop3A_456] {strides = array<i32>} : memref<64x128xf32, #tpu.memory_space<vmem>>, vector<16xf32>,
        %parallel_loop3A_458 = arith.index_cast %parallel_loop3A_451 : i32 to index
        %parallel_loop3A_459 = arith.constant 32 : index
        %parallel_loop3A_460 = tpu.vector_load %arg17[%parallel_loop3A_458, %parallel_loop3A_459] {strides = array<i32>} : memref<64x128xf32, #tpu.memory_space<vmem>>, vector<16xf32>,
        %parallel_loop3A_461 = arith.index_cast %parallel_loop3A_451 : i32 to index
        %parallel_loop3A_462 = arith.constant 48 : index
        %parallel_loop3A_463 = tpu.vector_load %arg17[%parallel_loop3A_461, %parallel_loop3A_462] {strides = array<i32>} : memref<64x128xf32, #tpu.memory_space<vmem>>, vector<16xf32>,
        %parallel_loop3A_464 = arith.index_cast %parallel_loop3A_451 : i32 to index
        %parallel_loop3A_465 = arith.constant 64 : index
        %parallel_loop3A_466 = tpu.vector_load %arg17[%parallel_loop3A_464, %parallel_loop3A_465] {strides = array<i32>} : memref<64x128xf32, #tpu.memory_space<vmem>>, vector<16xf32>,
        %parallel_loop3A_467 = arith.index_cast %parallel_loop3A_451 : i32 to index
        %parallel_loop3A_468 = arith.constant 80 : index
        %parallel_loop3A_469 = tpu.vector_load %arg17[%parallel_loop3A_467, %parallel_loop3A_468] {strides = array<i32>} : memref<64x128xf32, #tpu.memory_space<vmem>>, vector<16xf32>,
        %parallel_loop3A_470 = arith.index_cast %parallel_loop3A_451 : i32 to index
        %parallel_loop3A_471 = arith.constant 96 : index
        %parallel_loop3A_472 = tpu.vector_load %arg17[%parallel_loop3A_470, %parallel_loop3A_471] {strides = array<i32>} : memref<64x128xf32, #tpu.memory_space<vmem>>, vector<16xf32>,
        %parallel_loop3A_473 = arith.index_cast %parallel_loop3A_451 : i32 to index
        %parallel_loop3A_474 = arith.constant 112 : index
        %parallel_loop3A_475 = tpu.vector_load %arg17[%parallel_loop3A_473, %parallel_loop3A_474] {strides = array<i32>} : memref<64x128xf32, #tpu.memory_space<vmem>>, vector<16xf32>,
        %parallel_loop3A_476 = arith.index_cast %parallel_loop3A_451 : i32 to index
        %parallel_loop3A_477 = arith.constant 0 : index
        %parallel_loop3A_478 = tpu.vector_load %arg18[%parallel_loop3A_476, %parallel_loop3A_477] {strides = array<i32>} : memref<64x128xf32, #tpu.memory_space<vmem>>, vector<16xf32>,
        %parallel_loop3A_479 = arith.addf %parallel_loop3A_454, %parallel_loop3A_478 : vector<16xf32>
        %parallel_loop3A_480 = arith.constant 2.000000e-01 : f32
        %parallel_loop3A_481 = vector.broadcast %parallel_loop3A_480 : f32 to vector<16xf32>
        %parallel_loop3A_482 = arith.mulf %parallel_loop3A_479, %parallel_loop3A_481 : vector<16xf32>
        %parallel_loop3A_483 = arith.maximumf %parallel_loop3A_479, %parallel_loop3A_482 : vector<16xf32>
        %parallel_loop3A_484 = arith.constant 0 : index
        %parallel_loop3A_485 = tpu.vector_load %arg28[%parallel_loop3A_484] {strides = array<i32>} : memref<128xf32, #tpu.memory_space<vmem>>, vector<16xf32>,
        %parallel_loop3A_486 = arith.mulf %parallel_loop3A_483, %parallel_loop3A_485 : vector<16xf32>
        %parallel_loop3A_487 = arith.index_cast %parallel_loop3A_451 : i32 to index
        %parallel_loop3A_488 = arith.constant 16 : index
        %parallel_loop3A_489 = tpu.vector_load %arg18[%parallel_loop3A_487, %parallel_loop3A_488] {strides = array<i32>} : memref<64x128xf32, #tpu.memory_space<vmem>>, vector<16xf32>,
        %parallel_loop3A_490 = arith.addf %parallel_loop3A_457, %parallel_loop3A_489 : vector<16xf32>
        %parallel_loop3A_491 = arith.constant 2.000000e-01 : f32
        %parallel_loop3A_492 = vector.broadcast %parallel_loop3A_491 : f32 to vector<16xf32>
        %parallel_loop3A_493 = arith.mulf %parallel_loop3A_490, %parallel_loop3A_492 : vector<16xf32>
        %parallel_loop3A_494 = arith.maximumf %parallel_loop3A_490, %parallel_loop3A_493 : vector<16xf32>
        %parallel_loop3A_495 = arith.constant 16 : index
        %parallel_loop3A_496 = tpu.vector_load %arg28[%parallel_loop3A_495] {strides = array<i32>} : memref<128xf32, #tpu.memory_space<vmem>>, vector<16xf32>,
        %parallel_loop3A_497 = arith.mulf %parallel_loop3A_494, %parallel_loop3A_496 : vector<16xf32>
        %parallel_loop3A_498 = arith.addf %parallel_loop3A_486, %parallel_loop3A_497 : vector<16xf32>
        %parallel_loop3A_499 = arith.index_cast %parallel_loop3A_451 : i32 to index
        %parallel_loop3A_500 = arith.constant 32 : index
        %parallel_loop3A_501 = tpu.vector_load %arg18[%parallel_loop3A_499, %parallel_loop3A_500] {strides = array<i32>} : memref<64x128xf32, #tpu.memory_space<vmem>>, vector<16xf32>,
        %parallel_loop3A_502 = arith.addf %parallel_loop3A_460, %parallel_loop3A_501 : vector<16xf32>
        %parallel_loop3A_503 = arith.constant 2.000000e-01 : f32
        %parallel_loop3A_504 = vector.broadcast %parallel_loop3A_503 : f32 to vector<16xf32>
        %parallel_loop3A_505 = arith.mulf %parallel_loop3A_502, %parallel_loop3A_504 : vector<16xf32>
        %parallel_loop3A_506 = arith.maximumf %parallel_loop3A_502, %parallel_loop3A_505 : vector<16xf32>
        %parallel_loop3A_507 = arith.constant 32 : index
        %parallel_loop3A_508 = tpu.vector_load %arg28[%parallel_loop3A_507] {strides = array<i32>} : memref<128xf32, #tpu.memory_space<vmem>>, vector<16xf32>,
        %parallel_loop3A_509 = arith.mulf %parallel_loop3A_506, %parallel_loop3A_508 : vector<16xf32>
        %parallel_loop3A_510 = arith.addf %parallel_loop3A_498, %parallel_loop3A_509 : vector<16xf32>
        %parallel_loop3A_511 = arith.index_cast %parallel_loop3A_451 : i32 to index
        %parallel_loop3A_512 = arith.constant 48 : index
        %parallel_loop3A_513 = tpu.vector_load %arg18[%parallel_loop3A_511, %parallel_loop3A_512] {strides = array<i32>} : memref<64x128xf32, #tpu.memory_space<vmem>>, vector<16xf32>,
        %parallel_loop3A_514 = arith.addf %parallel_loop3A_463, %parallel_loop3A_513 : vector<16xf32>
        %parallel_loop3A_515 = arith.constant 2.000000e-01 : f32
        %parallel_loop3A_516 = vector.broadcast %parallel_loop3A_515 : f32 to vector<16xf32>
        %parallel_loop3A_517 = arith.mulf %parallel_loop3A_514, %parallel_loop3A_516 : vector<16xf32>
        %parallel_loop3A_518 = arith.maximumf %parallel_loop3A_514, %parallel_loop3A_517 : vector<16xf32>
        %parallel_loop3A_519 = arith.constant 48 : index
        %parallel_loop3A_520 = tpu.vector_load %arg28[%parallel_loop3A_519] {strides = array<i32>} : memref<128xf32, #tpu.memory_space<vmem>>, vector<16xf32>,
        %parallel_loop3A_521 = arith.mulf %parallel_loop3A_518, %parallel_loop3A_520 : vector<16xf32>
        %parallel_loop3A_522 = arith.addf %parallel_loop3A_510, %parallel_loop3A_521 : vector<16xf32>
        %parallel_loop3A_523 = arith.constant true
        %parallel_loop3A_524 = vector.broadcast %parallel_loop3A_523 : i1 to vector<16xi1>
        %parallel_loop3A_525 = tpu.scan <sum>, %parallel_loop3A_522 masked %parallel_loop3A_524 : vector<16xf32>, vector<16xi1> -> vector<16xf32>
        %parallel_loop3A_526 = vector.extract %parallel_loop3A_525[15] : f32 from vector<16xf32>
        %parallel_loop3A_527 = vector.broadcast %parallel_loop3A_526 : f32 to vector<16xf32>
        %parallel_loop3A_528 = math.exp %parallel_loop3A_527 : vector<16xf32>
        %parallel_loop3A_529 = arith.index_cast %parallel_loop3A_451 : i32 to index
        %parallel_loop3A_530 = arith.constant 64 : index
        %parallel_loop3A_531 = tpu.vector_load %arg18[%parallel_loop3A_529, %parallel_loop3A_530] {strides = array<i32>} : memref<64x128xf32, #tpu.memory_space<vmem>>, vector<16xf32>,
        %parallel_loop3A_532 = arith.addf %parallel_loop3A_466, %parallel_loop3A_531 : vector<16xf32>
        %parallel_loop3A_533 = arith.constant 2.000000e-01 : f32
        %parallel_loop3A_534 = vector.broadcast %parallel_loop3A_533 : f32 to vector<16xf32>
        %parallel_loop3A_535 = arith.mulf %parallel_loop3A_532, %parallel_loop3A_534 : vector<16xf32>
        %parallel_loop3A_536 = arith.maximumf %parallel_loop3A_532, %parallel_loop3A_535 : vector<16xf32>
        %parallel_loop3A_537 = arith.constant 64 : index
        %parallel_loop3A_538 = tpu.vector_load %arg28[%parallel_loop3A_537] {strides = array<i32>} : memref<128xf32, #tpu.memory_space<vmem>>, vector<16xf32>,
        %parallel_loop3A_539 = arith.mulf %parallel_loop3A_536, %parallel_loop3A_538 : vector<16xf32>
        %parallel_loop3A_540 = arith.index_cast %parallel_loop3A_451 : i32 to index
        %parallel_loop3A_541 = arith.constant 80 : index
        %parallel_loop3A_542 = tpu.vector_load %arg18[%parallel_loop3A_540, %parallel_loop3A_541] {strides = array<i32>} : memref<64x128xf32, #tpu.memory_space<vmem>>, vector<16xf32>,
        %parallel_loop3A_543 = arith.addf %parallel_loop3A_469, %parallel_loop3A_542 : vector<16xf32>
        %parallel_loop3A_544 = arith.constant 2.000000e-01 : f32
        %parallel_loop3A_545 = vector.broadcast %parallel_loop3A_544 : f32 to vector<16xf32>
        %parallel_loop3A_546 = arith.mulf %parallel_loop3A_543, %parallel_loop3A_545 : vector<16xf32>
        %parallel_loop3A_547 = arith.maximumf %parallel_loop3A_543, %parallel_loop3A_546 : vector<16xf32>
        %parallel_loop3A_548 = arith.constant 80 : index
        %parallel_loop3A_549 = tpu.vector_load %arg28[%parallel_loop3A_548] {strides = array<i32>} : memref<128xf32, #tpu.memory_space<vmem>>, vector<16xf32>,
        %parallel_loop3A_550 = arith.mulf %parallel_loop3A_547, %parallel_loop3A_549 : vector<16xf32>
        %parallel_loop3A_551 = arith.addf %parallel_loop3A_539, %parallel_loop3A_550 : vector<16xf32>
        %parallel_loop3A_552 = arith.index_cast %parallel_loop3A_451 : i32 to index
        %parallel_loop3A_553 = arith.constant 96 : index
        %parallel_loop3A_554 = tpu.vector_load %arg18[%parallel_loop3A_552, %parallel_loop3A_553] {strides = array<i32>} : memref<64x128xf32, #tpu.memory_space<vmem>>, vector<16xf32>,
        %parallel_loop3A_555 = arith.addf %parallel_loop3A_472, %parallel_loop3A_554 : vector<16xf32>
        %parallel_loop3A_556 = arith.constant 2.000000e-01 : f32
        %parallel_loop3A_557 = vector.broadcast %parallel_loop3A_556 : f32 to vector<16xf32>
        %parallel_loop3A_558 = arith.mulf %parallel_loop3A_555, %parallel_loop3A_557 : vector<16xf32>
        %parallel_loop3A_559 = arith.maximumf %parallel_loop3A_555, %parallel_loop3A_558 : vector<16xf32>
        %parallel_loop3A_560 = arith.constant 96 : index
        %parallel_loop3A_561 = tpu.vector_load %arg28[%parallel_loop3A_560] {strides = array<i32>} : memref<128xf32, #tpu.memory_space<vmem>>, vector<16xf32>,
        %parallel_loop3A_562 = arith.mulf %parallel_loop3A_559, %parallel_loop3A_561 : vector<16xf32>
        %parallel_loop3A_563 = arith.addf %parallel_loop3A_551, %parallel_loop3A_562 : vector<16xf32>
        %parallel_loop3A_564 = arith.index_cast %parallel_loop3A_451 : i32 to index
        %parallel_loop3A_565 = arith.constant 112 : index
        %parallel_loop3A_566 = tpu.vector_load %arg18[%parallel_loop3A_564, %parallel_loop3A_565] {strides = array<i32>} : memref<64x128xf32, #tpu.memory_space<vmem>>, vector<16xf32>,
        %parallel_loop3A_567 = arith.addf %parallel_loop3A_475, %parallel_loop3A_566 : vector<16xf32>
        %parallel_loop3A_568 = arith.constant 2.000000e-01 : f32
        %parallel_loop3A_569 = vector.broadcast %parallel_loop3A_568 : f32 to vector<16xf32>
        %parallel_loop3A_570 = arith.mulf %parallel_loop3A_567, %parallel_loop3A_569 : vector<16xf32>
        %parallel_loop3A_571 = arith.maximumf %parallel_loop3A_567, %parallel_loop3A_570 : vector<16xf32>
        %parallel_loop3A_572 = arith.constant 112 : index
        %parallel_loop3A_573 = tpu.vector_load %arg28[%parallel_loop3A_572] {strides = array<i32>} : memref<128xf32, #tpu.memory_space<vmem>>, vector<16xf32>,
        %parallel_loop3A_574 = arith.mulf %parallel_loop3A_571, %parallel_loop3A_573 : vector<16xf32>
        %parallel_loop3A_575 = arith.addf %parallel_loop3A_563, %parallel_loop3A_574 : vector<16xf32>
        %parallel_loop3A_576 = arith.constant true
        %parallel_loop3A_577 = vector.broadcast %parallel_loop3A_576 : i1 to vector<16xi1>
        %parallel_loop3A_578 = tpu.scan <sum>, %parallel_loop3A_575 masked %parallel_loop3A_577 : vector<16xf32>, vector<16xi1> -> vector<16xf32>
        %parallel_loop3A_579 = vector.extract %parallel_loop3A_578[15] : f32 from vector<16xf32>
        %parallel_loop3A_580 = vector.broadcast %parallel_loop3A_579 : f32 to vector<16xf32>
        %parallel_loop3A_581 = math.exp %parallel_loop3A_580 : vector<16xf32>
        %parallel_loop3A_582 = arith.mulf %parallel_loop3A_454, %parallel_loop3A_528 : vector<16xf32>
        %parallel_loop3A_583 = arith.index_cast %parallel_loop3A_451 : i32 to index
        %parallel_loop3A_584 = arith.constant 0 : index
        %parallel_loop3A_585 = tpu.vector_load %arg29[%parallel_loop3A_583, %parallel_loop3A_584] {strides = array<i32>} : memref<64x128xf32, #tpu.memory_space<vmem>>, vector<16xf32>,
        tpu.vector_store %arg29[%parallel_loop3A_583, %parallel_loop3A_584], %parallel_loop3A_582 {strides = array<i32>} : memref<64x128xf32, #tpu.memory_space<vmem>>, vector<16xf32>,
        %parallel_loop3A_586 = arith.mulf %parallel_loop3A_457, %parallel_loop3A_528 : vector<16xf32>
        %parallel_loop3A_587 = arith.index_cast %parallel_loop3A_451 : i32 to index
        %parallel_loop3A_588 = arith.constant 16 : index
        %parallel_loop3A_589 = tpu.vector_load %arg29[%parallel_loop3A_587, %parallel_loop3A_588] {strides = array<i32>} : memref<64x128xf32, #tpu.memory_space<vmem>>, vector<16xf32>,
        tpu.vector_store %arg29[%parallel_loop3A_587, %parallel_loop3A_588], %parallel_loop3A_586 {strides = array<i32>} : memref<64x128xf32, #tpu.memory_space<vmem>>, vector<16xf32>,
        %parallel_loop3A_590 = arith.mulf %parallel_loop3A_460, %parallel_loop3A_528 : vector<16xf32>
        %parallel_loop3A_591 = arith.index_cast %parallel_loop3A_451 : i32 to index
        %parallel_loop3A_592 = arith.constant 32 : index
        %parallel_loop3A_593 = tpu.vector_load %arg29[%parallel_loop3A_591, %parallel_loop3A_592] {strides = array<i32>} : memref<64x128xf32, #tpu.memory_space<vmem>>, vector<16xf32>,
        tpu.vector_store %arg29[%parallel_loop3A_591, %parallel_loop3A_592], %parallel_loop3A_590 {strides = array<i32>} : memref<64x128xf32, #tpu.memory_space<vmem>>, vector<16xf32>,
        %parallel_loop3A_594 = arith.mulf %parallel_loop3A_463, %parallel_loop3A_528 : vector<16xf32>
        %parallel_loop3A_595 = arith.index_cast %parallel_loop3A_451 : i32 to index
        %parallel_loop3A_596 = arith.constant 48 : index
        %parallel_loop3A_597 = tpu.vector_load %arg29[%parallel_loop3A_595, %parallel_loop3A_596] {strides = array<i32>} : memref<64x128xf32, #tpu.memory_space<vmem>>, vector<16xf32>,
        tpu.vector_store %arg29[%parallel_loop3A_595, %parallel_loop3A_596], %parallel_loop3A_594 {strides = array<i32>} : memref<64x128xf32, #tpu.memory_space<vmem>>, vector<16xf32>,
        %parallel_loop3A_598 = arith.mulf %parallel_loop3A_466, %parallel_loop3A_581 : vector<16xf32>
        %parallel_loop3A_599 = arith.index_cast %parallel_loop3A_451 : i32 to index
        %parallel_loop3A_600 = arith.constant 64 : index
        %parallel_loop3A_601 = tpu.vector_load %arg29[%parallel_loop3A_599, %parallel_loop3A_600] {strides = array<i32>} : memref<64x128xf32, #tpu.memory_space<vmem>>, vector<16xf32>,
        tpu.vector_store %arg29[%parallel_loop3A_599, %parallel_loop3A_600], %parallel_loop3A_598 {strides = array<i32>} : memref<64x128xf32, #tpu.memory_space<vmem>>, vector<16xf32>,
        %parallel_loop3A_602 = arith.mulf %parallel_loop3A_469, %parallel_loop3A_581 : vector<16xf32>
        %parallel_loop3A_603 = arith.index_cast %parallel_loop3A_451 : i32 to index
        %parallel_loop3A_604 = arith.constant 80 : index
        %parallel_loop3A_605 = tpu.vector_load %arg29[%parallel_loop3A_603, %parallel_loop3A_604] {strides = array<i32>} : memref<64x128xf32, #tpu.memory_space<vmem>>, vector<16xf32>,
        tpu.vector_store %arg29[%parallel_loop3A_603, %parallel_loop3A_604], %parallel_loop3A_602 {strides = array<i32>} : memref<64x128xf32, #tpu.memory_space<vmem>>, vector<16xf32>,
        %parallel_loop3A_606 = arith.mulf %parallel_loop3A_472, %parallel_loop3A_581 : vector<16xf32>
        %parallel_loop3A_607 = arith.index_cast %parallel_loop3A_451 : i32 to index
        %parallel_loop3A_608 = arith.constant 96 : index
        %parallel_loop3A_609 = tpu.vector_load %arg29[%parallel_loop3A_607, %parallel_loop3A_608] {strides = array<i32>} : memref<64x128xf32, #tpu.memory_space<vmem>>, vector<16xf32>,
        tpu.vector_store %arg29[%parallel_loop3A_607, %parallel_loop3A_608], %parallel_loop3A_606 {strides = array<i32>} : memref<64x128xf32, #tpu.memory_space<vmem>>, vector<16xf32>,
        %parallel_loop3A_610 = arith.mulf %parallel_loop3A_475, %parallel_loop3A_581 : vector<16xf32>
        %parallel_loop3A_611 = arith.index_cast %parallel_loop3A_451 : i32 to index
        %parallel_loop3A_612 = arith.constant 112 : index
        %parallel_loop3A_613 = tpu.vector_load %arg29[%parallel_loop3A_611, %parallel_loop3A_612] {strides = array<i32>} : memref<64x128xf32, #tpu.memory_space<vmem>>, vector<16xf32>,
        tpu.vector_store %arg29[%parallel_loop3A_611, %parallel_loop3A_612], %parallel_loop3A_610 {strides = array<i32>} : memref<64x128xf32, #tpu.memory_space<vmem>>, vector<16xf32>,
        %parallel_loop3A_614 = arith.index_cast %parallel_loop3A_451 : i32 to index
        %parallel_loop3A_615 = arith.constant 0 : index
        %parallel_loop3A_616 = tpu.vector_load %arg12[%parallel_loop3A_614, %parallel_loop3A_615] {strides = array<i32>} : memref<64x16xf32, #tpu.memory_space<vmem>>, vector<16xf32>,
        %parallel_loop3A_617 = arith.constant 0.000000e+00 : f32
        %parallel_loop3A_618 = vector.broadcast %parallel_loop3A_617 : f32 to vector<16xf32>
        %parallel_loop3A_619 = arith.constant 1.000000e+00 : f32
        %parallel_loop3A_620 = vector.broadcast %parallel_loop3A_619 : f32 to vector<16xf32>
        %parallel_loop3A_621 = arith.cmpf oeq, %parallel_loop3A_616, %parallel_loop3A_620 : vector<16xf32>
        %parallel_loop3A_622 = arith.select %parallel_loop3A_621, %parallel_loop3A_528, %parallel_loop3A_618 : vector<16xi1>, vector<16xf32>
        %parallel_loop3A_623 = arith.constant 2.000000e+00 : f32
        %parallel_loop3A_624 = vector.broadcast %parallel_loop3A_623 : f32 to vector<16xf32>
        %parallel_loop3A_625 = arith.cmpf oeq, %parallel_loop3A_616, %parallel_loop3A_624 : vector<16xf32>
        %parallel_loop3A_626 = arith.select %parallel_loop3A_625, %parallel_loop3A_581, %parallel_loop3A_618 : vector<16xi1>, vector<16xf32>
        %parallel_loop3A_627 = arith.addf %parallel_loop3A_622, %parallel_loop3A_626 : vector<16xf32>
        %parallel_loop3A_628 = arith.index_cast %parallel_loop3A_451 : i32 to index
        %parallel_loop3A_629 = arith.constant 0 : index
        %parallel_loop3A_630 = tpu.vector_load %arg30[%parallel_loop3A_628, %parallel_loop3A_629] {strides = array<i32>} : memref<64x128xf32, #tpu.memory_space<vmem>>, vector<16xf32>,
        tpu.vector_store %arg30[%parallel_loop3A_628, %parallel_loop3A_629], %parallel_loop3A_627 {strides = array<i32>} : memref<64x128xf32, #tpu.memory_space<vmem>>, vector<16xf32>,
      } {sc.loop_unroll_factor = 2 : i64, sc.parallel_access}
      %dma_start3A_377 = arith.constant 0 : i32
      %dma_start3A_378 = arith.constant 0 : i32
      %dma_start3A_379 = tpu.memref_slice %arg31[%dma_start3A_377, %dma_start3A_378] : memref<5184x128xf32, #tpu.memory_space<vmem_shared>> -> memref<5184x128xf32, #tpu.memory_space<vmem_shared>>
      tpu.enqueue_indirect_dma source(%arg29 : memref<64x128xf32, #tpu.memory_space<vmem>>) target(%dma_start3A_379 : memref<5184x128xf32, #tpu.memory_space<vmem_shared>>) offsets(%arg15 : memref<64xi32, #tpu.memory_space<vmem>>) semaphore(%arg37 : memref<!tpu.dma_semaphore, #tpu.memory_space<semaphore_mem>>) {add = true}
      %dma_start3A_380 = arith.constant 0 : i32
      %dma_start3A_381 = arith.constant 0 : i32
      %dma_start3A_382 = tpu.memref_slice %arg32[%dma_start3A_380, %dma_start3A_381] : memref<640x128xf32, #tpu.memory_space<vmem_shared>> -> memref<640x128xf32, #tpu.memory_space<vmem_shared>>
      tpu.enqueue_indirect_dma source(%arg30 : memref<64x128xf32, #tpu.memory_space<vmem>>) target(%dma_start3A_382 : memref<640x128xf32, #tpu.memory_space<vmem_shared>>) offsets(%arg16 : memref<64xi32, #tpu.memory_space<vmem>>) semaphore(%arg38 : memref<!tpu.dma_semaphore, #tpu.memory_space<semaphore_mem>>) {add = true}
      %dma_wait3A_383 = arith.constant 0 : i32
      %dma_wait3A_384 = tpu.memref_slice %arg4[%dma_wait3A_383] : memref<172032xi32, #tpu.memory_space<hbm>> -> memref<64xi32, #tpu.memory_space<hbm>>
      %dma_wait3A_385 = arith.constant 0 : i32
      %dma_wait3A_386 = tpu.memref_slice %arg4[%dma_wait3A_385] : memref<172032xi32, #tpu.memory_space<hbm>> -> memref<64xi32, #tpu.memory_space<hbm>>
      tpu.wait_dma2 semaphore(%arg34 : memref<!tpu.dma_semaphore, #tpu.memory_space<semaphore_mem>>) src(%dma_wait3A_386 : memref<64xi32, #tpu.memory_space<hbm>>) dst(%arg19 : memref<64xi32, #tpu.memory_space<vmem>>)
      %dma_wait3A_387 = arith.constant 0 : i32
      %dma_wait3A_388 = tpu.memref_slice %arg5[%dma_wait3A_387] : memref<172032xi32, #tpu.memory_space<hbm>> -> memref<64xi32, #tpu.memory_space<hbm>>
      %dma_wait3A_389 = arith.constant 0 : i32
      %dma_wait3A_390 = tpu.memref_slice %arg5[%dma_wait3A_389] : memref<172032xi32, #tpu.memory_space<hbm>> -> memref<64xi32, #tpu.memory_space<hbm>>
      tpu.wait_dma2 semaphore(%arg34 : memref<!tpu.dma_semaphore, #tpu.memory_space<semaphore_mem>>) src(%dma_wait3A_390 : memref<64xi32, #tpu.memory_space<hbm>>) dst(%arg20 : memref<64xi32, #tpu.memory_space<vmem>>)
      %dma_wait3A_391 = arith.constant 0 : i32
      %dma_wait3A_392 = arith.constant 0 : i32
      %dma_wait3A_393 = tpu.memref_slice %arg6[%dma_wait3A_391, %dma_wait3A_392] : memref<172032x16xf32, #tpu.memory_space<hbm>> -> memref<64x16xf32, #tpu.memory_space<hbm>>
      %dma_wait3A_394 = arith.constant 0 : i32
      %dma_wait3A_395 = arith.constant 0 : i32
      %dma_wait3A_396 = tpu.memref_slice %arg6[%dma_wait3A_394, %dma_wait3A_395] : memref<172032x16xf32, #tpu.memory_space<hbm>> -> memref<64x16xf32, #tpu.memory_space<hbm>>
      tpu.wait_dma2 semaphore(%arg34 : memref<!tpu.dma_semaphore, #tpu.memory_space<semaphore_mem>>) src(%dma_wait3A_396 : memref<64x16xf32, #tpu.memory_space<hbm>>) dst(%arg21 : memref<64x16xf32, #tpu.memory_space<vmem>>)
      %mul3A_397 = arith.constant 10000 : i32
      %mul3A_398 = arith.muli %arg0, %mul3A_397 : i32
      %parallel_loop3A_399 = arith.constant 0 : i32
      %parallel_loop3A_400 = arith.constant 4 : i32
      %parallel_loop3A_401 = arith.constant 1 : i32
      scf.for %parallel_loop3A_451 = %parallel_loop3A_399 to %parallel_loop3A_400 step %parallel_loop3A_401  : i32 {
        %parallel_loop3A_452 = arith.constant 16 : i32
        %parallel_loop3A_453 = arith.muli %parallel_loop3A_452, %parallel_loop3A_451 : i32
        %parallel_loop3A_454 = arith.index_cast %parallel_loop3A_453 : i32 to index
        %parallel_loop3A_455 = tpu.vector_load %arg20[%parallel_loop3A_454] {strides = array<i32>} : memref<64xi32, #tpu.memory_space<vmem>>, vector<16xi32>,
        %parallel_loop3A_456 = arith.index_cast %parallel_loop3A_453 : i32 to index
        %parallel_loop3A_457 = tpu.vector_load %arg19[%parallel_loop3A_456] {strides = array<i32>} : memref<64xi32, #tpu.memory_space<vmem>>, vector<16xi32>,
        %parallel_loop3A_458 = vector.broadcast %mul3A_398 : i32 to vector<16xi32>
        %parallel_loop3A_459 = arith.addi %parallel_loop3A_457, %parallel_loop3A_458 : vector<16xi32>
        %parallel_loop3A_460 = arith.index_cast %parallel_loop3A_453 : i32 to index
        %parallel_loop3A_461 = tpu.vector_load %arg22[%parallel_loop3A_460] {strides = array<i32>} : memref<64xi32, #tpu.memory_space<vmem>>, vector<16xi32>,
        tpu.vector_store %arg22[%parallel_loop3A_460], %parallel_loop3A_459 {strides = array<i32>} : memref<64xi32, #tpu.memory_space<vmem>>, vector<16xi32>,
        %parallel_loop3A_462 = arith.constant 9999 : i32
        %parallel_loop3A_463 = vector.broadcast %parallel_loop3A_462 : i32 to vector<16xi32>
        %parallel_loop3A_464 = arith.minsi %parallel_loop3A_455, %parallel_loop3A_463 : vector<16xi32>
        %parallel_loop3A_465 = vector.broadcast %mul3A_398 : i32 to vector<16xi32>
        %parallel_loop3A_466 = arith.addi %parallel_loop3A_464, %parallel_loop3A_465 : vector<16xi32>
        %parallel_loop3A_467 = arith.index_cast %parallel_loop3A_453 : i32 to index
        %parallel_loop3A_468 = tpu.vector_load %arg23[%parallel_loop3A_467] {strides = array<i32>} : memref<64xi32, #tpu.memory_space<vmem>>, vector<16xi32>,
        tpu.vector_store %arg23[%parallel_loop3A_467], %parallel_loop3A_466 {strides = array<i32>} : memref<64xi32, #tpu.memory_space<vmem>>, vector<16xi32>,
        %parallel_loop3A_469 = arith.constant 0 : i32
        %parallel_loop3A_470 = vector.broadcast %parallel_loop3A_469 : i32 to vector<16xi32>
        %parallel_loop3A_471 = arith.subi %parallel_loop3A_455, %parallel_loop3A_470 : vector<16xi32>
        %parallel_loop3A_472 = arith.constant 0 : i32
        %parallel_loop3A_473 = vector.broadcast %parallel_loop3A_472 : i32 to vector<16xi32>
        %parallel_loop3A_474 = arith.cmpi sge, %parallel_loop3A_471, %parallel_loop3A_473 : vector<16xi32>
        %parallel_loop3A_475 = arith.constant 5000 : i32
        %parallel_loop3A_476 = vector.broadcast %parallel_loop3A_475 : i32 to vector<16xi32>
        %parallel_loop3A_477 = arith.cmpi slt, %parallel_loop3A_471, %parallel_loop3A_476 : vector<16xi32>
        %parallel_loop3A_478 = arith.andi %parallel_loop3A_474, %parallel_loop3A_477 : vector<16xi1>
        %parallel_loop3A_479 = arith.constant 63 : i32
        %parallel_loop3A_480 = vector.broadcast %parallel_loop3A_479 : i32 to vector<16xi32>
        %parallel_loop3A_481 = arith.andi %parallel_loop3A_455, %parallel_loop3A_480 : vector<16xi32>
        %parallel_loop3A_482 = arith.constant 5120 : i32
        %parallel_loop3A_483 = vector.broadcast %parallel_loop3A_482 : i32 to vector<16xi32>
        %parallel_loop3A_484 = arith.addi %parallel_loop3A_483, %parallel_loop3A_481 : vector<16xi32>
        %parallel_loop3A_485 = arith.select %parallel_loop3A_478, %parallel_loop3A_471, %parallel_loop3A_484 : vector<16xi1>, vector<16xi32>
        %parallel_loop3A_486 = arith.index_cast %parallel_loop3A_453 : i32 to index
        %parallel_loop3A_487 = tpu.vector_load %arg24[%parallel_loop3A_486] {strides = array<i32>} : memref<64xi32, #tpu.memory_space<vmem>>, vector<16xi32>,
        tpu.vector_store %arg24[%parallel_loop3A_486], %parallel_loop3A_485 {strides = array<i32>} : memref<64xi32, #tpu.memory_space<vmem>>, vector<16xi32>,
        %parallel_loop3A_488 = arith.constant 3 : i32
        %parallel_loop3A_489 = vector.broadcast %parallel_loop3A_488 : i32 to vector<16xi32>
        %parallel_loop3A_490 = arith.shrsi %parallel_loop3A_471, %parallel_loop3A_489 : vector<16xi32>
        %parallel_loop3A_491 = arith.constant 7 : i32
        %parallel_loop3A_492 = vector.broadcast %parallel_loop3A_491 : i32 to vector<16xi32>
        %parallel_loop3A_493 = arith.andi %parallel_loop3A_455, %parallel_loop3A_492 : vector<16xi32>
        %parallel_loop3A_494 = arith.constant 630 : i32
        %parallel_loop3A_495 = vector.broadcast %parallel_loop3A_494 : i32 to vector<16xi32>
        %parallel_loop3A_496 = arith.addi %parallel_loop3A_495, %parallel_loop3A_493 : vector<16xi32>
        %parallel_loop3A_497 = arith.select %parallel_loop3A_478, %parallel_loop3A_490, %parallel_loop3A_496 : vector<16xi1>, vector<16xi32>
        %parallel_loop3A_498 = arith.index_cast %parallel_loop3A_453 : i32 to index
        %parallel_loop3A_499 = tpu.vector_load %arg25[%parallel_loop3A_498] {strides = array<i32>} : memref<64xi32, #tpu.memory_space<vmem>>, vector<16xi32>,
        tpu.vector_store %arg25[%parallel_loop3A_498], %parallel_loop3A_497 {strides = array<i32>} : memref<64xi32, #tpu.memory_space<vmem>>, vector<16xi32>,
      } {sc.loop_unroll_factor = 1 : i64, sc.parallel_access}
      %dma_start3A_402 = arith.constant 0 : i32
      %dma_start3A_403 = arith.constant 0 : i32
      %dma_start3A_404 = tpu.memref_slice %arg2[%dma_start3A_402, %dma_start3A_403] : memref<20000x128xf32, #tpu.memory_space<hbm>> -> memref<20000x128xf32, #tpu.memory_space<hbm>>
      tpu.enqueue_indirect_dma source(%dma_start3A_404 : memref<20000x128xf32, #tpu.memory_space<hbm>>) target(%arg26 : memref<64x128xf32, #tpu.memory_space<vmem>>) offsets(%arg22 : memref<64xi32, #tpu.memory_space<vmem>>) semaphore(%arg36 : memref<!tpu.dma_semaphore, #tpu.memory_space<semaphore_mem>>)
      %dma_start3A_405 = arith.constant 0 : i32
      %dma_start3A_406 = arith.constant 0 : i32
      %dma_start3A_407 = tpu.memref_slice %arg3[%dma_start3A_405, %dma_start3A_406] : memref<20000x128xf32, #tpu.memory_space<hbm>> -> memref<20000x128xf32, #tpu.memory_space<hbm>>
      tpu.enqueue_indirect_dma source(%dma_start3A_407 : memref<20000x128xf32, #tpu.memory_space<hbm>>) target(%arg27 : memref<64x128xf32, #tpu.memory_space<vmem>>) offsets(%arg23 : memref<64xi32, #tpu.memory_space<vmem>>) semaphore(%arg36 : memref<!tpu.dma_semaphore, #tpu.memory_space<semaphore_mem>>)
      %lt3A_408 = arith.constant 83 : i32
      %lt3A_409 = arith.cmpi slt, %add3A_340, %lt3A_408 : i32
      %convert_element_type3A_410 = arith.extui %lt3A_409 : i1 to i32
      %cond3A_411 = arith.constant 0 : i32
      %cond3A_412 = arith.cmpi ne, %convert_element_type3A_410, %cond3A_411 : i32
      scf.if %cond3A_412 {
        %mul3A_451 = arith.constant 2 : i32
        %mul3A_452 = arith.muli %mul3A_451, %add3A_340 : i32
        %add3A_453 = arith.constant 2 : i32
        %add3A_454 = arith.addi %mul3A_452, %add3A_453 : i32
        %mul3A_455 = arith.constant 168 : i32
        %mul3A_456 = arith.muli %arg1, %mul3A_455 : i32
        %add3A_457 = arith.addi %mul3A_456, %add3A_454 : i32
        %mul3A_458 = arith.constant 64 : i32
        %mul3A_459 = arith.muli %add3A_457, %mul3A_458 : i32
        %dma_start3A_460 = tpu.memref_slice %arg4[%mul3A_459] : memref<172032xi32, #tpu.memory_space<hbm>> -> memref<64xi32, #tpu.memory_space<hbm>>
        %dma_start3A_461 = tpu.memref_slice %arg4[%mul3A_459] : memref<172032xi32, #tpu.memory_space<hbm>> -> memref<64xi32, #tpu.memory_space<hbm>>
        tpu.enqueue_dma source(%dma_start3A_461 : memref<64xi32, #tpu.memory_space<hbm>>) target(%arg10 : memref<64xi32, #tpu.memory_space<vmem>>) target_semaphore(%arg33 : memref<!tpu.dma_semaphore, #tpu.memory_space<semaphore_mem>>)
        %dma_start3A_462 = tpu.memref_slice %arg5[%mul3A_459] : memref<172032xi32, #tpu.memory_space<hbm>> -> memref<64xi32, #tpu.memory_space<hbm>>
        %dma_start3A_463 = tpu.memref_slice %arg5[%mul3A_459] : memref<172032xi32, #tpu.memory_space<hbm>> -> memref<64xi32, #tpu.memory_space<hbm>>
        tpu.enqueue_dma source(%dma_start3A_463 : memref<64xi32, #tpu.memory_space<hbm>>) target(%arg11 : memref<64xi32, #tpu.memory_space<vmem>>) target_semaphore(%arg33 : memref<!tpu.dma_semaphore, #tpu.memory_space<semaphore_mem>>)
        %dma_start3A_464 = arith.constant 0 : i32
        %dma_start3A_465 = tpu.memref_slice %arg6[%mul3A_459, %dma_start3A_464] : memref<172032x16xf32, #tpu.memory_space<hbm>> -> memref<64x16xf32, #tpu.memory_space<hbm>>
        %dma_start3A_466 = arith.constant 0 : i32
        %dma_start3A_467 = tpu.memref_slice %arg6[%mul3A_459, %dma_start3A_466] : memref<172032x16xf32, #tpu.memory_space<hbm>> -> memref<64x16xf32, #tpu.memory_space<hbm>>
        tpu.enqueue_dma source(%dma_start3A_467 : memref<64x16xf32, #tpu.memory_space<hbm>>) target(%arg12 : memref<64x16xf32, #tpu.memory_space<vmem>>) target_semaphore(%arg33 : memref<!tpu.dma_semaphore, #tpu.memory_space<semaphore_mem>>)
      } else {
      }
      %dma_wait3A_413 = arith.constant 0 : i32
      %dma_wait3A_414 = arith.constant 0 : i32
      %dma_wait3A_415 = tpu.memref_slice %arg2[%dma_wait3A_413, %dma_wait3A_414] : memref<20000x128xf32, #tpu.memory_space<hbm>> -> memref<64x128xf32, #tpu.memory_space<hbm>>
      %dma_wait3A_416 = arith.constant 0 : i32
      %dma_wait3A_417 = arith.constant 0 : i32
      %dma_wait3A_418 = tpu.memref_slice %arg2[%dma_wait3A_416, %dma_wait3A_417] : memref<20000x128xf32, #tpu.memory_space<hbm>> -> memref<64x128xf32, #tpu.memory_space<hbm>>
      tpu.wait_dma2 semaphore(%arg37 : memref<!tpu.dma_semaphore, #tpu.memory_space<semaphore_mem>>) src(%dma_wait3A_418 : memref<64x128xf32, #tpu.memory_space<hbm>>) dst(%arg29 : memref<64x128xf32, #tpu.memory_space<vmem>>)
      %dma_wait3A_419 = arith.constant 0 : i32
      %dma_wait3A_420 = arith.constant 0 : i32
      %dma_wait3A_421 = tpu.memref_slice %arg3[%dma_wait3A_419, %dma_wait3A_420] : memref<20000x128xf32, #tpu.memory_space<hbm>> -> memref<64x128xf32, #tpu.memory_space<hbm>>
      %dma_wait3A_422 = arith.constant 0 : i32
      %dma_wait3A_423 = arith.constant 0 : i32
      %dma_wait3A_424 = tpu.memref_slice %arg3[%dma_wait3A_422, %dma_wait3A_423] : memref<20000x128xf32, #tpu.memory_space<hbm>> -> memref<64x128xf32, #tpu.memory_space<hbm>>
      tpu.wait_dma2 semaphore(%arg38 : memref<!tpu.dma_semaphore, #tpu.memory_space<semaphore_mem>>) src(%dma_wait3A_424 : memref<64x128xf32, #tpu.memory_space<hbm>>) dst(%arg30 : memref<64x128xf32, #tpu.memory_space<vmem>>)
      %dma_wait3A_425 = arith.constant 0 : i32
      %dma_wait3A_426 = arith.constant 0 : i32
      %dma_wait3A_427 = tpu.memref_slice %arg2[%dma_wait3A_425, %dma_wait3A_426] : memref<20000x128xf32, #tpu.memory_space<hbm>> -> memref<64x128xf32, #tpu.memory_space<hbm>>
      %dma_wait3A_428 = arith.constant 0 : i32
      %dma_wait3A_429 = arith.constant 0 : i32
      %dma_wait3A_430 = tpu.memref_slice %arg2[%dma_wait3A_428, %dma_wait3A_429] : memref<20000x128xf32, #tpu.memory_space<hbm>> -> memref<64x128xf32, #tpu.memory_space<hbm>>
      tpu.wait_dma2 semaphore(%arg36 : memref<!tpu.dma_semaphore, #tpu.memory_space<semaphore_mem>>) src(%dma_wait3A_430 : memref<64x128xf32, #tpu.memory_space<hbm>>) dst(%arg26 : memref<64x128xf32, #tpu.memory_space<vmem>>)
      %dma_wait3A_431 = arith.constant 0 : i32
      %dma_wait3A_432 = arith.constant 0 : i32
      %dma_wait3A_433 = tpu.memref_slice %arg3[%dma_wait3A_431, %dma_wait3A_432] : memref<20000x128xf32, #tpu.memory_space<hbm>> -> memref<64x128xf32, #tpu.memory_space<hbm>>
      %dma_wait3A_434 = arith.constant 0 : i32
      %dma_wait3A_435 = arith.constant 0 : i32
      %dma_wait3A_436 = tpu.memref_slice %arg3[%dma_wait3A_434, %dma_wait3A_435] : memref<20000x128xf32, #tpu.memory_space<hbm>> -> memref<64x128xf32, #tpu.memory_space<hbm>>
      tpu.wait_dma2 semaphore(%arg36 : memref<!tpu.dma_semaphore, #tpu.memory_space<semaphore_mem>>) src(%dma_wait3A_436 : memref<64x128xf32, #tpu.memory_space<hbm>>) dst(%arg27 : memref<64x128xf32, #tpu.memory_space<vmem>>)
      %parallel_loop3A_437 = arith.constant 0 : i32
      %parallel_loop3A_438 = arith.constant 64 : i32
      %parallel_loop3A_439 = arith.constant 1 : i32
      scf.for %parallel_loop3A_451 = %parallel_loop3A_437 to %parallel_loop3A_438 step %parallel_loop3A_439  : i32 {
        %parallel_loop3A_452 = arith.index_cast %parallel_loop3A_451 : i32 to index
        %parallel_loop3A_453 = arith.constant 0 : index
        %parallel_loop3A_454 = tpu.vector_load %arg26[%parallel_loop3A_452, %parallel_loop3A_453] {strides = array<i32>} : memref<64x128xf32, #tpu.memory_space<vmem>>, vector<16xf32>,
        %parallel_loop3A_455 = arith.index_cast %parallel_loop3A_451 : i32 to index
        %parallel_loop3A_456 = arith.constant 16 : index
        %parallel_loop3A_457 = tpu.vector_load %arg26[%parallel_loop3A_455, %parallel_loop3A_456] {strides = array<i32>} : memref<64x128xf32, #tpu.memory_space<vmem>>, vector<16xf32>,
        %parallel_loop3A_458 = arith.index_cast %parallel_loop3A_451 : i32 to index
        %parallel_loop3A_459 = arith.constant 32 : index
        %parallel_loop3A_460 = tpu.vector_load %arg26[%parallel_loop3A_458, %parallel_loop3A_459] {strides = array<i32>} : memref<64x128xf32, #tpu.memory_space<vmem>>, vector<16xf32>,
        %parallel_loop3A_461 = arith.index_cast %parallel_loop3A_451 : i32 to index
        %parallel_loop3A_462 = arith.constant 48 : index
        %parallel_loop3A_463 = tpu.vector_load %arg26[%parallel_loop3A_461, %parallel_loop3A_462] {strides = array<i32>} : memref<64x128xf32, #tpu.memory_space<vmem>>, vector<16xf32>,
        %parallel_loop3A_464 = arith.index_cast %parallel_loop3A_451 : i32 to index
        %parallel_loop3A_465 = arith.constant 64 : index
        %parallel_loop3A_466 = tpu.vector_load %arg26[%parallel_loop3A_464, %parallel_loop3A_465] {strides = array<i32>} : memref<64x128xf32, #tpu.memory_space<vmem>>, vector<16xf32>,
        %parallel_loop3A_467 = arith.index_cast %parallel_loop3A_451 : i32 to index
        %parallel_loop3A_468 = arith.constant 80 : index
        %parallel_loop3A_469 = tpu.vector_load %arg26[%parallel_loop3A_467, %parallel_loop3A_468] {strides = array<i32>} : memref<64x128xf32, #tpu.memory_space<vmem>>, vector<16xf32>,
        %parallel_loop3A_470 = arith.index_cast %parallel_loop3A_451 : i32 to index
        %parallel_loop3A_471 = arith.constant 96 : index
        %parallel_loop3A_472 = tpu.vector_load %arg26[%parallel_loop3A_470, %parallel_loop3A_471] {strides = array<i32>} : memref<64x128xf32, #tpu.memory_space<vmem>>, vector<16xf32>,
        %parallel_loop3A_473 = arith.index_cast %parallel_loop3A_451 : i32 to index
        %parallel_loop3A_474 = arith.constant 112 : index
        %parallel_loop3A_475 = tpu.vector_load %arg26[%parallel_loop3A_473, %parallel_loop3A_474] {strides = array<i32>} : memref<64x128xf32, #tpu.memory_space<vmem>>, vector<16xf32>,
        %parallel_loop3A_476 = arith.index_cast %parallel_loop3A_451 : i32 to index
        %parallel_loop3A_477 = arith.constant 0 : index
        %parallel_loop3A_478 = tpu.vector_load %arg27[%parallel_loop3A_476, %parallel_loop3A_477] {strides = array<i32>} : memref<64x128xf32, #tpu.memory_space<vmem>>, vector<16xf32>,
        %parallel_loop3A_479 = arith.addf %parallel_loop3A_454, %parallel_loop3A_478 : vector<16xf32>
        %parallel_loop3A_480 = arith.constant 2.000000e-01 : f32
        %parallel_loop3A_481 = vector.broadcast %parallel_loop3A_480 : f32 to vector<16xf32>
        %parallel_loop3A_482 = arith.mulf %parallel_loop3A_479, %parallel_loop3A_481 : vector<16xf32>
        %parallel_loop3A_483 = arith.maximumf %parallel_loop3A_479, %parallel_loop3A_482 : vector<16xf32>
        %parallel_loop3A_484 = arith.constant 0 : index
        %parallel_loop3A_485 = tpu.vector_load %arg28[%parallel_loop3A_484] {strides = array<i32>} : memref<128xf32, #tpu.memory_space<vmem>>, vector<16xf32>,
        %parallel_loop3A_486 = arith.mulf %parallel_loop3A_483, %parallel_loop3A_485 : vector<16xf32>
        %parallel_loop3A_487 = arith.index_cast %parallel_loop3A_451 : i32 to index
        %parallel_loop3A_488 = arith.constant 16 : index
        %parallel_loop3A_489 = tpu.vector_load %arg27[%parallel_loop3A_487, %parallel_loop3A_488] {strides = array<i32>} : memref<64x128xf32, #tpu.memory_space<vmem>>, vector<16xf32>,
        %parallel_loop3A_490 = arith.addf %parallel_loop3A_457, %parallel_loop3A_489 : vector<16xf32>
        %parallel_loop3A_491 = arith.constant 2.000000e-01 : f32
        %parallel_loop3A_492 = vector.broadcast %parallel_loop3A_491 : f32 to vector<16xf32>
        %parallel_loop3A_493 = arith.mulf %parallel_loop3A_490, %parallel_loop3A_492 : vector<16xf32>
        %parallel_loop3A_494 = arith.maximumf %parallel_loop3A_490, %parallel_loop3A_493 : vector<16xf32>
        %parallel_loop3A_495 = arith.constant 16 : index
        %parallel_loop3A_496 = tpu.vector_load %arg28[%parallel_loop3A_495] {strides = array<i32>} : memref<128xf32, #tpu.memory_space<vmem>>, vector<16xf32>,
        %parallel_loop3A_497 = arith.mulf %parallel_loop3A_494, %parallel_loop3A_496 : vector<16xf32>
        %parallel_loop3A_498 = arith.addf %parallel_loop3A_486, %parallel_loop3A_497 : vector<16xf32>
        %parallel_loop3A_499 = arith.index_cast %parallel_loop3A_451 : i32 to index
        %parallel_loop3A_500 = arith.constant 32 : index
        %parallel_loop3A_501 = tpu.vector_load %arg27[%parallel_loop3A_499, %parallel_loop3A_500] {strides = array<i32>} : memref<64x128xf32, #tpu.memory_space<vmem>>, vector<16xf32>,
        %parallel_loop3A_502 = arith.addf %parallel_loop3A_460, %parallel_loop3A_501 : vector<16xf32>
        %parallel_loop3A_503 = arith.constant 2.000000e-01 : f32
        %parallel_loop3A_504 = vector.broadcast %parallel_loop3A_503 : f32 to vector<16xf32>
        %parallel_loop3A_505 = arith.mulf %parallel_loop3A_502, %parallel_loop3A_504 : vector<16xf32>
        %parallel_loop3A_506 = arith.maximumf %parallel_loop3A_502, %parallel_loop3A_505 : vector<16xf32>
        %parallel_loop3A_507 = arith.constant 32 : index
        %parallel_loop3A_508 = tpu.vector_load %arg28[%parallel_loop3A_507] {strides = array<i32>} : memref<128xf32, #tpu.memory_space<vmem>>, vector<16xf32>,
        %parallel_loop3A_509 = arith.mulf %parallel_loop3A_506, %parallel_loop3A_508 : vector<16xf32>
        %parallel_loop3A_510 = arith.addf %parallel_loop3A_498, %parallel_loop3A_509 : vector<16xf32>
        %parallel_loop3A_511 = arith.index_cast %parallel_loop3A_451 : i32 to index
        %parallel_loop3A_512 = arith.constant 48 : index
        %parallel_loop3A_513 = tpu.vector_load %arg27[%parallel_loop3A_511, %parallel_loop3A_512] {strides = array<i32>} : memref<64x128xf32, #tpu.memory_space<vmem>>, vector<16xf32>,
        %parallel_loop3A_514 = arith.addf %parallel_loop3A_463, %parallel_loop3A_513 : vector<16xf32>
        %parallel_loop3A_515 = arith.constant 2.000000e-01 : f32
        %parallel_loop3A_516 = vector.broadcast %parallel_loop3A_515 : f32 to vector<16xf32>
        %parallel_loop3A_517 = arith.mulf %parallel_loop3A_514, %parallel_loop3A_516 : vector<16xf32>
        %parallel_loop3A_518 = arith.maximumf %parallel_loop3A_514, %parallel_loop3A_517 : vector<16xf32>
        %parallel_loop3A_519 = arith.constant 48 : index
        %parallel_loop3A_520 = tpu.vector_load %arg28[%parallel_loop3A_519] {strides = array<i32>} : memref<128xf32, #tpu.memory_space<vmem>>, vector<16xf32>,
        %parallel_loop3A_521 = arith.mulf %parallel_loop3A_518, %parallel_loop3A_520 : vector<16xf32>
        %parallel_loop3A_522 = arith.addf %parallel_loop3A_510, %parallel_loop3A_521 : vector<16xf32>
        %parallel_loop3A_523 = arith.constant true
        %parallel_loop3A_524 = vector.broadcast %parallel_loop3A_523 : i1 to vector<16xi1>
        %parallel_loop3A_525 = tpu.scan <sum>, %parallel_loop3A_522 masked %parallel_loop3A_524 : vector<16xf32>, vector<16xi1> -> vector<16xf32>
        %parallel_loop3A_526 = vector.extract %parallel_loop3A_525[15] : f32 from vector<16xf32>
        %parallel_loop3A_527 = vector.broadcast %parallel_loop3A_526 : f32 to vector<16xf32>
        %parallel_loop3A_528 = math.exp %parallel_loop3A_527 : vector<16xf32>
        %parallel_loop3A_529 = arith.index_cast %parallel_loop3A_451 : i32 to index
        %parallel_loop3A_530 = arith.constant 64 : index
        %parallel_loop3A_531 = tpu.vector_load %arg27[%parallel_loop3A_529, %parallel_loop3A_530] {strides = array<i32>} : memref<64x128xf32, #tpu.memory_space<vmem>>, vector<16xf32>,
        %parallel_loop3A_532 = arith.addf %parallel_loop3A_466, %parallel_loop3A_531 : vector<16xf32>
        %parallel_loop3A_533 = arith.constant 2.000000e-01 : f32
        %parallel_loop3A_534 = vector.broadcast %parallel_loop3A_533 : f32 to vector<16xf32>
        %parallel_loop3A_535 = arith.mulf %parallel_loop3A_532, %parallel_loop3A_534 : vector<16xf32>
        %parallel_loop3A_536 = arith.maximumf %parallel_loop3A_532, %parallel_loop3A_535 : vector<16xf32>
        %parallel_loop3A_537 = arith.constant 64 : index
        %parallel_loop3A_538 = tpu.vector_load %arg28[%parallel_loop3A_537] {strides = array<i32>} : memref<128xf32, #tpu.memory_space<vmem>>, vector<16xf32>,
        %parallel_loop3A_539 = arith.mulf %parallel_loop3A_536, %parallel_loop3A_538 : vector<16xf32>
        %parallel_loop3A_540 = arith.index_cast %parallel_loop3A_451 : i32 to index
        %parallel_loop3A_541 = arith.constant 80 : index
        %parallel_loop3A_542 = tpu.vector_load %arg27[%parallel_loop3A_540, %parallel_loop3A_541] {strides = array<i32>} : memref<64x128xf32, #tpu.memory_space<vmem>>, vector<16xf32>,
        %parallel_loop3A_543 = arith.addf %parallel_loop3A_469, %parallel_loop3A_542 : vector<16xf32>
        %parallel_loop3A_544 = arith.constant 2.000000e-01 : f32
        %parallel_loop3A_545 = vector.broadcast %parallel_loop3A_544 : f32 to vector<16xf32>
        %parallel_loop3A_546 = arith.mulf %parallel_loop3A_543, %parallel_loop3A_545 : vector<16xf32>
        %parallel_loop3A_547 = arith.maximumf %parallel_loop3A_543, %parallel_loop3A_546 : vector<16xf32>
        %parallel_loop3A_548 = arith.constant 80 : index
        %parallel_loop3A_549 = tpu.vector_load %arg28[%parallel_loop3A_548] {strides = array<i32>} : memref<128xf32, #tpu.memory_space<vmem>>, vector<16xf32>,
        %parallel_loop3A_550 = arith.mulf %parallel_loop3A_547, %parallel_loop3A_549 : vector<16xf32>
        %parallel_loop3A_551 = arith.addf %parallel_loop3A_539, %parallel_loop3A_550 : vector<16xf32>
        %parallel_loop3A_552 = arith.index_cast %parallel_loop3A_451 : i32 to index
        %parallel_loop3A_553 = arith.constant 96 : index
        %parallel_loop3A_554 = tpu.vector_load %arg27[%parallel_loop3A_552, %parallel_loop3A_553] {strides = array<i32>} : memref<64x128xf32, #tpu.memory_space<vmem>>, vector<16xf32>,
        %parallel_loop3A_555 = arith.addf %parallel_loop3A_472, %parallel_loop3A_554 : vector<16xf32>
        %parallel_loop3A_556 = arith.constant 2.000000e-01 : f32
        %parallel_loop3A_557 = vector.broadcast %parallel_loop3A_556 : f32 to vector<16xf32>
        %parallel_loop3A_558 = arith.mulf %parallel_loop3A_555, %parallel_loop3A_557 : vector<16xf32>
        %parallel_loop3A_559 = arith.maximumf %parallel_loop3A_555, %parallel_loop3A_558 : vector<16xf32>
        %parallel_loop3A_560 = arith.constant 96 : index
        %parallel_loop3A_561 = tpu.vector_load %arg28[%parallel_loop3A_560] {strides = array<i32>} : memref<128xf32, #tpu.memory_space<vmem>>, vector<16xf32>,
        %parallel_loop3A_562 = arith.mulf %parallel_loop3A_559, %parallel_loop3A_561 : vector<16xf32>
        %parallel_loop3A_563 = arith.addf %parallel_loop3A_551, %parallel_loop3A_562 : vector<16xf32>
        %parallel_loop3A_564 = arith.index_cast %parallel_loop3A_451 : i32 to index
        %parallel_loop3A_565 = arith.constant 112 : index
        %parallel_loop3A_566 = tpu.vector_load %arg27[%parallel_loop3A_564, %parallel_loop3A_565] {strides = array<i32>} : memref<64x128xf32, #tpu.memory_space<vmem>>, vector<16xf32>,
        %parallel_loop3A_567 = arith.addf %parallel_loop3A_475, %parallel_loop3A_566 : vector<16xf32>
        %parallel_loop3A_568 = arith.constant 2.000000e-01 : f32
        %parallel_loop3A_569 = vector.broadcast %parallel_loop3A_568 : f32 to vector<16xf32>
        %parallel_loop3A_570 = arith.mulf %parallel_loop3A_567, %parallel_loop3A_569 : vector<16xf32>
        %parallel_loop3A_571 = arith.maximumf %parallel_loop3A_567, %parallel_loop3A_570 : vector<16xf32>
        %parallel_loop3A_572 = arith.constant 112 : index
        %parallel_loop3A_573 = tpu.vector_load %arg28[%parallel_loop3A_572] {strides = array<i32>} : memref<128xf32, #tpu.memory_space<vmem>>, vector<16xf32>,
        %parallel_loop3A_574 = arith.mulf %parallel_loop3A_571, %parallel_loop3A_573 : vector<16xf32>
        %parallel_loop3A_575 = arith.addf %parallel_loop3A_563, %parallel_loop3A_574 : vector<16xf32>
        %parallel_loop3A_576 = arith.constant true
        %parallel_loop3A_577 = vector.broadcast %parallel_loop3A_576 : i1 to vector<16xi1>
        %parallel_loop3A_578 = tpu.scan <sum>, %parallel_loop3A_575 masked %parallel_loop3A_577 : vector<16xf32>, vector<16xi1> -> vector<16xf32>
        %parallel_loop3A_579 = vector.extract %parallel_loop3A_578[15] : f32 from vector<16xf32>
        %parallel_loop3A_580 = vector.broadcast %parallel_loop3A_579 : f32 to vector<16xf32>
        %parallel_loop3A_581 = math.exp %parallel_loop3A_580 : vector<16xf32>
        %parallel_loop3A_582 = arith.mulf %parallel_loop3A_454, %parallel_loop3A_528 : vector<16xf32>
        %parallel_loop3A_583 = arith.index_cast %parallel_loop3A_451 : i32 to index
        %parallel_loop3A_584 = arith.constant 0 : index
        %parallel_loop3A_585 = tpu.vector_load %arg29[%parallel_loop3A_583, %parallel_loop3A_584] {strides = array<i32>} : memref<64x128xf32, #tpu.memory_space<vmem>>, vector<16xf32>,
        tpu.vector_store %arg29[%parallel_loop3A_583, %parallel_loop3A_584], %parallel_loop3A_582 {strides = array<i32>} : memref<64x128xf32, #tpu.memory_space<vmem>>, vector<16xf32>,
        %parallel_loop3A_586 = arith.mulf %parallel_loop3A_457, %parallel_loop3A_528 : vector<16xf32>
        %parallel_loop3A_587 = arith.index_cast %parallel_loop3A_451 : i32 to index
        %parallel_loop3A_588 = arith.constant 16 : index
        %parallel_loop3A_589 = tpu.vector_load %arg29[%parallel_loop3A_587, %parallel_loop3A_588] {strides = array<i32>} : memref<64x128xf32, #tpu.memory_space<vmem>>, vector<16xf32>,
        tpu.vector_store %arg29[%parallel_loop3A_587, %parallel_loop3A_588], %parallel_loop3A_586 {strides = array<i32>} : memref<64x128xf32, #tpu.memory_space<vmem>>, vector<16xf32>,
        %parallel_loop3A_590 = arith.mulf %parallel_loop3A_460, %parallel_loop3A_528 : vector<16xf32>
        %parallel_loop3A_591 = arith.index_cast %parallel_loop3A_451 : i32 to index
        %parallel_loop3A_592 = arith.constant 32 : index
        %parallel_loop3A_593 = tpu.vector_load %arg29[%parallel_loop3A_591, %parallel_loop3A_592] {strides = array<i32>} : memref<64x128xf32, #tpu.memory_space<vmem>>, vector<16xf32>,
        tpu.vector_store %arg29[%parallel_loop3A_591, %parallel_loop3A_592], %parallel_loop3A_590 {strides = array<i32>} : memref<64x128xf32, #tpu.memory_space<vmem>>, vector<16xf32>,
        %parallel_loop3A_594 = arith.mulf %parallel_loop3A_463, %parallel_loop3A_528 : vector<16xf32>
        %parallel_loop3A_595 = arith.index_cast %parallel_loop3A_451 : i32 to index
        %parallel_loop3A_596 = arith.constant 48 : index
        %parallel_loop3A_597 = tpu.vector_load %arg29[%parallel_loop3A_595, %parallel_loop3A_596] {strides = array<i32>} : memref<64x128xf32, #tpu.memory_space<vmem>>, vector<16xf32>,
        tpu.vector_store %arg29[%parallel_loop3A_595, %parallel_loop3A_596], %parallel_loop3A_594 {strides = array<i32>} : memref<64x128xf32, #tpu.memory_space<vmem>>, vector<16xf32>,
        %parallel_loop3A_598 = arith.mulf %parallel_loop3A_466, %parallel_loop3A_581 : vector<16xf32>
        %parallel_loop3A_599 = arith.index_cast %parallel_loop3A_451 : i32 to index
        %parallel_loop3A_600 = arith.constant 64 : index
        %parallel_loop3A_601 = tpu.vector_load %arg29[%parallel_loop3A_599, %parallel_loop3A_600] {strides = array<i32>} : memref<64x128xf32, #tpu.memory_space<vmem>>, vector<16xf32>,
        tpu.vector_store %arg29[%parallel_loop3A_599, %parallel_loop3A_600], %parallel_loop3A_598 {strides = array<i32>} : memref<64x128xf32, #tpu.memory_space<vmem>>, vector<16xf32>,
        %parallel_loop3A_602 = arith.mulf %parallel_loop3A_469, %parallel_loop3A_581 : vector<16xf32>
        %parallel_loop3A_603 = arith.index_cast %parallel_loop3A_451 : i32 to index
        %parallel_loop3A_604 = arith.constant 80 : index
        %parallel_loop3A_605 = tpu.vector_load %arg29[%parallel_loop3A_603, %parallel_loop3A_604] {strides = array<i32>} : memref<64x128xf32, #tpu.memory_space<vmem>>, vector<16xf32>,
        tpu.vector_store %arg29[%parallel_loop3A_603, %parallel_loop3A_604], %parallel_loop3A_602 {strides = array<i32>} : memref<64x128xf32, #tpu.memory_space<vmem>>, vector<16xf32>,
        %parallel_loop3A_606 = arith.mulf %parallel_loop3A_472, %parallel_loop3A_581 : vector<16xf32>
        %parallel_loop3A_607 = arith.index_cast %parallel_loop3A_451 : i32 to index
        %parallel_loop3A_608 = arith.constant 96 : index
        %parallel_loop3A_609 = tpu.vector_load %arg29[%parallel_loop3A_607, %parallel_loop3A_608] {strides = array<i32>} : memref<64x128xf32, #tpu.memory_space<vmem>>, vector<16xf32>,
        tpu.vector_store %arg29[%parallel_loop3A_607, %parallel_loop3A_608], %parallel_loop3A_606 {strides = array<i32>} : memref<64x128xf32, #tpu.memory_space<vmem>>, vector<16xf32>,
        %parallel_loop3A_610 = arith.mulf %parallel_loop3A_475, %parallel_loop3A_581 : vector<16xf32>
        %parallel_loop3A_611 = arith.index_cast %parallel_loop3A_451 : i32 to index
        %parallel_loop3A_612 = arith.constant 112 : index
        %parallel_loop3A_613 = tpu.vector_load %arg29[%parallel_loop3A_611, %parallel_loop3A_612] {strides = array<i32>} : memref<64x128xf32, #tpu.memory_space<vmem>>, vector<16xf32>,
        tpu.vector_store %arg29[%parallel_loop3A_611, %parallel_loop3A_612], %parallel_loop3A_610 {strides = array<i32>} : memref<64x128xf32, #tpu.memory_space<vmem>>, vector<16xf32>,
        %parallel_loop3A_614 = arith.index_cast %parallel_loop3A_451 : i32 to index
        %parallel_loop3A_615 = arith.constant 0 : index
        %parallel_loop3A_616 = tpu.vector_load %arg21[%parallel_loop3A_614, %parallel_loop3A_615] {strides = array<i32>} : memref<64x16xf32, #tpu.memory_space<vmem>>, vector<16xf32>,
        %parallel_loop3A_617 = arith.constant 0.000000e+00 : f32
        %parallel_loop3A_618 = vector.broadcast %parallel_loop3A_617 : f32 to vector<16xf32>
        %parallel_loop3A_619 = arith.constant 1.000000e+00 : f32
        %parallel_loop3A_620 = vector.broadcast %parallel_loop3A_619 : f32 to vector<16xf32>
        %parallel_loop3A_621 = arith.cmpf oeq, %parallel_loop3A_616, %parallel_loop3A_620 : vector<16xf32>
        %parallel_loop3A_622 = arith.select %parallel_loop3A_621, %parallel_loop3A_528, %parallel_loop3A_618 : vector<16xi1>, vector<16xf32>
        %parallel_loop3A_623 = arith.constant 2.000000e+00 : f32
        %parallel_loop3A_624 = vector.broadcast %parallel_loop3A_623 : f32 to vector<16xf32>
        %parallel_loop3A_625 = arith.cmpf oeq, %parallel_loop3A_616, %parallel_loop3A_624 : vector<16xf32>
        %parallel_loop3A_626 = arith.select %parallel_loop3A_625, %parallel_loop3A_581, %parallel_loop3A_618 : vector<16xi1>, vector<16xf32>
        %parallel_loop3A_627 = arith.addf %parallel_loop3A_622, %parallel_loop3A_626 : vector<16xf32>
        %parallel_loop3A_628 = arith.index_cast %parallel_loop3A_451 : i32 to index
        %parallel_loop3A_629 = arith.constant 0 : index
        %parallel_loop3A_630 = tpu.vector_load %arg30[%parallel_loop3A_628, %parallel_loop3A_629] {strides = array<i32>} : memref<64x128xf32, #tpu.memory_space<vmem>>, vector<16xf32>,
        tpu.vector_store %arg30[%parallel_loop3A_628, %parallel_loop3A_629], %parallel_loop3A_627 {strides = array<i32>} : memref<64x128xf32, #tpu.memory_space<vmem>>, vector<16xf32>,
      } {sc.loop_unroll_factor = 2 : i64, sc.parallel_access}
      %dma_start3A_440 = arith.constant 0 : i32
      %dma_start3A_441 = arith.constant 0 : i32
      %dma_start3A_442 = tpu.memref_slice %arg31[%dma_start3A_440, %dma_start3A_441] : memref<5184x128xf32, #tpu.memory_space<vmem_shared>> -> memref<5184x128xf32, #tpu.memory_space<vmem_shared>>
      tpu.enqueue_indirect_dma source(%arg29 : memref<64x128xf32, #tpu.memory_space<vmem>>) target(%dma_start3A_442 : memref<5184x128xf32, #tpu.memory_space<vmem_shared>>) offsets(%arg24 : memref<64xi32, #tpu.memory_space<vmem>>) semaphore(%arg37 : memref<!tpu.dma_semaphore, #tpu.memory_space<semaphore_mem>>) {add = true}
      %dma_start3A_443 = arith.constant 0 : i32
      %dma_start3A_444 = arith.constant 0 : i32
      %dma_start3A_445 = tpu.memref_slice %arg32[%dma_start3A_443, %dma_start3A_444] : memref<640x128xf32, #tpu.memory_space<vmem_shared>> -> memref<640x128xf32, #tpu.memory_space<vmem_shared>>
      tpu.enqueue_indirect_dma source(%arg30 : memref<64x128xf32, #tpu.memory_space<vmem>>) target(%dma_start3A_445 : memref<640x128xf32, #tpu.memory_space<vmem_shared>>) offsets(%arg25 : memref<64xi32, #tpu.memory_space<vmem>>) semaphore(%arg38 : memref<!tpu.dma_semaphore, #tpu.memory_space<semaphore_mem>>) {add = true}
      %lt3A_446 = arith.constant 83 : i32
      %lt3A_447 = arith.cmpi slt, %add3A_340, %lt3A_446 : i32
      %convert_element_type3A_448 = arith.extui %lt3A_447 : i1 to i32
      %cond3A_449 = arith.constant 0 : i32
      %cond3A_450 = arith.cmpi ne, %convert_element_type3A_448, %cond3A_449 : i32
      scf.if %cond3A_450 {
        %dma_wait3A_451 = arith.constant 0 : i32
        %dma_wait3A_452 = tpu.memref_slice %arg4[%dma_wait3A_451] : memref<172032xi32, #tpu.memory_space<hbm>> -> memref<64xi32, #tpu.memory_space<hbm>>
        %dma_wait3A_453 = arith.constant 0 : i32
        %dma_wait3A_454 = tpu.memref_slice %arg4[%dma_wait3A_453] : memref<172032xi32, #tpu.memory_space<hbm>> -> memref<64xi32, #tpu.memory_space<hbm>>
        tpu.wait_dma2 semaphore(%arg33 : memref<!tpu.dma_semaphore, #tpu.memory_space<semaphore_mem>>) src(%dma_wait3A_454 : memref<64xi32, #tpu.memory_space<hbm>>) dst(%arg10 : memref<64xi32, #tpu.memory_space<vmem>>)
        %dma_wait3A_455 = arith.constant 0 : i32
        %dma_wait3A_456 = tpu.memref_slice %arg5[%dma_wait3A_455] : memref<172032xi32, #tpu.memory_space<hbm>> -> memref<64xi32, #tpu.memory_space<hbm>>
        %dma_wait3A_457 = arith.constant 0 : i32
        %dma_wait3A_458 = tpu.memref_slice %arg5[%dma_wait3A_457] : memref<172032xi32, #tpu.memory_space<hbm>> -> memref<64xi32, #tpu.memory_space<hbm>>
        tpu.wait_dma2 semaphore(%arg33 : memref<!tpu.dma_semaphore, #tpu.memory_space<semaphore_mem>>) src(%dma_wait3A_458 : memref<64xi32, #tpu.memory_space<hbm>>) dst(%arg11 : memref<64xi32, #tpu.memory_space<vmem>>)
        %dma_wait3A_459 = arith.constant 0 : i32
        %dma_wait3A_460 = arith.constant 0 : i32
        %dma_wait3A_461 = tpu.memref_slice %arg6[%dma_wait3A_459, %dma_wait3A_460] : memref<172032x16xf32, #tpu.memory_space<hbm>> -> memref<64x16xf32, #tpu.memory_space<hbm>>
        %dma_wait3A_462 = arith.constant 0 : i32
        %dma_wait3A_463 = arith.constant 0 : i32
        %dma_wait3A_464 = tpu.memref_slice %arg6[%dma_wait3A_462, %dma_wait3A_463] : memref<172032x16xf32, #tpu.memory_space<hbm>> -> memref<64x16xf32, #tpu.memory_space<hbm>>
        tpu.wait_dma2 semaphore(%arg33 : memref<!tpu.dma_semaphore, #tpu.memory_space<semaphore_mem>>) src(%dma_wait3A_464 : memref<64x16xf32, #tpu.memory_space<hbm>>) dst(%arg12 : memref<64x16xf32, #tpu.memory_space<vmem>>)
        %mul3A_465 = arith.constant 10000 : i32
        %mul3A_466 = arith.muli %arg0, %mul3A_465 : i32
        %parallel_loop3A_467 = arith.constant 0 : i32
        %parallel_loop3A_468 = arith.constant 4 : i32
        %parallel_loop3A_469 = arith.constant 1 : i32
        scf.for %parallel_loop3A_476 = %parallel_loop3A_467 to %parallel_loop3A_468 step %parallel_loop3A_469  : i32 {
          %parallel_loop3A_477 = arith.constant 16 : i32
          %parallel_loop3A_478 = arith.muli %parallel_loop3A_477, %parallel_loop3A_476 : i32
          %parallel_loop3A_479 = arith.index_cast %parallel_loop3A_478 : i32 to index
          %parallel_loop3A_480 = tpu.vector_load %arg11[%parallel_loop3A_479] {strides = array<i32>} : memref<64xi32, #tpu.memory_space<vmem>>, vector<16xi32>,
          %parallel_loop3A_481 = arith.index_cast %parallel_loop3A_478 : i32 to index
          %parallel_loop3A_482 = tpu.vector_load %arg10[%parallel_loop3A_481] {strides = array<i32>} : memref<64xi32, #tpu.memory_space<vmem>>, vector<16xi32>,
          %parallel_loop3A_483 = vector.broadcast %mul3A_466 : i32 to vector<16xi32>
          %parallel_loop3A_484 = arith.addi %parallel_loop3A_482, %parallel_loop3A_483 : vector<16xi32>
          %parallel_loop3A_485 = arith.index_cast %parallel_loop3A_478 : i32 to index
          %parallel_loop3A_486 = tpu.vector_load %arg13[%parallel_loop3A_485] {strides = array<i32>} : memref<64xi32, #tpu.memory_space<vmem>>, vector<16xi32>,
          tpu.vector_store %arg13[%parallel_loop3A_485], %parallel_loop3A_484 {strides = array<i32>} : memref<64xi32, #tpu.memory_space<vmem>>, vector<16xi32>,
          %parallel_loop3A_487 = arith.constant 9999 : i32
          %parallel_loop3A_488 = vector.broadcast %parallel_loop3A_487 : i32 to vector<16xi32>
          %parallel_loop3A_489 = arith.minsi %parallel_loop3A_480, %parallel_loop3A_488 : vector<16xi32>
          %parallel_loop3A_490 = vector.broadcast %mul3A_466 : i32 to vector<16xi32>
          %parallel_loop3A_491 = arith.addi %parallel_loop3A_489, %parallel_loop3A_490 : vector<16xi32>
          %parallel_loop3A_492 = arith.index_cast %parallel_loop3A_478 : i32 to index
          %parallel_loop3A_493 = tpu.vector_load %arg14[%parallel_loop3A_492] {strides = array<i32>} : memref<64xi32, #tpu.memory_space<vmem>>, vector<16xi32>,
          tpu.vector_store %arg14[%parallel_loop3A_492], %parallel_loop3A_491 {strides = array<i32>} : memref<64xi32, #tpu.memory_space<vmem>>, vector<16xi32>,
          %parallel_loop3A_494 = arith.constant 0 : i32
          %parallel_loop3A_495 = vector.broadcast %parallel_loop3A_494 : i32 to vector<16xi32>
          %parallel_loop3A_496 = arith.subi %parallel_loop3A_480, %parallel_loop3A_495 : vector<16xi32>
          %parallel_loop3A_497 = arith.constant 0 : i32
          %parallel_loop3A_498 = vector.broadcast %parallel_loop3A_497 : i32 to vector<16xi32>
          %parallel_loop3A_499 = arith.cmpi sge, %parallel_loop3A_496, %parallel_loop3A_498 : vector<16xi32>
          %parallel_loop3A_500 = arith.constant 5000 : i32
          %parallel_loop3A_501 = vector.broadcast %parallel_loop3A_500 : i32 to vector<16xi32>
          %parallel_loop3A_502 = arith.cmpi slt, %parallel_loop3A_496, %parallel_loop3A_501 : vector<16xi32>
          %parallel_loop3A_503 = arith.andi %parallel_loop3A_499, %parallel_loop3A_502 : vector<16xi1>
          %parallel_loop3A_504 = arith.constant 63 : i32
          %parallel_loop3A_505 = vector.broadcast %parallel_loop3A_504 : i32 to vector<16xi32>
          %parallel_loop3A_506 = arith.andi %parallel_loop3A_480, %parallel_loop3A_505 : vector<16xi32>
          %parallel_loop3A_507 = arith.constant 5120 : i32
          %parallel_loop3A_508 = vector.broadcast %parallel_loop3A_507 : i32 to vector<16xi32>
          %parallel_loop3A_509 = arith.addi %parallel_loop3A_508, %parallel_loop3A_506 : vector<16xi32>
          %parallel_loop3A_510 = arith.select %parallel_loop3A_503, %parallel_loop3A_496, %parallel_loop3A_509 : vector<16xi1>, vector<16xi32>
          %parallel_loop3A_511 = arith.index_cast %parallel_loop3A_478 : i32 to index
          %parallel_loop3A_512 = tpu.vector_load %arg15[%parallel_loop3A_511] {strides = array<i32>} : memref<64xi32, #tpu.memory_space<vmem>>, vector<16xi32>,
          tpu.vector_store %arg15[%parallel_loop3A_511], %parallel_loop3A_510 {strides = array<i32>} : memref<64xi32, #tpu.memory_space<vmem>>, vector<16xi32>,
          %parallel_loop3A_513 = arith.constant 3 : i32
          %parallel_loop3A_514 = vector.broadcast %parallel_loop3A_513 : i32 to vector<16xi32>
          %parallel_loop3A_515 = arith.shrsi %parallel_loop3A_496, %parallel_loop3A_514 : vector<16xi32>
          %parallel_loop3A_516 = arith.constant 7 : i32
          %parallel_loop3A_517 = vector.broadcast %parallel_loop3A_516 : i32 to vector<16xi32>
          %parallel_loop3A_518 = arith.andi %parallel_loop3A_480, %parallel_loop3A_517 : vector<16xi32>
          %parallel_loop3A_519 = arith.constant 630 : i32
          %parallel_loop3A_520 = vector.broadcast %parallel_loop3A_519 : i32 to vector<16xi32>
          %parallel_loop3A_521 = arith.addi %parallel_loop3A_520, %parallel_loop3A_518 : vector<16xi32>
          %parallel_loop3A_522 = arith.select %parallel_loop3A_503, %parallel_loop3A_515, %parallel_loop3A_521 : vector<16xi1>, vector<16xi32>
          %parallel_loop3A_523 = arith.index_cast %parallel_loop3A_478 : i32 to index
          %parallel_loop3A_524 = tpu.vector_load %arg16[%parallel_loop3A_523] {strides = array<i32>} : memref<64xi32, #tpu.memory_space<vmem>>, vector<16xi32>,
          tpu.vector_store %arg16[%parallel_loop3A_523], %parallel_loop3A_522 {strides = array<i32>} : memref<64xi32, #tpu.memory_space<vmem>>, vector<16xi32>,
        } {sc.loop_unroll_factor = 1 : i64, sc.parallel_access}
        %dma_start3A_470 = arith.constant 0 : i32
        %dma_start3A_471 = arith.constant 0 : i32
        %dma_start3A_472 = tpu.memref_slice %arg2[%dma_start3A_470, %dma_start3A_471] : memref<20000x128xf32, #tpu.memory_space<hbm>> -> memref<20000x128xf32, #tpu.memory_space<hbm>>
        tpu.enqueue_indirect_dma source(%dma_start3A_472 : memref<20000x128xf32, #tpu.memory_space<hbm>>) target(%arg17 : memref<64x128xf32, #tpu.memory_space<vmem>>) offsets(%arg13 : memref<64xi32, #tpu.memory_space<vmem>>) semaphore(%arg35 : memref<!tpu.dma_semaphore, #tpu.memory_space<semaphore_mem>>)
        %dma_start3A_473 = arith.constant 0 : i32
        %dma_start3A_474 = arith.constant 0 : i32
        %dma_start3A_475 = tpu.memref_slice %arg3[%dma_start3A_473, %dma_start3A_474] : memref<20000x128xf32, #tpu.memory_space<hbm>> -> memref<20000x128xf32, #tpu.memory_space<hbm>>
        tpu.enqueue_indirect_dma source(%dma_start3A_475 : memref<20000x128xf32, #tpu.memory_space<hbm>>) target(%arg18 : memref<64x128xf32, #tpu.memory_space<vmem>>) offsets(%arg14 : memref<64xi32, #tpu.memory_space<vmem>>) semaphore(%arg35 : memref<!tpu.dma_semaphore, #tpu.memory_space<semaphore_mem>>)
      } else {
      }
    }
    %scan3A_88 = arith.constant 84 : i32
    %dma_wait3A_89 = arith.constant 0 : i32
    %dma_wait3A_90 = arith.constant 0 : i32
    %dma_wait3A_91 = tpu.memref_slice %arg2[%dma_wait3A_89, %dma_wait3A_90] : memref<20000x128xf32, #tpu.memory_space<hbm>> -> memref<64x128xf32, #tpu.memory_space<hbm>>
    %dma_wait3A_92 = arith.constant 0 : i32
    %dma_wait3A_93 = arith.constant 0 : i32
    %dma_wait3A_94 = tpu.memref_slice %arg2[%dma_wait3A_92, %dma_wait3A_93] : memref<20000x128xf32, #tpu.memory_space<hbm>> -> memref<64x128xf32, #tpu.memory_space<hbm>>
    tpu.wait_dma2 semaphore(%arg37 : memref<!tpu.dma_semaphore, #tpu.memory_space<semaphore_mem>>) src(%dma_wait3A_94 : memref<64x128xf32, #tpu.memory_space<hbm>>) dst(%arg29 : memref<64x128xf32, #tpu.memory_space<vmem>>)
    %dma_wait3A_95 = arith.constant 0 : i32
    %dma_wait3A_96 = arith.constant 0 : i32
    %dma_wait3A_97 = tpu.memref_slice %arg3[%dma_wait3A_95, %dma_wait3A_96] : memref<20000x128xf32, #tpu.memory_space<hbm>> -> memref<64x128xf32, #tpu.memory_space<hbm>>
    %dma_wait3A_98 = arith.constant 0 : i32
    %dma_wait3A_99 = arith.constant 0 : i32
    %dma_wait3A_100 = tpu.memref_slice %arg3[%dma_wait3A_98, %dma_wait3A_99] : memref<20000x128xf32, #tpu.memory_space<hbm>> -> memref<64x128xf32, #tpu.memory_space<hbm>>
    tpu.wait_dma2 semaphore(%arg38 : memref<!tpu.dma_semaphore, #tpu.memory_space<semaphore_mem>>) src(%dma_wait3A_100 : memref<64x128xf32, #tpu.memory_space<hbm>>) dst(%arg30 : memref<64x128xf32, #tpu.memory_space<vmem>>)
    %barrier3A_101 = arith.constant 0 : index
    tpu.barrier barrier_id(%barrier3A_101)
    %add3A_102 = arith.constant 0 : i32
    %add3A_103 = arith.addi %arg1, %add3A_102 : i32
    %lt3A_104 = arith.constant 125 : i32
    %lt3A_105 = arith.cmpi slt, %add3A_103, %lt3A_104 : i32
    %convert_element_type3A_106 = arith.extui %lt3A_105 : i1 to i32
    %cond3A_107 = arith.constant 0 : i32
    %cond3A_108 = arith.cmpi ne, %convert_element_type3A_106, %cond3A_107 : i32
    scf.if %cond3A_108 {
      %mul3A_336 = arith.constant 40 : i32
      %mul3A_337 = arith.muli %add3A_103, %mul3A_336 : i32
      %mul3A_338 = arith.constant 10000 : i32
      %mul3A_339 = arith.muli %arg0, %mul3A_338 : i32
      %add3A_340 = arith.constant 0 : i32
      %add3A_341 = arith.addi %mul3A_339, %add3A_340 : i32
      %mul3A_342 = arith.constant 40 : i32
      %mul3A_343 = arith.muli %add3A_103, %mul3A_342 : i32
      %add3A_344 = arith.addi %add3A_341, %mul3A_343 : i32
      "tpu.region"() ({
        %run_scoped3A = tpu.sem_alloc : memref<!tpu.dma_semaphore, #tpu.memory_space<semaphore_mem>>
        %dma_start3A_345 = arith.constant 0 : i32
        %dma_start3A_346 = tpu.memref_slice %arg8[%add3A_344, %dma_start3A_345] : memref<20000x128xf32, #tpu.memory_space<hbm>> -> memref<40x128xf32, #tpu.memory_space<hbm>>
        %dma_start3A_347 = arith.constant 0 : i32
        %dma_start3A_348 = tpu.memref_slice %arg31[%mul3A_337, %dma_start3A_347] : memref<5184x128xf32, #tpu.memory_space<vmem_shared>> -> memref<40x128xf32, #tpu.memory_space<vmem_shared>>
        tpu.enqueue_dma source(%dma_start3A_348 : memref<40x128xf32, #tpu.memory_space<vmem_shared>>) target(%dma_start3A_346 : memref<40x128xf32, #tpu.memory_space<hbm>>) target_semaphore(%run_scoped3A : memref<!tpu.dma_semaphore, #tpu.memory_space<semaphore_mem>>)
        %dma_wait3A_349 = arith.constant 0 : i32
        %dma_wait3A_350 = tpu.memref_slice %arg8[%add3A_344, %dma_wait3A_349] : memref<20000x128xf32, #tpu.memory_space<hbm>> -> memref<40x128xf32, #tpu.memory_space<hbm>>
        %dma_wait3A_351 = arith.constant 0 : i32
        %dma_wait3A_352 = tpu.memref_slice %arg31[%mul3A_337, %dma_wait3A_351] : memref<5184x128xf32, #tpu.memory_space<vmem_shared>> -> memref<40x128xf32, #tpu.memory_space<vmem_shared>>
        tpu.wait_dma2 semaphore(%run_scoped3A : memref<!tpu.dma_semaphore, #tpu.memory_space<semaphore_mem>>) src(%dma_wait3A_352 : memref<40x128xf32, #tpu.memory_space<vmem_shared>>) dst(%dma_wait3A_350 : memref<40x128xf32, #tpu.memory_space<hbm>>)
        tpu.yield
      }) : () -> ()
    } else {
    }
    %add3A_109 = arith.constant 16 : i32
    %add3A_110 = arith.addi %arg1, %add3A_109 : i32
    %lt3A_111 = arith.constant 125 : i32
    %lt3A_112 = arith.cmpi slt, %add3A_110, %lt3A_111 : i32
    %convert_element_type3A_113 = arith.extui %lt3A_112 : i1 to i32
    %cond3A_114 = arith.constant 0 : i32
    %cond3A_115 = arith.cmpi ne, %convert_element_type3A_113, %cond3A_114 : i32
    scf.if %cond3A_115 {
      %mul3A_336 = arith.constant 40 : i32
      %mul3A_337 = arith.muli %add3A_110, %mul3A_336 : i32
      %mul3A_338 = arith.constant 10000 : i32
      %mul3A_339 = arith.muli %arg0, %mul3A_338 : i32
      %add3A_340 = arith.constant 0 : i32
      %add3A_341 = arith.addi %mul3A_339, %add3A_340 : i32
      %mul3A_342 = arith.constant 40 : i32
      %mul3A_343 = arith.muli %add3A_110, %mul3A_342 : i32
      %add3A_344 = arith.addi %add3A_341, %mul3A_343 : i32
      "tpu.region"() ({
        %run_scoped3A = tpu.sem_alloc : memref<!tpu.dma_semaphore, #tpu.memory_space<semaphore_mem>>
        %dma_start3A_345 = arith.constant 0 : i32
        %dma_start3A_346 = tpu.memref_slice %arg8[%add3A_344, %dma_start3A_345] : memref<20000x128xf32, #tpu.memory_space<hbm>> -> memref<40x128xf32, #tpu.memory_space<hbm>>
        %dma_start3A_347 = arith.constant 0 : i32
        %dma_start3A_348 = tpu.memref_slice %arg31[%mul3A_337, %dma_start3A_347] : memref<5184x128xf32, #tpu.memory_space<vmem_shared>> -> memref<40x128xf32, #tpu.memory_space<vmem_shared>>
        tpu.enqueue_dma source(%dma_start3A_348 : memref<40x128xf32, #tpu.memory_space<vmem_shared>>) target(%dma_start3A_346 : memref<40x128xf32, #tpu.memory_space<hbm>>) target_semaphore(%run_scoped3A : memref<!tpu.dma_semaphore, #tpu.memory_space<semaphore_mem>>)
        %dma_wait3A_349 = arith.constant 0 : i32
        %dma_wait3A_350 = tpu.memref_slice %arg8[%add3A_344, %dma_wait3A_349] : memref<20000x128xf32, #tpu.memory_space<hbm>> -> memref<40x128xf32, #tpu.memory_space<hbm>>
        %dma_wait3A_351 = arith.constant 0 : i32
        %dma_wait3A_352 = tpu.memref_slice %arg31[%mul3A_337, %dma_wait3A_351] : memref<5184x128xf32, #tpu.memory_space<vmem_shared>> -> memref<40x128xf32, #tpu.memory_space<vmem_shared>>
        tpu.wait_dma2 semaphore(%run_scoped3A : memref<!tpu.dma_semaphore, #tpu.memory_space<semaphore_mem>>) src(%dma_wait3A_352 : memref<40x128xf32, #tpu.memory_space<vmem_shared>>) dst(%dma_wait3A_350 : memref<40x128xf32, #tpu.memory_space<hbm>>)
        tpu.yield
      }) : () -> ()
    } else {
    }
    %add3A_116 = arith.constant 32 : i32
    %add3A_117 = arith.addi %arg1, %add3A_116 : i32
    %lt3A_118 = arith.constant 125 : i32
    %lt3A_119 = arith.cmpi slt, %add3A_117, %lt3A_118 : i32
    %convert_element_type3A_120 = arith.extui %lt3A_119 : i1 to i32
    %cond3A_121 = arith.constant 0 : i32
    %cond3A_122 = arith.cmpi ne, %convert_element_type3A_120, %cond3A_121 : i32
    scf.if %cond3A_122 {
      %mul3A_336 = arith.constant 40 : i32
      %mul3A_337 = arith.muli %add3A_117, %mul3A_336 : i32
      %mul3A_338 = arith.constant 10000 : i32
      %mul3A_339 = arith.muli %arg0, %mul3A_338 : i32
      %add3A_340 = arith.constant 0 : i32
      %add3A_341 = arith.addi %mul3A_339, %add3A_340 : i32
      %mul3A_342 = arith.constant 40 : i32
      %mul3A_343 = arith.muli %add3A_117, %mul3A_342 : i32
      %add3A_344 = arith.addi %add3A_341, %mul3A_343 : i32
      "tpu.region"() ({
        %run_scoped3A = tpu.sem_alloc : memref<!tpu.dma_semaphore, #tpu.memory_space<semaphore_mem>>
        %dma_start3A_345 = arith.constant 0 : i32
        %dma_start3A_346 = tpu.memref_slice %arg8[%add3A_344, %dma_start3A_345] : memref<20000x128xf32, #tpu.memory_space<hbm>> -> memref<40x128xf32, #tpu.memory_space<hbm>>
        %dma_start3A_347 = arith.constant 0 : i32
        %dma_start3A_348 = tpu.memref_slice %arg31[%mul3A_337, %dma_start3A_347] : memref<5184x128xf32, #tpu.memory_space<vmem_shared>> -> memref<40x128xf32, #tpu.memory_space<vmem_shared>>
        tpu.enqueue_dma source(%dma_start3A_348 : memref<40x128xf32, #tpu.memory_space<vmem_shared>>) target(%dma_start3A_346 : memref<40x128xf32, #tpu.memory_space<hbm>>) target_semaphore(%run_scoped3A : memref<!tpu.dma_semaphore, #tpu.memory_space<semaphore_mem>>)
        %dma_wait3A_349 = arith.constant 0 : i32
        %dma_wait3A_350 = tpu.memref_slice %arg8[%add3A_344, %dma_wait3A_349] : memref<20000x128xf32, #tpu.memory_space<hbm>> -> memref<40x128xf32, #tpu.memory_space<hbm>>
        %dma_wait3A_351 = arith.constant 0 : i32
        %dma_wait3A_352 = tpu.memref_slice %arg31[%mul3A_337, %dma_wait3A_351] : memref<5184x128xf32, #tpu.memory_space<vmem_shared>> -> memref<40x128xf32, #tpu.memory_space<vmem_shared>>
        tpu.wait_dma2 semaphore(%run_scoped3A : memref<!tpu.dma_semaphore, #tpu.memory_space<semaphore_mem>>) src(%dma_wait3A_352 : memref<40x128xf32, #tpu.memory_space<vmem_shared>>) dst(%dma_wait3A_350 : memref<40x128xf32, #tpu.memory_space<hbm>>)
        tpu.yield
      }) : () -> ()
    } else {
    }
    %add3A_123 = arith.constant 48 : i32
    %add3A_124 = arith.addi %arg1, %add3A_123 : i32
    %lt3A_125 = arith.constant 125 : i32
    %lt3A_126 = arith.cmpi slt, %add3A_124, %lt3A_125 : i32
    %convert_element_type3A_127 = arith.extui %lt3A_126 : i1 to i32
    %cond3A_128 = arith.constant 0 : i32
    %cond3A_129 = arith.cmpi ne, %convert_element_type3A_127, %cond3A_128 : i32
    scf.if %cond3A_129 {
      %mul3A_336 = arith.constant 40 : i32
      %mul3A_337 = arith.muli %add3A_124, %mul3A_336 : i32
      %mul3A_338 = arith.constant 10000 : i32
      %mul3A_339 = arith.muli %arg0, %mul3A_338 : i32
      %add3A_340 = arith.constant 0 : i32
      %add3A_341 = arith.addi %mul3A_339, %add3A_340 : i32
      %mul3A_342 = arith.constant 40 : i32
      %mul3A_343 = arith.muli %add3A_124, %mul3A_342 : i32
      %add3A_344 = arith.addi %add3A_341, %mul3A_343 : i32
      "tpu.region"() ({
        %run_scoped3A = tpu.sem_alloc : memref<!tpu.dma_semaphore, #tpu.memory_space<semaphore_mem>>
        %dma_start3A_345 = arith.constant 0 : i32
        %dma_start3A_346 = tpu.memref_slice %arg8[%add3A_344, %dma_start3A_345] : memref<20000x128xf32, #tpu.memory_space<hbm>> -> memref<40x128xf32, #tpu.memory_space<hbm>>
        %dma_start3A_347 = arith.constant 0 : i32
        %dma_start3A_348 = tpu.memref_slice %arg31[%mul3A_337, %dma_start3A_347] : memref<5184x128xf32, #tpu.memory_space<vmem_shared>> -> memref<40x128xf32, #tpu.memory_space<vmem_shared>>
        tpu.enqueue_dma source(%dma_start3A_348 : memref<40x128xf32, #tpu.memory_space<vmem_shared>>) target(%dma_start3A_346 : memref<40x128xf32, #tpu.memory_space<hbm>>) target_semaphore(%run_scoped3A : memref<!tpu.dma_semaphore, #tpu.memory_space<semaphore_mem>>)
        %dma_wait3A_349 = arith.constant 0 : i32
        %dma_wait3A_350 = tpu.memref_slice %arg8[%add3A_344, %dma_wait3A_349] : memref<20000x128xf32, #tpu.memory_space<hbm>> -> memref<40x128xf32, #tpu.memory_space<hbm>>
        %dma_wait3A_351 = arith.constant 0 : i32
        %dma_wait3A_352 = tpu.memref_slice %arg31[%mul3A_337, %dma_wait3A_351] : memref<5184x128xf32, #tpu.memory_space<vmem_shared>> -> memref<40x128xf32, #tpu.memory_space<vmem_shared>>
        tpu.wait_dma2 semaphore(%run_scoped3A : memref<!tpu.dma_semaphore, #tpu.memory_space<semaphore_mem>>) src(%dma_wait3A_352 : memref<40x128xf32, #tpu.memory_space<vmem_shared>>) dst(%dma_wait3A_350 : memref<40x128xf32, #tpu.memory_space<hbm>>)
        tpu.yield
      }) : () -> ()
    } else {
    }
    %add3A_130 = arith.constant 64 : i32
    %add3A_131 = arith.addi %arg1, %add3A_130 : i32
    %lt3A_132 = arith.constant 125 : i32
    %lt3A_133 = arith.cmpi slt, %add3A_131, %lt3A_132 : i32
    %convert_element_type3A_134 = arith.extui %lt3A_133 : i1 to i32
    %cond3A_135 = arith.constant 0 : i32
    %cond3A_136 = arith.cmpi ne, %convert_element_type3A_134, %cond3A_135 : i32
    scf.if %cond3A_136 {
      %mul3A_336 = arith.constant 40 : i32
      %mul3A_337 = arith.muli %add3A_131, %mul3A_336 : i32
      %mul3A_338 = arith.constant 10000 : i32
      %mul3A_339 = arith.muli %arg0, %mul3A_338 : i32
      %add3A_340 = arith.constant 0 : i32
      %add3A_341 = arith.addi %mul3A_339, %add3A_340 : i32
      %mul3A_342 = arith.constant 40 : i32
      %mul3A_343 = arith.muli %add3A_131, %mul3A_342 : i32
      %add3A_344 = arith.addi %add3A_341, %mul3A_343 : i32
      "tpu.region"() ({
        %run_scoped3A = tpu.sem_alloc : memref<!tpu.dma_semaphore, #tpu.memory_space<semaphore_mem>>
        %dma_start3A_345 = arith.constant 0 : i32
        %dma_start3A_346 = tpu.memref_slice %arg8[%add3A_344, %dma_start3A_345] : memref<20000x128xf32, #tpu.memory_space<hbm>> -> memref<40x128xf32, #tpu.memory_space<hbm>>
        %dma_start3A_347 = arith.constant 0 : i32
        %dma_start3A_348 = tpu.memref_slice %arg31[%mul3A_337, %dma_start3A_347] : memref<5184x128xf32, #tpu.memory_space<vmem_shared>> -> memref<40x128xf32, #tpu.memory_space<vmem_shared>>
        tpu.enqueue_dma source(%dma_start3A_348 : memref<40x128xf32, #tpu.memory_space<vmem_shared>>) target(%dma_start3A_346 : memref<40x128xf32, #tpu.memory_space<hbm>>) target_semaphore(%run_scoped3A : memref<!tpu.dma_semaphore, #tpu.memory_space<semaphore_mem>>)
        %dma_wait3A_349 = arith.constant 0 : i32
        %dma_wait3A_350 = tpu.memref_slice %arg8[%add3A_344, %dma_wait3A_349] : memref<20000x128xf32, #tpu.memory_space<hbm>> -> memref<40x128xf32, #tpu.memory_space<hbm>>
        %dma_wait3A_351 = arith.constant 0 : i32
        %dma_wait3A_352 = tpu.memref_slice %arg31[%mul3A_337, %dma_wait3A_351] : memref<5184x128xf32, #tpu.memory_space<vmem_shared>> -> memref<40x128xf32, #tpu.memory_space<vmem_shared>>
        tpu.wait_dma2 semaphore(%run_scoped3A : memref<!tpu.dma_semaphore, #tpu.memory_space<semaphore_mem>>) src(%dma_wait3A_352 : memref<40x128xf32, #tpu.memory_space<vmem_shared>>) dst(%dma_wait3A_350 : memref<40x128xf32, #tpu.memory_space<hbm>>)
        tpu.yield
      }) : () -> ()
    } else {
    }
    %add3A_137 = arith.constant 80 : i32
    %add3A_138 = arith.addi %arg1, %add3A_137 : i32
    %lt3A_139 = arith.constant 125 : i32
    %lt3A_140 = arith.cmpi slt, %add3A_138, %lt3A_139 : i32
    %convert_element_type3A_141 = arith.extui %lt3A_140 : i1 to i32
    %cond3A_142 = arith.constant 0 : i32
    %cond3A_143 = arith.cmpi ne, %convert_element_type3A_141, %cond3A_142 : i32
    scf.if %cond3A_143 {
      %mul3A_336 = arith.constant 40 : i32
      %mul3A_337 = arith.muli %add3A_138, %mul3A_336 : i32
      %mul3A_338 = arith.constant 10000 : i32
      %mul3A_339 = arith.muli %arg0, %mul3A_338 : i32
      %add3A_340 = arith.constant 0 : i32
      %add3A_341 = arith.addi %mul3A_339, %add3A_340 : i32
      %mul3A_342 = arith.constant 40 : i32
      %mul3A_343 = arith.muli %add3A_138, %mul3A_342 : i32
      %add3A_344 = arith.addi %add3A_341, %mul3A_343 : i32
      "tpu.region"() ({
        %run_scoped3A = tpu.sem_alloc : memref<!tpu.dma_semaphore, #tpu.memory_space<semaphore_mem>>
        %dma_start3A_345 = arith.constant 0 : i32
        %dma_start3A_346 = tpu.memref_slice %arg8[%add3A_344, %dma_start3A_345] : memref<20000x128xf32, #tpu.memory_space<hbm>> -> memref<40x128xf32, #tpu.memory_space<hbm>>
        %dma_start3A_347 = arith.constant 0 : i32
        %dma_start3A_348 = tpu.memref_slice %arg31[%mul3A_337, %dma_start3A_347] : memref<5184x128xf32, #tpu.memory_space<vmem_shared>> -> memref<40x128xf32, #tpu.memory_space<vmem_shared>>
        tpu.enqueue_dma source(%dma_start3A_348 : memref<40x128xf32, #tpu.memory_space<vmem_shared>>) target(%dma_start3A_346 : memref<40x128xf32, #tpu.memory_space<hbm>>) target_semaphore(%run_scoped3A : memref<!tpu.dma_semaphore, #tpu.memory_space<semaphore_mem>>)
        %dma_wait3A_349 = arith.constant 0 : i32
        %dma_wait3A_350 = tpu.memref_slice %arg8[%add3A_344, %dma_wait3A_349] : memref<20000x128xf32, #tpu.memory_space<hbm>> -> memref<40x128xf32, #tpu.memory_space<hbm>>
        %dma_wait3A_351 = arith.constant 0 : i32
        %dma_wait3A_352 = tpu.memref_slice %arg31[%mul3A_337, %dma_wait3A_351] : memref<5184x128xf32, #tpu.memory_space<vmem_shared>> -> memref<40x128xf32, #tpu.memory_space<vmem_shared>>
        tpu.wait_dma2 semaphore(%run_scoped3A : memref<!tpu.dma_semaphore, #tpu.memory_space<semaphore_mem>>) src(%dma_wait3A_352 : memref<40x128xf32, #tpu.memory_space<vmem_shared>>) dst(%dma_wait3A_350 : memref<40x128xf32, #tpu.memory_space<hbm>>)
        tpu.yield
      }) : () -> ()
    } else {
    }
    %add3A_144 = arith.constant 96 : i32
    %add3A_145 = arith.addi %arg1, %add3A_144 : i32
    %lt3A_146 = arith.constant 125 : i32
    %lt3A_147 = arith.cmpi slt, %add3A_145, %lt3A_146 : i32
    %convert_element_type3A_148 = arith.extui %lt3A_147 : i1 to i32
    %cond3A_149 = arith.constant 0 : i32
    %cond3A_150 = arith.cmpi ne, %convert_element_type3A_148, %cond3A_149 : i32
    scf.if %cond3A_150 {
      %mul3A_336 = arith.constant 40 : i32
      %mul3A_337 = arith.muli %add3A_145, %mul3A_336 : i32
      %mul3A_338 = arith.constant 10000 : i32
      %mul3A_339 = arith.muli %arg0, %mul3A_338 : i32
      %add3A_340 = arith.constant 0 : i32
      %add3A_341 = arith.addi %mul3A_339, %add3A_340 : i32
      %mul3A_342 = arith.constant 40 : i32
      %mul3A_343 = arith.muli %add3A_145, %mul3A_342 : i32
      %add3A_344 = arith.addi %add3A_341, %mul3A_343 : i32
      "tpu.region"() ({
        %run_scoped3A = tpu.sem_alloc : memref<!tpu.dma_semaphore, #tpu.memory_space<semaphore_mem>>
        %dma_start3A_345 = arith.constant 0 : i32
        %dma_start3A_346 = tpu.memref_slice %arg8[%add3A_344, %dma_start3A_345] : memref<20000x128xf32, #tpu.memory_space<hbm>> -> memref<40x128xf32, #tpu.memory_space<hbm>>
        %dma_start3A_347 = arith.constant 0 : i32
        %dma_start3A_348 = tpu.memref_slice %arg31[%mul3A_337, %dma_start3A_347] : memref<5184x128xf32, #tpu.memory_space<vmem_shared>> -> memref<40x128xf32, #tpu.memory_space<vmem_shared>>
        tpu.enqueue_dma source(%dma_start3A_348 : memref<40x128xf32, #tpu.memory_space<vmem_shared>>) target(%dma_start3A_346 : memref<40x128xf32, #tpu.memory_space<hbm>>) target_semaphore(%run_scoped3A : memref<!tpu.dma_semaphore, #tpu.memory_space<semaphore_mem>>)
        %dma_wait3A_349 = arith.constant 0 : i32
        %dma_wait3A_350 = tpu.memref_slice %arg8[%add3A_344, %dma_wait3A_349] : memref<20000x128xf32, #tpu.memory_space<hbm>> -> memref<40x128xf32, #tpu.memory_space<hbm>>
        %dma_wait3A_351 = arith.constant 0 : i32
        %dma_wait3A_352 = tpu.memref_slice %arg31[%mul3A_337, %dma_wait3A_351] : memref<5184x128xf32, #tpu.memory_space<vmem_shared>> -> memref<40x128xf32, #tpu.memory_space<vmem_shared>>
        tpu.wait_dma2 semaphore(%run_scoped3A : memref<!tpu.dma_semaphore, #tpu.memory_space<semaphore_mem>>) src(%dma_wait3A_352 : memref<40x128xf32, #tpu.memory_space<vmem_shared>>) dst(%dma_wait3A_350 : memref<40x128xf32, #tpu.memory_space<hbm>>)
        tpu.yield
      }) : () -> ()
    } else {
    }
    %add3A_151 = arith.constant 112 : i32
    %add3A_152 = arith.addi %arg1, %add3A_151 : i32
    %lt3A_153 = arith.constant 125 : i32
    %lt3A_154 = arith.cmpi slt, %add3A_152, %lt3A_153 : i32
    %convert_element_type3A_155 = arith.extui %lt3A_154 : i1 to i32
    %cond3A_156 = arith.constant 0 : i32
    %cond3A_157 = arith.cmpi ne, %convert_element_type3A_155, %cond3A_156 : i32
    scf.if %cond3A_157 {
      %mul3A_336 = arith.constant 40 : i32
      %mul3A_337 = arith.muli %add3A_152, %mul3A_336 : i32
      %mul3A_338 = arith.constant 10000 : i32
      %mul3A_339 = arith.muli %arg0, %mul3A_338 : i32
      %add3A_340 = arith.constant 0 : i32
      %add3A_341 = arith.addi %mul3A_339, %add3A_340 : i32
      %mul3A_342 = arith.constant 40 : i32
      %mul3A_343 = arith.muli %add3A_152, %mul3A_342 : i32
      %add3A_344 = arith.addi %add3A_341, %mul3A_343 : i32
      "tpu.region"() ({
        %run_scoped3A = tpu.sem_alloc : memref<!tpu.dma_semaphore, #tpu.memory_space<semaphore_mem>>
        %dma_start3A_345 = arith.constant 0 : i32
        %dma_start3A_346 = tpu.memref_slice %arg8[%add3A_344, %dma_start3A_345] : memref<20000x128xf32, #tpu.memory_space<hbm>> -> memref<40x128xf32, #tpu.memory_space<hbm>>
        %dma_start3A_347 = arith.constant 0 : i32
        %dma_start3A_348 = tpu.memref_slice %arg31[%mul3A_337, %dma_start3A_347] : memref<5184x128xf32, #tpu.memory_space<vmem_shared>> -> memref<40x128xf32, #tpu.memory_space<vmem_shared>>
        tpu.enqueue_dma source(%dma_start3A_348 : memref<40x128xf32, #tpu.memory_space<vmem_shared>>) target(%dma_start3A_346 : memref<40x128xf32, #tpu.memory_space<hbm>>) target_semaphore(%run_scoped3A : memref<!tpu.dma_semaphore, #tpu.memory_space<semaphore_mem>>)
        %dma_wait3A_349 = arith.constant 0 : i32
        %dma_wait3A_350 = tpu.memref_slice %arg8[%add3A_344, %dma_wait3A_349] : memref<20000x128xf32, #tpu.memory_space<hbm>> -> memref<40x128xf32, #tpu.memory_space<hbm>>
        %dma_wait3A_351 = arith.constant 0 : i32
        %dma_wait3A_352 = tpu.memref_slice %arg31[%mul3A_337, %dma_wait3A_351] : memref<5184x128xf32, #tpu.memory_space<vmem_shared>> -> memref<40x128xf32, #tpu.memory_space<vmem_shared>>
        tpu.wait_dma2 semaphore(%run_scoped3A : memref<!tpu.dma_semaphore, #tpu.memory_space<semaphore_mem>>) src(%dma_wait3A_352 : memref<40x128xf32, #tpu.memory_space<vmem_shared>>) dst(%dma_wait3A_350 : memref<40x128xf32, #tpu.memory_space<hbm>>)
        tpu.yield
      }) : () -> ()
    } else {
    }
    %lt3A_158 = arith.constant 10 : i32
    %lt3A_159 = arith.cmpi slt, %arg1, %lt3A_158 : i32
    %convert_element_type3A_160 = arith.extui %lt3A_159 : i1 to i32
    %cond3A_161 = arith.constant 0 : i32
    %cond3A_162 = arith.cmpi ne, %convert_element_type3A_160, %cond3A_161 : i32
    scf.if %cond3A_162 {
      %mul3A_336 = arith.constant 64 : i32
      %mul3A_337 = arith.muli %arg1, %mul3A_336 : i32
      %mul3A_338 = arith.constant 2 : i32
      %mul3A_339 = arith.muli %mul3A_338, %arg0 : i32
      %add3A_340 = arith.constant 0 : i32
      %add3A_341 = arith.addi %mul3A_339, %add3A_340 : i32
      %mul3A_342 = arith.constant 10 : i32
      %mul3A_343 = arith.muli %add3A_341, %mul3A_342 : i32
      %add3A_344 = arith.addi %mul3A_343, %arg1 : i32
      %mul3A_345 = arith.constant 64 : i32
      %mul3A_346 = arith.muli %add3A_344, %mul3A_345 : i32
      "tpu.region"() ({
        %run_scoped3A = tpu.sem_alloc : memref<!tpu.dma_semaphore, #tpu.memory_space<semaphore_mem>>
        %dma_start3A_347 = arith.constant 0 : i32
        %dma_start3A_348 = tpu.memref_slice %arg9[%mul3A_346, %dma_start3A_347] : memref<2560x128xf32, #tpu.memory_space<hbm>> -> memref<64x128xf32, #tpu.memory_space<hbm>>
        %dma_start3A_349 = arith.constant 0 : i32
        %dma_start3A_350 = tpu.memref_slice %arg32[%mul3A_337, %dma_start3A_349] : memref<640x128xf32, #tpu.memory_space<vmem_shared>> -> memref<64x128xf32, #tpu.memory_space<vmem_shared>>
        tpu.enqueue_dma source(%dma_start3A_350 : memref<64x128xf32, #tpu.memory_space<vmem_shared>>) target(%dma_start3A_348 : memref<64x128xf32, #tpu.memory_space<hbm>>) target_semaphore(%run_scoped3A : memref<!tpu.dma_semaphore, #tpu.memory_space<semaphore_mem>>)
        %dma_wait3A_351 = arith.constant 0 : i32
        %dma_wait3A_352 = tpu.memref_slice %arg9[%mul3A_346, %dma_wait3A_351] : memref<2560x128xf32, #tpu.memory_space<hbm>> -> memref<64x128xf32, #tpu.memory_space<hbm>>
        %dma_wait3A_353 = arith.constant 0 : i32
        %dma_wait3A_354 = tpu.memref_slice %arg32[%mul3A_337, %dma_wait3A_353] : memref<640x128xf32, #tpu.memory_space<vmem_shared>> -> memref<64x128xf32, #tpu.memory_space<vmem_shared>>
        tpu.wait_dma2 semaphore(%run_scoped3A : memref<!tpu.dma_semaphore, #tpu.memory_space<semaphore_mem>>) src(%dma_wait3A_354 : memref<64x128xf32, #tpu.memory_space<vmem_shared>>) dst(%dma_wait3A_352 : memref<64x128xf32, #tpu.memory_space<hbm>>)
        tpu.yield
      }) : () -> ()
    } else {
    }
    %barrier3A_163 = arith.constant 0 : index
    tpu.barrier barrier_id(%barrier3A_163)
    %scan3A_164 = arith.constant 0 : i32
    %scan3A_165 = arith.constant 64 : i32
    %scan3A_166 = arith.addi %scan3A_164, %scan3A_165 : i32
    %scan3A_167 = arith.constant 1 : i32
    scf.for %scan3A_336 = %scan3A_164 to %scan3A_166 step %scan3A_167  : i32 {
      %mul3A_337 = arith.constant 1 : i32
      %mul3A_338 = arith.muli %scan3A_336, %mul3A_337 : i32
      %add3A_339 = arith.constant 0 : i32
      %add3A_340 = arith.addi %add3A_339, %mul3A_338 : i32
      %broadcast_in_dim3A = arith.constant 0.000000e+00 : f32
      %broadcast_in_dim3A_341 = vector.broadcast %broadcast_in_dim3A : f32 to vector<16xf32>
      %swap3A = arith.index_cast %add3A_340 : i32 to index
      %swap3A_342 = arith.constant 0 : index
      %swap3A_343 = tpu.vector_load %arg29[%swap3A, %swap3A_342] {strides = array<i32>} : memref<64x128xf32, #tpu.memory_space<vmem>>, vector<16xf32>,
      tpu.vector_store %arg29[%swap3A, %swap3A_342], %broadcast_in_dim3A_341 {strides = array<i32>} : memref<64x128xf32, #tpu.memory_space<vmem>>, vector<16xf32>,
      %broadcast_in_dim3A_344 = arith.constant 0.000000e+00 : f32
      %broadcast_in_dim3A_345 = vector.broadcast %broadcast_in_dim3A_344 : f32 to vector<16xf32>
      %swap3A_346 = arith.index_cast %add3A_340 : i32 to index
      %swap3A_347 = arith.constant 0 : index
      %swap3A_348 = tpu.vector_load %arg30[%swap3A_346, %swap3A_347] {strides = array<i32>} : memref<64x128xf32, #tpu.memory_space<vmem>>, vector<16xf32>,
      tpu.vector_store %arg30[%swap3A_346, %swap3A_347], %broadcast_in_dim3A_345 {strides = array<i32>} : memref<64x128xf32, #tpu.memory_space<vmem>>, vector<16xf32>,
      %broadcast_in_dim3A_349 = arith.constant 0.000000e+00 : f32
      %broadcast_in_dim3A_350 = vector.broadcast %broadcast_in_dim3A_349 : f32 to vector<16xf32>
      %swap3A_351 = arith.index_cast %add3A_340 : i32 to index
      %swap3A_352 = arith.constant 16 : index
      %swap3A_353 = tpu.vector_load %arg29[%swap3A_351, %swap3A_352] {strides = array<i32>} : memref<64x128xf32, #tpu.memory_space<vmem>>, vector<16xf32>,
      tpu.vector_store %arg29[%swap3A_351, %swap3A_352], %broadcast_in_dim3A_350 {strides = array<i32>} : memref<64x128xf32, #tpu.memory_space<vmem>>, vector<16xf32>,
      %broadcast_in_dim3A_354 = arith.constant 0.000000e+00 : f32
      %broadcast_in_dim3A_355 = vector.broadcast %broadcast_in_dim3A_354 : f32 to vector<16xf32>
      %swap3A_356 = arith.index_cast %add3A_340 : i32 to index
      %swap3A_357 = arith.constant 16 : index
      %swap3A_358 = tpu.vector_load %arg30[%swap3A_356, %swap3A_357] {strides = array<i32>} : memref<64x128xf32, #tpu.memory_space<vmem>>, vector<16xf32>,
      tpu.vector_store %arg30[%swap3A_356, %swap3A_357], %broadcast_in_dim3A_355 {strides = array<i32>} : memref<64x128xf32, #tpu.memory_space<vmem>>, vector<16xf32>,
      %broadcast_in_dim3A_359 = arith.constant 0.000000e+00 : f32
      %broadcast_in_dim3A_360 = vector.broadcast %broadcast_in_dim3A_359 : f32 to vector<16xf32>
      %swap3A_361 = arith.index_cast %add3A_340 : i32 to index
      %swap3A_362 = arith.constant 32 : index
      %swap3A_363 = tpu.vector_load %arg29[%swap3A_361, %swap3A_362] {strides = array<i32>} : memref<64x128xf32, #tpu.memory_space<vmem>>, vector<16xf32>,
      tpu.vector_store %arg29[%swap3A_361, %swap3A_362], %broadcast_in_dim3A_360 {strides = array<i32>} : memref<64x128xf32, #tpu.memory_space<vmem>>, vector<16xf32>,
      %broadcast_in_dim3A_364 = arith.constant 0.000000e+00 : f32
      %broadcast_in_dim3A_365 = vector.broadcast %broadcast_in_dim3A_364 : f32 to vector<16xf32>
      %swap3A_366 = arith.index_cast %add3A_340 : i32 to index
      %swap3A_367 = arith.constant 32 : index
      %swap3A_368 = tpu.vector_load %arg30[%swap3A_366, %swap3A_367] {strides = array<i32>} : memref<64x128xf32, #tpu.memory_space<vmem>>, vector<16xf32>,
      tpu.vector_store %arg30[%swap3A_366, %swap3A_367], %broadcast_in_dim3A_365 {strides = array<i32>} : memref<64x128xf32, #tpu.memory_space<vmem>>, vector<16xf32>,
      %broadcast_in_dim3A_369 = arith.constant 0.000000e+00 : f32
      %broadcast_in_dim3A_370 = vector.broadcast %broadcast_in_dim3A_369 : f32 to vector<16xf32>
      %swap3A_371 = arith.index_cast %add3A_340 : i32 to index
      %swap3A_372 = arith.constant 48 : index
      %swap3A_373 = tpu.vector_load %arg29[%swap3A_371, %swap3A_372] {strides = array<i32>} : memref<64x128xf32, #tpu.memory_space<vmem>>, vector<16xf32>,
      tpu.vector_store %arg29[%swap3A_371, %swap3A_372], %broadcast_in_dim3A_370 {strides = array<i32>} : memref<64x128xf32, #tpu.memory_space<vmem>>, vector<16xf32>,
      %broadcast_in_dim3A_374 = arith.constant 0.000000e+00 : f32
      %broadcast_in_dim3A_375 = vector.broadcast %broadcast_in_dim3A_374 : f32 to vector<16xf32>
      %swap3A_376 = arith.index_cast %add3A_340 : i32 to index
      %swap3A_377 = arith.constant 48 : index
      %swap3A_378 = tpu.vector_load %arg30[%swap3A_376, %swap3A_377] {strides = array<i32>} : memref<64x128xf32, #tpu.memory_space<vmem>>, vector<16xf32>,
      tpu.vector_store %arg30[%swap3A_376, %swap3A_377], %broadcast_in_dim3A_375 {strides = array<i32>} : memref<64x128xf32, #tpu.memory_space<vmem>>, vector<16xf32>,
      %broadcast_in_dim3A_379 = arith.constant 0.000000e+00 : f32
      %broadcast_in_dim3A_380 = vector.broadcast %broadcast_in_dim3A_379 : f32 to vector<16xf32>
      %swap3A_381 = arith.index_cast %add3A_340 : i32 to index
      %swap3A_382 = arith.constant 64 : index
      %swap3A_383 = tpu.vector_load %arg29[%swap3A_381, %swap3A_382] {strides = array<i32>} : memref<64x128xf32, #tpu.memory_space<vmem>>, vector<16xf32>,
      tpu.vector_store %arg29[%swap3A_381, %swap3A_382], %broadcast_in_dim3A_380 {strides = array<i32>} : memref<64x128xf32, #tpu.memory_space<vmem>>, vector<16xf32>,
      %broadcast_in_dim3A_384 = arith.constant 0.000000e+00 : f32
      %broadcast_in_dim3A_385 = vector.broadcast %broadcast_in_dim3A_384 : f32 to vector<16xf32>
      %swap3A_386 = arith.index_cast %add3A_340 : i32 to index
      %swap3A_387 = arith.constant 64 : index
      %swap3A_388 = tpu.vector_load %arg30[%swap3A_386, %swap3A_387] {strides = array<i32>} : memref<64x128xf32, #tpu.memory_space<vmem>>, vector<16xf32>,
      tpu.vector_store %arg30[%swap3A_386, %swap3A_387], %broadcast_in_dim3A_385 {strides = array<i32>} : memref<64x128xf32, #tpu.memory_space<vmem>>, vector<16xf32>,
      %broadcast_in_dim3A_389 = arith.constant 0.000000e+00 : f32
      %broadcast_in_dim3A_390 = vector.broadcast %broadcast_in_dim3A_389 : f32 to vector<16xf32>
      %swap3A_391 = arith.index_cast %add3A_340 : i32 to index
      %swap3A_392 = arith.constant 80 : index
      %swap3A_393 = tpu.vector_load %arg29[%swap3A_391, %swap3A_392] {strides = array<i32>} : memref<64x128xf32, #tpu.memory_space<vmem>>, vector<16xf32>,
      tpu.vector_store %arg29[%swap3A_391, %swap3A_392], %broadcast_in_dim3A_390 {strides = array<i32>} : memref<64x128xf32, #tpu.memory_space<vmem>>, vector<16xf32>,
      %broadcast_in_dim3A_394 = arith.constant 0.000000e+00 : f32
      %broadcast_in_dim3A_395 = vector.broadcast %broadcast_in_dim3A_394 : f32 to vector<16xf32>
      %swap3A_396 = arith.index_cast %add3A_340 : i32 to index
      %swap3A_397 = arith.constant 80 : index
      %swap3A_398 = tpu.vector_load %arg30[%swap3A_396, %swap3A_397] {strides = array<i32>} : memref<64x128xf32, #tpu.memory_space<vmem>>, vector<16xf32>,
      tpu.vector_store %arg30[%swap3A_396, %swap3A_397], %broadcast_in_dim3A_395 {strides = array<i32>} : memref<64x128xf32, #tpu.memory_space<vmem>>, vector<16xf32>,
      %broadcast_in_dim3A_399 = arith.constant 0.000000e+00 : f32
      %broadcast_in_dim3A_400 = vector.broadcast %broadcast_in_dim3A_399 : f32 to vector<16xf32>
      %swap3A_401 = arith.index_cast %add3A_340 : i32 to index
      %swap3A_402 = arith.constant 96 : index
      %swap3A_403 = tpu.vector_load %arg29[%swap3A_401, %swap3A_402] {strides = array<i32>} : memref<64x128xf32, #tpu.memory_space<vmem>>, vector<16xf32>,
      tpu.vector_store %arg29[%swap3A_401, %swap3A_402], %broadcast_in_dim3A_400 {strides = array<i32>} : memref<64x128xf32, #tpu.memory_space<vmem>>, vector<16xf32>,
      %broadcast_in_dim3A_404 = arith.constant 0.000000e+00 : f32
      %broadcast_in_dim3A_405 = vector.broadcast %broadcast_in_dim3A_404 : f32 to vector<16xf32>
      %swap3A_406 = arith.index_cast %add3A_340 : i32 to index
      %swap3A_407 = arith.constant 96 : index
      %swap3A_408 = tpu.vector_load %arg30[%swap3A_406, %swap3A_407] {strides = array<i32>} : memref<64x128xf32, #tpu.memory_space<vmem>>, vector<16xf32>,
      tpu.vector_store %arg30[%swap3A_406, %swap3A_407], %broadcast_in_dim3A_405 {strides = array<i32>} : memref<64x128xf32, #tpu.memory_space<vmem>>, vector<16xf32>,
      %broadcast_in_dim3A_409 = arith.constant 0.000000e+00 : f32
      %broadcast_in_dim3A_410 = vector.broadcast %broadcast_in_dim3A_409 : f32 to vector<16xf32>
      %swap3A_411 = arith.index_cast %add3A_340 : i32 to index
      %swap3A_412 = arith.constant 112 : index
      %swap3A_413 = tpu.vector_load %arg29[%swap3A_411, %swap3A_412] {strides = array<i32>} : memref<64x128xf32, #tpu.memory_space<vmem>>, vector<16xf32>,
      tpu.vector_store %arg29[%swap3A_411, %swap3A_412], %broadcast_in_dim3A_410 {strides = array<i32>} : memref<64x128xf32, #tpu.memory_space<vmem>>, vector<16xf32>,
      %broadcast_in_dim3A_414 = arith.constant 0.000000e+00 : f32
      %broadcast_in_dim3A_415 = vector.broadcast %broadcast_in_dim3A_414 : f32 to vector<16xf32>
      %swap3A_416 = arith.index_cast %add3A_340 : i32 to index
      %swap3A_417 = arith.constant 112 : index
      %swap3A_418 = tpu.vector_load %arg30[%swap3A_416, %swap3A_417] {strides = array<i32>} : memref<64x128xf32, #tpu.memory_space<vmem>>, vector<16xf32>,
      tpu.vector_store %arg30[%swap3A_416, %swap3A_417], %broadcast_in_dim3A_415 {strides = array<i32>} : memref<64x128xf32, #tpu.memory_space<vmem>>, vector<16xf32>,
    }
    %scan3A_168 = arith.constant 64 : i32
    %add3A_169 = arith.constant 0 : i32
    %add3A_170 = arith.addi %arg1, %add3A_169 : i32
    %lt3A_171 = arith.constant 81 : i32
    %lt3A_172 = arith.cmpi slt, %add3A_170, %lt3A_171 : i32
    %convert_element_type3A_173 = arith.extui %lt3A_172 : i1 to i32
    %cond3A_174 = arith.constant 0 : i32
    %cond3A_175 = arith.cmpi ne, %convert_element_type3A_173, %cond3A_174 : i32
    scf.if %cond3A_175 {
      %mul3A_336 = arith.constant 64 : i32
      %mul3A_337 = arith.muli %add3A_170, %mul3A_336 : i32
      "tpu.region"() ({
        %run_scoped3A = tpu.sem_alloc : memref<!tpu.dma_semaphore, #tpu.memory_space<semaphore_mem>>
        %dma_start3A_338 = arith.constant 0 : i32
        %dma_start3A_339 = tpu.memref_slice %arg31[%mul3A_337, %dma_start3A_338] : memref<5184x128xf32, #tpu.memory_space<vmem_shared>> -> memref<64x128xf32, #tpu.memory_space<vmem_shared>>
        %dma_start3A_340 = arith.constant 0 : i32
        %dma_start3A_341 = tpu.memref_slice %arg31[%mul3A_337, %dma_start3A_340] : memref<5184x128xf32, #tpu.memory_space<vmem_shared>> -> memref<64x128xf32, #tpu.memory_space<vmem_shared>>
        tpu.enqueue_dma source(%arg29 : memref<64x128xf32, #tpu.memory_space<vmem>>) target(%dma_start3A_341 : memref<64x128xf32, #tpu.memory_space<vmem_shared>>) target_semaphore(%run_scoped3A : memref<!tpu.dma_semaphore, #tpu.memory_space<semaphore_mem>>)
        %dma_wait3A_342 = arith.constant 0 : i32
        %dma_wait3A_343 = tpu.memref_slice %arg31[%mul3A_337, %dma_wait3A_342] : memref<5184x128xf32, #tpu.memory_space<vmem_shared>> -> memref<64x128xf32, #tpu.memory_space<vmem_shared>>
        %dma_wait3A_344 = arith.constant 0 : i32
        %dma_wait3A_345 = tpu.memref_slice %arg31[%mul3A_337, %dma_wait3A_344] : memref<5184x128xf32, #tpu.memory_space<vmem_shared>> -> memref<64x128xf32, #tpu.memory_space<vmem_shared>>
        tpu.wait_dma2 semaphore(%run_scoped3A : memref<!tpu.dma_semaphore, #tpu.memory_space<semaphore_mem>>) src(%arg29 : memref<64x128xf32, #tpu.memory_space<vmem>>) dst(%dma_wait3A_345 : memref<64x128xf32, #tpu.memory_space<vmem_shared>>)
        tpu.yield
      }) : () -> ()
    } else {
    }
    %add3A_176 = arith.constant 16 : i32
    %add3A_177 = arith.addi %arg1, %add3A_176 : i32
    %lt3A_178 = arith.constant 81 : i32
    %lt3A_179 = arith.cmpi slt, %add3A_177, %lt3A_178 : i32
    %convert_element_type3A_180 = arith.extui %lt3A_179 : i1 to i32
    %cond3A_181 = arith.constant 0 : i32
    %cond3A_182 = arith.cmpi ne, %convert_element_type3A_180, %cond3A_181 : i32
    scf.if %cond3A_182 {
      %mul3A_336 = arith.constant 64 : i32
      %mul3A_337 = arith.muli %add3A_177, %mul3A_336 : i32
      "tpu.region"() ({
        %run_scoped3A = tpu.sem_alloc : memref<!tpu.dma_semaphore, #tpu.memory_space<semaphore_mem>>
        %dma_start3A_338 = arith.constant 0 : i32
        %dma_start3A_339 = tpu.memref_slice %arg31[%mul3A_337, %dma_start3A_338] : memref<5184x128xf32, #tpu.memory_space<vmem_shared>> -> memref<64x128xf32, #tpu.memory_space<vmem_shared>>
        %dma_start3A_340 = arith.constant 0 : i32
        %dma_start3A_341 = tpu.memref_slice %arg31[%mul3A_337, %dma_start3A_340] : memref<5184x128xf32, #tpu.memory_space<vmem_shared>> -> memref<64x128xf32, #tpu.memory_space<vmem_shared>>
        tpu.enqueue_dma source(%arg29 : memref<64x128xf32, #tpu.memory_space<vmem>>) target(%dma_start3A_341 : memref<64x128xf32, #tpu.memory_space<vmem_shared>>) target_semaphore(%run_scoped3A : memref<!tpu.dma_semaphore, #tpu.memory_space<semaphore_mem>>)
        %dma_wait3A_342 = arith.constant 0 : i32
        %dma_wait3A_343 = tpu.memref_slice %arg31[%mul3A_337, %dma_wait3A_342] : memref<5184x128xf32, #tpu.memory_space<vmem_shared>> -> memref<64x128xf32, #tpu.memory_space<vmem_shared>>
        %dma_wait3A_344 = arith.constant 0 : i32
        %dma_wait3A_345 = tpu.memref_slice %arg31[%mul3A_337, %dma_wait3A_344] : memref<5184x128xf32, #tpu.memory_space<vmem_shared>> -> memref<64x128xf32, #tpu.memory_space<vmem_shared>>
        tpu.wait_dma2 semaphore(%run_scoped3A : memref<!tpu.dma_semaphore, #tpu.memory_space<semaphore_mem>>) src(%arg29 : memref<64x128xf32, #tpu.memory_space<vmem>>) dst(%dma_wait3A_345 : memref<64x128xf32, #tpu.memory_space<vmem_shared>>)
        tpu.yield
      }) : () -> ()
    } else {
    }
    %add3A_183 = arith.constant 32 : i32
    %add3A_184 = arith.addi %arg1, %add3A_183 : i32
    %lt3A_185 = arith.constant 81 : i32
    %lt3A_186 = arith.cmpi slt, %add3A_184, %lt3A_185 : i32
    %convert_element_type3A_187 = arith.extui %lt3A_186 : i1 to i32
    %cond3A_188 = arith.constant 0 : i32
    %cond3A_189 = arith.cmpi ne, %convert_element_type3A_187, %cond3A_188 : i32
    scf.if %cond3A_189 {
      %mul3A_336 = arith.constant 64 : i32
      %mul3A_337 = arith.muli %add3A_184, %mul3A_336 : i32
      "tpu.region"() ({
        %run_scoped3A = tpu.sem_alloc : memref<!tpu.dma_semaphore, #tpu.memory_space<semaphore_mem>>
        %dma_start3A_338 = arith.constant 0 : i32
        %dma_start3A_339 = tpu.memref_slice %arg31[%mul3A_337, %dma_start3A_338] : memref<5184x128xf32, #tpu.memory_space<vmem_shared>> -> memref<64x128xf32, #tpu.memory_space<vmem_shared>>
        %dma_start3A_340 = arith.constant 0 : i32
        %dma_start3A_341 = tpu.memref_slice %arg31[%mul3A_337, %dma_start3A_340] : memref<5184x128xf32, #tpu.memory_space<vmem_shared>> -> memref<64x128xf32, #tpu.memory_space<vmem_shared>>
        tpu.enqueue_dma source(%arg29 : memref<64x128xf32, #tpu.memory_space<vmem>>) target(%dma_start3A_341 : memref<64x128xf32, #tpu.memory_space<vmem_shared>>) target_semaphore(%run_scoped3A : memref<!tpu.dma_semaphore, #tpu.memory_space<semaphore_mem>>)
        %dma_wait3A_342 = arith.constant 0 : i32
        %dma_wait3A_343 = tpu.memref_slice %arg31[%mul3A_337, %dma_wait3A_342] : memref<5184x128xf32, #tpu.memory_space<vmem_shared>> -> memref<64x128xf32, #tpu.memory_space<vmem_shared>>
        %dma_wait3A_344 = arith.constant 0 : i32
        %dma_wait3A_345 = tpu.memref_slice %arg31[%mul3A_337, %dma_wait3A_344] : memref<5184x128xf32, #tpu.memory_space<vmem_shared>> -> memref<64x128xf32, #tpu.memory_space<vmem_shared>>
        tpu.wait_dma2 semaphore(%run_scoped3A : memref<!tpu.dma_semaphore, #tpu.memory_space<semaphore_mem>>) src(%arg29 : memref<64x128xf32, #tpu.memory_space<vmem>>) dst(%dma_wait3A_345 : memref<64x128xf32, #tpu.memory_space<vmem_shared>>)
        tpu.yield
      }) : () -> ()
    } else {
    }
    %add3A_190 = arith.constant 48 : i32
    %add3A_191 = arith.addi %arg1, %add3A_190 : i32
    %lt3A_192 = arith.constant 81 : i32
    %lt3A_193 = arith.cmpi slt, %add3A_191, %lt3A_192 : i32
    %convert_element_type3A_194 = arith.extui %lt3A_193 : i1 to i32
    %cond3A_195 = arith.constant 0 : i32
    %cond3A_196 = arith.cmpi ne, %convert_element_type3A_194, %cond3A_195 : i32
    scf.if %cond3A_196 {
      %mul3A_336 = arith.constant 64 : i32
      %mul3A_337 = arith.muli %add3A_191, %mul3A_336 : i32
      "tpu.region"() ({
        %run_scoped3A = tpu.sem_alloc : memref<!tpu.dma_semaphore, #tpu.memory_space<semaphore_mem>>
        %dma_start3A_338 = arith.constant 0 : i32
        %dma_start3A_339 = tpu.memref_slice %arg31[%mul3A_337, %dma_start3A_338] : memref<5184x128xf32, #tpu.memory_space<vmem_shared>> -> memref<64x128xf32, #tpu.memory_space<vmem_shared>>
        %dma_start3A_340 = arith.constant 0 : i32
        %dma_start3A_341 = tpu.memref_slice %arg31[%mul3A_337, %dma_start3A_340] : memref<5184x128xf32, #tpu.memory_space<vmem_shared>> -> memref<64x128xf32, #tpu.memory_space<vmem_shared>>
        tpu.enqueue_dma source(%arg29 : memref<64x128xf32, #tpu.memory_space<vmem>>) target(%dma_start3A_341 : memref<64x128xf32, #tpu.memory_space<vmem_shared>>) target_semaphore(%run_scoped3A : memref<!tpu.dma_semaphore, #tpu.memory_space<semaphore_mem>>)
        %dma_wait3A_342 = arith.constant 0 : i32
        %dma_wait3A_343 = tpu.memref_slice %arg31[%mul3A_337, %dma_wait3A_342] : memref<5184x128xf32, #tpu.memory_space<vmem_shared>> -> memref<64x128xf32, #tpu.memory_space<vmem_shared>>
        %dma_wait3A_344 = arith.constant 0 : i32
        %dma_wait3A_345 = tpu.memref_slice %arg31[%mul3A_337, %dma_wait3A_344] : memref<5184x128xf32, #tpu.memory_space<vmem_shared>> -> memref<64x128xf32, #tpu.memory_space<vmem_shared>>
        tpu.wait_dma2 semaphore(%run_scoped3A : memref<!tpu.dma_semaphore, #tpu.memory_space<semaphore_mem>>) src(%arg29 : memref<64x128xf32, #tpu.memory_space<vmem>>) dst(%dma_wait3A_345 : memref<64x128xf32, #tpu.memory_space<vmem_shared>>)
        tpu.yield
      }) : () -> ()
    } else {
    }
    %add3A_197 = arith.constant 64 : i32
    %add3A_198 = arith.addi %arg1, %add3A_197 : i32
    %lt3A_199 = arith.constant 81 : i32
    %lt3A_200 = arith.cmpi slt, %add3A_198, %lt3A_199 : i32
    %convert_element_type3A_201 = arith.extui %lt3A_200 : i1 to i32
    %cond3A_202 = arith.constant 0 : i32
    %cond3A_203 = arith.cmpi ne, %convert_element_type3A_201, %cond3A_202 : i32
    scf.if %cond3A_203 {
      %mul3A_336 = arith.constant 64 : i32
      %mul3A_337 = arith.muli %add3A_198, %mul3A_336 : i32
      "tpu.region"() ({
        %run_scoped3A = tpu.sem_alloc : memref<!tpu.dma_semaphore, #tpu.memory_space<semaphore_mem>>
        %dma_start3A_338 = arith.constant 0 : i32
        %dma_start3A_339 = tpu.memref_slice %arg31[%mul3A_337, %dma_start3A_338] : memref<5184x128xf32, #tpu.memory_space<vmem_shared>> -> memref<64x128xf32, #tpu.memory_space<vmem_shared>>
        %dma_start3A_340 = arith.constant 0 : i32
        %dma_start3A_341 = tpu.memref_slice %arg31[%mul3A_337, %dma_start3A_340] : memref<5184x128xf32, #tpu.memory_space<vmem_shared>> -> memref<64x128xf32, #tpu.memory_space<vmem_shared>>
        tpu.enqueue_dma source(%arg29 : memref<64x128xf32, #tpu.memory_space<vmem>>) target(%dma_start3A_341 : memref<64x128xf32, #tpu.memory_space<vmem_shared>>) target_semaphore(%run_scoped3A : memref<!tpu.dma_semaphore, #tpu.memory_space<semaphore_mem>>)
        %dma_wait3A_342 = arith.constant 0 : i32
        %dma_wait3A_343 = tpu.memref_slice %arg31[%mul3A_337, %dma_wait3A_342] : memref<5184x128xf32, #tpu.memory_space<vmem_shared>> -> memref<64x128xf32, #tpu.memory_space<vmem_shared>>
        %dma_wait3A_344 = arith.constant 0 : i32
        %dma_wait3A_345 = tpu.memref_slice %arg31[%mul3A_337, %dma_wait3A_344] : memref<5184x128xf32, #tpu.memory_space<vmem_shared>> -> memref<64x128xf32, #tpu.memory_space<vmem_shared>>
        tpu.wait_dma2 semaphore(%run_scoped3A : memref<!tpu.dma_semaphore, #tpu.memory_space<semaphore_mem>>) src(%arg29 : memref<64x128xf32, #tpu.memory_space<vmem>>) dst(%dma_wait3A_345 : memref<64x128xf32, #tpu.memory_space<vmem_shared>>)
        tpu.yield
      }) : () -> ()
    } else {
    }
    %add3A_204 = arith.constant 80 : i32
    %add3A_205 = arith.addi %arg1, %add3A_204 : i32
    %lt3A_206 = arith.constant 81 : i32
    %lt3A_207 = arith.cmpi slt, %add3A_205, %lt3A_206 : i32
    %convert_element_type3A_208 = arith.extui %lt3A_207 : i1 to i32
    %cond3A_209 = arith.constant 0 : i32
    %cond3A_210 = arith.cmpi ne, %convert_element_type3A_208, %cond3A_209 : i32
    scf.if %cond3A_210 {
      %mul3A_336 = arith.constant 64 : i32
      %mul3A_337 = arith.muli %add3A_205, %mul3A_336 : i32
      "tpu.region"() ({
        %run_scoped3A = tpu.sem_alloc : memref<!tpu.dma_semaphore, #tpu.memory_space<semaphore_mem>>
        %dma_start3A_338 = arith.constant 0 : i32
        %dma_start3A_339 = tpu.memref_slice %arg31[%mul3A_337, %dma_start3A_338] : memref<5184x128xf32, #tpu.memory_space<vmem_shared>> -> memref<64x128xf32, #tpu.memory_space<vmem_shared>>
        %dma_start3A_340 = arith.constant 0 : i32
        %dma_start3A_341 = tpu.memref_slice %arg31[%mul3A_337, %dma_start3A_340] : memref<5184x128xf32, #tpu.memory_space<vmem_shared>> -> memref<64x128xf32, #tpu.memory_space<vmem_shared>>
        tpu.enqueue_dma source(%arg29 : memref<64x128xf32, #tpu.memory_space<vmem>>) target(%dma_start3A_341 : memref<64x128xf32, #tpu.memory_space<vmem_shared>>) target_semaphore(%run_scoped3A : memref<!tpu.dma_semaphore, #tpu.memory_space<semaphore_mem>>)
        %dma_wait3A_342 = arith.constant 0 : i32
        %dma_wait3A_343 = tpu.memref_slice %arg31[%mul3A_337, %dma_wait3A_342] : memref<5184x128xf32, #tpu.memory_space<vmem_shared>> -> memref<64x128xf32, #tpu.memory_space<vmem_shared>>
        %dma_wait3A_344 = arith.constant 0 : i32
        %dma_wait3A_345 = tpu.memref_slice %arg31[%mul3A_337, %dma_wait3A_344] : memref<5184x128xf32, #tpu.memory_space<vmem_shared>> -> memref<64x128xf32, #tpu.memory_space<vmem_shared>>
        tpu.wait_dma2 semaphore(%run_scoped3A : memref<!tpu.dma_semaphore, #tpu.memory_space<semaphore_mem>>) src(%arg29 : memref<64x128xf32, #tpu.memory_space<vmem>>) dst(%dma_wait3A_345 : memref<64x128xf32, #tpu.memory_space<vmem_shared>>)
        tpu.yield
      }) : () -> ()
    } else {
    }
    %lt3A_211 = arith.constant 10 : i32
    %lt3A_212 = arith.cmpi slt, %arg1, %lt3A_211 : i32
    %convert_element_type3A_213 = arith.extui %lt3A_212 : i1 to i32
    %cond3A_214 = arith.constant 0 : i32
    %cond3A_215 = arith.cmpi ne, %convert_element_type3A_213, %cond3A_214 : i32
    scf.if %cond3A_215 {
      %mul3A_336 = arith.constant 64 : i32
      %mul3A_337 = arith.muli %arg1, %mul3A_336 : i32
      "tpu.region"() ({
        %run_scoped3A = tpu.sem_alloc : memref<!tpu.dma_semaphore, #tpu.memory_space<semaphore_mem>>
        %dma_start3A_338 = arith.constant 0 : i32
        %dma_start3A_339 = tpu.memref_slice %arg32[%mul3A_337, %dma_start3A_338] : memref<640x128xf32, #tpu.memory_space<vmem_shared>> -> memref<64x128xf32, #tpu.memory_space<vmem_shared>>
        %dma_start3A_340 = arith.constant 0 : i32
        %dma_start3A_341 = tpu.memref_slice %arg32[%mul3A_337, %dma_start3A_340] : memref<640x128xf32, #tpu.memory_space<vmem_shared>> -> memref<64x128xf32, #tpu.memory_space<vmem_shared>>
        tpu.enqueue_dma source(%arg30 : memref<64x128xf32, #tpu.memory_space<vmem>>) target(%dma_start3A_341 : memref<64x128xf32, #tpu.memory_space<vmem_shared>>) target_semaphore(%run_scoped3A : memref<!tpu.dma_semaphore, #tpu.memory_space<semaphore_mem>>)
        %dma_wait3A_342 = arith.constant 0 : i32
        %dma_wait3A_343 = tpu.memref_slice %arg32[%mul3A_337, %dma_wait3A_342] : memref<640x128xf32, #tpu.memory_space<vmem_shared>> -> memref<64x128xf32, #tpu.memory_space<vmem_shared>>
        %dma_wait3A_344 = arith.constant 0 : i32
        %dma_wait3A_345 = tpu.memref_slice %arg32[%mul3A_337, %dma_wait3A_344] : memref<640x128xf32, #tpu.memory_space<vmem_shared>> -> memref<64x128xf32, #tpu.memory_space<vmem_shared>>
        tpu.wait_dma2 semaphore(%run_scoped3A : memref<!tpu.dma_semaphore, #tpu.memory_space<semaphore_mem>>) src(%arg30 : memref<64x128xf32, #tpu.memory_space<vmem>>) dst(%dma_wait3A_345 : memref<64x128xf32, #tpu.memory_space<vmem_shared>>)
        tpu.yield
      }) : () -> ()
    } else {
    }
    %barrier3A_216 = arith.constant 0 : index
    tpu.barrier barrier_id(%barrier3A_216)
    %mul3A_217 = arith.constant 168 : i32
    %mul3A_218 = arith.muli %arg1, %mul3A_217 : i32
    %add3A_219 = arith.constant 0 : i32
    %add3A_220 = arith.addi %mul3A_218, %add3A_219 : i32
    %mul3A_221 = arith.constant 64 : i32
    %mul3A_222 = arith.muli %add3A_220, %mul3A_221 : i32
    %dma_start3A_223 = tpu.memref_slice %arg4[%mul3A_222] : memref<172032xi32, #tpu.memory_space<hbm>> -> memref<64xi32, #tpu.memory_space<hbm>>
    %dma_start3A_224 = tpu.memref_slice %arg4[%mul3A_222] : memref<172032xi32, #tpu.memory_space<hbm>> -> memref<64xi32, #tpu.memory_space<hbm>>
    tpu.enqueue_dma source(%dma_start3A_224 : memref<64xi32, #tpu.memory_space<hbm>>) target(%arg10 : memref<64xi32, #tpu.memory_space<vmem>>) target_semaphore(%arg33 : memref<!tpu.dma_semaphore, #tpu.memory_space<semaphore_mem>>)
    %dma_start3A_225 = tpu.memref_slice %arg5[%mul3A_222] : memref<172032xi32, #tpu.memory_space<hbm>> -> memref<64xi32, #tpu.memory_space<hbm>>
    %dma_start3A_226 = tpu.memref_slice %arg5[%mul3A_222] : memref<172032xi32, #tpu.memory_space<hbm>> -> memref<64xi32, #tpu.memory_space<hbm>>
    tpu.enqueue_dma source(%dma_start3A_226 : memref<64xi32, #tpu.memory_space<hbm>>) target(%arg11 : memref<64xi32, #tpu.memory_space<vmem>>) target_semaphore(%arg33 : memref<!tpu.dma_semaphore, #tpu.memory_space<semaphore_mem>>)
    %dma_start3A_227 = arith.constant 0 : i32
    %dma_start3A_228 = tpu.memref_slice %arg6[%mul3A_222, %dma_start3A_227] : memref<172032x16xf32, #tpu.memory_space<hbm>> -> memref<64x16xf32, #tpu.memory_space<hbm>>
    %dma_start3A_229 = arith.constant 0 : i32
    %dma_start3A_230 = tpu.memref_slice %arg6[%mul3A_222, %dma_start3A_229] : memref<172032x16xf32, #tpu.memory_space<hbm>> -> memref<64x16xf32, #tpu.memory_space<hbm>>
    tpu.enqueue_dma source(%dma_start3A_230 : memref<64x16xf32, #tpu.memory_space<hbm>>) target(%arg12 : memref<64x16xf32, #tpu.memory_space<vmem>>) target_semaphore(%arg33 : memref<!tpu.dma_semaphore, #tpu.memory_space<semaphore_mem>>)
    %dma_wait3A_231 = arith.constant 0 : i32
    %dma_wait3A_232 = tpu.memref_slice %arg4[%dma_wait3A_231] : memref<172032xi32, #tpu.memory_space<hbm>> -> memref<64xi32, #tpu.memory_space<hbm>>
    %dma_wait3A_233 = arith.constant 0 : i32
    %dma_wait3A_234 = tpu.memref_slice %arg4[%dma_wait3A_233] : memref<172032xi32, #tpu.memory_space<hbm>> -> memref<64xi32, #tpu.memory_space<hbm>>
    tpu.wait_dma2 semaphore(%arg33 : memref<!tpu.dma_semaphore, #tpu.memory_space<semaphore_mem>>) src(%dma_wait3A_234 : memref<64xi32, #tpu.memory_space<hbm>>) dst(%arg10 : memref<64xi32, #tpu.memory_space<vmem>>)
    %dma_wait3A_235 = arith.constant 0 : i32
    %dma_wait3A_236 = tpu.memref_slice %arg5[%dma_wait3A_235] : memref<172032xi32, #tpu.memory_space<hbm>> -> memref<64xi32, #tpu.memory_space<hbm>>
    %dma_wait3A_237 = arith.constant 0 : i32
    %dma_wait3A_238 = tpu.memref_slice %arg5[%dma_wait3A_237] : memref<172032xi32, #tpu.memory_space<hbm>> -> memref<64xi32, #tpu.memory_space<hbm>>
    tpu.wait_dma2 semaphore(%arg33 : memref<!tpu.dma_semaphore, #tpu.memory_space<semaphore_mem>>) src(%dma_wait3A_238 : memref<64xi32, #tpu.memory_space<hbm>>) dst(%arg11 : memref<64xi32, #tpu.memory_space<vmem>>)
    %dma_wait3A_239 = arith.constant 0 : i32
    %dma_wait3A_240 = arith.constant 0 : i32
    %dma_wait3A_241 = tpu.memref_slice %arg6[%dma_wait3A_239, %dma_wait3A_240] : memref<172032x16xf32, #tpu.memory_space<hbm>> -> memref<64x16xf32, #tpu.memory_space<hbm>>
    %dma_wait3A_242 = arith.constant 0 : i32
    %dma_wait3A_243 = arith.constant 0 : i32
    %dma_wait3A_244 = tpu.memref_slice %arg6[%dma_wait3A_242, %dma_wait3A_243] : memref<172032x16xf32, #tpu.memory_space<hbm>> -> memref<64x16xf32, #tpu.memory_space<hbm>>
    tpu.wait_dma2 semaphore(%arg33 : memref<!tpu.dma_semaphore, #tpu.memory_space<semaphore_mem>>) src(%dma_wait3A_244 : memref<64x16xf32, #tpu.memory_space<hbm>>) dst(%arg12 : memref<64x16xf32, #tpu.memory_space<vmem>>)
    %mul3A_245 = arith.constant 10000 : i32
    %mul3A_246 = arith.muli %arg0, %mul3A_245 : i32
    %parallel_loop3A_247 = arith.constant 0 : i32
    %parallel_loop3A_248 = arith.constant 4 : i32
    %parallel_loop3A_249 = arith.constant 1 : i32
    scf.for %parallel_loop3A_336 = %parallel_loop3A_247 to %parallel_loop3A_248 step %parallel_loop3A_249  : i32 {
      %parallel_loop3A_337 = arith.constant 16 : i32
      %parallel_loop3A_338 = arith.muli %parallel_loop3A_337, %parallel_loop3A_336 : i32
      %parallel_loop3A_339 = arith.index_cast %parallel_loop3A_338 : i32 to index
      %parallel_loop3A_340 = tpu.vector_load %arg11[%parallel_loop3A_339] {strides = array<i32>} : memref<64xi32, #tpu.memory_space<vmem>>, vector<16xi32>,
      %parallel_loop3A_341 = arith.index_cast %parallel_loop3A_338 : i32 to index
      %parallel_loop3A_342 = tpu.vector_load %arg10[%parallel_loop3A_341] {strides = array<i32>} : memref<64xi32, #tpu.memory_space<vmem>>, vector<16xi32>,
      %parallel_loop3A_343 = vector.broadcast %mul3A_246 : i32 to vector<16xi32>
      %parallel_loop3A_344 = arith.addi %parallel_loop3A_342, %parallel_loop3A_343 : vector<16xi32>
      %parallel_loop3A_345 = arith.index_cast %parallel_loop3A_338 : i32 to index
      %parallel_loop3A_346 = tpu.vector_load %arg13[%parallel_loop3A_345] {strides = array<i32>} : memref<64xi32, #tpu.memory_space<vmem>>, vector<16xi32>,
      tpu.vector_store %arg13[%parallel_loop3A_345], %parallel_loop3A_344 {strides = array<i32>} : memref<64xi32, #tpu.memory_space<vmem>>, vector<16xi32>,
      %parallel_loop3A_347 = arith.constant 9999 : i32
      %parallel_loop3A_348 = vector.broadcast %parallel_loop3A_347 : i32 to vector<16xi32>
      %parallel_loop3A_349 = arith.minsi %parallel_loop3A_340, %parallel_loop3A_348 : vector<16xi32>
      %parallel_loop3A_350 = vector.broadcast %mul3A_246 : i32 to vector<16xi32>
      %parallel_loop3A_351 = arith.addi %parallel_loop3A_349, %parallel_loop3A_350 : vector<16xi32>
      %parallel_loop3A_352 = arith.index_cast %parallel_loop3A_338 : i32 to index
      %parallel_loop3A_353 = tpu.vector_load %arg14[%parallel_loop3A_352] {strides = array<i32>} : memref<64xi32, #tpu.memory_space<vmem>>, vector<16xi32>,
      tpu.vector_store %arg14[%parallel_loop3A_352], %parallel_loop3A_351 {strides = array<i32>} : memref<64xi32, #tpu.memory_space<vmem>>, vector<16xi32>,
      %parallel_loop3A_354 = arith.constant 5000 : i32
      %parallel_loop3A_355 = vector.broadcast %parallel_loop3A_354 : i32 to vector<16xi32>
      %parallel_loop3A_356 = arith.subi %parallel_loop3A_340, %parallel_loop3A_355 : vector<16xi32>
      %parallel_loop3A_357 = arith.constant 0 : i32
      %parallel_loop3A_358 = vector.broadcast %parallel_loop3A_357 : i32 to vector<16xi32>
      %parallel_loop3A_359 = arith.cmpi sge, %parallel_loop3A_356, %parallel_loop3A_358 : vector<16xi32>
      %parallel_loop3A_360 = arith.constant 5000 : i32
      %parallel_loop3A_361 = vector.broadcast %parallel_loop3A_360 : i32 to vector<16xi32>
      %parallel_loop3A_362 = arith.cmpi slt, %parallel_loop3A_356, %parallel_loop3A_361 : vector<16xi32>
      %parallel_loop3A_363 = arith.andi %parallel_loop3A_359, %parallel_loop3A_362 : vector<16xi1>
      %parallel_loop3A_364 = arith.constant 63 : i32
      %parallel_loop3A_365 = vector.broadcast %parallel_loop3A_364 : i32 to vector<16xi32>
      %parallel_loop3A_366 = arith.andi %parallel_loop3A_340, %parallel_loop3A_365 : vector<16xi32>
      %parallel_loop3A_367 = arith.constant 5120 : i32
      %parallel_loop3A_368 = vector.broadcast %parallel_loop3A_367 : i32 to vector<16xi32>
      %parallel_loop3A_369 = arith.addi %parallel_loop3A_368, %parallel_loop3A_366 : vector<16xi32>
      %parallel_loop3A_370 = arith.select %parallel_loop3A_363, %parallel_loop3A_356, %parallel_loop3A_369 : vector<16xi1>, vector<16xi32>
      %parallel_loop3A_371 = arith.index_cast %parallel_loop3A_338 : i32 to index
      %parallel_loop3A_372 = tpu.vector_load %arg15[%parallel_loop3A_371] {strides = array<i32>} : memref<64xi32, #tpu.memory_space<vmem>>, vector<16xi32>,
      tpu.vector_store %arg15[%parallel_loop3A_371], %parallel_loop3A_370 {strides = array<i32>} : memref<64xi32, #tpu.memory_space<vmem>>, vector<16xi32>,
      %parallel_loop3A_373 = arith.constant 3 : i32
      %parallel_loop3A_374 = vector.broadcast %parallel_loop3A_373 : i32 to vector<16xi32>
      %parallel_loop3A_375 = arith.shrsi %parallel_loop3A_356, %parallel_loop3A_374 : vector<16xi32>
      %parallel_loop3A_376 = arith.constant 7 : i32
      %parallel_loop3A_377 = vector.broadcast %parallel_loop3A_376 : i32 to vector<16xi32>
      %parallel_loop3A_378 = arith.andi %parallel_loop3A_340, %parallel_loop3A_377 : vector<16xi32>
      %parallel_loop3A_379 = arith.constant 630 : i32
      %parallel_loop3A_380 = vector.broadcast %parallel_loop3A_379 : i32 to vector<16xi32>
      %parallel_loop3A_381 = arith.addi %parallel_loop3A_380, %parallel_loop3A_378 : vector<16xi32>
      %parallel_loop3A_382 = arith.select %parallel_loop3A_363, %parallel_loop3A_375, %parallel_loop3A_381 : vector<16xi1>, vector<16xi32>
      %parallel_loop3A_383 = arith.index_cast %parallel_loop3A_338 : i32 to index
      %parallel_loop3A_384 = tpu.vector_load %arg16[%parallel_loop3A_383] {strides = array<i32>} : memref<64xi32, #tpu.memory_space<vmem>>, vector<16xi32>,
      tpu.vector_store %arg16[%parallel_loop3A_383], %parallel_loop3A_382 {strides = array<i32>} : memref<64xi32, #tpu.memory_space<vmem>>, vector<16xi32>,
    } {sc.loop_unroll_factor = 1 : i64, sc.parallel_access}
    %dma_start3A_250 = arith.constant 0 : i32
    %dma_start3A_251 = arith.constant 0 : i32
    %dma_start3A_252 = tpu.memref_slice %arg2[%dma_start3A_250, %dma_start3A_251] : memref<20000x128xf32, #tpu.memory_space<hbm>> -> memref<20000x128xf32, #tpu.memory_space<hbm>>
    tpu.enqueue_indirect_dma source(%dma_start3A_252 : memref<20000x128xf32, #tpu.memory_space<hbm>>) target(%arg17 : memref<64x128xf32, #tpu.memory_space<vmem>>) offsets(%arg13 : memref<64xi32, #tpu.memory_space<vmem>>) semaphore(%arg35 : memref<!tpu.dma_semaphore, #tpu.memory_space<semaphore_mem>>)
    %dma_start3A_253 = arith.constant 0 : i32
    %dma_start3A_254 = arith.constant 0 : i32
    %dma_start3A_255 = tpu.memref_slice %arg3[%dma_start3A_253, %dma_start3A_254] : memref<20000x128xf32, #tpu.memory_space<hbm>> -> memref<20000x128xf32, #tpu.memory_space<hbm>>
    tpu.enqueue_indirect_dma source(%dma_start3A_255 : memref<20000x128xf32, #tpu.memory_space<hbm>>) target(%arg18 : memref<64x128xf32, #tpu.memory_space<vmem>>) offsets(%arg14 : memref<64xi32, #tpu.memory_space<vmem>>) semaphore(%arg35 : memref<!tpu.dma_semaphore, #tpu.memory_space<semaphore_mem>>)
    %scan3A_256 = arith.constant 0 : i32
    %scan3A_257 = arith.constant 84 : i32
    %scan3A_258 = arith.addi %scan3A_256, %scan3A_257 : i32
    %scan3A_259 = arith.constant 1 : i32
    scf.for %scan3A_336 = %scan3A_256 to %scan3A_258 step %scan3A_259  : i32 {
      %mul3A_337 = arith.constant 1 : i32
      %mul3A_338 = arith.muli %scan3A_336, %mul3A_337 : i32
      %add3A_339 = arith.constant 0 : i32
      %add3A_340 = arith.addi %add3A_339, %mul3A_338 : i32
      %mul3A_341 = arith.constant 2 : i32
      %mul3A_342 = arith.muli %mul3A_341, %add3A_340 : i32
      %add3A_343 = arith.constant 1 : i32
      %add3A_344 = arith.addi %mul3A_342, %add3A_343 : i32
      %mul3A_345 = arith.constant 168 : i32
      %mul3A_346 = arith.muli %arg1, %mul3A_345 : i32
      %add3A_347 = arith.addi %mul3A_346, %add3A_344 : i32
      %mul3A_348 = arith.constant 64 : i32
      %mul3A_349 = arith.muli %add3A_347, %mul3A_348 : i32
      %dma_start3A_350 = tpu.memref_slice %arg4[%mul3A_349] : memref<172032xi32, #tpu.memory_space<hbm>> -> memref<64xi32, #tpu.memory_space<hbm>>
      %dma_start3A_351 = tpu.memref_slice %arg4[%mul3A_349] : memref<172032xi32, #tpu.memory_space<hbm>> -> memref<64xi32, #tpu.memory_space<hbm>>
      tpu.enqueue_dma source(%dma_start3A_351 : memref<64xi32, #tpu.memory_space<hbm>>) target(%arg19 : memref<64xi32, #tpu.memory_space<vmem>>) target_semaphore(%arg34 : memref<!tpu.dma_semaphore, #tpu.memory_space<semaphore_mem>>)
      %dma_start3A_352 = tpu.memref_slice %arg5[%mul3A_349] : memref<172032xi32, #tpu.memory_space<hbm>> -> memref<64xi32, #tpu.memory_space<hbm>>
      %dma_start3A_353 = tpu.memref_slice %arg5[%mul3A_349] : memref<172032xi32, #tpu.memory_space<hbm>> -> memref<64xi32, #tpu.memory_space<hbm>>
      tpu.enqueue_dma source(%dma_start3A_353 : memref<64xi32, #tpu.memory_space<hbm>>) target(%arg20 : memref<64xi32, #tpu.memory_space<vmem>>) target_semaphore(%arg34 : memref<!tpu.dma_semaphore, #tpu.memory_space<semaphore_mem>>)
      %dma_start3A_354 = arith.constant 0 : i32
      %dma_start3A_355 = tpu.memref_slice %arg6[%mul3A_349, %dma_start3A_354] : memref<172032x16xf32, #tpu.memory_space<hbm>> -> memref<64x16xf32, #tpu.memory_space<hbm>>
      %dma_start3A_356 = arith.constant 0 : i32
      %dma_start3A_357 = tpu.memref_slice %arg6[%mul3A_349, %dma_start3A_356] : memref<172032x16xf32, #tpu.memory_space<hbm>> -> memref<64x16xf32, #tpu.memory_space<hbm>>
      tpu.enqueue_dma source(%dma_start3A_357 : memref<64x16xf32, #tpu.memory_space<hbm>>) target(%arg21 : memref<64x16xf32, #tpu.memory_space<vmem>>) target_semaphore(%arg34 : memref<!tpu.dma_semaphore, #tpu.memory_space<semaphore_mem>>)
      %gt3A = arith.constant 0 : i32
      %gt3A_358 = arith.cmpi sgt, %add3A_340, %gt3A : i32
      %convert_element_type3A_359 = arith.extui %gt3A_358 : i1 to i32
      %cond3A_360 = arith.constant 0 : i32
      %cond3A_361 = arith.cmpi ne, %convert_element_type3A_359, %cond3A_360 : i32
      scf.if %cond3A_361 {
        %dma_wait3A_451 = arith.constant 0 : i32
        %dma_wait3A_452 = arith.constant 0 : i32
        %dma_wait3A_453 = tpu.memref_slice %arg2[%dma_wait3A_451, %dma_wait3A_452] : memref<20000x128xf32, #tpu.memory_space<hbm>> -> memref<64x128xf32, #tpu.memory_space<hbm>>
        %dma_wait3A_454 = arith.constant 0 : i32
        %dma_wait3A_455 = arith.constant 0 : i32
        %dma_wait3A_456 = tpu.memref_slice %arg2[%dma_wait3A_454, %dma_wait3A_455] : memref<20000x128xf32, #tpu.memory_space<hbm>> -> memref<64x128xf32, #tpu.memory_space<hbm>>
        tpu.wait_dma2 semaphore(%arg37 : memref<!tpu.dma_semaphore, #tpu.memory_space<semaphore_mem>>) src(%dma_wait3A_456 : memref<64x128xf32, #tpu.memory_space<hbm>>) dst(%arg29 : memref<64x128xf32, #tpu.memory_space<vmem>>)
        %dma_wait3A_457 = arith.constant 0 : i32
        %dma_wait3A_458 = arith.constant 0 : i32
        %dma_wait3A_459 = tpu.memref_slice %arg3[%dma_wait3A_457, %dma_wait3A_458] : memref<20000x128xf32, #tpu.memory_space<hbm>> -> memref<64x128xf32, #tpu.memory_space<hbm>>
        %dma_wait3A_460 = arith.constant 0 : i32
        %dma_wait3A_461 = arith.constant 0 : i32
        %dma_wait3A_462 = tpu.memref_slice %arg3[%dma_wait3A_460, %dma_wait3A_461] : memref<20000x128xf32, #tpu.memory_space<hbm>> -> memref<64x128xf32, #tpu.memory_space<hbm>>
        tpu.wait_dma2 semaphore(%arg38 : memref<!tpu.dma_semaphore, #tpu.memory_space<semaphore_mem>>) src(%dma_wait3A_462 : memref<64x128xf32, #tpu.memory_space<hbm>>) dst(%arg30 : memref<64x128xf32, #tpu.memory_space<vmem>>)
      } else {
      }
      %dma_wait3A_362 = arith.constant 0 : i32
      %dma_wait3A_363 = arith.constant 0 : i32
      %dma_wait3A_364 = tpu.memref_slice %arg2[%dma_wait3A_362, %dma_wait3A_363] : memref<20000x128xf32, #tpu.memory_space<hbm>> -> memref<64x128xf32, #tpu.memory_space<hbm>>
      %dma_wait3A_365 = arith.constant 0 : i32
      %dma_wait3A_366 = arith.constant 0 : i32
      %dma_wait3A_367 = tpu.memref_slice %arg2[%dma_wait3A_365, %dma_wait3A_366] : memref<20000x128xf32, #tpu.memory_space<hbm>> -> memref<64x128xf32, #tpu.memory_space<hbm>>
      tpu.wait_dma2 semaphore(%arg35 : memref<!tpu.dma_semaphore, #tpu.memory_space<semaphore_mem>>) src(%dma_wait3A_367 : memref<64x128xf32, #tpu.memory_space<hbm>>) dst(%arg17 : memref<64x128xf32, #tpu.memory_space<vmem>>)
      %dma_wait3A_368 = arith.constant 0 : i32
      %dma_wait3A_369 = arith.constant 0 : i32
      %dma_wait3A_370 = tpu.memref_slice %arg3[%dma_wait3A_368, %dma_wait3A_369] : memref<20000x128xf32, #tpu.memory_space<hbm>> -> memref<64x128xf32, #tpu.memory_space<hbm>>
      %dma_wait3A_371 = arith.constant 0 : i32
      %dma_wait3A_372 = arith.constant 0 : i32
      %dma_wait3A_373 = tpu.memref_slice %arg3[%dma_wait3A_371, %dma_wait3A_372] : memref<20000x128xf32, #tpu.memory_space<hbm>> -> memref<64x128xf32, #tpu.memory_space<hbm>>
      tpu.wait_dma2 semaphore(%arg35 : memref<!tpu.dma_semaphore, #tpu.memory_space<semaphore_mem>>) src(%dma_wait3A_373 : memref<64x128xf32, #tpu.memory_space<hbm>>) dst(%arg18 : memref<64x128xf32, #tpu.memory_space<vmem>>)
      %parallel_loop3A_374 = arith.constant 0 : i32
      %parallel_loop3A_375 = arith.constant 64 : i32
      %parallel_loop3A_376 = arith.constant 1 : i32
      scf.for %parallel_loop3A_451 = %parallel_loop3A_374 to %parallel_loop3A_375 step %parallel_loop3A_376  : i32 {
        %parallel_loop3A_452 = arith.index_cast %parallel_loop3A_451 : i32 to index
        %parallel_loop3A_453 = arith.constant 0 : index
        %parallel_loop3A_454 = tpu.vector_load %arg17[%parallel_loop3A_452, %parallel_loop3A_453] {strides = array<i32>} : memref<64x128xf32, #tpu.memory_space<vmem>>, vector<16xf32>,
        %parallel_loop3A_455 = arith.index_cast %parallel_loop3A_451 : i32 to index
        %parallel_loop3A_456 = arith.constant 16 : index
        %parallel_loop3A_457 = tpu.vector_load %arg17[%parallel_loop3A_455, %parallel_loop3A_456] {strides = array<i32>} : memref<64x128xf32, #tpu.memory_space<vmem>>, vector<16xf32>,
        %parallel_loop3A_458 = arith.index_cast %parallel_loop3A_451 : i32 to index
        %parallel_loop3A_459 = arith.constant 32 : index
        %parallel_loop3A_460 = tpu.vector_load %arg17[%parallel_loop3A_458, %parallel_loop3A_459] {strides = array<i32>} : memref<64x128xf32, #tpu.memory_space<vmem>>, vector<16xf32>,
        %parallel_loop3A_461 = arith.index_cast %parallel_loop3A_451 : i32 to index
        %parallel_loop3A_462 = arith.constant 48 : index
        %parallel_loop3A_463 = tpu.vector_load %arg17[%parallel_loop3A_461, %parallel_loop3A_462] {strides = array<i32>} : memref<64x128xf32, #tpu.memory_space<vmem>>, vector<16xf32>,
        %parallel_loop3A_464 = arith.index_cast %parallel_loop3A_451 : i32 to index
        %parallel_loop3A_465 = arith.constant 64 : index
        %parallel_loop3A_466 = tpu.vector_load %arg17[%parallel_loop3A_464, %parallel_loop3A_465] {strides = array<i32>} : memref<64x128xf32, #tpu.memory_space<vmem>>, vector<16xf32>,
        %parallel_loop3A_467 = arith.index_cast %parallel_loop3A_451 : i32 to index
        %parallel_loop3A_468 = arith.constant 80 : index
        %parallel_loop3A_469 = tpu.vector_load %arg17[%parallel_loop3A_467, %parallel_loop3A_468] {strides = array<i32>} : memref<64x128xf32, #tpu.memory_space<vmem>>, vector<16xf32>,
        %parallel_loop3A_470 = arith.index_cast %parallel_loop3A_451 : i32 to index
        %parallel_loop3A_471 = arith.constant 96 : index
        %parallel_loop3A_472 = tpu.vector_load %arg17[%parallel_loop3A_470, %parallel_loop3A_471] {strides = array<i32>} : memref<64x128xf32, #tpu.memory_space<vmem>>, vector<16xf32>,
        %parallel_loop3A_473 = arith.index_cast %parallel_loop3A_451 : i32 to index
        %parallel_loop3A_474 = arith.constant 112 : index
        %parallel_loop3A_475 = tpu.vector_load %arg17[%parallel_loop3A_473, %parallel_loop3A_474] {strides = array<i32>} : memref<64x128xf32, #tpu.memory_space<vmem>>, vector<16xf32>,
        %parallel_loop3A_476 = arith.index_cast %parallel_loop3A_451 : i32 to index
        %parallel_loop3A_477 = arith.constant 0 : index
        %parallel_loop3A_478 = tpu.vector_load %arg18[%parallel_loop3A_476, %parallel_loop3A_477] {strides = array<i32>} : memref<64x128xf32, #tpu.memory_space<vmem>>, vector<16xf32>,
        %parallel_loop3A_479 = arith.addf %parallel_loop3A_454, %parallel_loop3A_478 : vector<16xf32>
        %parallel_loop3A_480 = arith.constant 2.000000e-01 : f32
        %parallel_loop3A_481 = vector.broadcast %parallel_loop3A_480 : f32 to vector<16xf32>
        %parallel_loop3A_482 = arith.mulf %parallel_loop3A_479, %parallel_loop3A_481 : vector<16xf32>
        %parallel_loop3A_483 = arith.maximumf %parallel_loop3A_479, %parallel_loop3A_482 : vector<16xf32>
        %parallel_loop3A_484 = arith.constant 0 : index
        %parallel_loop3A_485 = tpu.vector_load %arg28[%parallel_loop3A_484] {strides = array<i32>} : memref<128xf32, #tpu.memory_space<vmem>>, vector<16xf32>,
        %parallel_loop3A_486 = arith.mulf %parallel_loop3A_483, %parallel_loop3A_485 : vector<16xf32>
        %parallel_loop3A_487 = arith.index_cast %parallel_loop3A_451 : i32 to index
        %parallel_loop3A_488 = arith.constant 16 : index
        %parallel_loop3A_489 = tpu.vector_load %arg18[%parallel_loop3A_487, %parallel_loop3A_488] {strides = array<i32>} : memref<64x128xf32, #tpu.memory_space<vmem>>, vector<16xf32>,
        %parallel_loop3A_490 = arith.addf %parallel_loop3A_457, %parallel_loop3A_489 : vector<16xf32>
        %parallel_loop3A_491 = arith.constant 2.000000e-01 : f32
        %parallel_loop3A_492 = vector.broadcast %parallel_loop3A_491 : f32 to vector<16xf32>
        %parallel_loop3A_493 = arith.mulf %parallel_loop3A_490, %parallel_loop3A_492 : vector<16xf32>
        %parallel_loop3A_494 = arith.maximumf %parallel_loop3A_490, %parallel_loop3A_493 : vector<16xf32>
        %parallel_loop3A_495 = arith.constant 16 : index
        %parallel_loop3A_496 = tpu.vector_load %arg28[%parallel_loop3A_495] {strides = array<i32>} : memref<128xf32, #tpu.memory_space<vmem>>, vector<16xf32>,
        %parallel_loop3A_497 = arith.mulf %parallel_loop3A_494, %parallel_loop3A_496 : vector<16xf32>
        %parallel_loop3A_498 = arith.addf %parallel_loop3A_486, %parallel_loop3A_497 : vector<16xf32>
        %parallel_loop3A_499 = arith.index_cast %parallel_loop3A_451 : i32 to index
        %parallel_loop3A_500 = arith.constant 32 : index
        %parallel_loop3A_501 = tpu.vector_load %arg18[%parallel_loop3A_499, %parallel_loop3A_500] {strides = array<i32>} : memref<64x128xf32, #tpu.memory_space<vmem>>, vector<16xf32>,
        %parallel_loop3A_502 = arith.addf %parallel_loop3A_460, %parallel_loop3A_501 : vector<16xf32>
        %parallel_loop3A_503 = arith.constant 2.000000e-01 : f32
        %parallel_loop3A_504 = vector.broadcast %parallel_loop3A_503 : f32 to vector<16xf32>
        %parallel_loop3A_505 = arith.mulf %parallel_loop3A_502, %parallel_loop3A_504 : vector<16xf32>
        %parallel_loop3A_506 = arith.maximumf %parallel_loop3A_502, %parallel_loop3A_505 : vector<16xf32>
        %parallel_loop3A_507 = arith.constant 32 : index
        %parallel_loop3A_508 = tpu.vector_load %arg28[%parallel_loop3A_507] {strides = array<i32>} : memref<128xf32, #tpu.memory_space<vmem>>, vector<16xf32>,
        %parallel_loop3A_509 = arith.mulf %parallel_loop3A_506, %parallel_loop3A_508 : vector<16xf32>
        %parallel_loop3A_510 = arith.addf %parallel_loop3A_498, %parallel_loop3A_509 : vector<16xf32>
        %parallel_loop3A_511 = arith.index_cast %parallel_loop3A_451 : i32 to index
        %parallel_loop3A_512 = arith.constant 48 : index
        %parallel_loop3A_513 = tpu.vector_load %arg18[%parallel_loop3A_511, %parallel_loop3A_512] {strides = array<i32>} : memref<64x128xf32, #tpu.memory_space<vmem>>, vector<16xf32>,
        %parallel_loop3A_514 = arith.addf %parallel_loop3A_463, %parallel_loop3A_513 : vector<16xf32>
        %parallel_loop3A_515 = arith.constant 2.000000e-01 : f32
        %parallel_loop3A_516 = vector.broadcast %parallel_loop3A_515 : f32 to vector<16xf32>
        %parallel_loop3A_517 = arith.mulf %parallel_loop3A_514, %parallel_loop3A_516 : vector<16xf32>
        %parallel_loop3A_518 = arith.maximumf %parallel_loop3A_514, %parallel_loop3A_517 : vector<16xf32>
        %parallel_loop3A_519 = arith.constant 48 : index
        %parallel_loop3A_520 = tpu.vector_load %arg28[%parallel_loop3A_519] {strides = array<i32>} : memref<128xf32, #tpu.memory_space<vmem>>, vector<16xf32>,
        %parallel_loop3A_521 = arith.mulf %parallel_loop3A_518, %parallel_loop3A_520 : vector<16xf32>
        %parallel_loop3A_522 = arith.addf %parallel_loop3A_510, %parallel_loop3A_521 : vector<16xf32>
        %parallel_loop3A_523 = arith.constant true
        %parallel_loop3A_524 = vector.broadcast %parallel_loop3A_523 : i1 to vector<16xi1>
        %parallel_loop3A_525 = tpu.scan <sum>, %parallel_loop3A_522 masked %parallel_loop3A_524 : vector<16xf32>, vector<16xi1> -> vector<16xf32>
        %parallel_loop3A_526 = vector.extract %parallel_loop3A_525[15] : f32 from vector<16xf32>
        %parallel_loop3A_527 = vector.broadcast %parallel_loop3A_526 : f32 to vector<16xf32>
        %parallel_loop3A_528 = math.exp %parallel_loop3A_527 : vector<16xf32>
        %parallel_loop3A_529 = arith.index_cast %parallel_loop3A_451 : i32 to index
        %parallel_loop3A_530 = arith.constant 64 : index
        %parallel_loop3A_531 = tpu.vector_load %arg18[%parallel_loop3A_529, %parallel_loop3A_530] {strides = array<i32>} : memref<64x128xf32, #tpu.memory_space<vmem>>, vector<16xf32>,
        %parallel_loop3A_532 = arith.addf %parallel_loop3A_466, %parallel_loop3A_531 : vector<16xf32>
        %parallel_loop3A_533 = arith.constant 2.000000e-01 : f32
        %parallel_loop3A_534 = vector.broadcast %parallel_loop3A_533 : f32 to vector<16xf32>
        %parallel_loop3A_535 = arith.mulf %parallel_loop3A_532, %parallel_loop3A_534 : vector<16xf32>
        %parallel_loop3A_536 = arith.maximumf %parallel_loop3A_532, %parallel_loop3A_535 : vector<16xf32>
        %parallel_loop3A_537 = arith.constant 64 : index
        %parallel_loop3A_538 = tpu.vector_load %arg28[%parallel_loop3A_537] {strides = array<i32>} : memref<128xf32, #tpu.memory_space<vmem>>, vector<16xf32>,
        %parallel_loop3A_539 = arith.mulf %parallel_loop3A_536, %parallel_loop3A_538 : vector<16xf32>
        %parallel_loop3A_540 = arith.index_cast %parallel_loop3A_451 : i32 to index
        %parallel_loop3A_541 = arith.constant 80 : index
        %parallel_loop3A_542 = tpu.vector_load %arg18[%parallel_loop3A_540, %parallel_loop3A_541] {strides = array<i32>} : memref<64x128xf32, #tpu.memory_space<vmem>>, vector<16xf32>,
        %parallel_loop3A_543 = arith.addf %parallel_loop3A_469, %parallel_loop3A_542 : vector<16xf32>
        %parallel_loop3A_544 = arith.constant 2.000000e-01 : f32
        %parallel_loop3A_545 = vector.broadcast %parallel_loop3A_544 : f32 to vector<16xf32>
        %parallel_loop3A_546 = arith.mulf %parallel_loop3A_543, %parallel_loop3A_545 : vector<16xf32>
        %parallel_loop3A_547 = arith.maximumf %parallel_loop3A_543, %parallel_loop3A_546 : vector<16xf32>
        %parallel_loop3A_548 = arith.constant 80 : index
        %parallel_loop3A_549 = tpu.vector_load %arg28[%parallel_loop3A_548] {strides = array<i32>} : memref<128xf32, #tpu.memory_space<vmem>>, vector<16xf32>,
        %parallel_loop3A_550 = arith.mulf %parallel_loop3A_547, %parallel_loop3A_549 : vector<16xf32>
        %parallel_loop3A_551 = arith.addf %parallel_loop3A_539, %parallel_loop3A_550 : vector<16xf32>
        %parallel_loop3A_552 = arith.index_cast %parallel_loop3A_451 : i32 to index
        %parallel_loop3A_553 = arith.constant 96 : index
        %parallel_loop3A_554 = tpu.vector_load %arg18[%parallel_loop3A_552, %parallel_loop3A_553] {strides = array<i32>} : memref<64x128xf32, #tpu.memory_space<vmem>>, vector<16xf32>,
        %parallel_loop3A_555 = arith.addf %parallel_loop3A_472, %parallel_loop3A_554 : vector<16xf32>
        %parallel_loop3A_556 = arith.constant 2.000000e-01 : f32
        %parallel_loop3A_557 = vector.broadcast %parallel_loop3A_556 : f32 to vector<16xf32>
        %parallel_loop3A_558 = arith.mulf %parallel_loop3A_555, %parallel_loop3A_557 : vector<16xf32>
        %parallel_loop3A_559 = arith.maximumf %parallel_loop3A_555, %parallel_loop3A_558 : vector<16xf32>
        %parallel_loop3A_560 = arith.constant 96 : index
        %parallel_loop3A_561 = tpu.vector_load %arg28[%parallel_loop3A_560] {strides = array<i32>} : memref<128xf32, #tpu.memory_space<vmem>>, vector<16xf32>,
        %parallel_loop3A_562 = arith.mulf %parallel_loop3A_559, %parallel_loop3A_561 : vector<16xf32>
        %parallel_loop3A_563 = arith.addf %parallel_loop3A_551, %parallel_loop3A_562 : vector<16xf32>
        %parallel_loop3A_564 = arith.index_cast %parallel_loop3A_451 : i32 to index
        %parallel_loop3A_565 = arith.constant 112 : index
        %parallel_loop3A_566 = tpu.vector_load %arg18[%parallel_loop3A_564, %parallel_loop3A_565] {strides = array<i32>} : memref<64x128xf32, #tpu.memory_space<vmem>>, vector<16xf32>,
        %parallel_loop3A_567 = arith.addf %parallel_loop3A_475, %parallel_loop3A_566 : vector<16xf32>
        %parallel_loop3A_568 = arith.constant 2.000000e-01 : f32
        %parallel_loop3A_569 = vector.broadcast %parallel_loop3A_568 : f32 to vector<16xf32>
        %parallel_loop3A_570 = arith.mulf %parallel_loop3A_567, %parallel_loop3A_569 : vector<16xf32>
        %parallel_loop3A_571 = arith.maximumf %parallel_loop3A_567, %parallel_loop3A_570 : vector<16xf32>
        %parallel_loop3A_572 = arith.constant 112 : index
        %parallel_loop3A_573 = tpu.vector_load %arg28[%parallel_loop3A_572] {strides = array<i32>} : memref<128xf32, #tpu.memory_space<vmem>>, vector<16xf32>,
        %parallel_loop3A_574 = arith.mulf %parallel_loop3A_571, %parallel_loop3A_573 : vector<16xf32>
        %parallel_loop3A_575 = arith.addf %parallel_loop3A_563, %parallel_loop3A_574 : vector<16xf32>
        %parallel_loop3A_576 = arith.constant true
        %parallel_loop3A_577 = vector.broadcast %parallel_loop3A_576 : i1 to vector<16xi1>
        %parallel_loop3A_578 = tpu.scan <sum>, %parallel_loop3A_575 masked %parallel_loop3A_577 : vector<16xf32>, vector<16xi1> -> vector<16xf32>
        %parallel_loop3A_579 = vector.extract %parallel_loop3A_578[15] : f32 from vector<16xf32>
        %parallel_loop3A_580 = vector.broadcast %parallel_loop3A_579 : f32 to vector<16xf32>
        %parallel_loop3A_581 = math.exp %parallel_loop3A_580 : vector<16xf32>
        %parallel_loop3A_582 = arith.mulf %parallel_loop3A_454, %parallel_loop3A_528 : vector<16xf32>
        %parallel_loop3A_583 = arith.index_cast %parallel_loop3A_451 : i32 to index
        %parallel_loop3A_584 = arith.constant 0 : index
        %parallel_loop3A_585 = tpu.vector_load %arg29[%parallel_loop3A_583, %parallel_loop3A_584] {strides = array<i32>} : memref<64x128xf32, #tpu.memory_space<vmem>>, vector<16xf32>,
        tpu.vector_store %arg29[%parallel_loop3A_583, %parallel_loop3A_584], %parallel_loop3A_582 {strides = array<i32>} : memref<64x128xf32, #tpu.memory_space<vmem>>, vector<16xf32>,
        %parallel_loop3A_586 = arith.mulf %parallel_loop3A_457, %parallel_loop3A_528 : vector<16xf32>
        %parallel_loop3A_587 = arith.index_cast %parallel_loop3A_451 : i32 to index
        %parallel_loop3A_588 = arith.constant 16 : index
        %parallel_loop3A_589 = tpu.vector_load %arg29[%parallel_loop3A_587, %parallel_loop3A_588] {strides = array<i32>} : memref<64x128xf32, #tpu.memory_space<vmem>>, vector<16xf32>,
        tpu.vector_store %arg29[%parallel_loop3A_587, %parallel_loop3A_588], %parallel_loop3A_586 {strides = array<i32>} : memref<64x128xf32, #tpu.memory_space<vmem>>, vector<16xf32>,
        %parallel_loop3A_590 = arith.mulf %parallel_loop3A_460, %parallel_loop3A_528 : vector<16xf32>
        %parallel_loop3A_591 = arith.index_cast %parallel_loop3A_451 : i32 to index
        %parallel_loop3A_592 = arith.constant 32 : index
        %parallel_loop3A_593 = tpu.vector_load %arg29[%parallel_loop3A_591, %parallel_loop3A_592] {strides = array<i32>} : memref<64x128xf32, #tpu.memory_space<vmem>>, vector<16xf32>,
        tpu.vector_store %arg29[%parallel_loop3A_591, %parallel_loop3A_592], %parallel_loop3A_590 {strides = array<i32>} : memref<64x128xf32, #tpu.memory_space<vmem>>, vector<16xf32>,
        %parallel_loop3A_594 = arith.mulf %parallel_loop3A_463, %parallel_loop3A_528 : vector<16xf32>
        %parallel_loop3A_595 = arith.index_cast %parallel_loop3A_451 : i32 to index
        %parallel_loop3A_596 = arith.constant 48 : index
        %parallel_loop3A_597 = tpu.vector_load %arg29[%parallel_loop3A_595, %parallel_loop3A_596] {strides = array<i32>} : memref<64x128xf32, #tpu.memory_space<vmem>>, vector<16xf32>,
        tpu.vector_store %arg29[%parallel_loop3A_595, %parallel_loop3A_596], %parallel_loop3A_594 {strides = array<i32>} : memref<64x128xf32, #tpu.memory_space<vmem>>, vector<16xf32>,
        %parallel_loop3A_598 = arith.mulf %parallel_loop3A_466, %parallel_loop3A_581 : vector<16xf32>
        %parallel_loop3A_599 = arith.index_cast %parallel_loop3A_451 : i32 to index
        %parallel_loop3A_600 = arith.constant 64 : index
        %parallel_loop3A_601 = tpu.vector_load %arg29[%parallel_loop3A_599, %parallel_loop3A_600] {strides = array<i32>} : memref<64x128xf32, #tpu.memory_space<vmem>>, vector<16xf32>,
        tpu.vector_store %arg29[%parallel_loop3A_599, %parallel_loop3A_600], %parallel_loop3A_598 {strides = array<i32>} : memref<64x128xf32, #tpu.memory_space<vmem>>, vector<16xf32>,
        %parallel_loop3A_602 = arith.mulf %parallel_loop3A_469, %parallel_loop3A_581 : vector<16xf32>
        %parallel_loop3A_603 = arith.index_cast %parallel_loop3A_451 : i32 to index
        %parallel_loop3A_604 = arith.constant 80 : index
        %parallel_loop3A_605 = tpu.vector_load %arg29[%parallel_loop3A_603, %parallel_loop3A_604] {strides = array<i32>} : memref<64x128xf32, #tpu.memory_space<vmem>>, vector<16xf32>,
        tpu.vector_store %arg29[%parallel_loop3A_603, %parallel_loop3A_604], %parallel_loop3A_602 {strides = array<i32>} : memref<64x128xf32, #tpu.memory_space<vmem>>, vector<16xf32>,
        %parallel_loop3A_606 = arith.mulf %parallel_loop3A_472, %parallel_loop3A_581 : vector<16xf32>
        %parallel_loop3A_607 = arith.index_cast %parallel_loop3A_451 : i32 to index
        %parallel_loop3A_608 = arith.constant 96 : index
        %parallel_loop3A_609 = tpu.vector_load %arg29[%parallel_loop3A_607, %parallel_loop3A_608] {strides = array<i32>} : memref<64x128xf32, #tpu.memory_space<vmem>>, vector<16xf32>,
        tpu.vector_store %arg29[%parallel_loop3A_607, %parallel_loop3A_608], %parallel_loop3A_606 {strides = array<i32>} : memref<64x128xf32, #tpu.memory_space<vmem>>, vector<16xf32>,
        %parallel_loop3A_610 = arith.mulf %parallel_loop3A_475, %parallel_loop3A_581 : vector<16xf32>
        %parallel_loop3A_611 = arith.index_cast %parallel_loop3A_451 : i32 to index
        %parallel_loop3A_612 = arith.constant 112 : index
        %parallel_loop3A_613 = tpu.vector_load %arg29[%parallel_loop3A_611, %parallel_loop3A_612] {strides = array<i32>} : memref<64x128xf32, #tpu.memory_space<vmem>>, vector<16xf32>,
        tpu.vector_store %arg29[%parallel_loop3A_611, %parallel_loop3A_612], %parallel_loop3A_610 {strides = array<i32>} : memref<64x128xf32, #tpu.memory_space<vmem>>, vector<16xf32>,
        %parallel_loop3A_614 = arith.index_cast %parallel_loop3A_451 : i32 to index
        %parallel_loop3A_615 = arith.constant 0 : index
        %parallel_loop3A_616 = tpu.vector_load %arg12[%parallel_loop3A_614, %parallel_loop3A_615] {strides = array<i32>} : memref<64x16xf32, #tpu.memory_space<vmem>>, vector<16xf32>,
        %parallel_loop3A_617 = arith.constant 0.000000e+00 : f32
        %parallel_loop3A_618 = vector.broadcast %parallel_loop3A_617 : f32 to vector<16xf32>
        %parallel_loop3A_619 = arith.constant 1.000000e+00 : f32
        %parallel_loop3A_620 = vector.broadcast %parallel_loop3A_619 : f32 to vector<16xf32>
        %parallel_loop3A_621 = arith.cmpf oeq, %parallel_loop3A_616, %parallel_loop3A_620 : vector<16xf32>
        %parallel_loop3A_622 = arith.select %parallel_loop3A_621, %parallel_loop3A_528, %parallel_loop3A_618 : vector<16xi1>, vector<16xf32>
        %parallel_loop3A_623 = arith.constant 2.000000e+00 : f32
        %parallel_loop3A_624 = vector.broadcast %parallel_loop3A_623 : f32 to vector<16xf32>
        %parallel_loop3A_625 = arith.cmpf oeq, %parallel_loop3A_616, %parallel_loop3A_624 : vector<16xf32>
        %parallel_loop3A_626 = arith.select %parallel_loop3A_625, %parallel_loop3A_581, %parallel_loop3A_618 : vector<16xi1>, vector<16xf32>
        %parallel_loop3A_627 = arith.addf %parallel_loop3A_622, %parallel_loop3A_626 : vector<16xf32>
        %parallel_loop3A_628 = arith.index_cast %parallel_loop3A_451 : i32 to index
        %parallel_loop3A_629 = arith.constant 0 : index
        %parallel_loop3A_630 = tpu.vector_load %arg30[%parallel_loop3A_628, %parallel_loop3A_629] {strides = array<i32>} : memref<64x128xf32, #tpu.memory_space<vmem>>, vector<16xf32>,
        tpu.vector_store %arg30[%parallel_loop3A_628, %parallel_loop3A_629], %parallel_loop3A_627 {strides = array<i32>} : memref<64x128xf32, #tpu.memory_space<vmem>>, vector<16xf32>,
      } {sc.loop_unroll_factor = 2 : i64, sc.parallel_access}
      %dma_start3A_377 = arith.constant 0 : i32
      %dma_start3A_378 = arith.constant 0 : i32
      %dma_start3A_379 = tpu.memref_slice %arg31[%dma_start3A_377, %dma_start3A_378] : memref<5184x128xf32, #tpu.memory_space<vmem_shared>> -> memref<5184x128xf32, #tpu.memory_space<vmem_shared>>
      tpu.enqueue_indirect_dma source(%arg29 : memref<64x128xf32, #tpu.memory_space<vmem>>) target(%dma_start3A_379 : memref<5184x128xf32, #tpu.memory_space<vmem_shared>>) offsets(%arg15 : memref<64xi32, #tpu.memory_space<vmem>>) semaphore(%arg37 : memref<!tpu.dma_semaphore, #tpu.memory_space<semaphore_mem>>) {add = true}
      %dma_start3A_380 = arith.constant 0 : i32
      %dma_start3A_381 = arith.constant 0 : i32
      %dma_start3A_382 = tpu.memref_slice %arg32[%dma_start3A_380, %dma_start3A_381] : memref<640x128xf32, #tpu.memory_space<vmem_shared>> -> memref<640x128xf32, #tpu.memory_space<vmem_shared>>
      tpu.enqueue_indirect_dma source(%arg30 : memref<64x128xf32, #tpu.memory_space<vmem>>) target(%dma_start3A_382 : memref<640x128xf32, #tpu.memory_space<vmem_shared>>) offsets(%arg16 : memref<64xi32, #tpu.memory_space<vmem>>) semaphore(%arg38 : memref<!tpu.dma_semaphore, #tpu.memory_space<semaphore_mem>>) {add = true}
      %dma_wait3A_383 = arith.constant 0 : i32
      %dma_wait3A_384 = tpu.memref_slice %arg4[%dma_wait3A_383] : memref<172032xi32, #tpu.memory_space<hbm>> -> memref<64xi32, #tpu.memory_space<hbm>>
      %dma_wait3A_385 = arith.constant 0 : i32
      %dma_wait3A_386 = tpu.memref_slice %arg4[%dma_wait3A_385] : memref<172032xi32, #tpu.memory_space<hbm>> -> memref<64xi32, #tpu.memory_space<hbm>>
      tpu.wait_dma2 semaphore(%arg34 : memref<!tpu.dma_semaphore, #tpu.memory_space<semaphore_mem>>) src(%dma_wait3A_386 : memref<64xi32, #tpu.memory_space<hbm>>) dst(%arg19 : memref<64xi32, #tpu.memory_space<vmem>>)
      %dma_wait3A_387 = arith.constant 0 : i32
      %dma_wait3A_388 = tpu.memref_slice %arg5[%dma_wait3A_387] : memref<172032xi32, #tpu.memory_space<hbm>> -> memref<64xi32, #tpu.memory_space<hbm>>
      %dma_wait3A_389 = arith.constant 0 : i32
      %dma_wait3A_390 = tpu.memref_slice %arg5[%dma_wait3A_389] : memref<172032xi32, #tpu.memory_space<hbm>> -> memref<64xi32, #tpu.memory_space<hbm>>
      tpu.wait_dma2 semaphore(%arg34 : memref<!tpu.dma_semaphore, #tpu.memory_space<semaphore_mem>>) src(%dma_wait3A_390 : memref<64xi32, #tpu.memory_space<hbm>>) dst(%arg20 : memref<64xi32, #tpu.memory_space<vmem>>)
      %dma_wait3A_391 = arith.constant 0 : i32
      %dma_wait3A_392 = arith.constant 0 : i32
      %dma_wait3A_393 = tpu.memref_slice %arg6[%dma_wait3A_391, %dma_wait3A_392] : memref<172032x16xf32, #tpu.memory_space<hbm>> -> memref<64x16xf32, #tpu.memory_space<hbm>>
      %dma_wait3A_394 = arith.constant 0 : i32
      %dma_wait3A_395 = arith.constant 0 : i32
      %dma_wait3A_396 = tpu.memref_slice %arg6[%dma_wait3A_394, %dma_wait3A_395] : memref<172032x16xf32, #tpu.memory_space<hbm>> -> memref<64x16xf32, #tpu.memory_space<hbm>>
      tpu.wait_dma2 semaphore(%arg34 : memref<!tpu.dma_semaphore, #tpu.memory_space<semaphore_mem>>) src(%dma_wait3A_396 : memref<64x16xf32, #tpu.memory_space<hbm>>) dst(%arg21 : memref<64x16xf32, #tpu.memory_space<vmem>>)
      %mul3A_397 = arith.constant 10000 : i32
      %mul3A_398 = arith.muli %arg0, %mul3A_397 : i32
      %parallel_loop3A_399 = arith.constant 0 : i32
      %parallel_loop3A_400 = arith.constant 4 : i32
      %parallel_loop3A_401 = arith.constant 1 : i32
      scf.for %parallel_loop3A_451 = %parallel_loop3A_399 to %parallel_loop3A_400 step %parallel_loop3A_401  : i32 {
        %parallel_loop3A_452 = arith.constant 16 : i32
        %parallel_loop3A_453 = arith.muli %parallel_loop3A_452, %parallel_loop3A_451 : i32
        %parallel_loop3A_454 = arith.index_cast %parallel_loop3A_453 : i32 to index
        %parallel_loop3A_455 = tpu.vector_load %arg20[%parallel_loop3A_454] {strides = array<i32>} : memref<64xi32, #tpu.memory_space<vmem>>, vector<16xi32>,
        %parallel_loop3A_456 = arith.index_cast %parallel_loop3A_453 : i32 to index
        %parallel_loop3A_457 = tpu.vector_load %arg19[%parallel_loop3A_456] {strides = array<i32>} : memref<64xi32, #tpu.memory_space<vmem>>, vector<16xi32>,
        %parallel_loop3A_458 = vector.broadcast %mul3A_398 : i32 to vector<16xi32>
        %parallel_loop3A_459 = arith.addi %parallel_loop3A_457, %parallel_loop3A_458 : vector<16xi32>
        %parallel_loop3A_460 = arith.index_cast %parallel_loop3A_453 : i32 to index
        %parallel_loop3A_461 = tpu.vector_load %arg22[%parallel_loop3A_460] {strides = array<i32>} : memref<64xi32, #tpu.memory_space<vmem>>, vector<16xi32>,
        tpu.vector_store %arg22[%parallel_loop3A_460], %parallel_loop3A_459 {strides = array<i32>} : memref<64xi32, #tpu.memory_space<vmem>>, vector<16xi32>,
        %parallel_loop3A_462 = arith.constant 9999 : i32
        %parallel_loop3A_463 = vector.broadcast %parallel_loop3A_462 : i32 to vector<16xi32>
        %parallel_loop3A_464 = arith.minsi %parallel_loop3A_455, %parallel_loop3A_463 : vector<16xi32>
        %parallel_loop3A_465 = vector.broadcast %mul3A_398 : i32 to vector<16xi32>
        %parallel_loop3A_466 = arith.addi %parallel_loop3A_464, %parallel_loop3A_465 : vector<16xi32>
        %parallel_loop3A_467 = arith.index_cast %parallel_loop3A_453 : i32 to index
        %parallel_loop3A_468 = tpu.vector_load %arg23[%parallel_loop3A_467] {strides = array<i32>} : memref<64xi32, #tpu.memory_space<vmem>>, vector<16xi32>,
        tpu.vector_store %arg23[%parallel_loop3A_467], %parallel_loop3A_466 {strides = array<i32>} : memref<64xi32, #tpu.memory_space<vmem>>, vector<16xi32>,
        %parallel_loop3A_469 = arith.constant 5000 : i32
        %parallel_loop3A_470 = vector.broadcast %parallel_loop3A_469 : i32 to vector<16xi32>
        %parallel_loop3A_471 = arith.subi %parallel_loop3A_455, %parallel_loop3A_470 : vector<16xi32>
        %parallel_loop3A_472 = arith.constant 0 : i32
        %parallel_loop3A_473 = vector.broadcast %parallel_loop3A_472 : i32 to vector<16xi32>
        %parallel_loop3A_474 = arith.cmpi sge, %parallel_loop3A_471, %parallel_loop3A_473 : vector<16xi32>
        %parallel_loop3A_475 = arith.constant 5000 : i32
        %parallel_loop3A_476 = vector.broadcast %parallel_loop3A_475 : i32 to vector<16xi32>
        %parallel_loop3A_477 = arith.cmpi slt, %parallel_loop3A_471, %parallel_loop3A_476 : vector<16xi32>
        %parallel_loop3A_478 = arith.andi %parallel_loop3A_474, %parallel_loop3A_477 : vector<16xi1>
        %parallel_loop3A_479 = arith.constant 63 : i32
        %parallel_loop3A_480 = vector.broadcast %parallel_loop3A_479 : i32 to vector<16xi32>
        %parallel_loop3A_481 = arith.andi %parallel_loop3A_455, %parallel_loop3A_480 : vector<16xi32>
        %parallel_loop3A_482 = arith.constant 5120 : i32
        %parallel_loop3A_483 = vector.broadcast %parallel_loop3A_482 : i32 to vector<16xi32>
        %parallel_loop3A_484 = arith.addi %parallel_loop3A_483, %parallel_loop3A_481 : vector<16xi32>
        %parallel_loop3A_485 = arith.select %parallel_loop3A_478, %parallel_loop3A_471, %parallel_loop3A_484 : vector<16xi1>, vector<16xi32>
        %parallel_loop3A_486 = arith.index_cast %parallel_loop3A_453 : i32 to index
        %parallel_loop3A_487 = tpu.vector_load %arg24[%parallel_loop3A_486] {strides = array<i32>} : memref<64xi32, #tpu.memory_space<vmem>>, vector<16xi32>,
        tpu.vector_store %arg24[%parallel_loop3A_486], %parallel_loop3A_485 {strides = array<i32>} : memref<64xi32, #tpu.memory_space<vmem>>, vector<16xi32>,
        %parallel_loop3A_488 = arith.constant 3 : i32
        %parallel_loop3A_489 = vector.broadcast %parallel_loop3A_488 : i32 to vector<16xi32>
        %parallel_loop3A_490 = arith.shrsi %parallel_loop3A_471, %parallel_loop3A_489 : vector<16xi32>
        %parallel_loop3A_491 = arith.constant 7 : i32
        %parallel_loop3A_492 = vector.broadcast %parallel_loop3A_491 : i32 to vector<16xi32>
        %parallel_loop3A_493 = arith.andi %parallel_loop3A_455, %parallel_loop3A_492 : vector<16xi32>
        %parallel_loop3A_494 = arith.constant 630 : i32
        %parallel_loop3A_495 = vector.broadcast %parallel_loop3A_494 : i32 to vector<16xi32>
        %parallel_loop3A_496 = arith.addi %parallel_loop3A_495, %parallel_loop3A_493 : vector<16xi32>
        %parallel_loop3A_497 = arith.select %parallel_loop3A_478, %parallel_loop3A_490, %parallel_loop3A_496 : vector<16xi1>, vector<16xi32>
        %parallel_loop3A_498 = arith.index_cast %parallel_loop3A_453 : i32 to index
        %parallel_loop3A_499 = tpu.vector_load %arg25[%parallel_loop3A_498] {strides = array<i32>} : memref<64xi32, #tpu.memory_space<vmem>>, vector<16xi32>,
        tpu.vector_store %arg25[%parallel_loop3A_498], %parallel_loop3A_497 {strides = array<i32>} : memref<64xi32, #tpu.memory_space<vmem>>, vector<16xi32>,
      } {sc.loop_unroll_factor = 1 : i64, sc.parallel_access}
      %dma_start3A_402 = arith.constant 0 : i32
      %dma_start3A_403 = arith.constant 0 : i32
      %dma_start3A_404 = tpu.memref_slice %arg2[%dma_start3A_402, %dma_start3A_403] : memref<20000x128xf32, #tpu.memory_space<hbm>> -> memref<20000x128xf32, #tpu.memory_space<hbm>>
      tpu.enqueue_indirect_dma source(%dma_start3A_404 : memref<20000x128xf32, #tpu.memory_space<hbm>>) target(%arg26 : memref<64x128xf32, #tpu.memory_space<vmem>>) offsets(%arg22 : memref<64xi32, #tpu.memory_space<vmem>>) semaphore(%arg36 : memref<!tpu.dma_semaphore, #tpu.memory_space<semaphore_mem>>)
      %dma_start3A_405 = arith.constant 0 : i32
      %dma_start3A_406 = arith.constant 0 : i32
      %dma_start3A_407 = tpu.memref_slice %arg3[%dma_start3A_405, %dma_start3A_406] : memref<20000x128xf32, #tpu.memory_space<hbm>> -> memref<20000x128xf32, #tpu.memory_space<hbm>>
      tpu.enqueue_indirect_dma source(%dma_start3A_407 : memref<20000x128xf32, #tpu.memory_space<hbm>>) target(%arg27 : memref<64x128xf32, #tpu.memory_space<vmem>>) offsets(%arg23 : memref<64xi32, #tpu.memory_space<vmem>>) semaphore(%arg36 : memref<!tpu.dma_semaphore, #tpu.memory_space<semaphore_mem>>)
      %lt3A_408 = arith.constant 83 : i32
      %lt3A_409 = arith.cmpi slt, %add3A_340, %lt3A_408 : i32
      %convert_element_type3A_410 = arith.extui %lt3A_409 : i1 to i32
      %cond3A_411 = arith.constant 0 : i32
      %cond3A_412 = arith.cmpi ne, %convert_element_type3A_410, %cond3A_411 : i32
      scf.if %cond3A_412 {
        %mul3A_451 = arith.constant 2 : i32
        %mul3A_452 = arith.muli %mul3A_451, %add3A_340 : i32
        %add3A_453 = arith.constant 2 : i32
        %add3A_454 = arith.addi %mul3A_452, %add3A_453 : i32
        %mul3A_455 = arith.constant 168 : i32
        %mul3A_456 = arith.muli %arg1, %mul3A_455 : i32
        %add3A_457 = arith.addi %mul3A_456, %add3A_454 : i32
        %mul3A_458 = arith.constant 64 : i32
        %mul3A_459 = arith.muli %add3A_457, %mul3A_458 : i32
        %dma_start3A_460 = tpu.memref_slice %arg4[%mul3A_459] : memref<172032xi32, #tpu.memory_space<hbm>> -> memref<64xi32, #tpu.memory_space<hbm>>
        %dma_start3A_461 = tpu.memref_slice %arg4[%mul3A_459] : memref<172032xi32, #tpu.memory_space<hbm>> -> memref<64xi32, #tpu.memory_space<hbm>>
        tpu.enqueue_dma source(%dma_start3A_461 : memref<64xi32, #tpu.memory_space<hbm>>) target(%arg10 : memref<64xi32, #tpu.memory_space<vmem>>) target_semaphore(%arg33 : memref<!tpu.dma_semaphore, #tpu.memory_space<semaphore_mem>>)
        %dma_start3A_462 = tpu.memref_slice %arg5[%mul3A_459] : memref<172032xi32, #tpu.memory_space<hbm>> -> memref<64xi32, #tpu.memory_space<hbm>>
        %dma_start3A_463 = tpu.memref_slice %arg5[%mul3A_459] : memref<172032xi32, #tpu.memory_space<hbm>> -> memref<64xi32, #tpu.memory_space<hbm>>
        tpu.enqueue_dma source(%dma_start3A_463 : memref<64xi32, #tpu.memory_space<hbm>>) target(%arg11 : memref<64xi32, #tpu.memory_space<vmem>>) target_semaphore(%arg33 : memref<!tpu.dma_semaphore, #tpu.memory_space<semaphore_mem>>)
        %dma_start3A_464 = arith.constant 0 : i32
        %dma_start3A_465 = tpu.memref_slice %arg6[%mul3A_459, %dma_start3A_464] : memref<172032x16xf32, #tpu.memory_space<hbm>> -> memref<64x16xf32, #tpu.memory_space<hbm>>
        %dma_start3A_466 = arith.constant 0 : i32
        %dma_start3A_467 = tpu.memref_slice %arg6[%mul3A_459, %dma_start3A_466] : memref<172032x16xf32, #tpu.memory_space<hbm>> -> memref<64x16xf32, #tpu.memory_space<hbm>>
        tpu.enqueue_dma source(%dma_start3A_467 : memref<64x16xf32, #tpu.memory_space<hbm>>) target(%arg12 : memref<64x16xf32, #tpu.memory_space<vmem>>) target_semaphore(%arg33 : memref<!tpu.dma_semaphore, #tpu.memory_space<semaphore_mem>>)
      } else {
      }
      %dma_wait3A_413 = arith.constant 0 : i32
      %dma_wait3A_414 = arith.constant 0 : i32
      %dma_wait3A_415 = tpu.memref_slice %arg2[%dma_wait3A_413, %dma_wait3A_414] : memref<20000x128xf32, #tpu.memory_space<hbm>> -> memref<64x128xf32, #tpu.memory_space<hbm>>
      %dma_wait3A_416 = arith.constant 0 : i32
      %dma_wait3A_417 = arith.constant 0 : i32
      %dma_wait3A_418 = tpu.memref_slice %arg2[%dma_wait3A_416, %dma_wait3A_417] : memref<20000x128xf32, #tpu.memory_space<hbm>> -> memref<64x128xf32, #tpu.memory_space<hbm>>
      tpu.wait_dma2 semaphore(%arg37 : memref<!tpu.dma_semaphore, #tpu.memory_space<semaphore_mem>>) src(%dma_wait3A_418 : memref<64x128xf32, #tpu.memory_space<hbm>>) dst(%arg29 : memref<64x128xf32, #tpu.memory_space<vmem>>)
      %dma_wait3A_419 = arith.constant 0 : i32
      %dma_wait3A_420 = arith.constant 0 : i32
      %dma_wait3A_421 = tpu.memref_slice %arg3[%dma_wait3A_419, %dma_wait3A_420] : memref<20000x128xf32, #tpu.memory_space<hbm>> -> memref<64x128xf32, #tpu.memory_space<hbm>>
      %dma_wait3A_422 = arith.constant 0 : i32
      %dma_wait3A_423 = arith.constant 0 : i32
      %dma_wait3A_424 = tpu.memref_slice %arg3[%dma_wait3A_422, %dma_wait3A_423] : memref<20000x128xf32, #tpu.memory_space<hbm>> -> memref<64x128xf32, #tpu.memory_space<hbm>>
      tpu.wait_dma2 semaphore(%arg38 : memref<!tpu.dma_semaphore, #tpu.memory_space<semaphore_mem>>) src(%dma_wait3A_424 : memref<64x128xf32, #tpu.memory_space<hbm>>) dst(%arg30 : memref<64x128xf32, #tpu.memory_space<vmem>>)
      %dma_wait3A_425 = arith.constant 0 : i32
      %dma_wait3A_426 = arith.constant 0 : i32
      %dma_wait3A_427 = tpu.memref_slice %arg2[%dma_wait3A_425, %dma_wait3A_426] : memref<20000x128xf32, #tpu.memory_space<hbm>> -> memref<64x128xf32, #tpu.memory_space<hbm>>
      %dma_wait3A_428 = arith.constant 0 : i32
      %dma_wait3A_429 = arith.constant 0 : i32
      %dma_wait3A_430 = tpu.memref_slice %arg2[%dma_wait3A_428, %dma_wait3A_429] : memref<20000x128xf32, #tpu.memory_space<hbm>> -> memref<64x128xf32, #tpu.memory_space<hbm>>
      tpu.wait_dma2 semaphore(%arg36 : memref<!tpu.dma_semaphore, #tpu.memory_space<semaphore_mem>>) src(%dma_wait3A_430 : memref<64x128xf32, #tpu.memory_space<hbm>>) dst(%arg26 : memref<64x128xf32, #tpu.memory_space<vmem>>)
      %dma_wait3A_431 = arith.constant 0 : i32
      %dma_wait3A_432 = arith.constant 0 : i32
      %dma_wait3A_433 = tpu.memref_slice %arg3[%dma_wait3A_431, %dma_wait3A_432] : memref<20000x128xf32, #tpu.memory_space<hbm>> -> memref<64x128xf32, #tpu.memory_space<hbm>>
      %dma_wait3A_434 = arith.constant 0 : i32
      %dma_wait3A_435 = arith.constant 0 : i32
      %dma_wait3A_436 = tpu.memref_slice %arg3[%dma_wait3A_434, %dma_wait3A_435] : memref<20000x128xf32, #tpu.memory_space<hbm>> -> memref<64x128xf32, #tpu.memory_space<hbm>>
      tpu.wait_dma2 semaphore(%arg36 : memref<!tpu.dma_semaphore, #tpu.memory_space<semaphore_mem>>) src(%dma_wait3A_436 : memref<64x128xf32, #tpu.memory_space<hbm>>) dst(%arg27 : memref<64x128xf32, #tpu.memory_space<vmem>>)
      %parallel_loop3A_437 = arith.constant 0 : i32
      %parallel_loop3A_438 = arith.constant 64 : i32
      %parallel_loop3A_439 = arith.constant 1 : i32
      scf.for %parallel_loop3A_451 = %parallel_loop3A_437 to %parallel_loop3A_438 step %parallel_loop3A_439  : i32 {
        %parallel_loop3A_452 = arith.index_cast %parallel_loop3A_451 : i32 to index
        %parallel_loop3A_453 = arith.constant 0 : index
        %parallel_loop3A_454 = tpu.vector_load %arg26[%parallel_loop3A_452, %parallel_loop3A_453] {strides = array<i32>} : memref<64x128xf32, #tpu.memory_space<vmem>>, vector<16xf32>,
        %parallel_loop3A_455 = arith.index_cast %parallel_loop3A_451 : i32 to index
        %parallel_loop3A_456 = arith.constant 16 : index
        %parallel_loop3A_457 = tpu.vector_load %arg26[%parallel_loop3A_455, %parallel_loop3A_456] {strides = array<i32>} : memref<64x128xf32, #tpu.memory_space<vmem>>, vector<16xf32>,
        %parallel_loop3A_458 = arith.index_cast %parallel_loop3A_451 : i32 to index
        %parallel_loop3A_459 = arith.constant 32 : index
        %parallel_loop3A_460 = tpu.vector_load %arg26[%parallel_loop3A_458, %parallel_loop3A_459] {strides = array<i32>} : memref<64x128xf32, #tpu.memory_space<vmem>>, vector<16xf32>,
        %parallel_loop3A_461 = arith.index_cast %parallel_loop3A_451 : i32 to index
        %parallel_loop3A_462 = arith.constant 48 : index
        %parallel_loop3A_463 = tpu.vector_load %arg26[%parallel_loop3A_461, %parallel_loop3A_462] {strides = array<i32>} : memref<64x128xf32, #tpu.memory_space<vmem>>, vector<16xf32>,
        %parallel_loop3A_464 = arith.index_cast %parallel_loop3A_451 : i32 to index
        %parallel_loop3A_465 = arith.constant 64 : index
        %parallel_loop3A_466 = tpu.vector_load %arg26[%parallel_loop3A_464, %parallel_loop3A_465] {strides = array<i32>} : memref<64x128xf32, #tpu.memory_space<vmem>>, vector<16xf32>,
        %parallel_loop3A_467 = arith.index_cast %parallel_loop3A_451 : i32 to index
        %parallel_loop3A_468 = arith.constant 80 : index
        %parallel_loop3A_469 = tpu.vector_load %arg26[%parallel_loop3A_467, %parallel_loop3A_468] {strides = array<i32>} : memref<64x128xf32, #tpu.memory_space<vmem>>, vector<16xf32>,
        %parallel_loop3A_470 = arith.index_cast %parallel_loop3A_451 : i32 to index
        %parallel_loop3A_471 = arith.constant 96 : index
        %parallel_loop3A_472 = tpu.vector_load %arg26[%parallel_loop3A_470, %parallel_loop3A_471] {strides = array<i32>} : memref<64x128xf32, #tpu.memory_space<vmem>>, vector<16xf32>,
        %parallel_loop3A_473 = arith.index_cast %parallel_loop3A_451 : i32 to index
        %parallel_loop3A_474 = arith.constant 112 : index
        %parallel_loop3A_475 = tpu.vector_load %arg26[%parallel_loop3A_473, %parallel_loop3A_474] {strides = array<i32>} : memref<64x128xf32, #tpu.memory_space<vmem>>, vector<16xf32>,
        %parallel_loop3A_476 = arith.index_cast %parallel_loop3A_451 : i32 to index
        %parallel_loop3A_477 = arith.constant 0 : index
        %parallel_loop3A_478 = tpu.vector_load %arg27[%parallel_loop3A_476, %parallel_loop3A_477] {strides = array<i32>} : memref<64x128xf32, #tpu.memory_space<vmem>>, vector<16xf32>,
        %parallel_loop3A_479 = arith.addf %parallel_loop3A_454, %parallel_loop3A_478 : vector<16xf32>
        %parallel_loop3A_480 = arith.constant 2.000000e-01 : f32
        %parallel_loop3A_481 = vector.broadcast %parallel_loop3A_480 : f32 to vector<16xf32>
        %parallel_loop3A_482 = arith.mulf %parallel_loop3A_479, %parallel_loop3A_481 : vector<16xf32>
        %parallel_loop3A_483 = arith.maximumf %parallel_loop3A_479, %parallel_loop3A_482 : vector<16xf32>
        %parallel_loop3A_484 = arith.constant 0 : index
        %parallel_loop3A_485 = tpu.vector_load %arg28[%parallel_loop3A_484] {strides = array<i32>} : memref<128xf32, #tpu.memory_space<vmem>>, vector<16xf32>,
        %parallel_loop3A_486 = arith.mulf %parallel_loop3A_483, %parallel_loop3A_485 : vector<16xf32>
        %parallel_loop3A_487 = arith.index_cast %parallel_loop3A_451 : i32 to index
        %parallel_loop3A_488 = arith.constant 16 : index
        %parallel_loop3A_489 = tpu.vector_load %arg27[%parallel_loop3A_487, %parallel_loop3A_488] {strides = array<i32>} : memref<64x128xf32, #tpu.memory_space<vmem>>, vector<16xf32>,
        %parallel_loop3A_490 = arith.addf %parallel_loop3A_457, %parallel_loop3A_489 : vector<16xf32>
        %parallel_loop3A_491 = arith.constant 2.000000e-01 : f32
        %parallel_loop3A_492 = vector.broadcast %parallel_loop3A_491 : f32 to vector<16xf32>
        %parallel_loop3A_493 = arith.mulf %parallel_loop3A_490, %parallel_loop3A_492 : vector<16xf32>
        %parallel_loop3A_494 = arith.maximumf %parallel_loop3A_490, %parallel_loop3A_493 : vector<16xf32>
        %parallel_loop3A_495 = arith.constant 16 : index
        %parallel_loop3A_496 = tpu.vector_load %arg28[%parallel_loop3A_495] {strides = array<i32>} : memref<128xf32, #tpu.memory_space<vmem>>, vector<16xf32>,
        %parallel_loop3A_497 = arith.mulf %parallel_loop3A_494, %parallel_loop3A_496 : vector<16xf32>
        %parallel_loop3A_498 = arith.addf %parallel_loop3A_486, %parallel_loop3A_497 : vector<16xf32>
        %parallel_loop3A_499 = arith.index_cast %parallel_loop3A_451 : i32 to index
        %parallel_loop3A_500 = arith.constant 32 : index
        %parallel_loop3A_501 = tpu.vector_load %arg27[%parallel_loop3A_499, %parallel_loop3A_500] {strides = array<i32>} : memref<64x128xf32, #tpu.memory_space<vmem>>, vector<16xf32>,
        %parallel_loop3A_502 = arith.addf %parallel_loop3A_460, %parallel_loop3A_501 : vector<16xf32>
        %parallel_loop3A_503 = arith.constant 2.000000e-01 : f32
        %parallel_loop3A_504 = vector.broadcast %parallel_loop3A_503 : f32 to vector<16xf32>
        %parallel_loop3A_505 = arith.mulf %parallel_loop3A_502, %parallel_loop3A_504 : vector<16xf32>
        %parallel_loop3A_506 = arith.maximumf %parallel_loop3A_502, %parallel_loop3A_505 : vector<16xf32>
        %parallel_loop3A_507 = arith.constant 32 : index
        %parallel_loop3A_508 = tpu.vector_load %arg28[%parallel_loop3A_507] {strides = array<i32>} : memref<128xf32, #tpu.memory_space<vmem>>, vector<16xf32>,
        %parallel_loop3A_509 = arith.mulf %parallel_loop3A_506, %parallel_loop3A_508 : vector<16xf32>
        %parallel_loop3A_510 = arith.addf %parallel_loop3A_498, %parallel_loop3A_509 : vector<16xf32>
        %parallel_loop3A_511 = arith.index_cast %parallel_loop3A_451 : i32 to index
        %parallel_loop3A_512 = arith.constant 48 : index
        %parallel_loop3A_513 = tpu.vector_load %arg27[%parallel_loop3A_511, %parallel_loop3A_512] {strides = array<i32>} : memref<64x128xf32, #tpu.memory_space<vmem>>, vector<16xf32>,
        %parallel_loop3A_514 = arith.addf %parallel_loop3A_463, %parallel_loop3A_513 : vector<16xf32>
        %parallel_loop3A_515 = arith.constant 2.000000e-01 : f32
        %parallel_loop3A_516 = vector.broadcast %parallel_loop3A_515 : f32 to vector<16xf32>
        %parallel_loop3A_517 = arith.mulf %parallel_loop3A_514, %parallel_loop3A_516 : vector<16xf32>
        %parallel_loop3A_518 = arith.maximumf %parallel_loop3A_514, %parallel_loop3A_517 : vector<16xf32>
        %parallel_loop3A_519 = arith.constant 48 : index
        %parallel_loop3A_520 = tpu.vector_load %arg28[%parallel_loop3A_519] {strides = array<i32>} : memref<128xf32, #tpu.memory_space<vmem>>, vector<16xf32>,
        %parallel_loop3A_521 = arith.mulf %parallel_loop3A_518, %parallel_loop3A_520 : vector<16xf32>
        %parallel_loop3A_522 = arith.addf %parallel_loop3A_510, %parallel_loop3A_521 : vector<16xf32>
        %parallel_loop3A_523 = arith.constant true
        %parallel_loop3A_524 = vector.broadcast %parallel_loop3A_523 : i1 to vector<16xi1>
        %parallel_loop3A_525 = tpu.scan <sum>, %parallel_loop3A_522 masked %parallel_loop3A_524 : vector<16xf32>, vector<16xi1> -> vector<16xf32>
        %parallel_loop3A_526 = vector.extract %parallel_loop3A_525[15] : f32 from vector<16xf32>
        %parallel_loop3A_527 = vector.broadcast %parallel_loop3A_526 : f32 to vector<16xf32>
        %parallel_loop3A_528 = math.exp %parallel_loop3A_527 : vector<16xf32>
        %parallel_loop3A_529 = arith.index_cast %parallel_loop3A_451 : i32 to index
        %parallel_loop3A_530 = arith.constant 64 : index
        %parallel_loop3A_531 = tpu.vector_load %arg27[%parallel_loop3A_529, %parallel_loop3A_530] {strides = array<i32>} : memref<64x128xf32, #tpu.memory_space<vmem>>, vector<16xf32>,
        %parallel_loop3A_532 = arith.addf %parallel_loop3A_466, %parallel_loop3A_531 : vector<16xf32>
        %parallel_loop3A_533 = arith.constant 2.000000e-01 : f32
        %parallel_loop3A_534 = vector.broadcast %parallel_loop3A_533 : f32 to vector<16xf32>
        %parallel_loop3A_535 = arith.mulf %parallel_loop3A_532, %parallel_loop3A_534 : vector<16xf32>
        %parallel_loop3A_536 = arith.maximumf %parallel_loop3A_532, %parallel_loop3A_535 : vector<16xf32>
        %parallel_loop3A_537 = arith.constant 64 : index
        %parallel_loop3A_538 = tpu.vector_load %arg28[%parallel_loop3A_537] {strides = array<i32>} : memref<128xf32, #tpu.memory_space<vmem>>, vector<16xf32>,
        %parallel_loop3A_539 = arith.mulf %parallel_loop3A_536, %parallel_loop3A_538 : vector<16xf32>
        %parallel_loop3A_540 = arith.index_cast %parallel_loop3A_451 : i32 to index
        %parallel_loop3A_541 = arith.constant 80 : index
        %parallel_loop3A_542 = tpu.vector_load %arg27[%parallel_loop3A_540, %parallel_loop3A_541] {strides = array<i32>} : memref<64x128xf32, #tpu.memory_space<vmem>>, vector<16xf32>,
        %parallel_loop3A_543 = arith.addf %parallel_loop3A_469, %parallel_loop3A_542 : vector<16xf32>
        %parallel_loop3A_544 = arith.constant 2.000000e-01 : f32
        %parallel_loop3A_545 = vector.broadcast %parallel_loop3A_544 : f32 to vector<16xf32>
        %parallel_loop3A_546 = arith.mulf %parallel_loop3A_543, %parallel_loop3A_545 : vector<16xf32>
        %parallel_loop3A_547 = arith.maximumf %parallel_loop3A_543, %parallel_loop3A_546 : vector<16xf32>
        %parallel_loop3A_548 = arith.constant 80 : index
        %parallel_loop3A_549 = tpu.vector_load %arg28[%parallel_loop3A_548] {strides = array<i32>} : memref<128xf32, #tpu.memory_space<vmem>>, vector<16xf32>,
        %parallel_loop3A_550 = arith.mulf %parallel_loop3A_547, %parallel_loop3A_549 : vector<16xf32>
        %parallel_loop3A_551 = arith.addf %parallel_loop3A_539, %parallel_loop3A_550 : vector<16xf32>
        %parallel_loop3A_552 = arith.index_cast %parallel_loop3A_451 : i32 to index
        %parallel_loop3A_553 = arith.constant 96 : index
        %parallel_loop3A_554 = tpu.vector_load %arg27[%parallel_loop3A_552, %parallel_loop3A_553] {strides = array<i32>} : memref<64x128xf32, #tpu.memory_space<vmem>>, vector<16xf32>,
        %parallel_loop3A_555 = arith.addf %parallel_loop3A_472, %parallel_loop3A_554 : vector<16xf32>
        %parallel_loop3A_556 = arith.constant 2.000000e-01 : f32
        %parallel_loop3A_557 = vector.broadcast %parallel_loop3A_556 : f32 to vector<16xf32>
        %parallel_loop3A_558 = arith.mulf %parallel_loop3A_555, %parallel_loop3A_557 : vector<16xf32>
        %parallel_loop3A_559 = arith.maximumf %parallel_loop3A_555, %parallel_loop3A_558 : vector<16xf32>
        %parallel_loop3A_560 = arith.constant 96 : index
        %parallel_loop3A_561 = tpu.vector_load %arg28[%parallel_loop3A_560] {strides = array<i32>} : memref<128xf32, #tpu.memory_space<vmem>>, vector<16xf32>,
        %parallel_loop3A_562 = arith.mulf %parallel_loop3A_559, %parallel_loop3A_561 : vector<16xf32>
        %parallel_loop3A_563 = arith.addf %parallel_loop3A_551, %parallel_loop3A_562 : vector<16xf32>
        %parallel_loop3A_564 = arith.index_cast %parallel_loop3A_451 : i32 to index
        %parallel_loop3A_565 = arith.constant 112 : index
        %parallel_loop3A_566 = tpu.vector_load %arg27[%parallel_loop3A_564, %parallel_loop3A_565] {strides = array<i32>} : memref<64x128xf32, #tpu.memory_space<vmem>>, vector<16xf32>,
        %parallel_loop3A_567 = arith.addf %parallel_loop3A_475, %parallel_loop3A_566 : vector<16xf32>
        %parallel_loop3A_568 = arith.constant 2.000000e-01 : f32
        %parallel_loop3A_569 = vector.broadcast %parallel_loop3A_568 : f32 to vector<16xf32>
        %parallel_loop3A_570 = arith.mulf %parallel_loop3A_567, %parallel_loop3A_569 : vector<16xf32>
        %parallel_loop3A_571 = arith.maximumf %parallel_loop3A_567, %parallel_loop3A_570 : vector<16xf32>
        %parallel_loop3A_572 = arith.constant 112 : index
        %parallel_loop3A_573 = tpu.vector_load %arg28[%parallel_loop3A_572] {strides = array<i32>} : memref<128xf32, #tpu.memory_space<vmem>>, vector<16xf32>,
        %parallel_loop3A_574 = arith.mulf %parallel_loop3A_571, %parallel_loop3A_573 : vector<16xf32>
        %parallel_loop3A_575 = arith.addf %parallel_loop3A_563, %parallel_loop3A_574 : vector<16xf32>
        %parallel_loop3A_576 = arith.constant true
        %parallel_loop3A_577 = vector.broadcast %parallel_loop3A_576 : i1 to vector<16xi1>
        %parallel_loop3A_578 = tpu.scan <sum>, %parallel_loop3A_575 masked %parallel_loop3A_577 : vector<16xf32>, vector<16xi1> -> vector<16xf32>
        %parallel_loop3A_579 = vector.extract %parallel_loop3A_578[15] : f32 from vector<16xf32>
        %parallel_loop3A_580 = vector.broadcast %parallel_loop3A_579 : f32 to vector<16xf32>
        %parallel_loop3A_581 = math.exp %parallel_loop3A_580 : vector<16xf32>
        %parallel_loop3A_582 = arith.mulf %parallel_loop3A_454, %parallel_loop3A_528 : vector<16xf32>
        %parallel_loop3A_583 = arith.index_cast %parallel_loop3A_451 : i32 to index
        %parallel_loop3A_584 = arith.constant 0 : index
        %parallel_loop3A_585 = tpu.vector_load %arg29[%parallel_loop3A_583, %parallel_loop3A_584] {strides = array<i32>} : memref<64x128xf32, #tpu.memory_space<vmem>>, vector<16xf32>,
        tpu.vector_store %arg29[%parallel_loop3A_583, %parallel_loop3A_584], %parallel_loop3A_582 {strides = array<i32>} : memref<64x128xf32, #tpu.memory_space<vmem>>, vector<16xf32>,
        %parallel_loop3A_586 = arith.mulf %parallel_loop3A_457, %parallel_loop3A_528 : vector<16xf32>
        %parallel_loop3A_587 = arith.index_cast %parallel_loop3A_451 : i32 to index
        %parallel_loop3A_588 = arith.constant 16 : index
        %parallel_loop3A_589 = tpu.vector_load %arg29[%parallel_loop3A_587, %parallel_loop3A_588] {strides = array<i32>} : memref<64x128xf32, #tpu.memory_space<vmem>>, vector<16xf32>,
        tpu.vector_store %arg29[%parallel_loop3A_587, %parallel_loop3A_588], %parallel_loop3A_586 {strides = array<i32>} : memref<64x128xf32, #tpu.memory_space<vmem>>, vector<16xf32>,
        %parallel_loop3A_590 = arith.mulf %parallel_loop3A_460, %parallel_loop3A_528 : vector<16xf32>
        %parallel_loop3A_591 = arith.index_cast %parallel_loop3A_451 : i32 to index
        %parallel_loop3A_592 = arith.constant 32 : index
        %parallel_loop3A_593 = tpu.vector_load %arg29[%parallel_loop3A_591, %parallel_loop3A_592] {strides = array<i32>} : memref<64x128xf32, #tpu.memory_space<vmem>>, vector<16xf32>,
        tpu.vector_store %arg29[%parallel_loop3A_591, %parallel_loop3A_592], %parallel_loop3A_590 {strides = array<i32>} : memref<64x128xf32, #tpu.memory_space<vmem>>, vector<16xf32>,
        %parallel_loop3A_594 = arith.mulf %parallel_loop3A_463, %parallel_loop3A_528 : vector<16xf32>
        %parallel_loop3A_595 = arith.index_cast %parallel_loop3A_451 : i32 to index
        %parallel_loop3A_596 = arith.constant 48 : index
        %parallel_loop3A_597 = tpu.vector_load %arg29[%parallel_loop3A_595, %parallel_loop3A_596] {strides = array<i32>} : memref<64x128xf32, #tpu.memory_space<vmem>>, vector<16xf32>,
        tpu.vector_store %arg29[%parallel_loop3A_595, %parallel_loop3A_596], %parallel_loop3A_594 {strides = array<i32>} : memref<64x128xf32, #tpu.memory_space<vmem>>, vector<16xf32>,
        %parallel_loop3A_598 = arith.mulf %parallel_loop3A_466, %parallel_loop3A_581 : vector<16xf32>
        %parallel_loop3A_599 = arith.index_cast %parallel_loop3A_451 : i32 to index
        %parallel_loop3A_600 = arith.constant 64 : index
        %parallel_loop3A_601 = tpu.vector_load %arg29[%parallel_loop3A_599, %parallel_loop3A_600] {strides = array<i32>} : memref<64x128xf32, #tpu.memory_space<vmem>>, vector<16xf32>,
        tpu.vector_store %arg29[%parallel_loop3A_599, %parallel_loop3A_600], %parallel_loop3A_598 {strides = array<i32>} : memref<64x128xf32, #tpu.memory_space<vmem>>, vector<16xf32>,
        %parallel_loop3A_602 = arith.mulf %parallel_loop3A_469, %parallel_loop3A_581 : vector<16xf32>
        %parallel_loop3A_603 = arith.index_cast %parallel_loop3A_451 : i32 to index
        %parallel_loop3A_604 = arith.constant 80 : index
        %parallel_loop3A_605 = tpu.vector_load %arg29[%parallel_loop3A_603, %parallel_loop3A_604] {strides = array<i32>} : memref<64x128xf32, #tpu.memory_space<vmem>>, vector<16xf32>,
        tpu.vector_store %arg29[%parallel_loop3A_603, %parallel_loop3A_604], %parallel_loop3A_602 {strides = array<i32>} : memref<64x128xf32, #tpu.memory_space<vmem>>, vector<16xf32>,
        %parallel_loop3A_606 = arith.mulf %parallel_loop3A_472, %parallel_loop3A_581 : vector<16xf32>
        %parallel_loop3A_607 = arith.index_cast %parallel_loop3A_451 : i32 to index
        %parallel_loop3A_608 = arith.constant 96 : index
        %parallel_loop3A_609 = tpu.vector_load %arg29[%parallel_loop3A_607, %parallel_loop3A_608] {strides = array<i32>} : memref<64x128xf32, #tpu.memory_space<vmem>>, vector<16xf32>,
        tpu.vector_store %arg29[%parallel_loop3A_607, %parallel_loop3A_608], %parallel_loop3A_606 {strides = array<i32>} : memref<64x128xf32, #tpu.memory_space<vmem>>, vector<16xf32>,
        %parallel_loop3A_610 = arith.mulf %parallel_loop3A_475, %parallel_loop3A_581 : vector<16xf32>
        %parallel_loop3A_611 = arith.index_cast %parallel_loop3A_451 : i32 to index
        %parallel_loop3A_612 = arith.constant 112 : index
        %parallel_loop3A_613 = tpu.vector_load %arg29[%parallel_loop3A_611, %parallel_loop3A_612] {strides = array<i32>} : memref<64x128xf32, #tpu.memory_space<vmem>>, vector<16xf32>,
        tpu.vector_store %arg29[%parallel_loop3A_611, %parallel_loop3A_612], %parallel_loop3A_610 {strides = array<i32>} : memref<64x128xf32, #tpu.memory_space<vmem>>, vector<16xf32>,
        %parallel_loop3A_614 = arith.index_cast %parallel_loop3A_451 : i32 to index
        %parallel_loop3A_615 = arith.constant 0 : index
        %parallel_loop3A_616 = tpu.vector_load %arg21[%parallel_loop3A_614, %parallel_loop3A_615] {strides = array<i32>} : memref<64x16xf32, #tpu.memory_space<vmem>>, vector<16xf32>,
        %parallel_loop3A_617 = arith.constant 0.000000e+00 : f32
        %parallel_loop3A_618 = vector.broadcast %parallel_loop3A_617 : f32 to vector<16xf32>
        %parallel_loop3A_619 = arith.constant 1.000000e+00 : f32
        %parallel_loop3A_620 = vector.broadcast %parallel_loop3A_619 : f32 to vector<16xf32>
        %parallel_loop3A_621 = arith.cmpf oeq, %parallel_loop3A_616, %parallel_loop3A_620 : vector<16xf32>
        %parallel_loop3A_622 = arith.select %parallel_loop3A_621, %parallel_loop3A_528, %parallel_loop3A_618 : vector<16xi1>, vector<16xf32>
        %parallel_loop3A_623 = arith.constant 2.000000e+00 : f32
        %parallel_loop3A_624 = vector.broadcast %parallel_loop3A_623 : f32 to vector<16xf32>
        %parallel_loop3A_625 = arith.cmpf oeq, %parallel_loop3A_616, %parallel_loop3A_624 : vector<16xf32>
        %parallel_loop3A_626 = arith.select %parallel_loop3A_625, %parallel_loop3A_581, %parallel_loop3A_618 : vector<16xi1>, vector<16xf32>
        %parallel_loop3A_627 = arith.addf %parallel_loop3A_622, %parallel_loop3A_626 : vector<16xf32>
        %parallel_loop3A_628 = arith.index_cast %parallel_loop3A_451 : i32 to index
        %parallel_loop3A_629 = arith.constant 0 : index
        %parallel_loop3A_630 = tpu.vector_load %arg30[%parallel_loop3A_628, %parallel_loop3A_629] {strides = array<i32>} : memref<64x128xf32, #tpu.memory_space<vmem>>, vector<16xf32>,
        tpu.vector_store %arg30[%parallel_loop3A_628, %parallel_loop3A_629], %parallel_loop3A_627 {strides = array<i32>} : memref<64x128xf32, #tpu.memory_space<vmem>>, vector<16xf32>,
      } {sc.loop_unroll_factor = 2 : i64, sc.parallel_access}
      %dma_start3A_440 = arith.constant 0 : i32
      %dma_start3A_441 = arith.constant 0 : i32
      %dma_start3A_442 = tpu.memref_slice %arg31[%dma_start3A_440, %dma_start3A_441] : memref<5184x128xf32, #tpu.memory_space<vmem_shared>> -> memref<5184x128xf32, #tpu.memory_space<vmem_shared>>
      tpu.enqueue_indirect_dma source(%arg29 : memref<64x128xf32, #tpu.memory_space<vmem>>) target(%dma_start3A_442 : memref<5184x128xf32, #tpu.memory_space<vmem_shared>>) offsets(%arg24 : memref<64xi32, #tpu.memory_space<vmem>>) semaphore(%arg37 : memref<!tpu.dma_semaphore, #tpu.memory_space<semaphore_mem>>) {add = true}
      %dma_start3A_443 = arith.constant 0 : i32
      %dma_start3A_444 = arith.constant 0 : i32
      %dma_start3A_445 = tpu.memref_slice %arg32[%dma_start3A_443, %dma_start3A_444] : memref<640x128xf32, #tpu.memory_space<vmem_shared>> -> memref<640x128xf32, #tpu.memory_space<vmem_shared>>
      tpu.enqueue_indirect_dma source(%arg30 : memref<64x128xf32, #tpu.memory_space<vmem>>) target(%dma_start3A_445 : memref<640x128xf32, #tpu.memory_space<vmem_shared>>) offsets(%arg25 : memref<64xi32, #tpu.memory_space<vmem>>) semaphore(%arg38 : memref<!tpu.dma_semaphore, #tpu.memory_space<semaphore_mem>>) {add = true}
      %lt3A_446 = arith.constant 83 : i32
      %lt3A_447 = arith.cmpi slt, %add3A_340, %lt3A_446 : i32
      %convert_element_type3A_448 = arith.extui %lt3A_447 : i1 to i32
      %cond3A_449 = arith.constant 0 : i32
      %cond3A_450 = arith.cmpi ne, %convert_element_type3A_448, %cond3A_449 : i32
      scf.if %cond3A_450 {
        %dma_wait3A_451 = arith.constant 0 : i32
        %dma_wait3A_452 = tpu.memref_slice %arg4[%dma_wait3A_451] : memref<172032xi32, #tpu.memory_space<hbm>> -> memref<64xi32, #tpu.memory_space<hbm>>
        %dma_wait3A_453 = arith.constant 0 : i32
        %dma_wait3A_454 = tpu.memref_slice %arg4[%dma_wait3A_453] : memref<172032xi32, #tpu.memory_space<hbm>> -> memref<64xi32, #tpu.memory_space<hbm>>
        tpu.wait_dma2 semaphore(%arg33 : memref<!tpu.dma_semaphore, #tpu.memory_space<semaphore_mem>>) src(%dma_wait3A_454 : memref<64xi32, #tpu.memory_space<hbm>>) dst(%arg10 : memref<64xi32, #tpu.memory_space<vmem>>)
        %dma_wait3A_455 = arith.constant 0 : i32
        %dma_wait3A_456 = tpu.memref_slice %arg5[%dma_wait3A_455] : memref<172032xi32, #tpu.memory_space<hbm>> -> memref<64xi32, #tpu.memory_space<hbm>>
        %dma_wait3A_457 = arith.constant 0 : i32
        %dma_wait3A_458 = tpu.memref_slice %arg5[%dma_wait3A_457] : memref<172032xi32, #tpu.memory_space<hbm>> -> memref<64xi32, #tpu.memory_space<hbm>>
        tpu.wait_dma2 semaphore(%arg33 : memref<!tpu.dma_semaphore, #tpu.memory_space<semaphore_mem>>) src(%dma_wait3A_458 : memref<64xi32, #tpu.memory_space<hbm>>) dst(%arg11 : memref<64xi32, #tpu.memory_space<vmem>>)
        %dma_wait3A_459 = arith.constant 0 : i32
        %dma_wait3A_460 = arith.constant 0 : i32
        %dma_wait3A_461 = tpu.memref_slice %arg6[%dma_wait3A_459, %dma_wait3A_460] : memref<172032x16xf32, #tpu.memory_space<hbm>> -> memref<64x16xf32, #tpu.memory_space<hbm>>
        %dma_wait3A_462 = arith.constant 0 : i32
        %dma_wait3A_463 = arith.constant 0 : i32
        %dma_wait3A_464 = tpu.memref_slice %arg6[%dma_wait3A_462, %dma_wait3A_463] : memref<172032x16xf32, #tpu.memory_space<hbm>> -> memref<64x16xf32, #tpu.memory_space<hbm>>
        tpu.wait_dma2 semaphore(%arg33 : memref<!tpu.dma_semaphore, #tpu.memory_space<semaphore_mem>>) src(%dma_wait3A_464 : memref<64x16xf32, #tpu.memory_space<hbm>>) dst(%arg12 : memref<64x16xf32, #tpu.memory_space<vmem>>)
        %mul3A_465 = arith.constant 10000 : i32
        %mul3A_466 = arith.muli %arg0, %mul3A_465 : i32
        %parallel_loop3A_467 = arith.constant 0 : i32
        %parallel_loop3A_468 = arith.constant 4 : i32
        %parallel_loop3A_469 = arith.constant 1 : i32
        scf.for %parallel_loop3A_476 = %parallel_loop3A_467 to %parallel_loop3A_468 step %parallel_loop3A_469  : i32 {
          %parallel_loop3A_477 = arith.constant 16 : i32
          %parallel_loop3A_478 = arith.muli %parallel_loop3A_477, %parallel_loop3A_476 : i32
          %parallel_loop3A_479 = arith.index_cast %parallel_loop3A_478 : i32 to index
          %parallel_loop3A_480 = tpu.vector_load %arg11[%parallel_loop3A_479] {strides = array<i32>} : memref<64xi32, #tpu.memory_space<vmem>>, vector<16xi32>,
          %parallel_loop3A_481 = arith.index_cast %parallel_loop3A_478 : i32 to index
          %parallel_loop3A_482 = tpu.vector_load %arg10[%parallel_loop3A_481] {strides = array<i32>} : memref<64xi32, #tpu.memory_space<vmem>>, vector<16xi32>,
          %parallel_loop3A_483 = vector.broadcast %mul3A_466 : i32 to vector<16xi32>
          %parallel_loop3A_484 = arith.addi %parallel_loop3A_482, %parallel_loop3A_483 : vector<16xi32>
          %parallel_loop3A_485 = arith.index_cast %parallel_loop3A_478 : i32 to index
          %parallel_loop3A_486 = tpu.vector_load %arg13[%parallel_loop3A_485] {strides = array<i32>} : memref<64xi32, #tpu.memory_space<vmem>>, vector<16xi32>,
          tpu.vector_store %arg13[%parallel_loop3A_485], %parallel_loop3A_484 {strides = array<i32>} : memref<64xi32, #tpu.memory_space<vmem>>, vector<16xi32>,
          %parallel_loop3A_487 = arith.constant 9999 : i32
          %parallel_loop3A_488 = vector.broadcast %parallel_loop3A_487 : i32 to vector<16xi32>
          %parallel_loop3A_489 = arith.minsi %parallel_loop3A_480, %parallel_loop3A_488 : vector<16xi32>
          %parallel_loop3A_490 = vector.broadcast %mul3A_466 : i32 to vector<16xi32>
          %parallel_loop3A_491 = arith.addi %parallel_loop3A_489, %parallel_loop3A_490 : vector<16xi32>
          %parallel_loop3A_492 = arith.index_cast %parallel_loop3A_478 : i32 to index
          %parallel_loop3A_493 = tpu.vector_load %arg14[%parallel_loop3A_492] {strides = array<i32>} : memref<64xi32, #tpu.memory_space<vmem>>, vector<16xi32>,
          tpu.vector_store %arg14[%parallel_loop3A_492], %parallel_loop3A_491 {strides = array<i32>} : memref<64xi32, #tpu.memory_space<vmem>>, vector<16xi32>,
          %parallel_loop3A_494 = arith.constant 5000 : i32
          %parallel_loop3A_495 = vector.broadcast %parallel_loop3A_494 : i32 to vector<16xi32>
          %parallel_loop3A_496 = arith.subi %parallel_loop3A_480, %parallel_loop3A_495 : vector<16xi32>
          %parallel_loop3A_497 = arith.constant 0 : i32
          %parallel_loop3A_498 = vector.broadcast %parallel_loop3A_497 : i32 to vector<16xi32>
          %parallel_loop3A_499 = arith.cmpi sge, %parallel_loop3A_496, %parallel_loop3A_498 : vector<16xi32>
          %parallel_loop3A_500 = arith.constant 5000 : i32
          %parallel_loop3A_501 = vector.broadcast %parallel_loop3A_500 : i32 to vector<16xi32>
          %parallel_loop3A_502 = arith.cmpi slt, %parallel_loop3A_496, %parallel_loop3A_501 : vector<16xi32>
          %parallel_loop3A_503 = arith.andi %parallel_loop3A_499, %parallel_loop3A_502 : vector<16xi1>
          %parallel_loop3A_504 = arith.constant 63 : i32
          %parallel_loop3A_505 = vector.broadcast %parallel_loop3A_504 : i32 to vector<16xi32>
          %parallel_loop3A_506 = arith.andi %parallel_loop3A_480, %parallel_loop3A_505 : vector<16xi32>
          %parallel_loop3A_507 = arith.constant 5120 : i32
          %parallel_loop3A_508 = vector.broadcast %parallel_loop3A_507 : i32 to vector<16xi32>
          %parallel_loop3A_509 = arith.addi %parallel_loop3A_508, %parallel_loop3A_506 : vector<16xi32>
          %parallel_loop3A_510 = arith.select %parallel_loop3A_503, %parallel_loop3A_496, %parallel_loop3A_509 : vector<16xi1>, vector<16xi32>
          %parallel_loop3A_511 = arith.index_cast %parallel_loop3A_478 : i32 to index
          %parallel_loop3A_512 = tpu.vector_load %arg15[%parallel_loop3A_511] {strides = array<i32>} : memref<64xi32, #tpu.memory_space<vmem>>, vector<16xi32>,
          tpu.vector_store %arg15[%parallel_loop3A_511], %parallel_loop3A_510 {strides = array<i32>} : memref<64xi32, #tpu.memory_space<vmem>>, vector<16xi32>,
          %parallel_loop3A_513 = arith.constant 3 : i32
          %parallel_loop3A_514 = vector.broadcast %parallel_loop3A_513 : i32 to vector<16xi32>
          %parallel_loop3A_515 = arith.shrsi %parallel_loop3A_496, %parallel_loop3A_514 : vector<16xi32>
          %parallel_loop3A_516 = arith.constant 7 : i32
          %parallel_loop3A_517 = vector.broadcast %parallel_loop3A_516 : i32 to vector<16xi32>
          %parallel_loop3A_518 = arith.andi %parallel_loop3A_480, %parallel_loop3A_517 : vector<16xi32>
          %parallel_loop3A_519 = arith.constant 630 : i32
          %parallel_loop3A_520 = vector.broadcast %parallel_loop3A_519 : i32 to vector<16xi32>
          %parallel_loop3A_521 = arith.addi %parallel_loop3A_520, %parallel_loop3A_518 : vector<16xi32>
          %parallel_loop3A_522 = arith.select %parallel_loop3A_503, %parallel_loop3A_515, %parallel_loop3A_521 : vector<16xi1>, vector<16xi32>
          %parallel_loop3A_523 = arith.index_cast %parallel_loop3A_478 : i32 to index
          %parallel_loop3A_524 = tpu.vector_load %arg16[%parallel_loop3A_523] {strides = array<i32>} : memref<64xi32, #tpu.memory_space<vmem>>, vector<16xi32>,
          tpu.vector_store %arg16[%parallel_loop3A_523], %parallel_loop3A_522 {strides = array<i32>} : memref<64xi32, #tpu.memory_space<vmem>>, vector<16xi32>,
        } {sc.loop_unroll_factor = 1 : i64, sc.parallel_access}
        %dma_start3A_470 = arith.constant 0 : i32
        %dma_start3A_471 = arith.constant 0 : i32
        %dma_start3A_472 = tpu.memref_slice %arg2[%dma_start3A_470, %dma_start3A_471] : memref<20000x128xf32, #tpu.memory_space<hbm>> -> memref<20000x128xf32, #tpu.memory_space<hbm>>
        tpu.enqueue_indirect_dma source(%dma_start3A_472 : memref<20000x128xf32, #tpu.memory_space<hbm>>) target(%arg17 : memref<64x128xf32, #tpu.memory_space<vmem>>) offsets(%arg13 : memref<64xi32, #tpu.memory_space<vmem>>) semaphore(%arg35 : memref<!tpu.dma_semaphore, #tpu.memory_space<semaphore_mem>>)
        %dma_start3A_473 = arith.constant 0 : i32
        %dma_start3A_474 = arith.constant 0 : i32
        %dma_start3A_475 = tpu.memref_slice %arg3[%dma_start3A_473, %dma_start3A_474] : memref<20000x128xf32, #tpu.memory_space<hbm>> -> memref<20000x128xf32, #tpu.memory_space<hbm>>
        tpu.enqueue_indirect_dma source(%dma_start3A_475 : memref<20000x128xf32, #tpu.memory_space<hbm>>) target(%arg18 : memref<64x128xf32, #tpu.memory_space<vmem>>) offsets(%arg14 : memref<64xi32, #tpu.memory_space<vmem>>) semaphore(%arg35 : memref<!tpu.dma_semaphore, #tpu.memory_space<semaphore_mem>>)
      } else {
      }
    }
    %scan3A_260 = arith.constant 84 : i32
    %dma_wait3A_261 = arith.constant 0 : i32
    %dma_wait3A_262 = arith.constant 0 : i32
    %dma_wait3A_263 = tpu.memref_slice %arg2[%dma_wait3A_261, %dma_wait3A_262] : memref<20000x128xf32, #tpu.memory_space<hbm>> -> memref<64x128xf32, #tpu.memory_space<hbm>>
    %dma_wait3A_264 = arith.constant 0 : i32
    %dma_wait3A_265 = arith.constant 0 : i32
    %dma_wait3A_266 = tpu.memref_slice %arg2[%dma_wait3A_264, %dma_wait3A_265] : memref<20000x128xf32, #tpu.memory_space<hbm>> -> memref<64x128xf32, #tpu.memory_space<hbm>>
    tpu.wait_dma2 semaphore(%arg37 : memref<!tpu.dma_semaphore, #tpu.memory_space<semaphore_mem>>) src(%dma_wait3A_266 : memref<64x128xf32, #tpu.memory_space<hbm>>) dst(%arg29 : memref<64x128xf32, #tpu.memory_space<vmem>>)
    %dma_wait3A_267 = arith.constant 0 : i32
    %dma_wait3A_268 = arith.constant 0 : i32
    %dma_wait3A_269 = tpu.memref_slice %arg3[%dma_wait3A_267, %dma_wait3A_268] : memref<20000x128xf32, #tpu.memory_space<hbm>> -> memref<64x128xf32, #tpu.memory_space<hbm>>
    %dma_wait3A_270 = arith.constant 0 : i32
    %dma_wait3A_271 = arith.constant 0 : i32
    %dma_wait3A_272 = tpu.memref_slice %arg3[%dma_wait3A_270, %dma_wait3A_271] : memref<20000x128xf32, #tpu.memory_space<hbm>> -> memref<64x128xf32, #tpu.memory_space<hbm>>
    tpu.wait_dma2 semaphore(%arg38 : memref<!tpu.dma_semaphore, #tpu.memory_space<semaphore_mem>>) src(%dma_wait3A_272 : memref<64x128xf32, #tpu.memory_space<hbm>>) dst(%arg30 : memref<64x128xf32, #tpu.memory_space<vmem>>)
    %barrier3A_273 = arith.constant 0 : index
    tpu.barrier barrier_id(%barrier3A_273)
    %add3A_274 = arith.constant 0 : i32
    %add3A_275 = arith.addi %arg1, %add3A_274 : i32
    %lt3A_276 = arith.constant 125 : i32
    %lt3A_277 = arith.cmpi slt, %add3A_275, %lt3A_276 : i32
    %convert_element_type3A_278 = arith.extui %lt3A_277 : i1 to i32
    %cond3A_279 = arith.constant 0 : i32
    %cond3A_280 = arith.cmpi ne, %convert_element_type3A_278, %cond3A_279 : i32
    scf.if %cond3A_280 {
      %mul3A_336 = arith.constant 40 : i32
      %mul3A_337 = arith.muli %add3A_275, %mul3A_336 : i32
      %mul3A_338 = arith.constant 10000 : i32
      %mul3A_339 = arith.muli %arg0, %mul3A_338 : i32
      %add3A_340 = arith.constant 5000 : i32
      %add3A_341 = arith.addi %mul3A_339, %add3A_340 : i32
      %mul3A_342 = arith.constant 40 : i32
      %mul3A_343 = arith.muli %add3A_275, %mul3A_342 : i32
      %add3A_344 = arith.addi %add3A_341, %mul3A_343 : i32
      "tpu.region"() ({
        %run_scoped3A = tpu.sem_alloc : memref<!tpu.dma_semaphore, #tpu.memory_space<semaphore_mem>>
        %dma_start3A_345 = arith.constant 0 : i32
        %dma_start3A_346 = tpu.memref_slice %arg8[%add3A_344, %dma_start3A_345] : memref<20000x128xf32, #tpu.memory_space<hbm>> -> memref<40x128xf32, #tpu.memory_space<hbm>>
        %dma_start3A_347 = arith.constant 0 : i32
        %dma_start3A_348 = tpu.memref_slice %arg31[%mul3A_337, %dma_start3A_347] : memref<5184x128xf32, #tpu.memory_space<vmem_shared>> -> memref<40x128xf32, #tpu.memory_space<vmem_shared>>
        tpu.enqueue_dma source(%dma_start3A_348 : memref<40x128xf32, #tpu.memory_space<vmem_shared>>) target(%dma_start3A_346 : memref<40x128xf32, #tpu.memory_space<hbm>>) target_semaphore(%run_scoped3A : memref<!tpu.dma_semaphore, #tpu.memory_space<semaphore_mem>>)
        %dma_wait3A_349 = arith.constant 0 : i32
        %dma_wait3A_350 = tpu.memref_slice %arg8[%add3A_344, %dma_wait3A_349] : memref<20000x128xf32, #tpu.memory_space<hbm>> -> memref<40x128xf32, #tpu.memory_space<hbm>>
        %dma_wait3A_351 = arith.constant 0 : i32
        %dma_wait3A_352 = tpu.memref_slice %arg31[%mul3A_337, %dma_wait3A_351] : memref<5184x128xf32, #tpu.memory_space<vmem_shared>> -> memref<40x128xf32, #tpu.memory_space<vmem_shared>>
        tpu.wait_dma2 semaphore(%run_scoped3A : memref<!tpu.dma_semaphore, #tpu.memory_space<semaphore_mem>>) src(%dma_wait3A_352 : memref<40x128xf32, #tpu.memory_space<vmem_shared>>) dst(%dma_wait3A_350 : memref<40x128xf32, #tpu.memory_space<hbm>>)
        tpu.yield
      }) : () -> ()
    } else {
    }
    %add3A_281 = arith.constant 16 : i32
    %add3A_282 = arith.addi %arg1, %add3A_281 : i32
    %lt3A_283 = arith.constant 125 : i32
    %lt3A_284 = arith.cmpi slt, %add3A_282, %lt3A_283 : i32
    %convert_element_type3A_285 = arith.extui %lt3A_284 : i1 to i32
    %cond3A_286 = arith.constant 0 : i32
    %cond3A_287 = arith.cmpi ne, %convert_element_type3A_285, %cond3A_286 : i32
    scf.if %cond3A_287 {
      %mul3A_336 = arith.constant 40 : i32
      %mul3A_337 = arith.muli %add3A_282, %mul3A_336 : i32
      %mul3A_338 = arith.constant 10000 : i32
      %mul3A_339 = arith.muli %arg0, %mul3A_338 : i32
      %add3A_340 = arith.constant 5000 : i32
      %add3A_341 = arith.addi %mul3A_339, %add3A_340 : i32
      %mul3A_342 = arith.constant 40 : i32
      %mul3A_343 = arith.muli %add3A_282, %mul3A_342 : i32
      %add3A_344 = arith.addi %add3A_341, %mul3A_343 : i32
      "tpu.region"() ({
        %run_scoped3A = tpu.sem_alloc : memref<!tpu.dma_semaphore, #tpu.memory_space<semaphore_mem>>
        %dma_start3A_345 = arith.constant 0 : i32
        %dma_start3A_346 = tpu.memref_slice %arg8[%add3A_344, %dma_start3A_345] : memref<20000x128xf32, #tpu.memory_space<hbm>> -> memref<40x128xf32, #tpu.memory_space<hbm>>
        %dma_start3A_347 = arith.constant 0 : i32
        %dma_start3A_348 = tpu.memref_slice %arg31[%mul3A_337, %dma_start3A_347] : memref<5184x128xf32, #tpu.memory_space<vmem_shared>> -> memref<40x128xf32, #tpu.memory_space<vmem_shared>>
        tpu.enqueue_dma source(%dma_start3A_348 : memref<40x128xf32, #tpu.memory_space<vmem_shared>>) target(%dma_start3A_346 : memref<40x128xf32, #tpu.memory_space<hbm>>) target_semaphore(%run_scoped3A : memref<!tpu.dma_semaphore, #tpu.memory_space<semaphore_mem>>)
        %dma_wait3A_349 = arith.constant 0 : i32
        %dma_wait3A_350 = tpu.memref_slice %arg8[%add3A_344, %dma_wait3A_349] : memref<20000x128xf32, #tpu.memory_space<hbm>> -> memref<40x128xf32, #tpu.memory_space<hbm>>
        %dma_wait3A_351 = arith.constant 0 : i32
        %dma_wait3A_352 = tpu.memref_slice %arg31[%mul3A_337, %dma_wait3A_351] : memref<5184x128xf32, #tpu.memory_space<vmem_shared>> -> memref<40x128xf32, #tpu.memory_space<vmem_shared>>
        tpu.wait_dma2 semaphore(%run_scoped3A : memref<!tpu.dma_semaphore, #tpu.memory_space<semaphore_mem>>) src(%dma_wait3A_352 : memref<40x128xf32, #tpu.memory_space<vmem_shared>>) dst(%dma_wait3A_350 : memref<40x128xf32, #tpu.memory_space<hbm>>)
        tpu.yield
      }) : () -> ()
    } else {
    }
    %add3A_288 = arith.constant 32 : i32
    %add3A_289 = arith.addi %arg1, %add3A_288 : i32
    %lt3A_290 = arith.constant 125 : i32
    %lt3A_291 = arith.cmpi slt, %add3A_289, %lt3A_290 : i32
    %convert_element_type3A_292 = arith.extui %lt3A_291 : i1 to i32
    %cond3A_293 = arith.constant 0 : i32
    %cond3A_294 = arith.cmpi ne, %convert_element_type3A_292, %cond3A_293 : i32
    scf.if %cond3A_294 {
      %mul3A_336 = arith.constant 40 : i32
      %mul3A_337 = arith.muli %add3A_289, %mul3A_336 : i32
      %mul3A_338 = arith.constant 10000 : i32
      %mul3A_339 = arith.muli %arg0, %mul3A_338 : i32
      %add3A_340 = arith.constant 5000 : i32
      %add3A_341 = arith.addi %mul3A_339, %add3A_340 : i32
      %mul3A_342 = arith.constant 40 : i32
      %mul3A_343 = arith.muli %add3A_289, %mul3A_342 : i32
      %add3A_344 = arith.addi %add3A_341, %mul3A_343 : i32
      "tpu.region"() ({
        %run_scoped3A = tpu.sem_alloc : memref<!tpu.dma_semaphore, #tpu.memory_space<semaphore_mem>>
        %dma_start3A_345 = arith.constant 0 : i32
        %dma_start3A_346 = tpu.memref_slice %arg8[%add3A_344, %dma_start3A_345] : memref<20000x128xf32, #tpu.memory_space<hbm>> -> memref<40x128xf32, #tpu.memory_space<hbm>>
        %dma_start3A_347 = arith.constant 0 : i32
        %dma_start3A_348 = tpu.memref_slice %arg31[%mul3A_337, %dma_start3A_347] : memref<5184x128xf32, #tpu.memory_space<vmem_shared>> -> memref<40x128xf32, #tpu.memory_space<vmem_shared>>
        tpu.enqueue_dma source(%dma_start3A_348 : memref<40x128xf32, #tpu.memory_space<vmem_shared>>) target(%dma_start3A_346 : memref<40x128xf32, #tpu.memory_space<hbm>>) target_semaphore(%run_scoped3A : memref<!tpu.dma_semaphore, #tpu.memory_space<semaphore_mem>>)
        %dma_wait3A_349 = arith.constant 0 : i32
        %dma_wait3A_350 = tpu.memref_slice %arg8[%add3A_344, %dma_wait3A_349] : memref<20000x128xf32, #tpu.memory_space<hbm>> -> memref<40x128xf32, #tpu.memory_space<hbm>>
        %dma_wait3A_351 = arith.constant 0 : i32
        %dma_wait3A_352 = tpu.memref_slice %arg31[%mul3A_337, %dma_wait3A_351] : memref<5184x128xf32, #tpu.memory_space<vmem_shared>> -> memref<40x128xf32, #tpu.memory_space<vmem_shared>>
        tpu.wait_dma2 semaphore(%run_scoped3A : memref<!tpu.dma_semaphore, #tpu.memory_space<semaphore_mem>>) src(%dma_wait3A_352 : memref<40x128xf32, #tpu.memory_space<vmem_shared>>) dst(%dma_wait3A_350 : memref<40x128xf32, #tpu.memory_space<hbm>>)
        tpu.yield
      }) : () -> ()
    } else {
    }
    %add3A_295 = arith.constant 48 : i32
    %add3A_296 = arith.addi %arg1, %add3A_295 : i32
    %lt3A_297 = arith.constant 125 : i32
    %lt3A_298 = arith.cmpi slt, %add3A_296, %lt3A_297 : i32
    %convert_element_type3A_299 = arith.extui %lt3A_298 : i1 to i32
    %cond3A_300 = arith.constant 0 : i32
    %cond3A_301 = arith.cmpi ne, %convert_element_type3A_299, %cond3A_300 : i32
    scf.if %cond3A_301 {
      %mul3A_336 = arith.constant 40 : i32
      %mul3A_337 = arith.muli %add3A_296, %mul3A_336 : i32
      %mul3A_338 = arith.constant 10000 : i32
      %mul3A_339 = arith.muli %arg0, %mul3A_338 : i32
      %add3A_340 = arith.constant 5000 : i32
      %add3A_341 = arith.addi %mul3A_339, %add3A_340 : i32
      %mul3A_342 = arith.constant 40 : i32
      %mul3A_343 = arith.muli %add3A_296, %mul3A_342 : i32
      %add3A_344 = arith.addi %add3A_341, %mul3A_343 : i32
      "tpu.region"() ({
        %run_scoped3A = tpu.sem_alloc : memref<!tpu.dma_semaphore, #tpu.memory_space<semaphore_mem>>
        %dma_start3A_345 = arith.constant 0 : i32
        %dma_start3A_346 = tpu.memref_slice %arg8[%add3A_344, %dma_start3A_345] : memref<20000x128xf32, #tpu.memory_space<hbm>> -> memref<40x128xf32, #tpu.memory_space<hbm>>
        %dma_start3A_347 = arith.constant 0 : i32
        %dma_start3A_348 = tpu.memref_slice %arg31[%mul3A_337, %dma_start3A_347] : memref<5184x128xf32, #tpu.memory_space<vmem_shared>> -> memref<40x128xf32, #tpu.memory_space<vmem_shared>>
        tpu.enqueue_dma source(%dma_start3A_348 : memref<40x128xf32, #tpu.memory_space<vmem_shared>>) target(%dma_start3A_346 : memref<40x128xf32, #tpu.memory_space<hbm>>) target_semaphore(%run_scoped3A : memref<!tpu.dma_semaphore, #tpu.memory_space<semaphore_mem>>)
        %dma_wait3A_349 = arith.constant 0 : i32
        %dma_wait3A_350 = tpu.memref_slice %arg8[%add3A_344, %dma_wait3A_349] : memref<20000x128xf32, #tpu.memory_space<hbm>> -> memref<40x128xf32, #tpu.memory_space<hbm>>
        %dma_wait3A_351 = arith.constant 0 : i32
        %dma_wait3A_352 = tpu.memref_slice %arg31[%mul3A_337, %dma_wait3A_351] : memref<5184x128xf32, #tpu.memory_space<vmem_shared>> -> memref<40x128xf32, #tpu.memory_space<vmem_shared>>
        tpu.wait_dma2 semaphore(%run_scoped3A : memref<!tpu.dma_semaphore, #tpu.memory_space<semaphore_mem>>) src(%dma_wait3A_352 : memref<40x128xf32, #tpu.memory_space<vmem_shared>>) dst(%dma_wait3A_350 : memref<40x128xf32, #tpu.memory_space<hbm>>)
        tpu.yield
      }) : () -> ()
    } else {
    }
    %add3A_302 = arith.constant 64 : i32
    %add3A_303 = arith.addi %arg1, %add3A_302 : i32
    %lt3A_304 = arith.constant 125 : i32
    %lt3A_305 = arith.cmpi slt, %add3A_303, %lt3A_304 : i32
    %convert_element_type3A_306 = arith.extui %lt3A_305 : i1 to i32
    %cond3A_307 = arith.constant 0 : i32
    %cond3A_308 = arith.cmpi ne, %convert_element_type3A_306, %cond3A_307 : i32
    scf.if %cond3A_308 {
      %mul3A_336 = arith.constant 40 : i32
      %mul3A_337 = arith.muli %add3A_303, %mul3A_336 : i32
      %mul3A_338 = arith.constant 10000 : i32
      %mul3A_339 = arith.muli %arg0, %mul3A_338 : i32
      %add3A_340 = arith.constant 5000 : i32
      %add3A_341 = arith.addi %mul3A_339, %add3A_340 : i32
      %mul3A_342 = arith.constant 40 : i32
      %mul3A_343 = arith.muli %add3A_303, %mul3A_342 : i32
      %add3A_344 = arith.addi %add3A_341, %mul3A_343 : i32
      "tpu.region"() ({
        %run_scoped3A = tpu.sem_alloc : memref<!tpu.dma_semaphore, #tpu.memory_space<semaphore_mem>>
        %dma_start3A_345 = arith.constant 0 : i32
        %dma_start3A_346 = tpu.memref_slice %arg8[%add3A_344, %dma_start3A_345] : memref<20000x128xf32, #tpu.memory_space<hbm>> -> memref<40x128xf32, #tpu.memory_space<hbm>>
        %dma_start3A_347 = arith.constant 0 : i32
        %dma_start3A_348 = tpu.memref_slice %arg31[%mul3A_337, %dma_start3A_347] : memref<5184x128xf32, #tpu.memory_space<vmem_shared>> -> memref<40x128xf32, #tpu.memory_space<vmem_shared>>
        tpu.enqueue_dma source(%dma_start3A_348 : memref<40x128xf32, #tpu.memory_space<vmem_shared>>) target(%dma_start3A_346 : memref<40x128xf32, #tpu.memory_space<hbm>>) target_semaphore(%run_scoped3A : memref<!tpu.dma_semaphore, #tpu.memory_space<semaphore_mem>>)
        %dma_wait3A_349 = arith.constant 0 : i32
        %dma_wait3A_350 = tpu.memref_slice %arg8[%add3A_344, %dma_wait3A_349] : memref<20000x128xf32, #tpu.memory_space<hbm>> -> memref<40x128xf32, #tpu.memory_space<hbm>>
        %dma_wait3A_351 = arith.constant 0 : i32
        %dma_wait3A_352 = tpu.memref_slice %arg31[%mul3A_337, %dma_wait3A_351] : memref<5184x128xf32, #tpu.memory_space<vmem_shared>> -> memref<40x128xf32, #tpu.memory_space<vmem_shared>>
        tpu.wait_dma2 semaphore(%run_scoped3A : memref<!tpu.dma_semaphore, #tpu.memory_space<semaphore_mem>>) src(%dma_wait3A_352 : memref<40x128xf32, #tpu.memory_space<vmem_shared>>) dst(%dma_wait3A_350 : memref<40x128xf32, #tpu.memory_space<hbm>>)
        tpu.yield
      }) : () -> ()
    } else {
    }
    %add3A_309 = arith.constant 80 : i32
    %add3A_310 = arith.addi %arg1, %add3A_309 : i32
    %lt3A_311 = arith.constant 125 : i32
    %lt3A_312 = arith.cmpi slt, %add3A_310, %lt3A_311 : i32
    %convert_element_type3A_313 = arith.extui %lt3A_312 : i1 to i32
    %cond3A_314 = arith.constant 0 : i32
    %cond3A_315 = arith.cmpi ne, %convert_element_type3A_313, %cond3A_314 : i32
    scf.if %cond3A_315 {
      %mul3A_336 = arith.constant 40 : i32
      %mul3A_337 = arith.muli %add3A_310, %mul3A_336 : i32
      %mul3A_338 = arith.constant 10000 : i32
      %mul3A_339 = arith.muli %arg0, %mul3A_338 : i32
      %add3A_340 = arith.constant 5000 : i32
      %add3A_341 = arith.addi %mul3A_339, %add3A_340 : i32
      %mul3A_342 = arith.constant 40 : i32
      %mul3A_343 = arith.muli %add3A_310, %mul3A_342 : i32
      %add3A_344 = arith.addi %add3A_341, %mul3A_343 : i32
      "tpu.region"() ({
        %run_scoped3A = tpu.sem_alloc : memref<!tpu.dma_semaphore, #tpu.memory_space<semaphore_mem>>
        %dma_start3A_345 = arith.constant 0 : i32
        %dma_start3A_346 = tpu.memref_slice %arg8[%add3A_344, %dma_start3A_345] : memref<20000x128xf32, #tpu.memory_space<hbm>> -> memref<40x128xf32, #tpu.memory_space<hbm>>
        %dma_start3A_347 = arith.constant 0 : i32
        %dma_start3A_348 = tpu.memref_slice %arg31[%mul3A_337, %dma_start3A_347] : memref<5184x128xf32, #tpu.memory_space<vmem_shared>> -> memref<40x128xf32, #tpu.memory_space<vmem_shared>>
        tpu.enqueue_dma source(%dma_start3A_348 : memref<40x128xf32, #tpu.memory_space<vmem_shared>>) target(%dma_start3A_346 : memref<40x128xf32, #tpu.memory_space<hbm>>) target_semaphore(%run_scoped3A : memref<!tpu.dma_semaphore, #tpu.memory_space<semaphore_mem>>)
        %dma_wait3A_349 = arith.constant 0 : i32
        %dma_wait3A_350 = tpu.memref_slice %arg8[%add3A_344, %dma_wait3A_349] : memref<20000x128xf32, #tpu.memory_space<hbm>> -> memref<40x128xf32, #tpu.memory_space<hbm>>
        %dma_wait3A_351 = arith.constant 0 : i32
        %dma_wait3A_352 = tpu.memref_slice %arg31[%mul3A_337, %dma_wait3A_351] : memref<5184x128xf32, #tpu.memory_space<vmem_shared>> -> memref<40x128xf32, #tpu.memory_space<vmem_shared>>
        tpu.wait_dma2 semaphore(%run_scoped3A : memref<!tpu.dma_semaphore, #tpu.memory_space<semaphore_mem>>) src(%dma_wait3A_352 : memref<40x128xf32, #tpu.memory_space<vmem_shared>>) dst(%dma_wait3A_350 : memref<40x128xf32, #tpu.memory_space<hbm>>)
        tpu.yield
      }) : () -> ()
    } else {
    }
    %add3A_316 = arith.constant 96 : i32
    %add3A_317 = arith.addi %arg1, %add3A_316 : i32
    %lt3A_318 = arith.constant 125 : i32
    %lt3A_319 = arith.cmpi slt, %add3A_317, %lt3A_318 : i32
    %convert_element_type3A_320 = arith.extui %lt3A_319 : i1 to i32
    %cond3A_321 = arith.constant 0 : i32
    %cond3A_322 = arith.cmpi ne, %convert_element_type3A_320, %cond3A_321 : i32
    scf.if %cond3A_322 {
      %mul3A_336 = arith.constant 40 : i32
      %mul3A_337 = arith.muli %add3A_317, %mul3A_336 : i32
      %mul3A_338 = arith.constant 10000 : i32
      %mul3A_339 = arith.muli %arg0, %mul3A_338 : i32
      %add3A_340 = arith.constant 5000 : i32
      %add3A_341 = arith.addi %mul3A_339, %add3A_340 : i32
      %mul3A_342 = arith.constant 40 : i32
      %mul3A_343 = arith.muli %add3A_317, %mul3A_342 : i32
      %add3A_344 = arith.addi %add3A_341, %mul3A_343 : i32
      "tpu.region"() ({
        %run_scoped3A = tpu.sem_alloc : memref<!tpu.dma_semaphore, #tpu.memory_space<semaphore_mem>>
        %dma_start3A_345 = arith.constant 0 : i32
        %dma_start3A_346 = tpu.memref_slice %arg8[%add3A_344, %dma_start3A_345] : memref<20000x128xf32, #tpu.memory_space<hbm>> -> memref<40x128xf32, #tpu.memory_space<hbm>>
        %dma_start3A_347 = arith.constant 0 : i32
        %dma_start3A_348 = tpu.memref_slice %arg31[%mul3A_337, %dma_start3A_347] : memref<5184x128xf32, #tpu.memory_space<vmem_shared>> -> memref<40x128xf32, #tpu.memory_space<vmem_shared>>
        tpu.enqueue_dma source(%dma_start3A_348 : memref<40x128xf32, #tpu.memory_space<vmem_shared>>) target(%dma_start3A_346 : memref<40x128xf32, #tpu.memory_space<hbm>>) target_semaphore(%run_scoped3A : memref<!tpu.dma_semaphore, #tpu.memory_space<semaphore_mem>>)
        %dma_wait3A_349 = arith.constant 0 : i32
        %dma_wait3A_350 = tpu.memref_slice %arg8[%add3A_344, %dma_wait3A_349] : memref<20000x128xf32, #tpu.memory_space<hbm>> -> memref<40x128xf32, #tpu.memory_space<hbm>>
        %dma_wait3A_351 = arith.constant 0 : i32
        %dma_wait3A_352 = tpu.memref_slice %arg31[%mul3A_337, %dma_wait3A_351] : memref<5184x128xf32, #tpu.memory_space<vmem_shared>> -> memref<40x128xf32, #tpu.memory_space<vmem_shared>>
        tpu.wait_dma2 semaphore(%run_scoped3A : memref<!tpu.dma_semaphore, #tpu.memory_space<semaphore_mem>>) src(%dma_wait3A_352 : memref<40x128xf32, #tpu.memory_space<vmem_shared>>) dst(%dma_wait3A_350 : memref<40x128xf32, #tpu.memory_space<hbm>>)
        tpu.yield
      }) : () -> ()
    } else {
    }
    %add3A_323 = arith.constant 112 : i32
    %add3A_324 = arith.addi %arg1, %add3A_323 : i32
    %lt3A_325 = arith.constant 125 : i32
    %lt3A_326 = arith.cmpi slt, %add3A_324, %lt3A_325 : i32
    %convert_element_type3A_327 = arith.extui %lt3A_326 : i1 to i32
    %cond3A_328 = arith.constant 0 : i32
    %cond3A_329 = arith.cmpi ne, %convert_element_type3A_327, %cond3A_328 : i32
    scf.if %cond3A_329 {
      %mul3A_336 = arith.constant 40 : i32
      %mul3A_337 = arith.muli %add3A_324, %mul3A_336 : i32
      %mul3A_338 = arith.constant 10000 : i32
      %mul3A_339 = arith.muli %arg0, %mul3A_338 : i32
      %add3A_340 = arith.constant 5000 : i32
      %add3A_341 = arith.addi %mul3A_339, %add3A_340 : i32
      %mul3A_342 = arith.constant 40 : i32
      %mul3A_343 = arith.muli %add3A_324, %mul3A_342 : i32
      %add3A_344 = arith.addi %add3A_341, %mul3A_343 : i32
      "tpu.region"() ({
        %run_scoped3A = tpu.sem_alloc : memref<!tpu.dma_semaphore, #tpu.memory_space<semaphore_mem>>
        %dma_start3A_345 = arith.constant 0 : i32
        %dma_start3A_346 = tpu.memref_slice %arg8[%add3A_344, %dma_start3A_345] : memref<20000x128xf32, #tpu.memory_space<hbm>> -> memref<40x128xf32, #tpu.memory_space<hbm>>
        %dma_start3A_347 = arith.constant 0 : i32
        %dma_start3A_348 = tpu.memref_slice %arg31[%mul3A_337, %dma_start3A_347] : memref<5184x128xf32, #tpu.memory_space<vmem_shared>> -> memref<40x128xf32, #tpu.memory_space<vmem_shared>>
        tpu.enqueue_dma source(%dma_start3A_348 : memref<40x128xf32, #tpu.memory_space<vmem_shared>>) target(%dma_start3A_346 : memref<40x128xf32, #tpu.memory_space<hbm>>) target_semaphore(%run_scoped3A : memref<!tpu.dma_semaphore, #tpu.memory_space<semaphore_mem>>)
        %dma_wait3A_349 = arith.constant 0 : i32
        %dma_wait3A_350 = tpu.memref_slice %arg8[%add3A_344, %dma_wait3A_349] : memref<20000x128xf32, #tpu.memory_space<hbm>> -> memref<40x128xf32, #tpu.memory_space<hbm>>
        %dma_wait3A_351 = arith.constant 0 : i32
        %dma_wait3A_352 = tpu.memref_slice %arg31[%mul3A_337, %dma_wait3A_351] : memref<5184x128xf32, #tpu.memory_space<vmem_shared>> -> memref<40x128xf32, #tpu.memory_space<vmem_shared>>
        tpu.wait_dma2 semaphore(%run_scoped3A : memref<!tpu.dma_semaphore, #tpu.memory_space<semaphore_mem>>) src(%dma_wait3A_352 : memref<40x128xf32, #tpu.memory_space<vmem_shared>>) dst(%dma_wait3A_350 : memref<40x128xf32, #tpu.memory_space<hbm>>)
        tpu.yield
      }) : () -> ()
    } else {
    }
    %lt3A_330 = arith.constant 10 : i32
    %lt3A_331 = arith.cmpi slt, %arg1, %lt3A_330 : i32
    %convert_element_type3A_332 = arith.extui %lt3A_331 : i1 to i32
    %cond3A_333 = arith.constant 0 : i32
    %cond3A_334 = arith.cmpi ne, %convert_element_type3A_332, %cond3A_333 : i32
    scf.if %cond3A_334 {
      %mul3A_336 = arith.constant 64 : i32
      %mul3A_337 = arith.muli %arg1, %mul3A_336 : i32
      %mul3A_338 = arith.constant 2 : i32
      %mul3A_339 = arith.muli %mul3A_338, %arg0 : i32
      %add3A_340 = arith.constant 1 : i32
      %add3A_341 = arith.addi %mul3A_339, %add3A_340 : i32
      %mul3A_342 = arith.constant 10 : i32
      %mul3A_343 = arith.muli %add3A_341, %mul3A_342 : i32
      %add3A_344 = arith.addi %mul3A_343, %arg1 : i32
      %mul3A_345 = arith.constant 64 : i32
      %mul3A_346 = arith.muli %add3A_344, %mul3A_345 : i32
      "tpu.region"() ({
        %run_scoped3A = tpu.sem_alloc : memref<!tpu.dma_semaphore, #tpu.memory_space<semaphore_mem>>
        %dma_start3A_347 = arith.constant 0 : i32
        %dma_start3A_348 = tpu.memref_slice %arg9[%mul3A_346, %dma_start3A_347] : memref<2560x128xf32, #tpu.memory_space<hbm>> -> memref<64x128xf32, #tpu.memory_space<hbm>>
        %dma_start3A_349 = arith.constant 0 : i32
        %dma_start3A_350 = tpu.memref_slice %arg32[%mul3A_337, %dma_start3A_349] : memref<640x128xf32, #tpu.memory_space<vmem_shared>> -> memref<64x128xf32, #tpu.memory_space<vmem_shared>>
        tpu.enqueue_dma source(%dma_start3A_350 : memref<64x128xf32, #tpu.memory_space<vmem_shared>>) target(%dma_start3A_348 : memref<64x128xf32, #tpu.memory_space<hbm>>) target_semaphore(%run_scoped3A : memref<!tpu.dma_semaphore, #tpu.memory_space<semaphore_mem>>)
        %dma_wait3A_351 = arith.constant 0 : i32
        %dma_wait3A_352 = tpu.memref_slice %arg9[%mul3A_346, %dma_wait3A_351] : memref<2560x128xf32, #tpu.memory_space<hbm>> -> memref<64x128xf32, #tpu.memory_space<hbm>>
        %dma_wait3A_353 = arith.constant 0 : i32
        %dma_wait3A_354 = tpu.memref_slice %arg32[%mul3A_337, %dma_wait3A_353] : memref<640x128xf32, #tpu.memory_space<vmem_shared>> -> memref<64x128xf32, #tpu.memory_space<vmem_shared>>
        tpu.wait_dma2 semaphore(%run_scoped3A : memref<!tpu.dma_semaphore, #tpu.memory_space<semaphore_mem>>) src(%dma_wait3A_354 : memref<64x128xf32, #tpu.memory_space<vmem_shared>>) dst(%dma_wait3A_352 : memref<64x128xf32, #tpu.memory_space<hbm>>)
        tpu.yield
      }) : () -> ()
    } else {
    }
    %barrier3A_335 = arith.constant 0 : index
    tpu.barrier barrier_id(%barrier3A_335)
    return
  }
}

module attributes {stable_mosaic.version = 14 : i64} {
  func.func @_mm_body(%arg0: i32, %arg1: memref<400x256xf32, #tpu.memory_space<vmem>>, %arg2: memref<256x256xf32, #tpu.memory_space<vmem>>, %arg3: memref<1x256xf32, #tpu.memory_space<vmem>>, %arg4: memref<400x256xf32, #tpu.memory_space<vmem>>) attributes {dimension_semantics = [#tpu.dimension_semantics<arbitrary>], iteration_bounds = array<i64: 25>, scalar_prefetch = 0 : i64, scratch_operands = 0 : i64, tpu.core_type = #tpu.core_type<tc>, window_params = [{transform_indices = @transform_0, window_bounds = array<i64: 400, 256>}, {pipeline_mode = #tpu.pipeline_mode<synchronous>, transform_indices = @transform_1, window_bounds = array<i64: 256, 256>}, {pipeline_mode = #tpu.pipeline_mode<synchronous>, transform_indices = @transform_2, window_bounds = array<i64: 1, 256>}, {transform_indices = @transform_3, window_bounds = array<i64: 400, 256>}]} {
    %get3A = arith.constant 0 : index
    %get3A_0 = arith.constant 0 : index
    %get3A_1 = vector.load %arg1[%get3A, %get3A_0] : memref<400x256xf32, #tpu.memory_space<vmem>>, vector<400x256xf32>
    %get3A_2 = arith.constant 0 : index
    %get3A_3 = arith.constant 0 : index
    %get3A_4 = vector.load %arg2[%get3A_2, %get3A_3] : memref<256x256xf32, #tpu.memory_space<vmem>>, vector<256x256xf32>
    %dot_general3A = arith.constant dense<0.000000e+00> : vector<400x256xf32>
    %dot_general3A_5 = tpu.matmul %get3A_1, %get3A_4, %dot_general3A {dimension_numbers = #tpu.dot_dimension_numbers<[1], [0], [0], [1], [0, 0, 1, 1], [], []>, transpose_lhs_hint = false} : vector<400x256xf32>, vector<256x256xf32>, vector<400x256xf32> -> vector<400x256xf32>
    %get3A_6 = arith.constant 0 : index
    %get3A_7 = arith.constant 0 : index
    %get3A_8 = vector.load %arg3[%get3A_6, %get3A_7] : memref<1x256xf32, #tpu.memory_space<vmem>>, vector<1x256xf32>
    %get3A_9 = vector.shape_cast %get3A_8 : vector<1x256xf32> to vector<256xf32>
    %broadcast_in_dim3A = vector.shape_cast %get3A_9 : vector<256xf32> to vector<1x256xf32>
    %add3A = vector.broadcast %broadcast_in_dim3A : vector<1x256xf32> to vector<400x256xf32>
    %add3A_10 = arith.addf %dot_general3A_5, %add3A : vector<400x256xf32>
    %swap3A = arith.constant 0 : index
    %swap3A_11 = arith.constant 0 : index
    %swap3A_12 = vector.load %arg4[%swap3A, %swap3A_11] : memref<400x256xf32, #tpu.memory_space<vmem>>, vector<400x256xf32>
    tpu.vector_store %arg4[%swap3A, %swap3A_11], %add3A_10 {strides = array<i32>} : memref<400x256xf32, #tpu.memory_space<vmem>>, vector<400x256xf32>,
    return
  }
  func.func @transform_0(%arg0: i32) -> (i32, i32) {
    %c0_i32 = arith.constant 0 : i32
    %c0_i32_0 = arith.constant 0 : i32
    return %arg0, %c0_i32 : i32, i32
  }
  func.func @transform_1(%arg0: i32) -> (i32, i32) {
    %c0_i32 = arith.constant 0 : i32
    %c0_i32_0 = arith.constant 0 : i32
    %c0_i32_1 = arith.constant 0 : i32
    return %c0_i32, %c0_i32_0 : i32, i32
  }
  func.func @transform_2(%arg0: i32) -> (i32, i32) {
    %c0_i32 = arith.constant 0 : i32
    %c0_i32_0 = arith.constant 0 : i32
    %c0_i32_1 = arith.constant 0 : i32
    return %c0_i32, %c0_i32_0 : i32, i32
  }
  func.func @transform_3(%arg0: i32) -> (i32, i32) {
    %c0_i32 = arith.constant 0 : i32
    %c0_i32_0 = arith.constant 0 : i32
    return %arg0, %c0_i32 : i32, i32
  }
}

module attributes {stable_mosaic.version = 14 : i64} {
  func.func @_ln_elu_body(%arg0: i32, %arg1: memref<2x400x128xf32, #tpu.memory_space<vmem>>, %arg2: memref<400x4xf32, #tpu.memory_space<vmem>>, %arg3: memref<1x256xf32, #tpu.memory_space<vmem>>, %arg4: memref<1x256xf32, #tpu.memory_space<vmem>>, %arg5: memref<1x256xf32, #tpu.memory_space<vmem>>, %arg6: memref<400x256xf32, #tpu.memory_space<vmem>>) attributes {dimension_semantics = [#tpu.dimension_semantics<arbitrary>], iteration_bounds = array<i64: 25>, scalar_prefetch = 0 : i64, scratch_operands = 0 : i64, tpu.core_type = #tpu.core_type<tc>, window_params = [{transform_indices = @transform_0, window_bounds = array<i64: 2, 400, 128>}, {transform_indices = @transform_1, window_bounds = array<i64: 400, 4>}, {pipeline_mode = #tpu.pipeline_mode<synchronous>, transform_indices = @transform_2, window_bounds = array<i64: 1, 256>}, {pipeline_mode = #tpu.pipeline_mode<synchronous>, transform_indices = @transform_3, window_bounds = array<i64: 1, 256>}, {pipeline_mode = #tpu.pipeline_mode<synchronous>, transform_indices = @transform_4, window_bounds = array<i64: 1, 256>}, {transform_indices = @transform_5, window_bounds = array<i64: 400, 256>}]} {
    %get3A = arith.constant 0 : index
    %get3A_0 = arith.constant 0 : index
    %get3A_1 = arith.constant 0 : index
    %get3A_2 = vector.load %arg1[%get3A, %get3A_0, %get3A_1] : memref<2x400x128xf32, #tpu.memory_space<vmem>>, vector<1x400x128xf32>
    %get3A_3 = vector.shape_cast %get3A_2 : vector<1x400x128xf32> to vector<400x128xf32>
    %get3A_4 = arith.constant 1 : index
    %get3A_5 = arith.constant 0 : index
    %get3A_6 = arith.constant 0 : index
    %get3A_7 = vector.load %arg1[%get3A_4, %get3A_5, %get3A_6] : memref<2x400x128xf32, #tpu.memory_space<vmem>>, vector<1x400x128xf32>
    %get3A_8 = vector.shape_cast %get3A_7 : vector<1x400x128xf32> to vector<400x128xf32>
    %concatenate3A = tpu.concatenate %get3A_3, %get3A_8 in 1 : vector<400x128xf32>, vector<400x128xf32> -> vector<400x256xf32>
    %get3A_9 = arith.constant 0 : index
    %get3A_10 = arith.constant 0 : index
    %get3A_11 = vector.load %arg2[%get3A_9, %get3A_10] : memref<400x4xf32, #tpu.memory_space<vmem>>, vector<400x1xf32>
    %add3A = arith.constant 1.000000e-16 : f32
    %add3A_12 = vector.broadcast %add3A : f32 to vector<400x1xf32>
    %add3A_13 = arith.addf %get3A_11, %add3A_12 : vector<400x1xf32>
    %div3A = arith.constant 1.000000e+00 : f32
    %div3A_14 = vector.broadcast %div3A : f32 to vector<400x1xf32>
    %div3A_15 = arith.divf %div3A_14, %add3A_13 : vector<400x1xf32>
    %slice3A = vector.extract_strided_slice %concatenate3A {offsets = [0, 0], sizes = [400, 64], strides = [1, 1]} : vector<400x256xf32> to vector<400x64xf32>
    %mul3A = vector.broadcast %div3A_15 : vector<400x1xf32> to vector<400x64xf32>
    %mul3A_16 = arith.mulf %slice3A, %mul3A : vector<400x64xf32>
    %get3A_17 = arith.constant 0 : index
    %get3A_18 = arith.constant 1 : index
    %get3A_19 = vector.load %arg2[%get3A_17, %get3A_18] : memref<400x4xf32, #tpu.memory_space<vmem>>, vector<400x1xf32>
    %add3A_20 = arith.constant 1.000000e-16 : f32
    %add3A_21 = vector.broadcast %add3A_20 : f32 to vector<400x1xf32>
    %add3A_22 = arith.addf %get3A_19, %add3A_21 : vector<400x1xf32>
    %div3A_23 = arith.constant 1.000000e+00 : f32
    %div3A_24 = vector.broadcast %div3A_23 : f32 to vector<400x1xf32>
    %div3A_25 = arith.divf %div3A_24, %add3A_22 : vector<400x1xf32>
    %slice3A_26 = vector.extract_strided_slice %concatenate3A {offsets = [0, 64], sizes = [400, 64], strides = [1, 1]} : vector<400x256xf32> to vector<400x64xf32>
    %mul3A_27 = vector.broadcast %div3A_25 : vector<400x1xf32> to vector<400x64xf32>
    %mul3A_28 = arith.mulf %slice3A_26, %mul3A_27 : vector<400x64xf32>
    %get3A_29 = arith.constant 0 : index
    %get3A_30 = arith.constant 2 : index
    %get3A_31 = vector.load %arg2[%get3A_29, %get3A_30] : memref<400x4xf32, #tpu.memory_space<vmem>>, vector<400x1xf32>
    %add3A_32 = arith.constant 1.000000e-16 : f32
    %add3A_33 = vector.broadcast %add3A_32 : f32 to vector<400x1xf32>
    %add3A_34 = arith.addf %get3A_31, %add3A_33 : vector<400x1xf32>
    %div3A_35 = arith.constant 1.000000e+00 : f32
    %div3A_36 = vector.broadcast %div3A_35 : f32 to vector<400x1xf32>
    %div3A_37 = arith.divf %div3A_36, %add3A_34 : vector<400x1xf32>
    %slice3A_38 = vector.extract_strided_slice %concatenate3A {offsets = [0, 128], sizes = [400, 64], strides = [1, 1]} : vector<400x256xf32> to vector<400x64xf32>
    %mul3A_39 = vector.broadcast %div3A_37 : vector<400x1xf32> to vector<400x64xf32>
    %mul3A_40 = arith.mulf %slice3A_38, %mul3A_39 : vector<400x64xf32>
    %get3A_41 = arith.constant 0 : index
    %get3A_42 = arith.constant 3 : index
    %get3A_43 = vector.load %arg2[%get3A_41, %get3A_42] : memref<400x4xf32, #tpu.memory_space<vmem>>, vector<400x1xf32>
    %add3A_44 = arith.constant 1.000000e-16 : f32
    %add3A_45 = vector.broadcast %add3A_44 : f32 to vector<400x1xf32>
    %add3A_46 = arith.addf %get3A_43, %add3A_45 : vector<400x1xf32>
    %div3A_47 = arith.constant 1.000000e+00 : f32
    %div3A_48 = vector.broadcast %div3A_47 : f32 to vector<400x1xf32>
    %div3A_49 = arith.divf %div3A_48, %add3A_46 : vector<400x1xf32>
    %slice3A_50 = vector.extract_strided_slice %concatenate3A {offsets = [0, 192], sizes = [400, 64], strides = [1, 1]} : vector<400x256xf32> to vector<400x64xf32>
    %mul3A_51 = vector.broadcast %div3A_49 : vector<400x1xf32> to vector<400x64xf32>
    %mul3A_52 = arith.mulf %slice3A_50, %mul3A_51 : vector<400x64xf32>
    %concatenate3A_53 = tpu.concatenate %mul3A_16, %mul3A_28, %mul3A_40, %mul3A_52 in 1 : vector<400x64xf32>, vector<400x64xf32>, vector<400x64xf32>, vector<400x64xf32> -> vector<400x256xf32>
    %get3A_54 = arith.constant 0 : index
    %get3A_55 = arith.constant 0 : index
    %get3A_56 = vector.load %arg3[%get3A_54, %get3A_55] : memref<1x256xf32, #tpu.memory_space<vmem>>, vector<1x256xf32>
    %get3A_57 = vector.shape_cast %get3A_56 : vector<1x256xf32> to vector<256xf32>
    %broadcast_in_dim3A = vector.shape_cast %get3A_57 : vector<256xf32> to vector<1x256xf32>
    %add3A_58 = vector.broadcast %broadcast_in_dim3A : vector<1x256xf32> to vector<400x256xf32>
    %add3A_59 = arith.addf %concatenate3A_53, %add3A_58 : vector<400x256xf32>
    %reduce_sum3A = arith.constant dense<0.000000e+00> : vector<400xf32>
    %reduce_sum3A_60 = vector.multi_reduction <add>, %add3A_59, %reduce_sum3A [1] : vector<400x256xf32> to vector<400xf32>
    %broadcast_in_dim3A_61 = vector.shape_cast %reduce_sum3A_60 : vector<400xf32> to vector<400x1xf32>
    %div3A_62 = arith.constant 2.560000e+02 : f32
    %div3A_63 = vector.broadcast %div3A_62 : f32 to vector<400x1xf32>
    %div3A_64 = arith.divf %broadcast_in_dim3A_61, %div3A_63 : vector<400x1xf32>
    %sub3A = vector.broadcast %div3A_64 : vector<400x1xf32> to vector<400x256xf32>
    %sub3A_65 = arith.subf %add3A_59, %sub3A : vector<400x256xf32>
    %integer_pow3A = arith.mulf %sub3A_65, %sub3A_65 : vector<400x256xf32>
    %reduce_sum3A_66 = arith.constant dense<0.000000e+00> : vector<400xf32>
    %reduce_sum3A_67 = vector.multi_reduction <add>, %integer_pow3A, %reduce_sum3A_66 [1] : vector<400x256xf32> to vector<400xf32>
    %broadcast_in_dim3A_68 = vector.shape_cast %reduce_sum3A_67 : vector<400xf32> to vector<400x1xf32>
    %div3A_69 = arith.constant 2.560000e+02 : f32
    %div3A_70 = vector.broadcast %div3A_69 : f32 to vector<400x1xf32>
    %div3A_71 = arith.divf %broadcast_in_dim3A_68, %div3A_70 : vector<400x1xf32>
    %sub3A_72 = vector.broadcast %div3A_64 : vector<400x1xf32> to vector<400x256xf32>
    %sub3A_73 = arith.subf %add3A_59, %sub3A_72 : vector<400x256xf32>
    %add3A_74 = arith.constant 9.99999974E-6 : f32
    %add3A_75 = vector.broadcast %add3A_74 : f32 to vector<400x1xf32>
    %add3A_76 = arith.addf %div3A_71, %add3A_75 : vector<400x1xf32>
    %sqrt3A = math.sqrt %add3A_76 : vector<400x1xf32>
    %div3A_77 = vector.broadcast %sqrt3A : vector<400x1xf32> to vector<400x256xf32>
    %div3A_78 = arith.divf %sub3A_73, %div3A_77 : vector<400x256xf32>
    %get3A_79 = arith.constant 0 : index
    %get3A_80 = arith.constant 0 : index
    %get3A_81 = vector.load %arg4[%get3A_79, %get3A_80] : memref<1x256xf32, #tpu.memory_space<vmem>>, vector<1x256xf32>
    %get3A_82 = vector.shape_cast %get3A_81 : vector<1x256xf32> to vector<256xf32>
    %broadcast_in_dim3A_83 = vector.shape_cast %get3A_82 : vector<256xf32> to vector<1x256xf32>
    %mul3A_84 = vector.broadcast %broadcast_in_dim3A_83 : vector<1x256xf32> to vector<400x256xf32>
    %mul3A_85 = arith.mulf %div3A_78, %mul3A_84 : vector<400x256xf32>
    %get3A_86 = arith.constant 0 : index
    %get3A_87 = arith.constant 0 : index
    %get3A_88 = vector.load %arg5[%get3A_86, %get3A_87] : memref<1x256xf32, #tpu.memory_space<vmem>>, vector<1x256xf32>
    %get3A_89 = vector.shape_cast %get3A_88 : vector<1x256xf32> to vector<256xf32>
    %broadcast_in_dim3A_90 = vector.shape_cast %get3A_89 : vector<256xf32> to vector<1x256xf32>
    %add3A_91 = vector.broadcast %broadcast_in_dim3A_90 : vector<1x256xf32> to vector<400x256xf32>
    %add3A_92 = arith.addf %mul3A_85, %add3A_91 : vector<400x256xf32>
    %gt3A = arith.constant 0.000000e+00 : f32
    %gt3A_93 = vector.broadcast %gt3A : f32 to vector<400x256xf32>
    %gt3A_94 = arith.cmpf ogt, %add3A_92, %gt3A_93 : vector<400x256xf32>
    %min3A = arith.constant 0.000000e+00 : f32
    %min3A_95 = vector.broadcast %min3A : f32 to vector<400x256xf32>
    %min3A_96 = arith.minimumf %add3A_92, %min3A_95 : vector<400x256xf32>
    %exp3A = math.exp %min3A_96 : vector<400x256xf32>
    %sub3A_97 = arith.constant 1.000000e+00 : f32
    %sub3A_98 = vector.broadcast %sub3A_97 : f32 to vector<400x256xf32>
    %sub3A_99 = arith.subf %exp3A, %sub3A_98 : vector<400x256xf32>
    %select_n3A = arith.select %gt3A_94, %add3A_92, %sub3A_99 : vector<400x256xi1>, vector<400x256xf32>
    %swap3A = arith.constant 0 : index
    %swap3A_100 = arith.constant 0 : index
    %swap3A_101 = vector.load %arg6[%swap3A, %swap3A_100] : memref<400x256xf32, #tpu.memory_space<vmem>>, vector<400x256xf32>
    tpu.vector_store %arg6[%swap3A, %swap3A_100], %select_n3A {strides = array<i32>} : memref<400x256xf32, #tpu.memory_space<vmem>>, vector<400x256xf32>,
    return
  }
  func.func @transform_0(%arg0: i32) -> (i32, i32, i32) {
    %c0_i32 = arith.constant 0 : i32
    %c0_i32_0 = arith.constant 0 : i32
    %c0_i32_1 = arith.constant 0 : i32
    return %c0_i32, %arg0, %c0_i32_0 : i32, i32, i32
  }
  func.func @transform_1(%arg0: i32) -> (i32, i32) {
    %c0_i32 = arith.constant 0 : i32
    %c0_i32_0 = arith.constant 0 : i32
    return %arg0, %c0_i32 : i32, i32
  }
  func.func @transform_2(%arg0: i32) -> (i32, i32) {
    %c0_i32 = arith.constant 0 : i32
    %c0_i32_0 = arith.constant 0 : i32
    %c0_i32_1 = arith.constant 0 : i32
    return %c0_i32, %c0_i32_0 : i32, i32
  }
  func.func @transform_3(%arg0: i32) -> (i32, i32) {
    %c0_i32 = arith.constant 0 : i32
    %c0_i32_0 = arith.constant 0 : i32
    %c0_i32_1 = arith.constant 0 : i32
    return %c0_i32, %c0_i32_0 : i32, i32
  }
  func.func @transform_4(%arg0: i32) -> (i32, i32) {
    %c0_i32 = arith.constant 0 : i32
    %c0_i32_0 = arith.constant 0 : i32
    %c0_i32_1 = arith.constant 0 : i32
    return %c0_i32, %c0_i32_0 : i32, i32
  }
  func.func @transform_5(%arg0: i32) -> (i32, i32) {
    %c0_i32 = arith.constant 0 : i32
    %c0_i32_0 = arith.constant 0 : i32
    return %arg0, %c0_i32 : i32, i32
  }
}

</mosaic_0001>

<sc_bundles>
// kernel: kernel.6.cloned.1.call-start
scs
__scs_entry_jumppad:
0x0: {  	(pc) =	sbr.rel $0x88, $3  }
0x1: {  	(tag) =	ssettag $0x0;
	lr =	simm.s32 $0x1  }
0x2: {  	[smem:$0x3F97] =	sst lr;
	_ =	strace $0xD0000000  }
0x3: {  	_ = 	snop  }
0x4: {  	_ = 	snop  }
0x5: {  	_ = 	snop  }
0x6: {  	_ = 	snop  }
0x7: {  	_ = 	snop  }
__scs_overlays_trampoline_lowered:
0x8: {  	[smem:$0x3FA6] =	sst s0  }
0x9: {  	[smem:$0x3FA7] =	sst s1  }
0xa: {  	[smem:$0x3FA8] =	sst s2  }
0xb: {  	[smem:$0x3FA9] =	sst s3  }
0xc: {  	[smem:$0x3FAA] =	sst s4  }
0xd: {  	[smem:$0x3FAB] =	sst s5  }
0xe: {  	[smem:$0x3FAC] =	sst s6  }
0xf: {  	[smem:$0x3FAD] =	sst s7  }
0x10: {  	[smem:$0x3FAE] =	sst s8  }
0x11: {  	[smem:$0x3FAF] =	sst s9;
	s0 =	simm.s32 @!p0 $0x0  }
0x12: {  	s1 =	sld [smem:$0x3F95];
	s0 =	simm.s32 @p0 $0x1  }
0x13: {  	[smem:$0x3FB0] =	sst s0;
	s0 =	simm.s32 @!p1 $0x0  }
0x14: {  	s2 =	sld [smem:$0x3F94];
	s0 =	simm.s32 @p1 $0x1  }
0x15: {  	[smem:$0x3FB1] =	sst s0;
	s0 =	simm.s32 @!p2 $0x0  }
0x16: {  	s3 =	sld [smem:$0x3FDB];
	s0 =	simm.s32 @p2 $0x1  }
0x17: {  	s4 =	simm.s32 $0x1BF5;
	[smem:$0x3FB3] =	sst s0  }
0x18: {  	s0 =	sld [smem:$0x3F96];
	_ =	swait.ge [sflag:s4], $0x0  }
0x19: {  	s7 =	sld [smem:$0x3F97]  }
0x1a: {  	s8 =	sadd.s32 $0xFFFFE003, lr  }
0x1b: {  	s9 =	sadd.s32 $0xFFFFFEF7, lr;
	s5 =	simm.s32 $0xFFFFFFFF;
	p2 =	slt.u32 s8, $0xFFFFF086  }
0x1c: {  	p1 =	slt.u32 s9, $0xF7A;
	s5 =	simm.s32 @!p2 $0x0  }
0x1d: {  	s5 =	simm.s32 @p1 $0x1;
	p0 =	seq.s32 s7, s2  }
0x1e: {  	s7 =	smul.u32 @!p0 $0xF7A, s2;
	p2 =	seq.s32 @!p0 s5, $0x0  }
0x1f: {  	s9 =	smul.u32 $0xF7A, s1;
	s8 =	simm.s32 @!p0 $0x1BF5;
	p2 =	por !p2, p0  }
0x20: {  	[sflag:s8] =	ssyncset.s32 @!p0 $0xFFFFF086;
	s6 =	sadd.s32 @!p0 s3, s7;
	s7 =	simm.s32 @!p0 $0x108  }
0x21: {  	s3 =	sadd.s32 s3, s9;
	s6 =	sadd.s32 @!p0 $0x88, s6;
	s7 =	simm.s32 @p2 $0x1082  }
0x22: {  	[simem:s7], [sflag:s8] =	dma.local @!p0 [hbm:s6], $0xF7A  }
0x23: {  	s9 =	sor.u32 $0xD0000000, s2;
	s6 =	simm.s32 $0x108;
	_ =	swait.ge @!p0 [sflag:s8], $0x0  }
0x24: {  	s3 =	sadd.s32 $0x88, s3;
	s6 =	simm.s32 @!p1 $0x1082;
	[sflag:s4] =	ssyncset.s32 $0xFFFFF086  }
0x25: {  	[simem:s6], [sflag:s4] =	dma.local [hbm:s3], $0xF7A  }
0x26: {  	[smem:$0x3F97] =	sst s1;
	(tag) =	ssettag s2;
	_ =	strace s9  }
0x27: {  	s1 =	sld [smem:$0x3FA7]  }
0x28: {  	s2 =	sld [smem:$0x3FA8]  }
0x29: {  	s4 =	sld [smem:$0x3FAA]  }
0x2a: {  	p0 =	seq.s32 s5, $0x0;
	s5 =	sld [smem:$0x3FAB]  }
0x2b: {  	s6 =	sld [smem:$0x3FAC]  }
0x2c: {  	s7 =	sld [smem:$0x3FAD]  }
0x2d: {  	s3 =	simm.s32 $0x108;
	s8 =	sld [smem:$0x3FAE]  }
0x2e: {  	s3 =	simm.s32 @!p0 $0x1082;
	s9 =	sld [smem:$0x3FAF]  }
0x2f: {  	lr =	sadd.s32 s0, s3;
	s0 =	sld [smem:$0x3FA6]  }
0x30: {  	s3 =	sld [smem:$0x3FA9]  }
0x31: {  	[smem:$0x3FB2] =	sst s10  }
0x32: {  	s10 =	sld [smem:$0x3FB0];
	_ =	sdelay $0x3  }
0x33: {  	p0 =	seq.s32 s10, $0x1;
	s10 =	sld [smem:$0x3FB2];
	_ =	sdelay $0x3  }
0x34: {  	[smem:$0x3FB2] =	sst s10  }
0x35: {  	s10 =	sld [smem:$0x3FB1];
	_ =	sdelay $0x3  }
0x36: {  	p1 =	seq.s32 s10, $0x1;
	s10 =	sld [smem:$0x3FB2];
	_ =	sdelay $0x3  }
0x37: {  	[smem:$0x3FB2] =	sst s10  }
0x38: {  	s10 =	sld [smem:$0x3FB3]  }
0x39: {  	_ = 	snop;
	(pc) =	sbr.ind lr, $3  }
0x3a: {  	_ = 	snop  }
0x3b: {  	_ = 	snop  }
0x3c: {  	p2 =	seq.s32 s10, $0x1;
	s10 =	sld [smem:$0x3FB2]  }
0x3d: {  	_ =	shalt  }
0x3e: {  	_ =	shalt  }
0x3f: {  	_ =	shalt  }
0x40: {  	_ =	shalt  }
0x41: {  	_ =	shalt  }
0x42: {  	_ =	shalt  }
0x43: {  	_ =	shalt  }
0x44: {  	_ =	shalt  }
0x45: {  	_ =	shalt  }
0x46: {  	_ =	shalt  }
0x47: {  	_ =	shalt  }
0x48: {  	_ =	shalt  }
0x49: {  	_ =	shalt  }
0x4a: {  	_ =	shalt  }
0x4b: {  	_ =	shalt  }
0x4c: {  	_ =	shalt  }
0x4d: {  	_ =	shalt  }
0x4e: {  	_ =	shalt  }
0x4f: {  	_ =	shalt  }
0x50: {  	_ =	shalt  }
0x51: {  	_ =	shalt  }
0x52: {  	_ =	shalt  }
0x53: {  	_ =	shalt  }
0x54: {  	_ =	shalt  }
0x55: {  	_ =	shalt  }
0x56: {  	_ =	shalt  }
0x57: {  	_ =	shalt  }
0x58: {  	_ =	shalt  }
0x59: {  	_ =	shalt  }
0x5a: {  	_ =	shalt  }
0x5b: {  	_ =	shalt  }
0x5c: {  	_ =	shalt  }
0x5d: {  	_ =	shalt  }
0x5e: {  	_ =	shalt  }
0x5f: {  	_ =	shalt  }
0x60: {  	_ =	shalt  }
0x61: {  	_ =	shalt  }
0x62: {  	_ =	shalt  }
0x63: {  	_ =	shalt  }
0x64: {  	_ =	shalt  }
0x65: {  	_ =	shalt  }
0x66: {  	_ =	shalt  }
0x67: {  	_ =	shalt  }
0x68: {  	_ =	shalt  }
0x69: {  	_ =	shalt  }
0x6a: {  	_ =	shalt  }
0x6b: {  	_ =	shalt  }
0x6c: {  	_ =	shalt  }
0x6d: {  	_ =	shalt  }
0x6e: {  	_ =	shalt  }
0x6f: {  	_ =	shalt  }
0x70: {  	_ =	shalt  }
0x71: {  	_ =	shalt  }
0x72: {  	_ =	shalt  }
0x73: {  	_ =	shalt  }
0x74: {  	_ =	shalt  }
0x75: {  	_ =	shalt  }
0x76: {  	_ =	shalt  }
0x77: {  	_ =	shalt  }
0x78: {  	_ =	shalt  }
0x79: {  	_ =	shalt  }
0x7a: {  	_ =	shalt  }
0x7b: {  	_ =	shalt  }
0x7c: {  	_ =	shalt  }
0x7d: {  	_ =	shalt  }
0x7e: {  	_ =	shalt  }
0x7f: {  	_ =	shalt  }
0x80: {  	_ =	shalt  }
0x81: {  	_ =	shalt  }
0x82: {  	_ =	shalt  }
0x83: {  	_ =	shalt  }
0x84: {  	_ =	shalt  }
0x85: {  	_ =	shalt  }
0x86: {  	_ =	shalt  }
0x87: {  	_ =	shalt  }
.Lfunc_end0:
.L_simem_size_0:
called_computation_lowered:
.L_overlay_start_0:
0x88: {  	s2 =	sld [smem:$0x3FD9]  }
0x89: {  	s3 =	sld [smem:$0x3FFE];
	_ =	sdelay $0x1  }
0x8a: {  	s1 =	srdreg.scid  }
0x8b: {  	s0 =	sand.u32 $0x1, s1  }
0x8c: {  	s17 =	sshll.u32 s0, $0xA;
	s2 =	sadd.s32 s3, s2  }
0x8d: {  	s2 =	sadd.s32 s2, s17  }
0x8e: {  	[smem:$0x3FBE] =	sst s2  }
0x8f: {  	_ = 	snop  }
0x90: {  	s2 =	sld [smem:$0x3FD0];
	(tm) =	ssettm $0x1  }
0x91: {  	s18 =	sld [smem:$0x3FFB];
	_ =	sdelay $0x3  }
0x92: {  	_ =	strace s18  }
0x93: {  	s3 =	sld [smem:$0x3FFC];
	_ =	sdelay $0x3  }
0x94: {  	_ =	strace s3  }
0x95: {  	s3 =	sld [smem:$0x3FFD];
	_ =	sdelay $0x3  }
0x96: {  	_ =	strace s3  }
0x97: {  	_ =	strace $0x8FFFFFFF  }
0x98: {  	s19 =	sld [smem:$0x3FDB];
	_ =	sdelay $0x1  }
0x99: {  	s4 =	simm.s32 $_scs_section_size  }
0x9a: {  	s5 =	simm.s32 $_size__tile_overlayer_lowered;
	s6 =	simm.s32 $_tile_overlayer_lowered  }
0x9b: {  	s22 =	simm.s32 $0x1BFF;
	s21 =	sshll.u32 s6, $0x1;
	s3 =	sadd.s32 s4, s19  }
0x9c: {  	s7 =	simm.s32 $0x0;
	s20 =	sshll.u32 s5, $0x1;
	s5 =	sadd.s32 s21, s3  }
0x9d: {  	[timem:s7], [sflag:s22] =	dma.local [hbm:s5], s20  }
0x9e: {  	_ =	swait.ge [sflag:s22], s20  }
0x9f: {  	s4 =	ssub.s32 $0x0, s20;
	[sflag:s22] =	ssyncset.done $0x0  }
0xa0: {  	[sflag:s22] =	ssyncadd.s32 s4;
	_ =	sdelay $0x1  }
0xa1: {  	s23 =	simm.s32 $0x1B8B  }
0xa2: {  	_ =	swait.ge [sflag:s23], $0x1  }
0xa3: {  	[sflag:s23] =	ssyncset.done $0x0  }
0xa4: {  	s25 =	simm.s32 $0x1B8E;
	s24 =	sld [smem:$0x3FFE];
	[sflag:s23] =	ssyncadd.s32 $0xFFFFFFFF  }
0xa5: {  	s26 =	simm.s32 $execute0_lowered;
	[smem:$0x3FD2] =	sst s25  }
0xa6: {  	s5 =	sshll.u32 s26, $0x1;
	_ =	strace $0x80000046;
	[dreg:$0x1] =	wrdreg $0xFFFFFFFF  }
0xa7: {  	s28 =	simm.s32 $_size_execute0_lowered;
	s3 =	sadd.s32 s3, s5;
	[dreg:$0x0] =	wrdreg $0x0  }
0xa8: {  	s5 =	sshll.u32 s28, $0x1;
	[dreg:$0x2] =	wrdreg s3  }
0xa9: {  	[dreg:$0x3] =	wrdreg s5  }
0xaa: {  	[dreg:$0x4] =	wrdreg $0xC0  }
0xab: {  	_ =	task [dreg:s7], $0x5FFFF  }
0xac: {  	[dreg:$0x1] =	wrdreg $0xFFFFFFFF  }
0xad: {  	[dreg:$0x0] =	wrdreg $0x60  }
0xae: {  	[dreg:$0x2] =	wrdreg s2  }
0xaf: {  	[dreg:$0x3] =	wrdreg s24  }
0xb0: {  	[dreg:$0x4] =	wrdreg $0x106800  }
0xb1: {  	[dreg:$0x5] =	wrdreg $0x1A8800  }
0xb2: {  	[dreg:$0x6] =	wrdreg $0x9  }
0xb3: {  	_ =	task.clear_ibuf [dreg:s7], $0x7FFFF;
	_ =	strace $0x90000046  }
0xb4: {  	s29 =	simm.s32 $0x9;
	_ =	strace $0x80000048  }
0xb5: {  	_ =	swait.ge [sflag:s29], $0x1  }
0xb6: {  	[sflag:s29] =	ssyncadd.s32 $0xFFFFFFFF  }
0xb7: {  	_ =	strace $0x90000048  }
0xb8: {  	_ =	sfence  }
0xb9: {  	s30 =	sld [smem:$0x0];
	_ =	sdelay $0x2  }
0xba: {  	s31 =	sshll.u32 s1, $0xD;
	s1 =	sshrl.u32 s1, $0x2  }
0xbb: {  	s3 =	sand.u32 $0x4000, s31;
	s1 =	sadd.s32 s1, s30  }
0xbc: {  	s0 =	sor.u32 s3, s0;
	s1 =	sshll.u32 s1, $0x11  }
0xbd: {  	s0 =	sor.u32 s1, s0  }
0xbe: {  	s0 =	sadd.s32 $0x8F2B, s0  }
0xbf: {  	[sflag:s0] =	ssyncadd.remote.s32 $0x1  }
0xc0: {  	_ =	sfence.sel $0xFFFF  }
0xc1: {  	[dreg:$0x0] =	wrdreg $0xFFFFFFFF;
	(pc) =	sbr.abs _section_cstart, $3  }
0xc2: {  	[dreg:$0x1] =	wrdreg $0xFFFFFFFF  }
0xc3: {  	_ =	task.clear_ibuf [dreg:s7], $0x2FFFF;
	_ =	strace $0x9FFFFFFF  }
0xc4: {  	(tm) =	ssettm $0x7FFFFFFF  }
0xc5: {  	_ =	shalt  }
tec
execute0_lowered:
.L_overlay_start_1:
0x0: {  	(tag) =	ssettag $0x1  }
0x1: {  	s1 =	srdreg.scid;
	s7 =	rddreg [dreg:$0x1];
	s0 =	simm.s32 $0x0  }
0x2: {  	s26 =	stileid.u32;
	s28 =	simm.s32 $0x3;
	s31 =	simm.s32 $0x2  }
0x3: {  	s11 =	sand.u32 $0x1, s1;
	[smem:$0x7FF] =	sst s0;
	s10 =	smul.u32 $0x28, s26  }
0x4: {  	s12 =	sadd.s32 $0x304C00, s7;
	s9 =	sor.u32 $0x10, s26;
	s2 =	smul.u32 $0x2710, s11  }
0x5: {  	s4 =	sor.u32 $0x20, s26;
	s5 =	sor.u32 $0x30, s26;
	s13 =	smul.u32 $0x28, s9  }
0x6: {  	s6 =	sor.u32 $0x40, s26;
	p0 =	sne.s32 s26, $0x0;
	s14 =	smul.u32 $0x28, s4  }
0x7: {  	p1 =	sgt.u32 s26, $0xC;
	s1 =	ssub.s32 $0x2, s11;
	s16 =	smul.u32 $0x28, s5  }
0x8: {  	p2 =	sgt.u32 s26, $0x9;
	s17 =	smul.u32 $0x28, s6;
	s3 =	sshrl.u32 s1, $0x1  }
0x9: {  	s1 =	ssub.s32 s1, s3;
	s20 =	sadd.s32 s10, s2;
	s3 =	sor.u32 $0x50, s26  }
0xa: {  	s21 =	sadd.s32 s2, s13;
	s15 =	sadd.s32 s2, s14;
	s23 =	sadd.s32 s2, s16  }
0xb: {  	s18 =	sadd.s32 s2, s17;
	s8 =	sshll.u32 s20, $0x4;
	s19 =	smul.u32 $0x28, s3  }
0xc: {  	s15 =	sshll.u32 s15, $0x4;
	s18 =	sshll.u32 s18, $0x4;
	s3 =	smul.u32 $0x5000, s3  }
0xd: {  	s1 =	smax.u32 s1, $0x1;
	s8 =	sadd.s32 s12, s8;
	s22 =	sadd.s32 s12, s15  }
0xe: {  	s15 =	sshll.u32 s23, $0x4;
	s24 =	sadd.s32 s12, s18;
	[dreg:$0x5] =	wrdreg s8  }
0xf: {  	s8 =	sshll.u32 s21, $0x4;
	[dreg:$0x7] =	wrdreg s22;
	s15 =	sadd.s32 s12, s15  }
0x10: {  	[dreg:$0x9] =	wrdreg s24;
	s25 =	sadd.s32 s2, s19;
	s21 =	sadd.s32 $0x1388, s2  }
0x11: {  	s3 =	sshrl.u32 s3, $0x2;
	s8 =	sadd.s32 s12, s8;
	[dreg:$0x8] =	wrdreg s15  }
0x12: {  	s15 =	sshll.u32 s25, $0x4;
	s22 =	sadd.s32 s10, s21;
	s10 =	sor.u32 $0x70, s26  }
0x13: {  	s13 =	sadd.s32 s13, s21;
	s14 =	sadd.s32 s14, s21;
	s16 =	sadd.s32 s16, s21  }
0x14: {  	s17 =	sadd.s32 s17, s21;
	s19 =	sadd.s32 s19, s21;
	[dreg:$0x6] =	wrdreg s8  }
0x15: {  	s8 =	sor.u32 $0x60, s26;
	s23 =	smul.u32 $0x28, s10;
	s15 =	sadd.s32 s12, s15  }
0x16: {  	s13 =	sshll.u32 s13, $0x4;
	s24 =	sshll.u32 s16, $0x4;
	s16 =	rddreg [dreg:$0x0]  }
0x17: {  	s25 =	sshll.u32 s17, $0x4;
	s17 =	rddreg [dreg:$0x2];
	s20 =	smul.u32 $0x28, s8  }
0x18: {  	s22 =	sshll.u32 s22, $0x4;
	[dreg:$0xa] =	wrdreg s15;
	s13 =	sadd.s32 s12, s13  }
0x19: {  	s3 =	sadd.s32 s3, s17;
	[dreg:$0xe] =	wrdreg s13;
	s29 =	sadd.s32 s2, s20  }
0x1a: {  	s20 =	sadd.s32 s20, s21;
	s21 =	sadd.s32 s23, s21;
	s23 =	sadd.s32 s2, s23  }
0x1b: {  	s18 =	sshll.u32 s29, $0x4;
	s29 =	sadd.s32 s12, s25;
	s25 =	sadd.s32 $0x5AC00, s7  }
0x1c: {  	s30 =	sadd.s32 s12, s18;
	s18 =	sshll.u32 s23, $0x4;
	s23 =	sshll.u32 s14, $0x4  }
0x1d: {  	[dreg:$0x11] =	wrdreg s29;
	s14 =	sshll.u32 s20, $0x4;
	s20 =	sshll.u32 s9, $0xD  }
0x1e: {  	s29 =	sshll.u32 s4, $0xD;
	s4 =	smul.u32 $0x5000, s4;
	[dreg:$0xb] =	wrdreg s30  }
0x1f: {  	s15 =	sadd.s32 s12, s18;
	s13 =	sadd.s32 s12, s23;
	s30 =	sshll.u32 s19, $0x4  }
0x20: {  	s18 =	smul.u32 $0x14, s11;
	s11 =	sshll.u32 s11, $0x4;
	[dreg:$0xc] =	wrdreg s15  }
0x21: {  	s23 =	sadd.s32 $0x55800, s7;
	s15 =	sadd.s32 s12, s22;
	[dreg:$0xf] =	wrdreg s13  }
0x22: {  	s13 =	sadd.s32 s12, s24;
	s11 =	sadd.s32 s11, s7;
	s22 =	sadd.s32 $0x7600, s7  }
0x23: {  	s24 =	sadd.s32 $0x2200, s7;
	s4 =	sshrl.u32 s4, $0x2;
	[dreg:$0xd] =	wrdreg s15  }
0x24: {  	[dreg:$0x10] =	wrdreg s13;
	s13 =	sadd.s32 s12, s30;
	s15 =	sshll.u32 s21, $0x4  }
0x25: {  	s21 =	rddreg [dreg:$0x3];
	s19 =	sadd.s32 s26, s18;
	s18 =	smul.u32 $0x2A000, s26  }
0x26: {  	s11 =	sadd.s32 $0x2000, s11;
	s30 =	sshll.u32 s5, $0xD;
	s5 =	smul.u32 $0x5000, s5  }
0x27: {  	s4 =	sadd.s32 s4, s17;
	[dreg:$0x12] =	wrdreg s13;
	s13 =	sadd.s32 s12, s14  }
0x28: {  	s12 =	sadd.s32 s12, s15;
	s15 =	sshll.u32 s26, $0xD;
	[dreg:$0x13] =	wrdreg s13  }
0x29: {  	s14 =	smul.u32 $0x5000, s10;
	[dreg:$0x14] =	wrdreg s12;
	s12 =	sshll.u32 s19, $0xA  }
0x2a: {  	s19 =	sadd.s32 s15, s17;
	_ =	strace $0x80000047;
	[dreg:$0x15] =	wrdreg s11  }
0x2b: {  	s10 =	simm.s32 $0x6;
	s13 =	smul.u32 $0x540, s26;
	[dreg:$0x1a] =	wrdreg s19  }
0x2c: {  	s12 =	sadd.s32 s12, s7;
	s7 =	sadd.s32 s20, s17;
	[smem:$0x7F4] =	sst s4  }
0x2d: {  	s11 =	sshll.u32 s6, $0xD;
	s20 =	smul.u32 $0x5000, s26;
	[smem:$0x7F7] =	sst s3  }
0x2e: {  	s6 =	smul.u32 $0x5000, s6;
	s19 =	sshrl.u32 s14, $0x2;
	[smem:$0x7FC] =	sst s1  }
0x2f: {  	[dreg:$0x16] =	wrdreg s7;
	s7 =	sadd.s32 s29, s17;
	s29 =	sadd.s32 s23, s13  }
0x30: {  	s3 =	sadd.s32 s19, s17;
	s19 =	smul.u32 $0xA8, s26;
	[dreg:$0x17] =	wrdreg s7  }
0x31: {  	s1 =	simm.s32 $0x5;
	s7 =	smul.u32 $0x5000, s9;
	[dreg:$0x1c] =	wrdreg s29  }
0x32: {  	s9 =	sadd.s32 s30, s17;
	s30 =	sadd.s32 s25, s18;
	[smem:$0x7F9] =	sst s3  }
0x33: {  	s29 =	sadd.s32 $0x2FD400, s12;
	s3 =	simm.s32 $0x0;
	[dreg:$0x18] =	wrdreg s9  }
0x34: {  	s9 =	sadd.s32 s11, s17;
	s11 =	sadd.s32 s24, s13;
	[dreg:$0x1e] =	wrdreg s30  }
0x35: {  	s13 =	sshrl.u32 s6, $0x2;
	[smem:$0x7FB] =	sst s29;
	s30 =	sadd.s32 $0xA0000, s17  }
0x36: {  	s26 =	sor.u32 $0x2, s19;
	s6 =	simm.s32 $0xC680;
	[dreg:$0x19] =	wrdreg s9  }
0x37: {  	s9 =	sadd.s32 s15, s21;
	[dreg:$0x1d] =	wrdreg s11;
	s7 =	sshrl.u32 s7, $0x2  }
0x38: {  	s11 =	smul.u32 $0x5000, s8;
	[smem:$0x7FD] =	sst s30;
	s8 =	simm.s32 $0x1  }
0x39: {  	[dreg:$0x1b] =	wrdreg s9;
	s9 =	sshrl.u32 s20, $0x2;
	s7 =	sadd.s32 s7, s17  }
0x3a: {  	s20 =	sadd.s32 $0x2FAC00, s12;
	s9 =	sadd.s32 s9, s17;
	[smem:$0x7F3] =	sst s7  }
.Ltmp0:
0x3b: {  	s15 =	sshrl.u32 s11, $0x2;
	[smem:$0x7FA] =	sst s20;
	(pc) =	sbr.rel .LBB2_1-.Ltmp0, $4  }
0x3c: {  	[dreg:$0x1f] =	wrdreg s9;
	s9 =	sshrl.u32 s5, $0x2;
	s18 =	sadd.s32 s15, s17  }
0x3d: {  	s7 =	simm.s32 $0xE680;
	s4 =	sadd.s32 s9, s17;
	[smem:$0x7F8] =	sst s18  }
0x3e: {  	s11 =	simm.s32 $0x4;
	[smem:$0x7F5] =	sst s4;
	s4 =	sadd.s32 s13, s17  }
0x3f: {  	v1 =	vimm.f32 $0.0e+00;
	v0 =	vmov s2;
	s9 =	simm.s32 $0x40;
	[smem:$0x7F6] =	sst s4;
	s4 =	simm.s32 $0x7  }
.LBB2_35:
0x40: {  	_ =	swait.ge [sflag:s1], $0x2000  }
0x41: {  	[sflag:s1] =	ssyncset.done $0x0  }
0x42: {  	[sflag:s1] =	ssyncadd.s32 $0xFFFFE000  }
0x43: {  	_ =	swait.ge [sflag:s10], $0x2000  }
0x44: {  	[sflag:s10] =	ssyncset.done $0x0  }
0x45: {  	[sflag:s10] =	ssyncadd.s32 $0xFFFFE000  }
0x46: {  	[bflag:$0x0] =	sbarrier.arrive $0xFFFF  }
0x47: {  	s3 =	sld [smem:$0x7F0]  }
0x48: {  	s4 =	sld [smem:$0x7E8];
	_ =	sdelay $0x1  }
0x49: {  	s2 =	rddreg [dreg:$0xd]  }
0x4a: {  	[hbm:s2], [sflag:s3] =	dma.local [spmem:s4], $0x280  }
0x4b: {  	s4 =	simm.s32 $0x7  }
0x4c: {  	_ =	swait.ge [sflag:s4], $0x280  }
0x4d: {  	s5 =	sld [smem:$0x7E9]  }
0x4e: {  	[sflag:s4] =	ssyncset.done $0x0  }
0x4f: {  	s15 =	rddreg [dreg:$0xe];
	[sflag:s4] =	ssyncadd.s32 $0xFFFFFD80  }
0x50: {  	[hbm:s15], [sflag:s3] =	dma.local [spmem:s5], $0x280  }
0x51: {  	_ =	swait.ge [sflag:s4], $0x280  }
0x52: {  	s20 =	sld [smem:$0x7EA]  }
0x53: {  	[sflag:s4] =	ssyncset.done $0x0  }
0x54: {  	s18 =	rddreg [dreg:$0xf];
	[sflag:s4] =	ssyncadd.s32 $0xFFFFFD80  }
0x55: {  	[hbm:s18], [sflag:s3] =	dma.local [spmem:s20], $0x280  }
0x56: {  	_ =	swait.ge [sflag:s4], $0x280  }
0x57: {  	s30 =	sld [smem:$0x7EB]  }
0x58: {  	[sflag:s4] =	ssyncset.done $0x0  }
0x59: {  	s29 =	rddreg [dreg:$0x10];
	[sflag:s4] =	ssyncadd.s32 $0xFFFFFD80  }
0x5a: {  	[hbm:s29], [sflag:s3] =	dma.local [spmem:s30], $0x280  }
0x5b: {  	_ =	swait.ge [sflag:s4], $0x280  }
0x5c: {  	s13 =	sld [smem:$0x7EC]  }
0x5d: {  	[sflag:s4] =	ssyncset.done $0x0  }
0x5e: {  	s12 =	rddreg [dreg:$0x11];
	[sflag:s4] =	ssyncadd.s32 $0xFFFFFD80  }
0x5f: {  	[hbm:s12], [sflag:s3] =	dma.local [spmem:s13], $0x280  }
0x60: {  	_ =	swait.ge [sflag:s4], $0x280  }
0x61: {  	s15 =	sld [smem:$0x7ED]  }
0x62: {  	[sflag:s4] =	ssyncset.done $0x0  }
0x63: {  	s14 =	rddreg [dreg:$0x12];
	[sflag:s4] =	ssyncadd.s32 $0xFFFFFD80  }
0x64: {  	[hbm:s14], [sflag:s3] =	dma.local [spmem:s15], $0x280  }
0x65: {  	_ =	swait.ge [sflag:s4], $0x280  }
0x66: {  	s20 =	sld [smem:$0x7EE]  }
0x67: {  	[sflag:s4] =	ssyncset.done $0x0  }
0x68: {  	s18 =	rddreg [dreg:$0x13];
	[sflag:s4] =	ssyncadd.s32 $0xFFFFFD80  }
0x69: {  	[hbm:s18], [sflag:s3] =	dma.local [spmem:s20], $0x280  }
0x6a: {  	_ =	swait.ge [sflag:s4], $0x280  }
0x6b: {  	s5 =	sld [smem:$0x7EF]  }
0x6c: {  	[sflag:s4] =	ssyncset.done $0x0  }
0x6d: {  	s2 =	rddreg [dreg:$0x14];
	[sflag:s4] =	ssyncadd.s32 $0xFFFFFD80  }
0x6e: {  	[hbm:s2], [sflag:s3] =	dma.local @!p1 [spmem:s5], $0x280  }
0x6f: {  	s2 =	simm.s32 @!p1 $0x7  }
0x70: {  	_ =	swait.ge @!p1 [sflag:s2], $0x280  }
0x71: {  	[sflag:s2] =	ssyncset.done @!p1 $0x0;
	s5 =	sld [smem:$0x7F1]  }
0x72: {  	[sflag:s2] =	ssyncadd.s32 @!p1 $0xFFFFFD80;
	s2 =	sld [smem:$0x7FB];
	_ =	sdelay $0x2  }
0x73: {  	[hbm:s2], [sflag:s3] =	dma.local @p3 [spmem:s5], $0x400  }
0x74: {  	s2 =	simm.s32 @p3 $0x7  }
0x75: {  	_ =	swait.ge @p3 [sflag:s2], $0x400  }
0x76: {  	s29 =	sld [smem:$0x7F2]  }
0x77: {  	s30 =	sld [smem:$0x7FC];
	_ =	sdelay $0x1  }
0x78: {  	[sflag:s2] =	ssyncset.done @p3 $0x0;
	s3 =	sadd.s32 $0x1, s29  }
0x79: {  	[sflag:s2] =	ssyncadd.s32 @p3 $0xFFFFFC00;
	p3 =	sne.s32 s3, s30  }
.Ltmp1:
0x7a: {  	_ = 	snop;
	(pc) =	sbr.rel @!p3 .LBB2_36-.Ltmp1, $2  }
0x7b: {  	_ =	sdelay $0x1  }
0x7c: {  	[bflag:$0x0] =	sbarrier.arrive $0xFFFF;
	_ =	sdelay $0x1  }
.LBB2_1:
0x7d: {  	[smem:$0x7F2] =	sst s3  }
0x7e: {  	s2 =	rddreg [dreg:$0x15];
	s30 =	simm.s32 $0xC600  }
0x7f: {  	[tilespmem:s30], [sflag:$0x7] =	stream.linear.gather [hbm4b:s2+s0], $0x80, $0x38;
	[tilespmem:$0x1BC80] =	vst v63  }
0x80: {  	_ =	swait.ge [sflag:s4], $0x80  }
0x81: {  	[sflag:s4] =	ssyncset.done $0x0  }
0x82: {  	s3 =	simm.s32 $0x200;
	s2 =	simm.s32 $0x0;
	[sflag:s4] =	ssyncadd.s32 $0xFFFFFF80  }
.LBB2_2:
0x83: {  	p3 =	sne.s32 s3, $0x7E00;
	[tilespmem:s2+$0xE6F0] =	vst v1  }
0x84: {  	[tilespmem:s2+$0xC680] =	vst v1  }
0x85: {  	[tilespmem:s2+$0xE680] =	vst v1  }
0x86: {  	[tilespmem:s2+$0xC690] =	vst v1  }
0x87: {  	[tilespmem:s2+$0xE690] =	vst v1  }
0x88: {  	[tilespmem:s2+$0xC6A0] =	vst v1  }
0x89: {  	[tilespmem:s2+$0xE6A0] =	vst v1  }
0x8a: {  	[tilespmem:s2+$0xC6B0] =	vst v1  }
0x8b: {  	[tilespmem:s2+$0xE6B0] =	vst v1  }
0x8c: {  	[tilespmem:s2+$0xC6C0] =	vst v1  }
0x8d: {  	[tilespmem:s2+$0xE6C0] =	vst v1  }
.Ltmp2:
0x8e: {  	[tilespmem:s2+$0xC6D0] =	vst v1;
	(pc) =	sbr.rel @p3 .LBB2_2-.Ltmp2, $4  }
0x8f: {  	[tilespmem:s2+$0xE6D0] =	vst v1  }
0x90: {  	[tilespmem:s2+$0xC6E0] =	vst v1  }
0x91: {  	[tilespmem:s2+$0xE6E0] =	vst v1  }
0x92: {  	[tilespmem:s2+$0xC6F0] =	vst v1;
	s2 =	sshra.s32 s3, $0x2;
	s3 =	sadd.s32 $0x200, s3  }
0x93: {  	[tilespmem:s2+$0xE6F0] =	vst v1  }
0x94: {  	[tilespmem:s2+$0xC680] =	vst v1  }
0x95: {  	[tilespmem:s2+$0xE680] =	vst v1  }
0x96: {  	[tilespmem:s2+$0xC690] =	vst v1  }
0x97: {  	[tilespmem:s2+$0xE690] =	vst v1  }
0x98: {  	[tilespmem:s2+$0xC6A0] =	vst v1  }
0x99: {  	[tilespmem:s2+$0xE6A0] =	vst v1  }
0x9a: {  	[tilespmem:s2+$0xC6B0] =	vst v1  }
0x9b: {  	[tilespmem:s2+$0xE6B0] =	vst v1  }
0x9c: {  	[tilespmem:s2+$0xC6C0] =	vst v1  }
0x9d: {  	[tilespmem:s2+$0xE6C0] =	vst v1  }
0x9e: {  	[tilespmem:s2+$0xC6D0] =	vst v1  }
0x9f: {  	[tilespmem:s2+$0xE6D0] =	vst v1  }
0xa0: {  	[tilespmem:s2+$0xC6E0] =	vst v1  }
0xa1: {  	[tilespmem:s2+$0xE6E0] =	vst v1  }
0xa2: {  	[tilespmem:s2+$0xC6F0] =	vst v1;
	s15 =	rddreg [dreg:$0x1a]  }
0xa3: {  	[spmem:s15] =	stream.linear.scatter [tilespmem:s6], [sflag:$0x7], $0x2000, $0x38;
	[tilespmem:$0x1BC80] =	vst v63  }
0xa4: {  	_ =	swait.ge [sflag:s4], $0x2000  }
0xa5: {  	[sflag:s4] =	ssyncset.done $0x0  }
0xa6: {  	s18 =	rddreg [dreg:$0x16];
	[sflag:s4] =	ssyncadd.s32 $0xFFFFE000  }
0xa7: {  	[spmem:s18] =	stream.linear.scatter [tilespmem:s6], [sflag:$0x7], $0x2000, $0x38;
	[tilespmem:$0x1BC80] =	vst v63  }
0xa8: {  	_ =	swait.ge [sflag:s4], $0x2000  }
0xa9: {  	[sflag:s4] =	ssyncset.done $0x0  }
0xaa: {  	s20 =	rddreg [dreg:$0x17];
	[sflag:s4] =	ssyncadd.s32 $0xFFFFE000  }
0xab: {  	[spmem:s20] =	stream.linear.scatter [tilespmem:s6], [sflag:$0x7], $0x2000, $0x38;
	[tilespmem:$0x1BC80] =	vst v63  }
0xac: {  	_ =	swait.ge [sflag:s4], $0x2000  }
0xad: {  	[sflag:s4] =	ssyncset.done $0x0  }
0xae: {  	s29 =	rddreg [dreg:$0x18];
	[sflag:s4] =	ssyncadd.s32 $0xFFFFE000  }
0xaf: {  	[spmem:s29] =	stream.linear.scatter [tilespmem:s6], [sflag:$0x7], $0x2000, $0x38;
	[tilespmem:$0x1BC80] =	vst v63  }
0xb0: {  	_ =	swait.ge [sflag:s4], $0x2000  }
0xb1: {  	[sflag:s4] =	ssyncset.done $0x0  }
.Ltmp3:
0xb2: {  	s30 =	rddreg [dreg:$0x19];
	[sflag:s4] =	ssyncadd.s32 $0xFFFFE000;
	(pc) =	sbr.rel @!p0 .LBB2_4-.Ltmp3, $4  }
0xb3: {  	[spmem:s30] =	stream.linear.scatter [tilespmem:s6], [sflag:$0x7], $0x2000, $0x38;
	[tilespmem:$0x1BC80] =	vst v63  }
0xb4: {  	_ =	swait.ge [sflag:s4], $0x2000  }
0xb5: {  	[sflag:s4] =	ssyncset.done $0x0  }
0xb6: {  	[sflag:s4] =	ssyncadd.s32 $0xFFFFE000  }
.Ltmp4:
0xb7: {  	(pc) =	sbr.rel @p2 .LBB2_7-.Ltmp4, $4  }
.Ltmp5:
0xb8: {  	(pc) =	sbr.rel @!p2 .LBB2_6-.Ltmp5, $4  }
0xb9: {  	_ = 	snop  }
0xba: {  	_ = 	snop  }
0xbb: {  	p3 =	por $0x0, $0x0  }
0xbc: {  	_ = 	snop  }
.LBB2_4:
0xbd: {  	s2 =	sld [smem:$0x7FD];
	_ =	sdelay $0x2  }
0xbe: {  	[spmem:s2] =	stream.linear.scatter [tilespmem:s6], [sflag:$0x7], $0x2000, $0x38;
	[tilespmem:$0x1BC80] =	vst v63  }
0xbf: {  	_ =	swait.ge [sflag:s4], $0x2000  }
0xc0: {  	[sflag:s4] =	ssyncset.done $0x0  }
0xc1: {  	[sflag:s4] =	ssyncadd.s32 $0xFFFFE000  }
.LBB2_6:
0xc2: {  	s2 =	rddreg [dreg:$0x1b]  }
0xc3: {  	[spmem:s2] =	stream.linear.scatter [tilespmem:s7], [sflag:$0x7], $0x2000, $0x38;
	[tilespmem:$0x1BC80] =	vst v63  }
0xc4: {  	_ =	swait.ge [sflag:s4], $0x2000  }
0xc5: {  	[sflag:s4] =	ssyncset.done $0x0  }
0xc6: {  	p3 =	por $0x1, $0x1;
	[sflag:s4] =	ssyncadd.s32 $0xFFFFE000  }
.LBB2_7:
0xc7: {  	[bflag:$0x0] =	sbarrier.arrive $0xFFFF  }
0xc8: {  	s2 =	simm.s32 $0x0;
	s3 =	rddreg [dreg:$0x1c]  }
0xc9: {  	[tilespmem:s2], [sflag:$0x1] =	stream.linear.gather [hbm4b:s3+s2], $0x40, $0x38;
	[tilespmem:$0x1BC80] =	vst v63  }
0xca: {  	s4 =	simm.s32 $0x80;
	s20 =	rddreg [dreg:$0x1d]  }
0xcb: {  	[tilespmem:s4], [sflag:$0x1] =	stream.linear.gather [hbm4b:s20+s2], $0x40, $0x38;
	[tilespmem:$0x1BC80] =	vst v63  }
0xcc: {  	s30 =	simm.s32 $0x100;
	s29 =	rddreg [dreg:$0x1e]  }
0xcd: {  	[tilespmem:s30], [sflag:$0x1] =	stream.linear.gather [hbm4b:s29+s2], $0x2000, $0x38;
	[tilespmem:$0x1BC80] =	vst v63  }
0xce: {  	_ =	swait.ge [sflag:s8], $0x40  }
0xcf: {  	[sflag:s8] =	ssyncset.done $0x0  }
0xd0: {  	[sflag:s8] =	ssyncadd.s32 $0xFFFFFFC0  }
0xd1: {  	_ =	swait.ge [sflag:s8], $0x40  }
0xd2: {  	[sflag:s8] =	ssyncset.done $0x0  }
0xd3: {  	[sflag:s8] =	ssyncadd.s32 $0xFFFFFFC0  }
0xd4: {  	_ =	swait.ge [sflag:s8], $0x2000  }
0xd5: {  	[sflag:s8] =	ssyncset.done $0x0  }
0xd6: {  	s3 =	simm.s32 $0x0;
	[sflag:s8] =	ssyncadd.s32 $0xFFFFE000  }
0xd7: {  	v3 =	vld [tilespmem:s3+$0x80];
	_ =	sdelay $0x4  }
0xd8: {  	v2 =	vand.u32 $0x7, v3  }
0xd9: {  	vm1 =	vlt.u32 v3, $0x1388;
	v5 =	vshra.s32 v3, $0x3;
	v2 =	vadd.s32 $0x276, v2  }
0xda: {  	s2 =	simm.s32 $0x10;
	v4 =	vld [tilespmem:s3+$0x0];
	v6 =	vand.u32 $0x3F, v3;
	v2 =	vsel vm1, v5, v2  }
0xdb: {  	vm0 =	vlt.s32 v3, $0x270F;
	v5 =	vor.u32 $0x1400, v6;
	[tilespmem:s3+$0x2280] =	vst v2;
	v2 =	vld [tilespmem:s2+$0x80]  }
0xdc: {  	v7 =	vnsel vm0, $0x270F, v3;
	v5 =	vsel vm1, v3, v5;
	v3 =	vld [tilespmem:s2+$0x0]  }
0xdd: {  	v6 =	vadd.s32 v0, v7  }
0xde: {  	[tilespmem:s3+$0x2180] =	vst v6  }
0xdf: {  	s4 =	simm.s32 $0x80;
	v4 =	vadd.s32 v0, v4;
	[tilespmem:s3+$0x2200] =	vst v5  }
.LBB2_8:
0xe0: {  	s5 =	sshra.s32 s4, $0x2;
	p4 =	sne.s32 s4, $0xC0;
	s4 =	sadd.s32 $0x40, s4;
	vm0 =	vlt.s32 v2, $0x270F;
	v5 =	vand.u32 $0x3F, v2;
	v6 =	vand.u32 $0x7, v2;
	[tilespmem:s3+$0x2100] =	vst v4;
	v7 =	vmovc v2  }
.Ltmp6:
0xe1: {  	s3 =	smov.u32 s2;
	v2 =	vld [tilespmem:s5+$0x80];
	vm1 =	vlt.u32 v7, $0x1388;
	v4 =	vshra.s32 v7, $0x3;
	v6 =	vadd.s32 $0x276, v6;
	v8 =	vmovc v3;
	s2 =	smov.u32 s5;
	(pc) =	sbr.rel @p4 .LBB2_8-.Ltmp6, $4  }
0xe2: {  	v9 =	vnsel vm0, $0x270F, v7;
	v5 =	vor.u32 $0x1400, v5;
	v3 =	vld [tilespmem:s2+$0x0];
	v6 =	vsel vm1, v4, v6  }
0xe3: {  	v4 =	vadd.s32 v0, v8;
	v8 =	vadd.s32 v0, v9;
	v5 =	vsel vm1, v7, v5;
	[tilespmem:s3+$0x2280] =	vst v6  }
0xe4: {  	[tilespmem:s3+$0x2180] =	vst v8  }
0xe5: {  	[tilespmem:s3+$0x2200] =	vst v5  }
0xe6: {  	vm0 =	vlt.s32 v2, $0x270F;
	v5 =	vand.u32 $0x7, v2;
	vm1 =	vlt.u32 v2, $0x1388  }
0xe7: {  	v6 =	vshra.s32 v2, $0x3;
	[tilespmem:s3+$0x2100] =	vst v4;
	v5 =	vadd.s32 $0x276, v5;
	v3 =	vadd.s32 v0, v3  }
0xe8: {  	v62 =	vand.u32 $0x3F, v2;
	v7 =	vnsel vm0, $0x270F, v2;
	v5 =	vsel vm1, v6, v5;
	[tilespmem:s2+$0x2100] =	vst v3  }
0xe9: {  	v4 =	vor.u32 $0x1400, v62;
	v63 =	vadd.s32 v0, v7;
	[tilespmem:s2+$0x2280] =	vst v5  }
0xea: {  	v2 =	vsel vm1, v2, v4;
	[tilespmem:s2+$0x2180] =	vst v63  }
0xeb: {  	s18 =	simm.s32 $0x2100;
	s20 =	simm.s32 $0x2300;
	[tilespmem:s2+$0x2200] =	vst v2  }
0xec: {  	[tilespmem:s20], [sflag:$0x3] =	stream.indirect.gather [hbm4b:s16+s9], $0x80, s18, s9, $0xb8;
	[tilespmem:$0x1BC80] =	vst v63  }
0xed: {  	s29 =	simm.s32 $0x2180;
	s30 =	simm.s32 $0x4300;
	s14 =	simm.s32 $0x0  }
0xee: {  	[tilespmem:s30], [sflag:$0x3] =	stream.indirect.gather [hbm4b:s22+s9], $0x80, s29, s9, $0xb8;
	[tilespmem:$0x1BC80] =	vst v63  }
.LBB2_10:
0xef: {  	s15 =	sshll.u32 s14, $0x1  }
0xf0: {  	s2 =	sadd.s32 s15, s19  }
0xf1: {  	s2 =	sadd.s32 $0x1, s2  }
0xf2: {  	s3 =	sshll.u32 s2, $0x3  }
0xf3: {  	s5 =	simm.s32 $0x6300;
	s4 =	sadd.s32 s23, s3  }
0xf4: {  	[tilespmem:s5], [sflag:$0x2] =	stream.linear.gather [hbm4b:s4+s0], $0x40, $0x38;
	[tilespmem:$0x1BC80] =	vst v63  }
0xf5: {  	s12 =	simm.s32 $0x6380;
	s2 =	sshll.u32 s2, $0xA;
	s3 =	sadd.s32 s24, s3  }
0xf6: {  	[tilespmem:s12], [sflag:$0x2] =	stream.linear.gather [hbm4b:s3+s0], $0x40, $0x38;
	[tilespmem:$0x1BC80] =	vst v63  }
0xf7: {  	s13 =	simm.s32 $0x6400;
	p4 =	seq.s32 s14, $0x0;
	s2 =	sadd.s32 s25, s2  }
0xf8: {  	[tilespmem:s13], [sflag:$0x2] =	stream.linear.gather [hbm4b:s2+s0], $0x2000, $0x38;
	[tilespmem:$0x1BC80] =	vst v63  }
0xf9: {  	s2 =	simm.s32 @!p4 $0x5  }
0xfa: {  	_ =	swait.ge @!p4 [sflag:s2], $0x2000  }
0xfb: {  	[sflag:s2] =	ssyncset.done @!p4 $0x0  }
0xfc: {  	[sflag:s2] =	ssyncadd.s32 @!p4 $0xFFFFE000;
	s2 =	simm.s32 @!p4 $0x6  }
0xfd: {  	_ =	swait.ge @!p4 [sflag:s2], $0x2000  }
0xfe: {  	[sflag:s2] =	ssyncset.done @!p4 $0x0  }
0xff: {  	[sflag:s2] =	ssyncadd.s32 @!p4 $0xFFFFE000  }
0x100: {  	_ =	swait.ge [sflag:s28], $0x2000  }
0x101: {  	[sflag:s28] =	ssyncset.done $0x0  }
0x102: {  	[sflag:s28] =	ssyncadd.s32 $0xFFFFE000  }
0x103: {  	_ =	swait.ge [sflag:s28], $0x2000  }
0x104: {  	[sflag:s28] =	ssyncset.done $0x0  }
0x105: {  	[sflag:s28] =	ssyncadd.s32 $0xFFFFE000  }
0x106: {  	v12 =	vld [tilespmem:$0xC600]  }
0x107: {  	s18 =	simm.s32 $0x2380;
	v13 =	vld [tilespmem:$0xC610]  }
0x108: {  	s20 =	simm.s32 $0x4380;
	v7 =	vld [tilespmem:s18+$0x30]  }
0x109: {  	v5 =	vld [tilespmem:s20+$0x30]  }
0x10a: {  	v9 =	vld [tilespmem:s18+$0x20]  }
0x10b: {  	v2 =	vld [tilespmem:s18+$0x60]  }
0x10c: {  	v6 =	vld [tilespmem:s20+$0x20]  }
0x10d: {  	v11 =	vld [tilespmem:s18+$0x0]  }
0x10e: {  	v10 =	vld [tilespmem:s18+$0x10]  }
0x10f: {  	v8 =	vld [tilespmem:s18+$0x40]  }
0x110: {  	v14 =	vld [tilespmem:s20+$0x0]  }
0x111: {  	v15 =	vld [tilespmem:s20+$0x10]  }
0x112: {  	v4 =	vld [tilespmem:s18+$0x50]  }
0x113: {  	v16 =	vld [tilespmem:s20+$0x40]  }
0x114: {  	v17 =	vld [tilespmem:s20+$0x50]  }
0x115: {  	v18 =	vld [tilespmem:s20+$0x60]  }
0x116: {  	v3 =	vld [tilespmem:s18+$0x70];
	v14 =	vadd.f32 v14, v11  }
0x117: {  	v19 =	vld [tilespmem:s20+$0x70];
	v15 =	vadd.f32 v15, v10;
	v5 =	vadd.f32 v5, v7  }
0x118: {  	v21 =	vld [tilespmem:$0xC620];
	v6 =	vadd.f32 v6, v9;
	v16 =	vadd.f32 v16, v8;
	v20 =	vmul.f32 $2.000000030e-01, v14  }
0x119: {  	v28 =	vld [tilespmem:$0xC640];
	v17 =	vadd.f32 v17, v4;
	v22 =	vmul.f32 $2.000000030e-01, v15;
	v23 =	vmul.f32 $2.000000030e-01, v5  }
0x11a: {  	v31 =	vld [tilespmem:$0xC650];
	v24 =	vmul.f32 $2.000000030e-01, v6;
	v25 =	vmul.f32 $2.000000030e-01, v16  }
0x11b: {  	v35 =	vld [tilespmem:$0xC630];
	v14 =	vmax.f32 v14, v20;
	v15 =	vmax.f32 v15, v22;
	v20 =	vmul.f32 $2.000000030e-01, v17  }
0x11c: {  	v18 =	vadd.f32 v18, v2;
	v14 =	vmul.f32 v14, v12;
	v15 =	vmul.f32 v15, v13  }
0x11d: {  	v36 =	vld [tilespmem:$0xC660];
	v22 =	vadd.f32 v19, v3;
	v6 =	vmax.f32 v6, v24;
	v16 =	vmax.f32 v16, v25  }
0x11e: {  	v5 =	vmax.f32 v5, v23;
	v6 =	vmul.f32 v6, v21;
	v14 =	vadd.f32 v15, v14  }
0x11f: {  	v37 =	vld [tilespmem:$0xC670];
	v16 =	vmul.f32 v16, v28;
	v17 =	vmax.f32 v17, v20;
	v15 =	vmul.f32 $2.000000030e-01, v18  }
0x120: {  	v27 =	vld [tilespmem:s18+$0xFFFFFF80];
	v5 =	vmul.f32 v5, v35;
	v17 =	vmul.f32 v17, v31;
	v6 =	vadd.f32 v6, v14  }
0x121: {  	v34 =	vld [tilespmem:s20+$0xFFFFFFF0];
	v14 =	vmax.f32 v18, v15;
	v15 =	vmul.f32 $2.000000030e-01, v22  }
0x122: {  	v19 =	vld [tilespmem:s18+$0xFFFFFFC0];
	v16 =	vadd.f32 v17, v16;
	v14 =	vmul.f32 v14, v36;
	v5 =	vadd.f32 v5, v6  }
0x123: {  	v23 =	vld [tilespmem:s18+$0xFFFFFFD0];
	v6 =	vmax.f32 v22, v15  }
0x124: {  	v24 =	vld [tilespmem:s18+$0xFFFFFFF0];
	v14 =	vadd.f32 v14, v16;
	v6 =	vmul.f32 v6, v37;
	(xrf2) =	vadd.scan.msk.f32 $0xffff, v5  }
0x125: {  	v20 =	vld [tilespmem:s18+$0xFFFFFF90]  }
0x126: {  	v17 =	vld [tilespmem:s20+$0xFFFFFF80];
	v6 =	vadd.f32 v6, v14  }
0x127: {  	v18 =	vld [tilespmem:s20+$0xFFFFFFE0]  }
0x128: {  	v15 =	vld [tilespmem:s20+$0xFFFFFF90];
	(xrf2) =	vadd.scan.msk.f32 $0xffff, v6  }
0x129: {  	v5 =	vld [tilespmem:s20+$0xFFFFFFD0]  }
0x12a: {  	v22 =	vld [tilespmem:s18+$0xFFFFFFE0]  }
0x12b: {  	v16 =	vld [tilespmem:s20+$0xFFFFFFC0]  }
0x12c: {  	v25 =	vld [tilespmem:s18+$0xFFFFFFA0]  }
0x12d: {  	v14 =	vld [tilespmem:s20+$0xFFFFFFA0];
	v17 =	vadd.f32 v17, v27  }
0x12e: {  	v26 =	vld [tilespmem:s18+$0xFFFFFFB0];
	v15 =	vadd.f32 v15, v20;
	v33 =	vadd.f32 v5, v23;
	v5, _, _ =	vpop (xrf2)  }
0x12f: {  	s4 =	simm.s32 $0x4480;
	v32 =	vld [tilespmem:s20+$0xFFFFFFB0];
	v40 =	vmul.f32 $2.000000030e-01, v17;
	v18 =	vadd.f32 v18, v22;
	v30 =	vmul.f32 $1.442695020e+00, v5  }
0x130: {  	v46 =	vld [tilespmem:s4+$0x20];
	v48 =	vadd.f32 v34, v24;
	v16 =	vadd.f32 v16, v19;
	v29 =	vmul.f32 $2.000000030e-01, v15  }
0x131: {  	v50 =	vld [tilespmem:s4+$0x40];
	v17 =	vmax.f32 v17, v40;
	v47 =	vmul.f32 $2.000000030e-01, v18;
	v30 =	vbroadcast v30, $0xF  }
0x132: {  	v52 =	vld [tilespmem:s4+$0x60];
	v38 =	vmul.f32 $2.000000030e-01, v16;
	v14 =	vadd.f32 v14, v25;
	v12 =	vmul.f32 v17, v12;
	v41, _, _ =	vpop (xrf2)  }
0x133: {  	s3 =	simm.s32 $0x2480;
	v53 =	vld [tilespmem:s4+$0x70];
	v15 =	vmax.f32 v15, v29;
	v41 =	vmul.f32 $1.442695020e+00, v41;
	(erf) = vpow2.f32 v30  }
0x134: {  	v34 =	vld [tilespmem:s3+$0x10];
	v17 =	vadd.f32 v32, v26;
	v39 =	vmul.f32 $2.000000030e-01, v33;
	v13 =	vmul.f32 v15, v13  }
0x135: {  	v6 =	vld [tilespmem:$0xC610];
	v18 =	vmax.f32 v18, v47;
	v16 =	vmax.f32 v16, v38;
	v44 =	vbroadcast v41, $0xF  }
0x136: {  	v32 =	vld [tilespmem:s3+$0x40];
	v45 =	vmul.f32 $2.000000030e-01, v14;
	v12 =	vadd.f32 v13, v12;
	v13 =	vmul.f32 $2.000000030e-01, v17  }
0x137: {  	v29 =	vld [tilespmem:s3+$0x30];
	v16 =	vmul.f32 v16, v28;
	v63 =	vmax.f32 v33, v39;
	(erf) = vpow2.f32 v44  }
0x138: {  	v15 =	vld [tilespmem:s4+$0x30];
	v38 =	vmul.f32 v63, v31;
	v13 =	vmax.f32 v17, v13;
	v17 =	vmul.f32 v18, v36  }
0x139: {  	v33 =	vld [tilespmem:s3+$0x0];
	v14 =	vmax.f32 v14, v45  }
0x13a: {  	v31 =	vld [tilespmem:s3+$0x50];
	v14 =	vmul.f32 v14, v21;
	v16 =	vadd.f32 v38, v16  }
0x13b: {  	v49 =	vmul.f32 $2.000000030e-01, v48;
	v18 =	vld [tilespmem:s4+$0x0]  }
0x13c: {  	v13 =	vmul.f32 v13, v35;
	v12 =	vadd.f32 v14, v12;
	v14 =	vld [tilespmem:s4+$0x10];
	v16 =	vadd.f32 v17, v16;
	v17 =	vpop (erf)  }
0x13d: {  	v21 =	vmax.f32 v48, v49;
	v30 =	vld [tilespmem:s3+$0x20];
	v11 =	vmul.f32 v17, v11  }
0x13e: {  	s12 =	simm.s32 $0xC700;
	v12 =	vadd.f32 v13, v12;
	v13 =	vadd.f32 v15, v29;
	v15 =	vld [tilespmem:s4+$0x50];
	v10 =	vmul.f32 v17, v10  }
0x13f: {  	v28 =	vld [tilespmem:s3+$0x60];
	v21 =	vmul.f32 v21, v37;
	v9 =	vmul.f32 v17, v9;
	[tilespmem:s12+$0x0] =	vst v11  }
0x140: {  	v5 =	vld [tilespmem:$0xC600];
	v36 =	vadd.f32 v50, v32;
	v7 =	vmul.f32 v17, v7;
	v11 =	vadd.f32 v18, v33;
	v37 =	vpop (erf);
	[tilespmem:s12+$0x10] =	vst v10  }
0x141: {  	v38 =	vld [tilespmem:$0xC620];
	v18 =	vmul.f32 $2.000000030e-01, v13;
	v10 =	vadd.f32 v14, v34;
	[tilespmem:s12+$0x20] =	vst v9;
	v8 =	vmul.f32 v37, v8  }
0x142: {  	v44 =	vld [tilespmem:$0xC630];
	v51 =	vadd.f32 v46, v30;
	[tilespmem:s12+$0x30] =	vst v7;
	v4 =	vmul.f32 v37, v4;
	v2 =	vmul.f32 v37, v2  }
0x143: {  	v35 =	vld [tilespmem:s3+$0x70];
	v15 =	vadd.f32 v15, v31;
	v9 =	vmul.f32 $2.000000030e-01, v11;
	v7 =	vmul.f32 $2.000000030e-01, v10;
	[tilespmem:s12+$0x40] =	vst v8  }
0x144: {  	v42 =	vld [tilespmem:$0xC640];
	v14 =	vmul.f32 $2.000000030e-01, v51;
	v3 =	vmul.f32 v37, v3;
	v13 =	vmax.f32 v13, v18;
	[tilespmem:s12+$0x50] =	vst v4  }
0x145: {  	v43 =	vld [tilespmem:$0xC650];
	v8 =	vmul.f32 $2.000000030e-01, v36;
	[tilespmem:s12+$0x60] =	vst v2;
	v4 =	vmax.f32 v11, v9;
	v7 =	vmax.f32 v10, v7  }
0x146: {  	[tilespmem:s12+$0x70] =	vst v3;
	v3 =	vmax.f32 v51, v14;
	v2 =	vmul.f32 v4, v5;
	v4 =	vmul.f32 v7, v6  }
0x147: {  	v40 =	vld [tilespmem:$0xC660];
	v13 =	vmul.f32 v13, v44;
	v9 =	vmul.f32 $2.000000030e-01, v15;
	v10 =	vadd.f32 v52, v28  }
0x148: {  	v7 =	vadd.f32 v53, v35;
	v2 =	vadd.f32 v4, v2;
	v4 =	vmul.f32 v3, v38  }
0x149: {  	v39 =	vld [tilespmem:$0xC670];
	v8 =	vmax.f32 v36, v8;
	v11 =	vmul.f32 $2.000000030e-01, v10;
	v9 =	vmax.f32 v15, v9  }
0x14a: {  	v57 =	vld [tilespmem:s4+$0xFFFFFFB0];
	(xrf2) =	vadd.scan.msk.f32 $0xffff, v12;
	v8 =	vmul.f32 v8, v42;
	v9 =	vmul.f32 v9, v43;
	v4 =	vadd.f32 v4, v2  }
0x14b: {  	v16 =	vadd.f32 v21, v16;
	v21 =	vld [tilespmem:s3+$0xFFFFFFB0];
	v10 =	vmax.f32 v10, v11;
	v11 =	vmul.f32 $2.000000030e-01, v7  }
0x14c: {  	v12 =	vld [tilespmem:s3+$0xFFFFFFD0];
	v8 =	vadd.f32 v9, v8;
	v9 =	vmul.f32 v10, v40;
	v4 =	vadd.f32 v13, v4  }
0x14d: {  	(xrf2) =	vadd.scan.msk.f32 $0xffff, v16;
	v18 =	vld [tilespmem:s4+$0xFFFFFFE0];
	v7 =	vmax.f32 v7, v11  }
0x14e: {  	v14 =	vld [tilespmem:s3+$0xFFFFFFE0];
	v8 =	vadd.f32 v9, v8;
	v7 =	vmul.f32 v7, v39;
	(xrf2) =	vadd.scan.msk.f32 $0xffff, v4  }
0x14f: {  	v3 =	vld [tilespmem:s3+$0xFFFFFF90]  }
0x150: {  	v2 =	vld [tilespmem:s3+$0xFFFFFFC0];
	v8 =	vadd.f32 v7, v8  }
0x151: {  	v11 =	vld [tilespmem:s4+$0xFFFFFF90]  }
0x152: {  	v10 =	vld [tilespmem:s4+$0xFFFFFF80]  }
0x153: {  	v9 =	vld [tilespmem:s4+$0xFFFFFFC0];
	(xrf2) =	vadd.scan.msk.f32 $0xffff, v8  }
0x154: {  	v13 =	vld [tilespmem:s4+$0xFFFFFFD0];
	v8, _, _ =	vpop (xrf2)  }
0x155: {  	s13 =	simm.s32 $0x180;
	v61 =	vadd.f32 v18, v14;
	v7 =	vld [tilespmem:s3+$0xFFFFFF80];
	v8 =	vmul.f32 $1.442695020e+00, v8  }
0x156: {  	v54 =	vld [tilespmem:s13+$0x0];
	v45 =	vadd.f32 v11, v3  }
0x157: {  	v41 =	vadd.f32 v57, v21;
	v15 =	vld [tilespmem:s4+$0xFFFFFFA0];
	v63 =	vmul.f32 $2.000000030e-01, v61;
	v16, _, _ =	vpop (xrf2);
	v8 =	vbroadcast v8, $0xF  }
0x158: {  	v4 =	vld [tilespmem:s3+$0xFFFFFFA0];
	v9 =	vadd.f32 v9, v2;
	v56 =	vmul.f32 $2.000000030e-01, v45;
	v55 =	vmul.f32 $1.442695020e+00, v16;
	v46, _, _ =	vpop (xrf2)  }
0x159: {  	v47 =	vld [tilespmem:s4+$0xFFFFFFF0];
	v13 =	vadd.f32 v13, v12;
	(erf) = vpow2.f32 v8;
	v8 =	vmul.f32 $1.442695020e+00, v46  }
0x15a: {  	v10 =	vadd.f32 v10, v7;
	v58 =	vmul.f32 $2.000000030e-01, v9;
	v16 =	vld [tilespmem:s3+$0xFFFFFFF0];
	v11 =	vbroadcast v55, $0xF  }
0x15b: {  	vm0 =	veq.f32 v54, $1.000000000e+00;
	v48 =	vmul.f32 $2.000000030e-01, v13;
	v8 =	vbroadcast v8, $0xF  }
0x15c: {  	vm1 =	veq.f32 v54, $2.000000000e+00;
	v49 =	vmul.f32 $2.000000030e-01, v10;
	(erf) = vpow2.f32 v11  }
0x15d: {  	s29 =	simm.s32 $0x4580;
	v50 =	vadd.f32 v15, v4;
	v45 =	vmax.f32 v45, v56;
	v60, _, _ =	vpop (xrf2);
	(erf) = vpow2.f32 v8  }
0x15e: {  	v57 =	vld [tilespmem:s29+$0x10];
	v6 =	vmul.f32 v45, v6;
	v15 =	vmul.f32 $1.442695020e+00, v60;
	v8 =	vmax.f32 v10, v49  }
0x15f: {  	v51 =	vld [tilespmem:s29+$0x30];
	v59 =	vmax.f32 v9, v58;
	v53 =	vadd.f32 v47, v16;
	v5 =	vmul.f32 v8, v5  }
0x160: {  	v52 =	vld [tilespmem:s29+$0x20];
	v13 =	vmax.f32 v13, v48;
	v42 =	vmul.f32 v59, v42;
	v18 =	vbroadcast v15, $0xF  }
0x161: {  	v36 =	vld [tilespmem:$0xC610];
	v55 =	vmul.f32 $2.000000030e-01, v53;
	v54 =	vadd.f32 v6, v5;
	v6 =	vmul.f32 $2.000000030e-01, v41  }
0x162: {  	s20 =	simm.s32 $0x2580;
	v56 =	vld [tilespmem:s29+$0x0];
	v13 =	vmul.f32 v13, v43;
	(erf) = vpow2.f32 v18  }
0x163: {  	v9 =	vld [tilespmem:s20+$0x30];
	v45 =	vmax.f32 v61, v63;
	v43 =	vmax.f32 v53, v55  }
0x164: {  	v40 =	vmul.f32 v45, v40;
	v42 =	vadd.f32 v13, v42;
	v15 =	vld [tilespmem:s20+$0x0];
	v5 =	vpop (erf)  }
0x165: {  	v62 =	vmul.f32 $2.000000030e-01, v50;
	v18 =	vld [tilespmem:s20+$0x10];
	v41 =	vmax.f32 v41, v6;
	v6 =	vpop (erf)  }
0x166: {  	v61 =	vld [tilespmem:s29+$0x50];
	v40 =	vadd.f32 v40, v42;
	v39 =	vmul.f32 v43, v39;
	v42 =	vmul.f32 v5, v27;
	v43 =	vpop (erf)  }
0x167: {  	v46 =	vmax.f32 v50, v62;
	v10 =	vld [tilespmem:s20+$0x20];
	v27 =	vmul.f32 v43, v33;
	v34 =	vmul.f32 v43, v34  }
0x168: {  	s30 =	simm.s32 $0xC800;
	v59 =	vld [tilespmem:s29+$0x40];
	v50 =	vnsel vm0, $0x0, v17;
	v17 =	vmul.f32 v46, v38;
	v38 =	vmul.f32 v5, v26  }
0x169: {  	v11 =	vld [tilespmem:$0xC600];
	v26 =	vmul.f32 v43, v29;
	[tilespmem:s30+$0x0] =	vst v27;
	v27 =	vmul.f32 v43, v30;
	v30 =	vadd.f32 v56, v15  }
0x16a: {  	v13 =	vld [tilespmem:s20+$0x40];
	v29 =	vadd.f32 v57, v18;
	[tilespmem:s30+$0x10] =	vst v34  }
0x16b: {  	v49 =	vld [tilespmem:$0xC640];
	v58 =	vadd.f32 v17, v54;
	v41 =	vmul.f32 v41, v44;
	[tilespmem:s30+$0x30] =	vst v26;
	v34 =	vpop (erf);
	v62 =	vmul.f32 $2.000000030e-01, v30  }
0x16c: {  	v63 =	vadd.f32 v52, v10;
	[tilespmem:s30+$0x20] =	vst v27;
	v27 =	vld [tilespmem:$0xC620];
	v26 =	vmul.f32 v34, v31;
	v31 =	vmul.f32 $2.000000030e-01, v29  }
0x16d: {  	v8 =	vld [tilespmem:s20+$0x60];
	v54 =	vadd.f32 v51, v9;
	v44 =	vmul.f32 v5, v25;
	v55 =	vmul.f32 v34, v28  }
0x16e: {  	v28 =	vld [tilespmem:$0xC630];
	v45 =	vmax.f32 v30, v62;
	[tilespmem:s30+$0x50] =	vst v26;
	v26 =	vmul.f32 $2.000000030e-01, v63;
	v29 =	vmax.f32 v29, v31  }
0x16f: {  	v39 =	vadd.f32 v39, v40;
	v17 =	vld [tilespmem:s20+$0x50];
	v31 =	vmul.f32 v45, v11;
	v56 =	vmul.f32 v29, v36  }
0x170: {  	v40 =	vld [tilespmem:s29+$0x70];
	v57 =	vmul.f32 $2.000000030e-01, v54;
	v32 =	vmul.f32 v34, v32;
	v26 =	vmax.f32 v63, v26  }
0x171: {  	v25 =	vld [tilespmem:s29+$0x60];
	v60 =	vadd.f32 v41, v58;
	v31 =	vadd.f32 v56, v31;
	v26 =	vmul.f32 v26, v27  }
0x172: {  	v47 =	vmul.f32 v5, v20;
	v20 =	vld [tilespmem:s20+$0x70];
	[tilespmem:s30+$0x40] =	vst v32;
	v32 =	vmax.f32 v54, v57  }
0x173: {  	v46 =	vadd.f32 v59, v13;
	v53 =	vld [tilespmem:s29+$0xFFFFFFA0];
	(xrf2) =	vadd.scan.msk.f32 $0xffff, v60;
	v32 =	vmul.f32 v32, v28;
	v63 =	vadd.f32 v26, v31  }
0x174: {  	v58 =	vadd.f32 v61, v17;
	v30 =	vld [tilespmem:$0xC650]  }
0x175: {  	v51 =	vmul.f32 v6, v19;
	v19 =	vld [tilespmem:s20+$0xFFFFFFD0];
	v60 =	vmul.f32 $2.000000030e-01, v46;
	(xrf2) =	vadd.scan.msk.f32 $0xffff, v39;
	v32 =	vadd.f32 v32, v63  }
0x176: {  	v61 =	vadd.f32 v25, v8;
	v35 =	vmul.f32 v34, v35;
	v62 =	vmul.f32 $2.000000030e-01, v58;
	v29 =	vld [tilespmem:$0xC660]  }
0x177: {  	v25 =	vld [tilespmem:s20+$0xFFFFFF90];
	v40 =	vadd.f32 v40, v20;
	(xrf2) =	vadd.scan.msk.f32 $0xffff, v32  }
0x178: {  	v33 =	vmax.f32 v46, v60;
	[tilespmem:s30+$0x70] =	vst v35;
	v54 =	vmul.f32 $2.000000030e-01, v61;
	v35 =	vmax.f32 v58, v62;
	v31 =	vld [tilespmem:$0xC670]  }
0x179: {  	s2 =	simm.s32 $0x280;
	v46 =	vld [tilespmem:s29+$0xFFFFFF80];
	v33 =	vmul.f32 v33, v49;
	[tilespmem:s30+$0x60] =	vst v55;
	v35 =	vmul.f32 v35, v30  }
0x17a: {  	v37 =	vnsel vm1, $0x0, v37;
	v55 =	vmul.f32 $2.000000030e-01, v40;
	v59 =	vld [tilespmem:s2+$0x0];
	v41 =	vmax.f32 v61, v54  }
0x17b: {  	v37 =	vadd.f32 v37, v50;
	v57 =	vld [tilespmem:s29+$0xFFFFFFC0];
	v35 =	vadd.f32 v35, v33;
	v41 =	vmul.f32 v41, v29  }
0x17c: {  	s18 =	simm.s32 $0xE700;
	v23 =	vmul.f32 v6, v23;
	v58 =	vmax.f32 v40, v55;
	v56 =	vld [tilespmem:s29+$0xFFFFFF90]  }
0x17d: {  	[tilespmem:s18+$0x0] =	vst v37;
	v61, _, _ =	vpop (xrf2);
	v26 =	vld [tilespmem:s20+$0xFFFFFFC0];
	v63 =	vmul.f32 v6, v24;
	v35 =	vadd.f32 v41, v35;
	v37 =	vmul.f32 v58, v31  }
0x17e: {  	v60 =	vld [tilespmem:s29+$0xFFFFFFD0];
	v62 =	vmul.f32 v6, v22;
	v50 =	vmul.f32 $1.442695020e+00, v61  }
0x17f: {  	[tilespmem:s12+$0xFFFFFF80] =	vst v42;
	vm14 =	veq.f32 v59, $1.000000000e+00;
	vm15 =	veq.f32 v59, $2.000000000e+00;
	v33 =	vld [tilespmem:s20+$0xFFFFFF80];
	v24, _, _ =	vpop (xrf2);
	v35 =	vadd.f32 v37, v35  }
0x180: {  	[tilespmem:s12+$0xFFFFFF90] =	vst v47;
	v52 =	vbroadcast v50, $0xF;
	v22 =	vnsel vm15, $0x0, v34;
	v34 =	vld [tilespmem:s20+$0xFFFFFFA0];
	v24 =	vmul.f32 $1.442695020e+00, v24  }
0x181: {  	v59 =	vnsel vm14, $0x0, v43;
	v32 =	vadd.f32 v56, v25;
	[tilespmem:s12+$0xFFFFFFF0] =	vst v63;
	v63, _, _ =	vpop (xrf2);
	(xrf2) =	vadd.scan.msk.f32 $0xffff, v35  }
0x182: {  	[tilespmem:s12+$0xFFFFFFA0] =	vst v44;
	v43 =	vadd.f32 v22, v59;
	v22 =	vld [tilespmem:s20+$0xFFFFFFE0];
	v54 =	vadd.f32 v57, v26;
	v55 =	vbroadcast v24, $0xF  }
0x183: {  	[tilespmem:s12+$0xFFFFFFB0] =	vst v38;
	(erf) = vpow2.f32 v52;
	v57 =	vadd.f32 v60, v19;
	v58 =	vld [tilespmem:s29+$0xFFFFFFE0];
	v56 =	vmul.f32 $2.000000030e-01, v32  }
0x184: {  	s3 =	simm.s32 $0xE800;
	[tilespmem:s12+$0xFFFFFFD0] =	vst v23;
	v23 =	vld [tilespmem:s20+$0xFFFFFFF0];
	v46 =	vadd.f32 v46, v33;
	v59 =	vmul.f32 $2.000000030e-01, v54;
	(erf) = vpow2.f32 v55  }
0x185: {  	v39 =	vld [tilespmem:s29+$0xFFFFFFB0];
	[tilespmem:s3+$0x0] =	vst v43;
	v60 =	vmul.f32 $2.000000030e-01, v57;
	v43 =	vadd.f32 v53, v34  }
0x186: {  	[tilespmem:s12+$0xFFFFFFE0] =	vst v62;
	v24 =	vld [tilespmem:s20+$0xFFFFFFB0];
	v32 =	vmax.f32 v32, v56;
	v61 =	vmul.f32 $2.000000030e-01, v46;
	v62 =	vmax.f32 v54, v59  }
0x187: {  	s5 =	simm.s32 $0x4;
	[tilespmem:s12+$0xFFFFFFC0] =	vst v51;
	v40 =	vld [tilespmem:s29+$0xFFFFFFF0];
	v37 =	vmul.f32 v32, v36;
	v42 =	vmax.f32 v57, v60;
	v36 =	vmul.f32 v62, v49  }
0x188: {  	s4 =	simm.s32 $0xE800;
	s12 =	simm.s32 $0x280;
	v32 =	vmax.f32 v46, v61;
	v38 =	vadd.f32 v58, v22;
	v35 =	vld [tilespmem:s13+$0xFFFFFF80];
	s13 =	simm.s32 $0xC800;
	v41 =	vmul.f32 $1.442695020e+00, v63  }
.LBB2_11:
0x189: {  	v44 =	vmul.f32 v32, v11;
	v11 =	vld [tilespmem:$0xC600];
	v45 =	vmul.f32 $2.000000030e-01, v43  }
0x18a: {  	s20 =	sadd.s32 $0x100, s20;
	v32 =	vld [tilespmem:$0xC610];
	v49 =	vmul.f32 $2.000000030e-01, v38;
	v48 =	vbroadcast v41, $0xF  }
0x18b: {  	v30 =	vmul.f32 v42, v30;
	s29 =	sadd.s32 $0x100, s29;
	v47 =	vld [tilespmem:s20+$0x30];
	v43 =	vmax.f32 v43, v45;
	v39 =	vadd.f32 v39, v24;
	v42, _, _ =	vpop (xrf2)  }
0x18c: {  	v45 =	vld [tilespmem:s29+$0x30];
	v40 =	vadd.f32 v40, v23;
	v42 =	vmul.f32 $1.442695020e+00, v42;
	(erf) = vpow2.f32 v48;
	v41 =	vpop (erf)  }
0x18d: {  	v37 =	vadd.f32 v37, v44;
	v38 =	vmax.f32 v38, v49;
	v48 =	vld [tilespmem:s20+$0x20];
	v44 =	vmul.f32 $2.000000030e-01, v39;
	v46 =	vpop (erf)  }
0x18e: {  	v30 =	vadd.f32 v30, v36;
	v49 =	vld [tilespmem:s20+$0x60];
	v36 =	vmul.f32 $2.000000030e-01, v40;
	v42 =	vbroadcast v42, $0xF  }
0x18f: {  	v27 =	vmul.f32 v43, v27;
	v29 =	vmul.f32 v38, v29;
	v50 =	vld [tilespmem:s29+$0x20];
	v39 =	vmax.f32 v39, v44  }
0x190: {  	v38 =	vld [tilespmem:s20+$0x0];
	v28 =	vmul.f32 v39, v28;
	v36 =	vmax.f32 v40, v36;
	(erf) = vpow2.f32 v42  }
0x191: {  	v27 =	vadd.f32 v27, v37;
	v29 =	vadd.f32 v29, v30;
	v39 =	vld [tilespmem:s20+$0x10];
	v30 =	vmul.f32 v36, v31  }
0x192: {  	vm0 =	veq.f32 v35, $1.000000000e+00;
	v37 =	vmul.f32 v41, v3;
	v3 =	vmovc v25;
	v36 =	vmul.f32 v41, v7;
	v7 =	vmovc v33;
	v31 =	vld [tilespmem:s20+$0x40]  }
0x193: {  	v27 =	vadd.f32 v28, v27;
	v25 =	vld [tilespmem:s20+$0x50];
	v28 =	vadd.f32 v30, v29;
	v29 =	vmul.f32 v41, v4;
	v4 =	vmovc v34  }
0x194: {  	v21 =	vmul.f32 v41, v21;
	vm1 =	veq.f32 v35, $2.000000000e+00;
	v33 =	vmul.f32 v46, v2;
	v2 =	vmovc v26;
	v30 =	vld [tilespmem:s29+$0x0];
	[tilespmem:s30+$0xFFFFFF80] =	vst v36  }
0x195: {  	v12 =	vmul.f32 v46, v12;
	v14 =	vmul.f32 v46, v14;
	v26 =	vld [tilespmem:s29+$0x10];
	(xrf2) =	vadd.scan.msk.f32 $0xffff, v27;
	v34 =	vpop (erf);
	[tilespmem:s30+$0xFFFFFF90] =	vst v37  }
0x196: {  	v16 =	vmul.f32 v46, v16;
	v36 =	vnsel vm0, $0x0, v5;
	v5 =	vmovc v41;
	v35 =	vld [tilespmem:s29+$0x40];
	v15 =	vmul.f32 v34, v15;
	[tilespmem:s30+$0xFFFFFFA0] =	vst v29  }
0x197: {  	v40 =	vnsel vm1, $0x0, v6;
	v6 =	vmovc v46;
	v37 =	vadd.f32 v45, v47;
	v18 =	vmul.f32 v34, v18;
	s30 =	sadd.s32 $0x100, s30;
	v29 =	vld [tilespmem:s29+$0x50];
	[tilespmem:s13+$0xFFFFFFB0] =	vst v21  }
0x198: {  	v21 =	vadd.f32 v50, v48;
	v50 =	vmul.f32 v34, v10;
	v10 =	vmovc v48;
	v41 =	vld [tilespmem:s29+$0x60];
	[tilespmem:s30+$0x0] =	vst v15;
	(xrf2) =	vadd.scan.msk.f32 $0xffff, v28  }
0x199: {  	v44 =	vmul.f32 $2.000000030e-01, v37;
	v42 =	vld [tilespmem:s20+$0x70];
	v43 =	vadd.f32 v30, v38;
	[tilespmem:s30+$0x10] =	vst v18;
	v18 =	vmul.f32 v34, v9;
	v45 =	vpop (erf)  }
0x19a: {  	v46 =	vmul.f32 $2.000000030e-01, v21;
	v9 =	vmovc v47;
	v26 =	vadd.f32 v26, v39;
	v48 =	vld [tilespmem:s29+$0x70];
	[tilespmem:s30+$0x20] =	vst v50;
	v13 =	vmul.f32 v45, v13  }
0x19b: {  	v17 =	vmul.f32 v45, v17;
	v15 =	vmovc v38;
	v27 =	vld [tilespmem:$0xC620];
	v47 =	vmul.f32 $2.000000030e-01, v43;
	v35 =	vadd.f32 v35, v31;
	[tilespmem:s30+$0x30] =	vst v18  }
0x19c: {  	s5 =	sadd.s32 $0x2, s5;
	v38 =	vld [tilespmem:$0xC640];
	v50 =	vmul.f32 $2.000000030e-01, v26;
	v51 =	vadd.f32 v29, v25;
	[tilespmem:s30+$0x40] =	vst v13;
	v29 =	vmul.f32 v45, v8;
	v8 =	vmovc v49  }
0x19d: {  	p4 =	slt.u32 s5, $0x3E;
	v52 =	vmul.f32 v45, v20;
	v30 =	vld [tilespmem:$0xC650];
	v49 =	vmul.f32 $2.000000030e-01, v35;
	v41 =	vadd.f32 v41, v8;
	[tilespmem:s30+$0x50] =	vst v17;
	v18 =	vmovc v39  }
0x19e: {  	v20 =	vmax.f32 v43, v47;
	v28 =	vld [tilespmem:$0xC630];
	v26 =	vmax.f32 v26, v50;
	v39 =	vmul.f32 $2.000000030e-01, v51;
	[tilespmem:s30+$0x60] =	vst v29;
	v13 =	vmovc v31  }
0x19f: {  	s2 =	sadd.s32 $0x100, s2;
	v20 =	vmul.f32 v20, v11;
	v29 =	vld [tilespmem:$0xC660];
	v26 =	vmul.f32 v26, v32;
	v43 =	vadd.f32 v48, v42;
	[tilespmem:s30+$0x70] =	vst v52;
	v47, _, _ =	vpop (xrf2)  }
0x1a0: {  	v21 =	vmax.f32 v21, v46;
	v17 =	vmovc v25;
	v35 =	vmax.f32 v35, v49;
	v46 =	vmul.f32 $2.000000030e-01, v41;
	v48 =	vld [tilespmem:s2+$0x0];
	[tilespmem:s13+$0xFFFFFFC0] =	vst v33  }
0x1a1: {  	v21 =	vmul.f32 v21, v27;
	v25 =	vld [tilespmem:s20+$0xFFFFFF90];
	v49 =	vadd.f32 v26, v20;
	v26 =	vmax.f32 v51, v39;
	[tilespmem:s13+$0xFFFFFFD0] =	vst v12  }
0x1a2: {  	v50 =	vmax.f32 v37, v44;
	v33 =	vmul.f32 v35, v38;
	v31 =	vld [tilespmem:$0xC670];
	v35 =	vmul.f32 v26, v30;
	v37, _, _ =	vpop (xrf2);
	[tilespmem:s13+$0xFFFFFFE0] =	vst v14  }
0x1a3: {  	v39 =	vmax.f32 v41, v46;
	v26 =	vld [tilespmem:s20+$0xFFFFFFC0];
	v44 =	vadd.f32 v21, v49;
	v49 =	vmul.f32 v50, v28;
	[tilespmem:s13+$0xFFFFFFF0] =	vst v16;
	s13 =	smov.u32 s30  }
0x1a4: {  	v46 =	vmul.f32 $2.000000030e-01, v43;
	v12 =	vmovc v19;
	v20 =	vmovc v42;
	v33 =	vadd.f32 v35, v33;
	v35 =	vmul.f32 v39, v29;
	v19 =	vld [tilespmem:s20+$0xFFFFFFD0]  }
0x1a5: {  	v14 =	vmovc v22;
	v21 =	vmovc v24;
	v39 =	vld [tilespmem:s29+$0xFFFFFF80];
	v41 =	vadd.f32 v49, v44;
	vm0 =	veq.f32 v48, $1.000000000e+00;
	vm1 =	veq.f32 v48, $2.000000000e+00  }
0x1a6: {  	v22 =	vmax.f32 v43, v46;
	v16 =	vmovc v23;
	v24 =	vld [tilespmem:s29+$0xFFFFFF90];
	v34 =	vnsel vm0, $0x0, v34;
	v42 =	vnsel vm1, $0x0, v45  }
0x1a7: {  	v35 =	vadd.f32 v35, v33;
	v23 =	vld [tilespmem:s29+$0xFFFFFFC0];
	v22 =	vmul.f32 v22, v31;
	(xrf2) =	vadd.scan.msk.f32 $0xffff, v41;
	v34 =	vadd.f32 v42, v34  }
0x1a8: {  	s3 =	sadd.s32 $0x100, s3;
	v36 =	vadd.f32 v40, v36;
	v37 =	vmul.f32 $1.442695020e+00, v37;
	v42 =	vmul.f32 $1.442695020e+00, v47;
	v41 =	vld [tilespmem:s29+$0xFFFFFFD0]  }
0x1a9: {  	v33 =	vld [tilespmem:s20+$0xFFFFFF80];
	v35 =	vadd.f32 v22, v35;
	[tilespmem:s3+$0x0] =	vst v34  }
0x1aa: {  	v37 =	vbroadcast v37, $0xF;
	v40 =	vbroadcast v42, $0xF;
	v34 =	vld [tilespmem:s20+$0xFFFFFFA0];
	[tilespmem:s18+$0xFFFFFF80] =	vst v36;
	s18 =	smov.u32 s4;
	s4 =	smov.u32 s3  }
0x1ab: {  	v22 =	vld [tilespmem:s20+$0xFFFFFFE0];
	v36 =	vadd.f32 v24, v25;
	(xrf2) =	vadd.scan.msk.f32 $0xffff, v35  }
0x1ac: {  	v35 =	vld [tilespmem:s29+$0xFFFFFFA0];
	v42 =	vadd.f32 v23, v26  }
0x1ad: {  	v43 =	vmul.f32 $2.000000030e-01, v36;
	v41 =	vadd.f32 v41, v19;
	v44 =	vld [tilespmem:s29+$0xFFFFFFE0];
	(erf) = vpow2.f32 v40  }
.Ltmp7:
0x1ae: {  	v24 =	vld [tilespmem:s20+$0xFFFFFFB0];
	v45 =	vadd.f32 v39, v33;
	v40 =	vmul.f32 $2.000000030e-01, v42;
	(erf) = vpow2.f32 v37;
	(pc) =	sbr.rel @p4 .LBB2_11-.Ltmp7, $4  }
0x1af: {  	v23 =	vld [tilespmem:s20+$0xFFFFFFF0];
	v36 =	vmax.f32 v36, v43;
	v46 =	vmul.f32 $2.000000030e-01, v41  }
0x1b0: {  	v47 =	vmul.f32 $2.000000030e-01, v45;
	v37 =	vmul.f32 v36, v32;
	v39 =	vld [tilespmem:s29+$0xFFFFFFB0];
	v32 =	vmax.f32 v42, v40  }
0x1b1: {  	v43 =	vadd.f32 v35, v34;
	v36 =	vmul.f32 v32, v38;
	v42 =	vmax.f32 v41, v46;
	v40 =	vld [tilespmem:s29+$0xFFFFFFF0];
	v35, _, _ =	vpop (xrf2)  }
0x1b2: {  	v32 =	vmax.f32 v45, v47;
	v38 =	vadd.f32 v44, v22;
	v41 =	vmul.f32 $1.442695020e+00, v35;
	v35 =	vld [tilespmem:s12+$0xFFFFFF80];
	s12 =	smov.u32 s2  }
0x1b3: {  	_ =	sdelay $0x1  }
0x1b4: {  	v44 =	vmul.f32 $2.000000030e-01, v43;
	v39 =	vadd.f32 v39, v24  }
0x1b5: {  	v11 =	vmul.f32 v32, v11  }
0x1b6: {  	v60 =	vmax.f32 v43, v44;
	v61 =	vmul.f32 $2.000000030e-01, v39  }
0x1b7: {  	v11 =	vadd.f32 v37, v11;
	v27 =	vmul.f32 v60, v27  }
0x1b8: {  	v62 =	vmul.f32 $2.000000030e-01, v38;
	v39 =	vmax.f32 v39, v61  }
0x1b9: {  	v63 =	vadd.f32 v40, v23;
	v11 =	vadd.f32 v27, v11;
	v28 =	vmul.f32 v39, v28  }
0x1ba: {  	v30 =	vmul.f32 v42, v30  }
0x1bb: {  	v44 =	vmax.f32 v38, v62;
	v45 =	vmul.f32 $2.000000030e-01, v63;
	v11 =	vadd.f32 v28, v11  }
0x1bc: {  	v30 =	vadd.f32 v30, v36;
	v27 =	vmul.f32 v44, v29  }
0x1bd: {  	v46 =	vmax.f32 v63, v45;
	(xrf2) =	vadd.scan.msk.f32 $0xffff, v11  }
0x1be: {  	v47 =	vbroadcast v41, $0xF;
	v27 =	vadd.f32 v27, v30;
	v28 =	vmul.f32 v46, v31;
	_ =	sdelay $0x1  }
0x1bf: {  	v48, _, _ =	vpop (xrf2);
	(erf) = vpow2.f32 v47;
	v27 =	vadd.f32 v28, v27  }
0x1c0: {  	v49 =	vmul.f32 $1.442695020e+00, v48  }
0x1c1: {  	(xrf2) =	vadd.scan.msk.f32 $0xffff, v27  }
0x1c2: {  	v50 =	vbroadcast v49, $0xF;
	_ =	sdelay $0x1  }
0x1c3: {  	v51 =	vpop (erf);
	(erf) = vpow2.f32 v50  }
0x1c4: {  	v7 =	vmul.f32 v51, v7  }
0x1c5: {  	v52, _, _ =	vpop (xrf2)  }
0x1c6: {  	v53 =	vpop (erf);
	v4 =	vmul.f32 v51, v4;
	[tilespmem:s30+$0xFFFFFF80] =	vst v7;
	v7 =	vmul.f32 $1.442695020e+00, v52  }
0x1c7: {  	v3 =	vmul.f32 v51, v3;
	v21 =	vmul.f32 v51, v21;
	v54 =	vpop (erf)  }
0x1c8: {  	[tilespmem:s30+$0xFFFFFFA0] =	vst v4;
	v4 =	vbroadcast v7, $0xF;
	v7 =	vmul.f32 v54, v18  }
0x1c9: {  	[tilespmem:s30+$0xFFFFFF90] =	vst v3;
	v3 =	vmul.f32 v54, v15  }
0x1ca: {  	s5 =	sadd.s32 $0x100, s30;
	[tilespmem:s13+$0xFFFFFFB0] =	vst v21;
	v55, _, _ =	vpop (xrf2);
	(erf) = vpow2.f32 v4  }
0x1cb: {  	[tilespmem:s5+$0x0] =	vst v3;
	v3 =	vmul.f32 $1.442695020e+00, v55;
	v4 =	vmul.f32 v54, v9  }
0x1cc: {  	v2 =	vmul.f32 v53, v2;
	[tilespmem:s5+$0x10] =	vst v7;
	v7 =	vpop (erf)  }
0x1cd: {  	v3 =	vbroadcast v3, $0xF;
	[tilespmem:s5+$0x30] =	vst v4;
	v4 =	vmul.f32 v7, v17  }
0x1ce: {  	[tilespmem:s13+$0xFFFFFFC0] =	vst v2;
	v2 =	vmul.f32 v53, v16;
	v10 =	vmul.f32 v54, v10  }
0x1cf: {  	(erf) = vpow2.f32 v3;
	[tilespmem:s5+$0x50] =	vst v4;
	v4 =	vmul.f32 v53, v12  }
0x1d0: {  	[tilespmem:s13+$0xFFFFFFF0] =	vst v2;
	v3 =	vmul.f32 v7, v20  }
0x1d1: {  	[tilespmem:s5+$0x20] =	vst v10  }
0x1d2: {  	[tilespmem:s5+$0x70] =	vst v3;
	v3 =	vmul.f32 v53, v14  }
0x1d3: {  	v56 =	vmul.f32 v7, v13;
	[tilespmem:s13+$0xFFFFFFD0] =	vst v4;
	v4 =	vpop (erf)  }
0x1d4: {  	v8 =	vmul.f32 v7, v8;
	[tilespmem:s13+$0xFFFFFFE0] =	vst v3;
	v3 =	vmul.f32 v4, v33  }
0x1d5: {  	[tilespmem:s5+$0x40] =	vst v56  }
0x1d6: {  	[tilespmem:s5+$0x60] =	vst v8;
	v2 =	vmul.f32 v4, v25  }
0x1d7: {  	v57 =	vmul.f32 v4, v34;
	[tilespmem:s5+$0xFFFFFF80] =	vst v3  }
0x1d8: {  	v58 =	vmul.f32 v4, v24;
	[tilespmem:s5+$0xFFFFFF90] =	vst v2;
	v3 =	vpop (erf)  }
0x1d9: {  	[tilespmem:s5+$0xFFFFFFA0] =	vst v57;
	v2 =	vmul.f32 v3, v26  }
0x1da: {  	[tilespmem:s5+$0xFFFFFFB0] =	vst v58;
	v59 =	vmul.f32 v3, v19  }
0x1db: {  	s2 =	sadd.s32 $0x100, s2;
	v61 =	vmul.f32 v3, v22;
	[tilespmem:s5+$0xFFFFFFC0] =	vst v2  }
0x1dc: {  	v60 =	vld [tilespmem:s2+$0x0];
	v2 =	vmul.f32 v3, v23;
	[tilespmem:s5+$0xFFFFFFD0] =	vst v59  }
0x1dd: {  	v62 =	vld [tilespmem:s12+$0xFFFFFF80];
	[tilespmem:s5+$0xFFFFFFE0] =	vst v61  }
0x1de: {  	[tilespmem:s5+$0xFFFFFFF0] =	vst v2  }
0x1df: {  	vm0 =	veq.f32 v35, $1.000000000e+00;
	vm9 =	veq.f32 v35, $2.000000000e+00;
	v2 =	vld [tilespmem:s2+$0xFFFFFF80]  }
0x1e0: {  	v5 =	vnsel vm0, $0x0, v5;
	v6 =	vnsel vm9, $0x0, v6  }
0x1e1: {  	v5 =	vadd.f32 v6, v5;
	vm8 =	veq.f32 v60, $1.000000000e+00;
	vm1 =	veq.f32 v60, $2.000000000e+00  }
0x1e2: {  	v63 =	vnsel vm8, $0x0, v54;
	v7 =	vnsel vm1, $0x0, v7;
	vm10 =	veq.f32 v62, $1.000000000e+00  }
0x1e3: {  	v7 =	vadd.f32 v7, v63;
	vm11 =	veq.f32 v62, $2.000000000e+00;
	v6 =	vnsel vm10, $0x0, v51  }
0x1e4: {  	v8 =	vnsel vm11, $0x0, v53;
	vm12 =	veq.f32 v2, $1.000000000e+00;
	vm13 =	veq.f32 v2, $2.000000000e+00  }
0x1e5: {  	s20 =	sadd.s32 $0x100, s3;
	[tilespmem:s18+$0xFFFFFF80] =	vst v5;
	v2 =	vadd.f32 v8, v6;
	v4 =	vnsel vm12, $0x0, v4;
	v3 =	vnsel vm13, $0x0, v3  }
0x1e6: {  	[tilespmem:s20+$0x0] =	vst v7;
	v3 =	vadd.f32 v3, v4  }
0x1e7: {  	[tilespmem:s4+$0xFFFFFF80] =	vst v2  }
0x1e8: {  	s29 =	simm.s32 $0x2200;
	[tilespmem:s20+$0xFFFFFF80] =	vst v3  }
0x1e9: {  	[spmem:s17] =	stream.indirect.scatter.add.f32 [tilespmem:s6], [sflag:$0x5], $0x80, s29, s9, $0xb8;
	[tilespmem:$0x1BC80] =	vst v63  }
0x1ea: {  	s30 =	simm.s32 $0x2280  }
0x1eb: {  	[spmem:s21] =	stream.indirect.scatter.add.f32 [tilespmem:s7], [sflag:$0x6], $0x80, s30, s9, $0xb8;
	[tilespmem:$0x1BC80] =	vst v63  }
0x1ec: {  	_ =	swait.ge [sflag:s31], $0x40  }
0x1ed: {  	[sflag:s31] =	ssyncset.done $0x0  }
0x1ee: {  	[sflag:s31] =	ssyncadd.s32 $0xFFFFFFC0  }
0x1ef: {  	_ =	swait.ge [sflag:s31], $0x40  }
0x1f0: {  	[sflag:s31] =	ssyncset.done $0x0  }
0x1f1: {  	[sflag:s31] =	ssyncadd.s32 $0xFFFFFFC0  }
0x1f2: {  	_ =	swait.ge [sflag:s31], $0x2000  }
0x1f3: {  	[sflag:s31] =	ssyncset.done $0x0  }
0x1f4: {  	s3 =	simm.s32 $0x0;
	[sflag:s31] =	ssyncadd.s32 $0xFFFFE000  }
0x1f5: {  	v3 =	vld [tilespmem:s3+$0x6380];
	_ =	sdelay $0x4  }
0x1f6: {  	v2 =	vand.u32 $0x7, v3  }
0x1f7: {  	vm15 =	vlt.u32 v3, $0x1388;
	v5 =	vshra.s32 v3, $0x3;
	v2 =	vadd.s32 $0x276, v2  }
0x1f8: {  	s2 =	simm.s32 $0x10;
	v4 =	vld [tilespmem:s3+$0x6300];
	v6 =	vand.u32 $0x3F, v3;
	v2 =	vsel vm15, v5, v2  }
0x1f9: {  	vm14 =	vlt.s32 v3, $0x270F;
	v5 =	vor.u32 $0x1400, v6;
	[tilespmem:s3+$0x8580] =	vst v2;
	v2 =	vld [tilespmem:s2+$0x6380]  }
0x1fa: {  	v7 =	vnsel vm14, $0x270F, v3;
	v5 =	vsel vm15, v3, v5;
	v3 =	vld [tilespmem:s2+$0x6300]  }
0x1fb: {  	v6 =	vadd.s32 v0, v7  }
0x1fc: {  	[tilespmem:s3+$0x8480] =	vst v6  }
0x1fd: {  	s4 =	simm.s32 $0x80;
	v4 =	vadd.s32 v0, v4;
	[tilespmem:s3+$0x8500] =	vst v5  }
.LBB2_13:
0x1fe: {  	s5 =	sshra.s32 s4, $0x2;
	p4 =	sne.s32 s4, $0xC0;
	s4 =	sadd.s32 $0x40, s4;
	vm0 =	vlt.s32 v2, $0x270F;
	v5 =	vand.u32 $0x3F, v2;
	v6 =	vand.u32 $0x7, v2;
	[tilespmem:s3+$0x8400] =	vst v4;
	v7 =	vmovc v2  }
.Ltmp8:
0x1ff: {  	s3 =	smov.u32 s2;
	v2 =	vld [tilespmem:s5+$0x6380];
	vm1 =	vlt.u32 v7, $0x1388;
	v4 =	vshra.s32 v7, $0x3;
	v6 =	vadd.s32 $0x276, v6;
	v8 =	vmovc v3;
	s2 =	smov.u32 s5;
	(pc) =	sbr.rel @p4 .LBB2_13-.Ltmp8, $4  }
0x200: {  	v9 =	vnsel vm0, $0x270F, v7;
	v5 =	vor.u32 $0x1400, v5;
	v3 =	vld [tilespmem:s2+$0x6300];
	v6 =	vsel vm1, v4, v6  }
0x201: {  	v4 =	vadd.s32 v0, v8;
	v8 =	vadd.s32 v0, v9;
	v5 =	vsel vm1, v7, v5;
	[tilespmem:s3+$0x8580] =	vst v6  }
0x202: {  	[tilespmem:s3+$0x8480] =	vst v8  }
0x203: {  	[tilespmem:s3+$0x8500] =	vst v5  }
0x204: {  	vm0 =	vlt.s32 v2, $0x270F;
	v5 =	vand.u32 $0x7, v2;
	vm1 =	vlt.u32 v2, $0x1388  }
0x205: {  	v6 =	vshra.s32 v2, $0x3;
	[tilespmem:s3+$0x8400] =	vst v4;
	v5 =	vadd.s32 $0x276, v5;
	v3 =	vadd.s32 v0, v3  }
0x206: {  	v7 =	vand.u32 $0x3F, v2;
	v4 =	vnsel vm0, $0x270F, v2;
	v5 =	vsel vm1, v6, v5;
	[tilespmem:s2+$0x8400] =	vst v3  }
0x207: {  	v6 =	vor.u32 $0x1400, v7;
	v4 =	vadd.s32 v0, v4;
	[tilespmem:s2+$0x8580] =	vst v5  }
0x208: {  	p4 =	seq.s32 s14, $0x53;
	v2 =	vsel vm1, v2, v6;
	[tilespmem:s2+$0x8480] =	vst v4  }
0x209: {  	s5 =	simm.s32 $0x8400;
	s12 =	simm.s32 $0x8600;
	[tilespmem:s2+$0x8500] =	vst v2;
	s2 =	sadd.s32 @!p4 s15, s26  }
0x20a: {  	[tilespmem:s12], [sflag:$0x4] =	stream.indirect.gather [hbm4b:s16+s9], $0x80, s5, s9, $0xb8;
	[tilespmem:$0x1BC80] =	vst v63  }
0x20b: {  	s13 =	simm.s32 $0x8480;
	s18 =	simm.s32 $0xA600;
	s3 =	sshll.u32 @!p4 s2, $0x3  }
0x20c: {  	[tilespmem:s18], [sflag:$0x4] =	stream.indirect.gather [hbm4b:s22+s9], $0x80, s13, s9, $0xb8;
	[tilespmem:$0x1BC80] =	vst v63  }
0x20d: {  	s5 =	simm.s32 @!p4 $0x0;
	s4 =	sadd.s32 @!p4 s23, s3  }
0x20e: {  	[tilespmem:s5], [sflag:$0x1] =	stream.linear.gather @!p4 [hbm4b:s4+s5], $0x40, $0x38;
	[tilespmem:$0x1BC80] =	vst v63  }
0x20f: {  	s2 =	sshll.u32 @!p4 s2, $0xA;
	s3 =	sadd.s32 @!p4 s24, s3;
	s4 =	simm.s32 @!p4 $0x80  }
0x210: {  	[tilespmem:s4], [sflag:$0x1] =	stream.linear.gather @!p4 [hbm4b:s3+s5], $0x40, $0x38;
	[tilespmem:$0x1BC80] =	vst v63  }
0x211: {  	s2 =	sadd.s32 @!p4 s25, s2;
	s3 =	simm.s32 @!p4 $0x100  }
0x212: {  	[tilespmem:s3], [sflag:$0x1] =	stream.linear.gather @!p4 [hbm4b:s2+s5], $0x2000, $0x38;
	[tilespmem:$0x1BC80] =	vst v63  }
0x213: {  	_ =	swait.ge [sflag:s1], $0x2000  }
0x214: {  	[sflag:s1] =	ssyncset.done $0x0  }
0x215: {  	[sflag:s1] =	ssyncadd.s32 $0xFFFFE000  }
0x216: {  	_ =	swait.ge [sflag:s10], $0x2000  }
0x217: {  	[sflag:s10] =	ssyncset.done $0x0  }
0x218: {  	[sflag:s10] =	ssyncadd.s32 $0xFFFFE000  }
0x219: {  	_ =	swait.ge [sflag:s11], $0x2000  }
0x21a: {  	[sflag:s11] =	ssyncset.done $0x0  }
0x21b: {  	[sflag:s11] =	ssyncadd.s32 $0xFFFFE000  }
0x21c: {  	_ =	swait.ge [sflag:s11], $0x2000  }
0x21d: {  	[sflag:s11] =	ssyncset.done $0x0  }
0x21e: {  	[sflag:s11] =	ssyncadd.s32 $0xFFFFE000  }
0x21f: {  	v12 =	vld [tilespmem:$0xC600]  }
0x220: {  	s20 =	simm.s32 $0x8680;
	v13 =	vld [tilespmem:$0xC610]  }
0x221: {  	s30 =	simm.s32 $0xA680;
	v7 =	vld [tilespmem:s20+$0x30]  }
0x222: {  	v5 =	vld [tilespmem:s30+$0x30]  }
0x223: {  	v9 =	vld [tilespmem:s20+$0x20]  }
0x224: {  	v2 =	vld [tilespmem:s20+$0x60]  }
0x225: {  	v6 =	vld [tilespmem:s30+$0x20]  }
0x226: {  	v11 =	vld [tilespmem:s20+$0x0]  }
0x227: {  	v10 =	vld [tilespmem:s20+$0x10]  }
0x228: {  	v8 =	vld [tilespmem:s20+$0x40]  }
0x229: {  	v14 =	vld [tilespmem:s30+$0x0]  }
0x22a: {  	v15 =	vld [tilespmem:s30+$0x10]  }
0x22b: {  	v4 =	vld [tilespmem:s20+$0x50]  }
0x22c: {  	v16 =	vld [tilespmem:s30+$0x40]  }
0x22d: {  	v17 =	vld [tilespmem:s30+$0x50]  }
0x22e: {  	v18 =	vld [tilespmem:s30+$0x60]  }
0x22f: {  	v3 =	vld [tilespmem:s20+$0x70];
	v14 =	vadd.f32 v14, v11  }
0x230: {  	v19 =	vld [tilespmem:s30+$0x70];
	v15 =	vadd.f32 v15, v10;
	v5 =	vadd.f32 v5, v7  }
0x231: {  	v21 =	vld [tilespmem:$0xC620];
	v6 =	vadd.f32 v6, v9;
	v16 =	vadd.f32 v16, v8;
	v20 =	vmul.f32 $2.000000030e-01, v14  }
0x232: {  	v28 =	vld [tilespmem:$0xC640];
	v17 =	vadd.f32 v17, v4;
	v22 =	vmul.f32 $2.000000030e-01, v15;
	v23 =	vmul.f32 $2.000000030e-01, v5  }
0x233: {  	v31 =	vld [tilespmem:$0xC650];
	v24 =	vmul.f32 $2.000000030e-01, v6;
	v25 =	vmul.f32 $2.000000030e-01, v16  }
0x234: {  	v35 =	vld [tilespmem:$0xC630];
	v14 =	vmax.f32 v14, v20;
	v15 =	vmax.f32 v15, v22;
	v20 =	vmul.f32 $2.000000030e-01, v17  }
0x235: {  	v18 =	vadd.f32 v18, v2;
	v14 =	vmul.f32 v14, v12;
	v15 =	vmul.f32 v15, v13  }
0x236: {  	v36 =	vld [tilespmem:$0xC660];
	v22 =	vadd.f32 v19, v3;
	v6 =	vmax.f32 v6, v24;
	v16 =	vmax.f32 v16, v25  }
0x237: {  	v5 =	vmax.f32 v5, v23;
	v6 =	vmul.f32 v6, v21;
	v14 =	vadd.f32 v15, v14  }
0x238: {  	v37 =	vld [tilespmem:$0xC670];
	v16 =	vmul.f32 v16, v28;
	v17 =	vmax.f32 v17, v20;
	v15 =	vmul.f32 $2.000000030e-01, v18  }
0x239: {  	v27 =	vld [tilespmem:s20+$0xFFFFFF80];
	v5 =	vmul.f32 v5, v35;
	v17 =	vmul.f32 v17, v31;
	v6 =	vadd.f32 v6, v14  }
0x23a: {  	v34 =	vld [tilespmem:s30+$0xFFFFFFF0];
	v14 =	vmax.f32 v18, v15;
	v15 =	vmul.f32 $2.000000030e-01, v22  }
0x23b: {  	v19 =	vld [tilespmem:s20+$0xFFFFFFC0];
	v16 =	vadd.f32 v17, v16;
	v14 =	vmul.f32 v14, v36;
	v5 =	vadd.f32 v5, v6  }
0x23c: {  	v23 =	vld [tilespmem:s20+$0xFFFFFFD0];
	v6 =	vmax.f32 v22, v15  }
0x23d: {  	v24 =	vld [tilespmem:s20+$0xFFFFFFF0];
	v14 =	vadd.f32 v14, v16;
	v6 =	vmul.f32 v6, v37;
	(xrf2) =	vadd.scan.msk.f32 $0xffff, v5  }
0x23e: {  	v20 =	vld [tilespmem:s20+$0xFFFFFF90]  }
0x23f: {  	v17 =	vld [tilespmem:s30+$0xFFFFFF80];
	v6 =	vadd.f32 v6, v14  }
0x240: {  	v18 =	vld [tilespmem:s30+$0xFFFFFFE0]  }
0x241: {  	v15 =	vld [tilespmem:s30+$0xFFFFFF90];
	(xrf2) =	vadd.scan.msk.f32 $0xffff, v6  }
0x242: {  	v5 =	vld [tilespmem:s30+$0xFFFFFFD0]  }
0x243: {  	v22 =	vld [tilespmem:s20+$0xFFFFFFE0]  }
0x244: {  	v16 =	vld [tilespmem:s30+$0xFFFFFFC0]  }
0x245: {  	v25 =	vld [tilespmem:s20+$0xFFFFFFA0]  }
0x246: {  	v14 =	vld [tilespmem:s30+$0xFFFFFFA0];
	v17 =	vadd.f32 v17, v27  }
0x247: {  	v26 =	vld [tilespmem:s20+$0xFFFFFFB0];
	v15 =	vadd.f32 v15, v20;
	v33 =	vadd.f32 v5, v23;
	v5, _, _ =	vpop (xrf2)  }
0x248: {  	s12 =	simm.s32 $0xA780;
	v32 =	vld [tilespmem:s30+$0xFFFFFFB0];
	v40 =	vmul.f32 $2.000000030e-01, v17;
	v18 =	vadd.f32 v18, v22;
	v30 =	vmul.f32 $1.442695020e+00, v5  }
0x249: {  	v46 =	vld [tilespmem:s12+$0x20];
	v48 =	vadd.f32 v34, v24;
	v16 =	vadd.f32 v16, v19;
	v29 =	vmul.f32 $2.000000030e-01, v15  }
0x24a: {  	v50 =	vld [tilespmem:s12+$0x40];
	v17 =	vmax.f32 v17, v40;
	v47 =	vmul.f32 $2.000000030e-01, v18;
	v30 =	vbroadcast v30, $0xF  }
0x24b: {  	v52 =	vld [tilespmem:s12+$0x60];
	v38 =	vmul.f32 $2.000000030e-01, v16;
	v14 =	vadd.f32 v14, v25;
	v12 =	vmul.f32 v17, v12;
	v41, _, _ =	vpop (xrf2)  }
0x24c: {  	s4 =	simm.s32 $0x8780;
	v53 =	vld [tilespmem:s12+$0x70];
	v15 =	vmax.f32 v15, v29;
	v41 =	vmul.f32 $1.442695020e+00, v41;
	(erf) = vpow2.f32 v30  }
0x24d: {  	v34 =	vld [tilespmem:s4+$0x10];
	v17 =	vadd.f32 v32, v26;
	v39 =	vmul.f32 $2.000000030e-01, v33;
	v13 =	vmul.f32 v15, v13  }
0x24e: {  	v6 =	vld [tilespmem:$0xC610];
	v18 =	vmax.f32 v18, v47;
	v16 =	vmax.f32 v16, v38;
	v44 =	vbroadcast v41, $0xF  }
0x24f: {  	v32 =	vld [tilespmem:s4+$0x40];
	v45 =	vmul.f32 $2.000000030e-01, v14;
	v12 =	vadd.f32 v13, v12;
	v13 =	vmul.f32 $2.000000030e-01, v17  }
0x250: {  	v29 =	vld [tilespmem:s4+$0x30];
	v16 =	vmul.f32 v16, v28;
	v63 =	vmax.f32 v33, v39;
	(erf) = vpow2.f32 v44  }
0x251: {  	v15 =	vld [tilespmem:s12+$0x30];
	v38 =	vmul.f32 v63, v31;
	v13 =	vmax.f32 v17, v13;
	v17 =	vmul.f32 v18, v36  }
0x252: {  	v33 =	vld [tilespmem:s4+$0x0];
	v14 =	vmax.f32 v14, v45  }
0x253: {  	v31 =	vld [tilespmem:s4+$0x50];
	v14 =	vmul.f32 v14, v21;
	v16 =	vadd.f32 v38, v16  }
0x254: {  	v49 =	vmul.f32 $2.000000030e-01, v48;
	v18 =	vld [tilespmem:s12+$0x0]  }
0x255: {  	v13 =	vmul.f32 v13, v35;
	v12 =	vadd.f32 v14, v12;
	v14 =	vld [tilespmem:s12+$0x10];
	v16 =	vadd.f32 v17, v16;
	v17 =	vpop (erf)  }
0x256: {  	v21 =	vmax.f32 v48, v49;
	v30 =	vld [tilespmem:s4+$0x20];
	v11 =	vmul.f32 v17, v11  }
0x257: {  	s13 =	simm.s32 $0xC700;
	v12 =	vadd.f32 v13, v12;
	v13 =	vadd.f32 v15, v29;
	v15 =	vld [tilespmem:s12+$0x50];
	v10 =	vmul.f32 v17, v10  }
0x258: {  	v28 =	vld [tilespmem:s4+$0x60];
	v21 =	vmul.f32 v21, v37;
	v9 =	vmul.f32 v17, v9;
	[tilespmem:s13+$0x0] =	vst v11  }
0x259: {  	v5 =	vld [tilespmem:$0xC600];
	v36 =	vadd.f32 v50, v32;
	v7 =	vmul.f32 v17, v7;
	v11 =	vadd.f32 v18, v33;
	v37 =	vpop (erf);
	[tilespmem:s13+$0x10] =	vst v10  }
0x25a: {  	v38 =	vld [tilespmem:$0xC620];
	v18 =	vmul.f32 $2.000000030e-01, v13;
	v10 =	vadd.f32 v14, v34;
	[tilespmem:s13+$0x20] =	vst v9;
	v8 =	vmul.f32 v37, v8  }
0x25b: {  	v44 =	vld [tilespmem:$0xC630];
	v51 =	vadd.f32 v46, v30;
	[tilespmem:s13+$0x30] =	vst v7;
	v4 =	vmul.f32 v37, v4;
	v2 =	vmul.f32 v37, v2  }
0x25c: {  	v35 =	vld [tilespmem:s4+$0x70];
	v15 =	vadd.f32 v15, v31;
	v9 =	vmul.f32 $2.000000030e-01, v11;
	v7 =	vmul.f32 $2.000000030e-01, v10;
	[tilespmem:s13+$0x40] =	vst v8  }
0x25d: {  	v42 =	vld [tilespmem:$0xC640];
	v14 =	vmul.f32 $2.000000030e-01, v51;
	v3 =	vmul.f32 v37, v3;
	v13 =	vmax.f32 v13, v18;
	[tilespmem:s13+$0x50] =	vst v4  }
0x25e: {  	v43 =	vld [tilespmem:$0xC650];
	v8 =	vmul.f32 $2.000000030e-01, v36;
	[tilespmem:s13+$0x60] =	vst v2;
	v4 =	vmax.f32 v11, v9;
	v7 =	vmax.f32 v10, v7  }
0x25f: {  	[tilespmem:s13+$0x70] =	vst v3;
	v3 =	vmax.f32 v51, v14;
	v2 =	vmul.f32 v4, v5;
	v4 =	vmul.f32 v7, v6  }
0x260: {  	v40 =	vld [tilespmem:$0xC660];
	v13 =	vmul.f32 v13, v44;
	v9 =	vmul.f32 $2.000000030e-01, v15;
	v10 =	vadd.f32 v52, v28  }
0x261: {  	v7 =	vadd.f32 v53, v35;
	v2 =	vadd.f32 v4, v2;
	v4 =	vmul.f32 v3, v38  }
0x262: {  	v39 =	vld [tilespmem:$0xC670];
	v8 =	vmax.f32 v36, v8;
	v11 =	vmul.f32 $2.000000030e-01, v10;
	v9 =	vmax.f32 v15, v9  }
0x263: {  	v57 =	vld [tilespmem:s12+$0xFFFFFFB0];
	(xrf2) =	vadd.scan.msk.f32 $0xffff, v12;
	v8 =	vmul.f32 v8, v42;
	v9 =	vmul.f32 v9, v43;
	v4 =	vadd.f32 v4, v2  }
0x264: {  	v16 =	vadd.f32 v21, v16;
	v21 =	vld [tilespmem:s4+$0xFFFFFFB0];
	v10 =	vmax.f32 v10, v11;
	v11 =	vmul.f32 $2.000000030e-01, v7  }
0x265: {  	v12 =	vld [tilespmem:s4+$0xFFFFFFD0];
	v8 =	vadd.f32 v9, v8;
	v9 =	vmul.f32 v10, v40;
	v4 =	vadd.f32 v13, v4  }
0x266: {  	(xrf2) =	vadd.scan.msk.f32 $0xffff, v16;
	v18 =	vld [tilespmem:s12+$0xFFFFFFE0];
	v7 =	vmax.f32 v7, v11  }
0x267: {  	v14 =	vld [tilespmem:s4+$0xFFFFFFE0];
	v8 =	vadd.f32 v9, v8;
	v7 =	vmul.f32 v7, v39;
	(xrf2) =	vadd.scan.msk.f32 $0xffff, v4  }
0x268: {  	v3 =	vld [tilespmem:s4+$0xFFFFFF90]  }
0x269: {  	v2 =	vld [tilespmem:s4+$0xFFFFFFC0];
	v8 =	vadd.f32 v7, v8  }
0x26a: {  	v11 =	vld [tilespmem:s12+$0xFFFFFF90]  }
0x26b: {  	v10 =	vld [tilespmem:s12+$0xFFFFFF80]  }
0x26c: {  	v9 =	vld [tilespmem:s12+$0xFFFFFFC0];
	(xrf2) =	vadd.scan.msk.f32 $0xffff, v8  }
0x26d: {  	v13 =	vld [tilespmem:s12+$0xFFFFFFD0];
	v8, _, _ =	vpop (xrf2)  }
0x26e: {  	s30 =	simm.s32 $0x6480;
	v61 =	vadd.f32 v18, v14;
	v7 =	vld [tilespmem:s4+$0xFFFFFF80];
	v8 =	vmul.f32 $1.442695020e+00, v8  }
0x26f: {  	v54 =	vld [tilespmem:s30+$0x0];
	v45 =	vadd.f32 v11, v3  }
0x270: {  	v41 =	vadd.f32 v57, v21;
	v15 =	vld [tilespmem:s12+$0xFFFFFFA0];
	v63 =	vmul.f32 $2.000000030e-01, v61;
	v16, _, _ =	vpop (xrf2);
	v8 =	vbroadcast v8, $0xF  }
0x271: {  	v4 =	vld [tilespmem:s4+$0xFFFFFFA0];
	v9 =	vadd.f32 v9, v2;
	v56 =	vmul.f32 $2.000000030e-01, v45;
	v55 =	vmul.f32 $1.442695020e+00, v16;
	v46, _, _ =	vpop (xrf2)  }
0x272: {  	v47 =	vld [tilespmem:s12+$0xFFFFFFF0];
	v13 =	vadd.f32 v13, v12;
	(erf) = vpow2.f32 v8;
	v8 =	vmul.f32 $1.442695020e+00, v46  }
0x273: {  	v10 =	vadd.f32 v10, v7;
	v58 =	vmul.f32 $2.000000030e-01, v9;
	v16 =	vld [tilespmem:s4+$0xFFFFFFF0];
	v11 =	vbroadcast v55, $0xF  }
0x274: {  	vm12 =	veq.f32 v54, $1.000000000e+00;
	v48 =	vmul.f32 $2.000000030e-01, v13;
	v8 =	vbroadcast v8, $0xF  }
0x275: {  	vm13 =	veq.f32 v54, $2.000000000e+00;
	v49 =	vmul.f32 $2.000000030e-01, v10;
	(erf) = vpow2.f32 v11  }
0x276: {  	s20 =	simm.s32 $0xA880;
	v50 =	vadd.f32 v15, v4;
	v45 =	vmax.f32 v45, v56;
	v60, _, _ =	vpop (xrf2);
	(erf) = vpow2.f32 v8  }
0x277: {  	v57 =	vld [tilespmem:s20+$0x10];
	v6 =	vmul.f32 v45, v6;
	v15 =	vmul.f32 $1.442695020e+00, v60;
	v8 =	vmax.f32 v10, v49  }
0x278: {  	v51 =	vld [tilespmem:s20+$0x30];
	v59 =	vmax.f32 v9, v58;
	v53 =	vadd.f32 v47, v16;
	v5 =	vmul.f32 v8, v5  }
0x279: {  	v52 =	vld [tilespmem:s20+$0x20];
	v13 =	vmax.f32 v13, v48;
	v42 =	vmul.f32 v59, v42;
	v18 =	vbroadcast v15, $0xF  }
0x27a: {  	v36 =	vld [tilespmem:$0xC610];
	v55 =	vmul.f32 $2.000000030e-01, v53;
	v54 =	vadd.f32 v6, v5;
	v6 =	vmul.f32 $2.000000030e-01, v41  }
0x27b: {  	s15 =	simm.s32 $0x8880;
	v56 =	vld [tilespmem:s20+$0x0];
	v13 =	vmul.f32 v13, v43;
	(erf) = vpow2.f32 v18  }
0x27c: {  	v9 =	vld [tilespmem:s15+$0x30];
	v45 =	vmax.f32 v61, v63;
	v43 =	vmax.f32 v53, v55  }
0x27d: {  	v40 =	vmul.f32 v45, v40;
	v42 =	vadd.f32 v13, v42;
	v15 =	vld [tilespmem:s15+$0x0];
	v5 =	vpop (erf)  }
0x27e: {  	v62 =	vmul.f32 $2.000000030e-01, v50;
	v18 =	vld [tilespmem:s15+$0x10];
	v41 =	vmax.f32 v41, v6;
	v6 =	vpop (erf)  }
0x27f: {  	v61 =	vld [tilespmem:s20+$0x50];
	v40 =	vadd.f32 v40, v42;
	v39 =	vmul.f32 v43, v39;
	v42 =	vmul.f32 v5, v27;
	v43 =	vpop (erf)  }
0x280: {  	v46 =	vmax.f32 v50, v62;
	v10 =	vld [tilespmem:s15+$0x20];
	v27 =	vmul.f32 v43, v33;
	v34 =	vmul.f32 v43, v34  }
0x281: {  	s29 =	simm.s32 $0xC800;
	v59 =	vld [tilespmem:s20+$0x40];
	v50 =	vnsel vm12, $0x0, v17;
	v17 =	vmul.f32 v46, v38;
	v38 =	vmul.f32 v5, v26  }
0x282: {  	v11 =	vld [tilespmem:$0xC600];
	v26 =	vmul.f32 v43, v29;
	[tilespmem:s29+$0x0] =	vst v27;
	v27 =	vmul.f32 v43, v30;
	v30 =	vadd.f32 v56, v15  }
0x283: {  	v13 =	vld [tilespmem:s15+$0x40];
	v29 =	vadd.f32 v57, v18;
	[tilespmem:s29+$0x10] =	vst v34  }
0x284: {  	v49 =	vld [tilespmem:$0xC640];
	v58 =	vadd.f32 v17, v54;
	v41 =	vmul.f32 v41, v44;
	[tilespmem:s29+$0x30] =	vst v26;
	v34 =	vpop (erf);
	v62 =	vmul.f32 $2.000000030e-01, v30  }
0x285: {  	v63 =	vadd.f32 v52, v10;
	[tilespmem:s29+$0x20] =	vst v27;
	v27 =	vld [tilespmem:$0xC620];
	v26 =	vmul.f32 v34, v31;
	v31 =	vmul.f32 $2.000000030e-01, v29  }
0x286: {  	v8 =	vld [tilespmem:s15+$0x60];
	v54 =	vadd.f32 v51, v9;
	v44 =	vmul.f32 v5, v25;
	v55 =	vmul.f32 v34, v28  }
0x287: {  	v28 =	vld [tilespmem:$0xC630];
	v45 =	vmax.f32 v30, v62;
	[tilespmem:s29+$0x50] =	vst v26;
	v26 =	vmul.f32 $2.000000030e-01, v63;
	v29 =	vmax.f32 v29, v31  }
0x288: {  	v39 =	vadd.f32 v39, v40;
	v17 =	vld [tilespmem:s15+$0x50];
	v31 =	vmul.f32 v45, v11;
	v56 =	vmul.f32 v29, v36  }
0x289: {  	v40 =	vld [tilespmem:s20+$0x70];
	v57 =	vmul.f32 $2.000000030e-01, v54;
	v32 =	vmul.f32 v34, v32;
	v26 =	vmax.f32 v63, v26  }
0x28a: {  	v25 =	vld [tilespmem:s20+$0x60];
	v60 =	vadd.f32 v41, v58;
	v31 =	vadd.f32 v56, v31;
	v26 =	vmul.f32 v26, v27  }
0x28b: {  	v47 =	vmul.f32 v5, v20;
	v20 =	vld [tilespmem:s15+$0x70];
	[tilespmem:s29+$0x40] =	vst v32;
	v32 =	vmax.f32 v54, v57  }
0x28c: {  	v46 =	vadd.f32 v59, v13;
	v53 =	vld [tilespmem:s20+$0xFFFFFFA0];
	(xrf2) =	vadd.scan.msk.f32 $0xffff, v60;
	v32 =	vmul.f32 v32, v28;
	v63 =	vadd.f32 v26, v31  }
0x28d: {  	v58 =	vadd.f32 v61, v17;
	v30 =	vld [tilespmem:$0xC650]  }
0x28e: {  	v51 =	vmul.f32 v6, v19;
	v19 =	vld [tilespmem:s15+$0xFFFFFFD0];
	v60 =	vmul.f32 $2.000000030e-01, v46;
	(xrf2) =	vadd.scan.msk.f32 $0xffff, v39;
	v32 =	vadd.f32 v32, v63  }
0x28f: {  	v61 =	vadd.f32 v25, v8;
	v35 =	vmul.f32 v34, v35;
	v62 =	vmul.f32 $2.000000030e-01, v58;
	v29 =	vld [tilespmem:$0xC660]  }
0x290: {  	v25 =	vld [tilespmem:s15+$0xFFFFFF90];
	v40 =	vadd.f32 v40, v20;
	(xrf2) =	vadd.scan.msk.f32 $0xffff, v32  }
0x291: {  	v33 =	vmax.f32 v46, v60;
	[tilespmem:s29+$0x70] =	vst v35;
	v54 =	vmul.f32 $2.000000030e-01, v61;
	v35 =	vmax.f32 v58, v62;
	v31 =	vld [tilespmem:$0xC670]  }
0x292: {  	s2 =	simm.s32 $0x6580;
	v46 =	vld [tilespmem:s20+$0xFFFFFF80];
	v33 =	vmul.f32 v33, v49;
	[tilespmem:s29+$0x60] =	vst v55;
	v35 =	vmul.f32 v35, v30  }
0x293: {  	v37 =	vnsel vm13, $0x0, v37;
	v55 =	vmul.f32 $2.000000030e-01, v40;
	v59 =	vld [tilespmem:s2+$0x0];
	v41 =	vmax.f32 v61, v54  }
0x294: {  	v37 =	vadd.f32 v37, v50;
	v57 =	vld [tilespmem:s20+$0xFFFFFFC0];
	v35 =	vadd.f32 v35, v33;
	v41 =	vmul.f32 v41, v29  }
0x295: {  	s18 =	simm.s32 $0xE700;
	v23 =	vmul.f32 v6, v23;
	v58 =	vmax.f32 v40, v55;
	v56 =	vld [tilespmem:s20+$0xFFFFFF90]  }
0x296: {  	[tilespmem:s18+$0x0] =	vst v37;
	v61, _, _ =	vpop (xrf2);
	v26 =	vld [tilespmem:s15+$0xFFFFFFC0];
	v63 =	vmul.f32 v6, v24;
	v35 =	vadd.f32 v41, v35;
	v37 =	vmul.f32 v58, v31  }
0x297: {  	v60 =	vld [tilespmem:s20+$0xFFFFFFD0];
	v62 =	vmul.f32 v6, v22;
	v50 =	vmul.f32 $1.442695020e+00, v61  }
0x298: {  	[tilespmem:s13+$0xFFFFFF80] =	vst v42;
	vm14 =	veq.f32 v59, $1.000000000e+00;
	vm15 =	veq.f32 v59, $2.000000000e+00;
	v33 =	vld [tilespmem:s15+$0xFFFFFF80];
	v24, _, _ =	vpop (xrf2);
	v35 =	vadd.f32 v37, v35  }
0x299: {  	[tilespmem:s13+$0xFFFFFF90] =	vst v47;
	v52 =	vbroadcast v50, $0xF;
	v22 =	vnsel vm15, $0x0, v34;
	v34 =	vld [tilespmem:s15+$0xFFFFFFA0];
	v24 =	vmul.f32 $1.442695020e+00, v24  }
0x29a: {  	v59 =	vnsel vm14, $0x0, v43;
	v32 =	vadd.f32 v56, v25;
	[tilespmem:s13+$0xFFFFFFF0] =	vst v63;
	v63, _, _ =	vpop (xrf2);
	(xrf2) =	vadd.scan.msk.f32 $0xffff, v35  }
0x29b: {  	[tilespmem:s13+$0xFFFFFFA0] =	vst v44;
	v43 =	vadd.f32 v22, v59;
	v22 =	vld [tilespmem:s15+$0xFFFFFFE0];
	v54 =	vadd.f32 v57, v26;
	v55 =	vbroadcast v24, $0xF  }
0x29c: {  	[tilespmem:s13+$0xFFFFFFB0] =	vst v38;
	(erf) = vpow2.f32 v52;
	v57 =	vadd.f32 v60, v19;
	v58 =	vld [tilespmem:s20+$0xFFFFFFE0];
	v56 =	vmul.f32 $2.000000030e-01, v32  }
0x29d: {  	s3 =	simm.s32 $0xE800;
	[tilespmem:s13+$0xFFFFFFD0] =	vst v23;
	v23 =	vld [tilespmem:s15+$0xFFFFFFF0];
	v46 =	vadd.f32 v46, v33;
	v59 =	vmul.f32 $2.000000030e-01, v54;
	(erf) = vpow2.f32 v55  }
0x29e: {  	v39 =	vld [tilespmem:s20+$0xFFFFFFB0];
	[tilespmem:s3+$0x0] =	vst v43;
	v60 =	vmul.f32 $2.000000030e-01, v57;
	v43 =	vadd.f32 v53, v34  }
0x29f: {  	[tilespmem:s13+$0xFFFFFFE0] =	vst v62;
	v24 =	vld [tilespmem:s15+$0xFFFFFFB0];
	v32 =	vmax.f32 v32, v56;
	v61 =	vmul.f32 $2.000000030e-01, v46;
	v62 =	vmax.f32 v54, v59  }
0x2a0: {  	s5 =	simm.s32 $0x4;
	[tilespmem:s13+$0xFFFFFFC0] =	vst v51;
	v40 =	vld [tilespmem:s20+$0xFFFFFFF0];
	v37 =	vmul.f32 v32, v36;
	v42 =	vmax.f32 v57, v60;
	v36 =	vmul.f32 v62, v49  }
0x2a1: {  	s12 =	simm.s32 $0x6580;
	s4 =	simm.s32 $0xE800;
	s13 =	simm.s32 $0xC800;
	v32 =	vmax.f32 v46, v61;
	v38 =	vadd.f32 v58, v22;
	v35 =	vld [tilespmem:s30+$0xFFFFFF80];
	v41 =	vmul.f32 $1.442695020e+00, v63  }
.LBB2_15:
0x2a2: {  	v44 =	vmul.f32 v32, v11;
	v11 =	vld [tilespmem:$0xC600];
	v45 =	vmul.f32 $2.000000030e-01, v43  }
0x2a3: {  	s15 =	sadd.s32 $0x100, s15;
	v32 =	vld [tilespmem:$0xC610];
	v49 =	vmul.f32 $2.000000030e-01, v38;
	v48 =	vbroadcast v41, $0xF  }
0x2a4: {  	v30 =	vmul.f32 v42, v30;
	s20 =	sadd.s32 $0x100, s20;
	v47 =	vld [tilespmem:s15+$0x30];
	v43 =	vmax.f32 v43, v45;
	v39 =	vadd.f32 v39, v24;
	v42, _, _ =	vpop (xrf2)  }
0x2a5: {  	v45 =	vld [tilespmem:s20+$0x30];
	v40 =	vadd.f32 v40, v23;
	v42 =	vmul.f32 $1.442695020e+00, v42;
	(erf) = vpow2.f32 v48;
	v41 =	vpop (erf)  }
0x2a6: {  	v37 =	vadd.f32 v37, v44;
	v38 =	vmax.f32 v38, v49;
	v48 =	vld [tilespmem:s15+$0x20];
	v44 =	vmul.f32 $2.000000030e-01, v39;
	v46 =	vpop (erf)  }
0x2a7: {  	v30 =	vadd.f32 v30, v36;
	v49 =	vld [tilespmem:s15+$0x60];
	v36 =	vmul.f32 $2.000000030e-01, v40;
	v42 =	vbroadcast v42, $0xF  }
0x2a8: {  	v27 =	vmul.f32 v43, v27;
	v29 =	vmul.f32 v38, v29;
	v50 =	vld [tilespmem:s20+$0x20];
	v39 =	vmax.f32 v39, v44  }
0x2a9: {  	v38 =	vld [tilespmem:s15+$0x0];
	v28 =	vmul.f32 v39, v28;
	v36 =	vmax.f32 v40, v36;
	(erf) = vpow2.f32 v42  }
0x2aa: {  	v27 =	vadd.f32 v27, v37;
	v29 =	vadd.f32 v29, v30;
	v39 =	vld [tilespmem:s15+$0x10];
	v30 =	vmul.f32 v36, v31  }
0x2ab: {  	vm0 =	veq.f32 v35, $1.000000000e+00;
	v37 =	vmul.f32 v41, v3;
	v3 =	vmovc v25;
	v36 =	vmul.f32 v41, v7;
	v7 =	vmovc v33;
	v31 =	vld [tilespmem:s15+$0x40]  }
0x2ac: {  	v27 =	vadd.f32 v28, v27;
	v25 =	vld [tilespmem:s15+$0x50];
	v28 =	vadd.f32 v30, v29;
	v29 =	vmul.f32 v41, v4;
	v4 =	vmovc v34  }
0x2ad: {  	v21 =	vmul.f32 v41, v21;
	vm1 =	veq.f32 v35, $2.000000000e+00;
	v33 =	vmul.f32 v46, v2;
	v2 =	vmovc v26;
	v30 =	vld [tilespmem:s20+$0x0];
	[tilespmem:s29+$0xFFFFFF80] =	vst v36  }
0x2ae: {  	v12 =	vmul.f32 v46, v12;
	v14 =	vmul.f32 v46, v14;
	v26 =	vld [tilespmem:s20+$0x10];
	(xrf2) =	vadd.scan.msk.f32 $0xffff, v27;
	v34 =	vpop (erf);
	[tilespmem:s29+$0xFFFFFF90] =	vst v37  }
0x2af: {  	v16 =	vmul.f32 v46, v16;
	v36 =	vnsel vm0, $0x0, v5;
	v5 =	vmovc v41;
	v35 =	vld [tilespmem:s20+$0x40];
	v15 =	vmul.f32 v34, v15;
	[tilespmem:s29+$0xFFFFFFA0] =	vst v29  }
0x2b0: {  	v40 =	vnsel vm1, $0x0, v6;
	v6 =	vmovc v46;
	v37 =	vadd.f32 v45, v47;
	v18 =	vmul.f32 v34, v18;
	s29 =	sadd.s32 $0x100, s29;
	v29 =	vld [tilespmem:s20+$0x50];
	[tilespmem:s13+$0xFFFFFFB0] =	vst v21  }
0x2b1: {  	v21 =	vadd.f32 v50, v48;
	v50 =	vmul.f32 v34, v10;
	v10 =	vmovc v48;
	v41 =	vld [tilespmem:s20+$0x60];
	[tilespmem:s29+$0x0] =	vst v15;
	(xrf2) =	vadd.scan.msk.f32 $0xffff, v28  }
0x2b2: {  	v44 =	vmul.f32 $2.000000030e-01, v37;
	v42 =	vld [tilespmem:s15+$0x70];
	v43 =	vadd.f32 v30, v38;
	[tilespmem:s29+$0x10] =	vst v18;
	v18 =	vmul.f32 v34, v9;
	v45 =	vpop (erf)  }
0x2b3: {  	v46 =	vmul.f32 $2.000000030e-01, v21;
	v9 =	vmovc v47;
	v26 =	vadd.f32 v26, v39;
	v48 =	vld [tilespmem:s20+$0x70];
	[tilespmem:s29+$0x20] =	vst v50;
	v13 =	vmul.f32 v45, v13  }
0x2b4: {  	v17 =	vmul.f32 v45, v17;
	v15 =	vmovc v38;
	v27 =	vld [tilespmem:$0xC620];
	v47 =	vmul.f32 $2.000000030e-01, v43;
	v35 =	vadd.f32 v35, v31;
	[tilespmem:s29+$0x30] =	vst v18  }
0x2b5: {  	s5 =	sadd.s32 $0x2, s5;
	v38 =	vld [tilespmem:$0xC640];
	v50 =	vmul.f32 $2.000000030e-01, v26;
	v51 =	vadd.f32 v29, v25;
	[tilespmem:s29+$0x40] =	vst v13;
	v29 =	vmul.f32 v45, v8;
	v8 =	vmovc v49  }
0x2b6: {  	p5 =	slt.u32 s5, $0x3E;
	v52 =	vmul.f32 v45, v20;
	v30 =	vld [tilespmem:$0xC650];
	v49 =	vmul.f32 $2.000000030e-01, v35;
	v41 =	vadd.f32 v41, v8;
	[tilespmem:s29+$0x50] =	vst v17;
	v18 =	vmovc v39  }
0x2b7: {  	v20 =	vmax.f32 v43, v47;
	v28 =	vld [tilespmem:$0xC630];
	v26 =	vmax.f32 v26, v50;
	v39 =	vmul.f32 $2.000000030e-01, v51;
	[tilespmem:s29+$0x60] =	vst v29;
	v13 =	vmovc v31  }
0x2b8: {  	s2 =	sadd.s32 $0x100, s2;
	v20 =	vmul.f32 v20, v11;
	v29 =	vld [tilespmem:$0xC660];
	v26 =	vmul.f32 v26, v32;
	v43 =	vadd.f32 v48, v42;
	[tilespmem:s29+$0x70] =	vst v52;
	v47, _, _ =	vpop (xrf2)  }
0x2b9: {  	v21 =	vmax.f32 v21, v46;
	v17 =	vmovc v25;
	v35 =	vmax.f32 v35, v49;
	v46 =	vmul.f32 $2.000000030e-01, v41;
	v48 =	vld [tilespmem:s2+$0x0];
	[tilespmem:s13+$0xFFFFFFC0] =	vst v33  }
0x2ba: {  	v21 =	vmul.f32 v21, v27;
	v25 =	vld [tilespmem:s15+$0xFFFFFF90];
	v49 =	vadd.f32 v26, v20;
	v26 =	vmax.f32 v51, v39;
	[tilespmem:s13+$0xFFFFFFD0] =	vst v12  }
0x2bb: {  	v50 =	vmax.f32 v37, v44;
	v33 =	vmul.f32 v35, v38;
	v31 =	vld [tilespmem:$0xC670];
	v35 =	vmul.f32 v26, v30;
	v37, _, _ =	vpop (xrf2);
	[tilespmem:s13+$0xFFFFFFE0] =	vst v14  }
0x2bc: {  	v39 =	vmax.f32 v41, v46;
	v26 =	vld [tilespmem:s15+$0xFFFFFFC0];
	v44 =	vadd.f32 v21, v49;
	v49 =	vmul.f32 v50, v28;
	[tilespmem:s13+$0xFFFFFFF0] =	vst v16;
	s13 =	smov.u32 s29  }
0x2bd: {  	v46 =	vmul.f32 $2.000000030e-01, v43;
	v12 =	vmovc v19;
	v20 =	vmovc v42;
	v33 =	vadd.f32 v35, v33;
	v35 =	vmul.f32 v39, v29;
	v19 =	vld [tilespmem:s15+$0xFFFFFFD0]  }
0x2be: {  	v14 =	vmovc v22;
	v21 =	vmovc v24;
	v39 =	vld [tilespmem:s20+$0xFFFFFF80];
	v41 =	vadd.f32 v49, v44;
	vm0 =	veq.f32 v48, $1.000000000e+00;
	vm1 =	veq.f32 v48, $2.000000000e+00  }
0x2bf: {  	v22 =	vmax.f32 v43, v46;
	v16 =	vmovc v23;
	v24 =	vld [tilespmem:s20+$0xFFFFFF90];
	v34 =	vnsel vm0, $0x0, v34;
	v42 =	vnsel vm1, $0x0, v45  }
0x2c0: {  	v35 =	vadd.f32 v35, v33;
	v23 =	vld [tilespmem:s20+$0xFFFFFFC0];
	v22 =	vmul.f32 v22, v31;
	(xrf2) =	vadd.scan.msk.f32 $0xffff, v41;
	v34 =	vadd.f32 v42, v34  }
0x2c1: {  	s3 =	sadd.s32 $0x100, s3;
	v36 =	vadd.f32 v40, v36;
	v37 =	vmul.f32 $1.442695020e+00, v37;
	v42 =	vmul.f32 $1.442695020e+00, v47;
	v41 =	vld [tilespmem:s20+$0xFFFFFFD0]  }
0x2c2: {  	v33 =	vld [tilespmem:s15+$0xFFFFFF80];
	v35 =	vadd.f32 v22, v35;
	[tilespmem:s3+$0x0] =	vst v34  }
0x2c3: {  	v37 =	vbroadcast v37, $0xF;
	v40 =	vbroadcast v42, $0xF;
	v34 =	vld [tilespmem:s15+$0xFFFFFFA0];
	[tilespmem:s18+$0xFFFFFF80] =	vst v36;
	s18 =	smov.u32 s4;
	s4 =	smov.u32 s3  }
0x2c4: {  	v22 =	vld [tilespmem:s15+$0xFFFFFFE0];
	v36 =	vadd.f32 v24, v25;
	(xrf2) =	vadd.scan.msk.f32 $0xffff, v35  }
0x2c5: {  	v35 =	vld [tilespmem:s20+$0xFFFFFFA0];
	v42 =	vadd.f32 v23, v26  }
0x2c6: {  	v43 =	vmul.f32 $2.000000030e-01, v36;
	v41 =	vadd.f32 v41, v19;
	v44 =	vld [tilespmem:s20+$0xFFFFFFE0];
	(erf) = vpow2.f32 v40  }
.Ltmp9:
0x2c7: {  	v24 =	vld [tilespmem:s15+$0xFFFFFFB0];
	v45 =	vadd.f32 v39, v33;
	v40 =	vmul.f32 $2.000000030e-01, v42;
	(erf) = vpow2.f32 v37;
	(pc) =	sbr.rel @p5 .LBB2_15-.Ltmp9, $4  }
0x2c8: {  	v23 =	vld [tilespmem:s15+$0xFFFFFFF0];
	v36 =	vmax.f32 v36, v43;
	v46 =	vmul.f32 $2.000000030e-01, v41  }
0x2c9: {  	v47 =	vmul.f32 $2.000000030e-01, v45;
	v37 =	vmul.f32 v36, v32;
	v39 =	vld [tilespmem:s20+$0xFFFFFFB0];
	v32 =	vmax.f32 v42, v40  }
0x2ca: {  	v43 =	vadd.f32 v35, v34;
	v36 =	vmul.f32 v32, v38;
	v42 =	vmax.f32 v41, v46;
	v40 =	vld [tilespmem:s20+$0xFFFFFFF0];
	v35, _, _ =	vpop (xrf2)  }
0x2cb: {  	v32 =	vmax.f32 v45, v47;
	v38 =	vadd.f32 v44, v22;
	v41 =	vmul.f32 $1.442695020e+00, v35;
	v35 =	vld [tilespmem:s12+$0xFFFFFF80];
	s12 =	smov.u32 s2  }
0x2cc: {  	_ =	sdelay $0x1  }
0x2cd: {  	v44 =	vmul.f32 $2.000000030e-01, v43;
	v39 =	vadd.f32 v39, v24  }
0x2ce: {  	v11 =	vmul.f32 v32, v11  }
0x2cf: {  	v58 =	vmax.f32 v43, v44;
	v59 =	vmul.f32 $2.000000030e-01, v39  }
0x2d0: {  	v11 =	vadd.f32 v37, v11;
	v27 =	vmul.f32 v58, v27  }
0x2d1: {  	v60 =	vmul.f32 $2.000000030e-01, v38;
	v39 =	vmax.f32 v39, v59  }
0x2d2: {  	v61 =	vadd.f32 v40, v23;
	v11 =	vadd.f32 v27, v11;
	v28 =	vmul.f32 v39, v28  }
0x2d3: {  	v30 =	vmul.f32 v42, v30  }
0x2d4: {  	v62 =	vmax.f32 v38, v60;
	v63 =	vmul.f32 $2.000000030e-01, v61;
	v11 =	vadd.f32 v28, v11  }
0x2d5: {  	v30 =	vadd.f32 v30, v36;
	v27 =	vmul.f32 v62, v29  }
0x2d6: {  	v37 =	vmax.f32 v61, v63;
	(xrf2) =	vadd.scan.msk.f32 $0xffff, v11  }
0x2d7: {  	v27 =	vadd.f32 v27, v30;
	v28 =	vmul.f32 v37, v31  }
0x2d8: {  	v38 =	vbroadcast v41, $0xF  }
0x2d9: {  	v27 =	vadd.f32 v28, v27  }
0x2da: {  	(erf) = vpow2.f32 v38  }
0x2db: {  	v39, _, _ =	vpop (xrf2);
	(xrf2) =	vadd.scan.msk.f32 $0xffff, v27;
	_ =	sdelay $0x1  }
0x2dc: {  	v40 =	vmul.f32 $1.442695020e+00, v39;
	_ =	sdelay $0x1  }
0x2dd: {  	v42 =	vpop (erf);
	v41 =	vbroadcast v40, $0xF  }
0x2de: {  	v7 =	vmul.f32 v42, v7;
	v3 =	vmul.f32 v42, v3;
	v43, _, _ =	vpop (xrf2)  }
0x2df: {  	(erf) = vpow2.f32 v41;
	v45 =	vmul.f32 $1.442695020e+00, v43  }
0x2e0: {  	v44 =	vpop (erf);
	v4 =	vmul.f32 v42, v4;
	[tilespmem:s29+$0xFFFFFF80] =	vst v7  }
0x2e1: {  	v21 =	vmul.f32 v42, v21;
	[tilespmem:s29+$0xFFFFFF90] =	vst v3;
	v46 =	vpop (erf);
	v47 =	vbroadcast v45, $0xF  }
0x2e2: {  	[tilespmem:s29+$0xFFFFFFA0] =	vst v4;
	v3 =	vmul.f32 v46, v15  }
0x2e3: {  	s5 =	sadd.s32 $0x100, s29;
	v2 =	vmul.f32 v44, v2;
	[tilespmem:s13+$0xFFFFFFB0] =	vst v21;
	v49, _, _ =	vpop (xrf2);
	(erf) = vpow2.f32 v47  }
0x2e4: {  	v54 =	vmul.f32 v44, v12;
	[tilespmem:s5+$0x0] =	vst v3;
	v3 =	vmul.f32 $1.442695020e+00, v49  }
0x2e5: {  	[tilespmem:s13+$0xFFFFFFC0] =	vst v2;
	v2 =	vmul.f32 v44, v16  }
0x2e6: {  	[tilespmem:s13+$0xFFFFFFD0] =	vst v54;
	v48 =	vmul.f32 v46, v18;
	v3 =	vbroadcast v3, $0xF  }
0x2e7: {  	[tilespmem:s13+$0xFFFFFFF0] =	vst v2;
	v10 =	vmul.f32 v46, v10  }
0x2e8: {  	v50 =	vmul.f32 v46, v9;
	[tilespmem:s5+$0x10] =	vst v48;
	v51 =	vpop (erf);
	(erf) = vpow2.f32 v3  }
0x2e9: {  	[tilespmem:s5+$0x20] =	vst v10;
	v3 =	vmul.f32 v51, v20  }
0x2ea: {  	[tilespmem:s5+$0x30] =	vst v50;
	v52 =	vmul.f32 v51, v13  }
0x2eb: {  	[tilespmem:s5+$0x70] =	vst v3;
	v3 =	vmul.f32 v44, v14  }
0x2ec: {  	v53 =	vmul.f32 v51, v17;
	[tilespmem:s5+$0x40] =	vst v52;
	v55 =	vpop (erf)  }
0x2ed: {  	v8 =	vmul.f32 v51, v8;
	[tilespmem:s13+$0xFFFFFFE0] =	vst v3;
	v3 =	vmul.f32 v55, v33  }
0x2ee: {  	[tilespmem:s5+$0x50] =	vst v53  }
0x2ef: {  	[tilespmem:s5+$0x60] =	vst v8;
	v2 =	vmul.f32 v55, v25  }
0x2f0: {  	v56 =	vmul.f32 v55, v34;
	[tilespmem:s5+$0xFFFFFF80] =	vst v3  }
0x2f1: {  	v57 =	vmul.f32 v55, v24;
	[tilespmem:s5+$0xFFFFFF90] =	vst v2;
	v3 =	vpop (erf)  }
0x2f2: {  	[tilespmem:s5+$0xFFFFFFA0] =	vst v56;
	v2 =	vmul.f32 v3, v26  }
0x2f3: {  	[tilespmem:s5+$0xFFFFFFB0] =	vst v57;
	v58 =	vmul.f32 v3, v19  }
0x2f4: {  	s2 =	sadd.s32 $0x100, s2;
	v60 =	vmul.f32 v3, v22;
	[tilespmem:s5+$0xFFFFFFC0] =	vst v2  }
0x2f5: {  	v59 =	vld [tilespmem:s2+$0x0];
	v2 =	vmul.f32 v3, v23;
	[tilespmem:s5+$0xFFFFFFD0] =	vst v58  }
0x2f6: {  	v61 =	vld [tilespmem:s12+$0xFFFFFF80];
	[tilespmem:s5+$0xFFFFFFE0] =	vst v60  }
0x2f7: {  	[tilespmem:s5+$0xFFFFFFF0] =	vst v2  }
0x2f8: {  	vm0 =	veq.f32 v35, $1.000000000e+00;
	vm11 =	veq.f32 v35, $2.000000000e+00;
	v2 =	vld [tilespmem:s2+$0xFFFFFF80]  }
0x2f9: {  	v5 =	vnsel vm0, $0x0, v5;
	v6 =	vnsel vm11, $0x0, v6  }
0x2fa: {  	v5 =	vadd.f32 v6, v5;
	vm10 =	veq.f32 v59, $1.000000000e+00;
	vm1 =	veq.f32 v59, $2.000000000e+00  }
0x2fb: {  	v62 =	vnsel vm10, $0x0, v46;
	v7 =	vnsel vm1, $0x0, v51;
	vm12 =	veq.f32 v61, $1.000000000e+00  }
0x2fc: {  	v7 =	vadd.f32 v7, v62;
	vm13 =	veq.f32 v61, $2.000000000e+00;
	v63 =	vnsel vm12, $0x0, v42  }
0x2fd: {  	v8 =	vnsel vm13, $0x0, v44;
	vm14 =	veq.f32 v2, $1.000000000e+00;
	vm15 =	veq.f32 v2, $2.000000000e+00  }
0x2fe: {  	s20 =	sadd.s32 $0x100, s3;
	[tilespmem:s18+$0xFFFFFF80] =	vst v5;
	v2 =	vadd.f32 v8, v63;
	v4 =	vnsel vm14, $0x0, v55;
	v3 =	vnsel vm15, $0x0, v3  }
0x2ff: {  	[tilespmem:s20+$0x0] =	vst v7;
	v3 =	vadd.f32 v3, v4  }
.Ltmp10:
0x300: {  	[tilespmem:s4+$0xFFFFFF80] =	vst v2;
	(pc) =	sbr.rel @p4 .LBB2_20-.Ltmp10, $4  }
0x301: {  	s29 =	simm.s32 $0x8500;
	[tilespmem:s20+$0xFFFFFF80] =	vst v3  }
0x302: {  	[spmem:s17] =	stream.indirect.scatter.add.f32 [tilespmem:s6], [sflag:$0x5], $0x80, s29, s9, $0xb8;
	[tilespmem:$0x1BC80] =	vst v63  }
0x303: {  	s30 =	simm.s32 $0x8580  }
0x304: {  	[spmem:s21] =	stream.indirect.scatter.add.f32 [tilespmem:s7], [sflag:$0x6], $0x80, s30, s9, $0xb8;
	[tilespmem:$0x1BC80] =	vst v63  }
0x305: {  	_ =	swait.ge [sflag:s8], $0x40  }
0x306: {  	[sflag:s8] =	ssyncset.done $0x0  }
0x307: {  	[sflag:s8] =	ssyncadd.s32 $0xFFFFFFC0  }
0x308: {  	_ =	swait.ge [sflag:s8], $0x40  }
0x309: {  	[sflag:s8] =	ssyncset.done $0x0  }
0x30a: {  	[sflag:s8] =	ssyncadd.s32 $0xFFFFFFC0  }
0x30b: {  	_ =	swait.ge [sflag:s8], $0x2000  }
0x30c: {  	[sflag:s8] =	ssyncset.done $0x0  }
0x30d: {  	s3 =	simm.s32 $0x0;
	[sflag:s8] =	ssyncadd.s32 $0xFFFFE000  }
0x30e: {  	v3 =	vld [tilespmem:s3+$0x80];
	_ =	sdelay $0x4  }
0x30f: {  	v2 =	vand.u32 $0x7, v3  }
0x310: {  	vm1 =	vlt.u32 v3, $0x1388;
	v5 =	vshra.s32 v3, $0x3;
	v2 =	vadd.s32 $0x276, v2  }
0x311: {  	s2 =	simm.s32 $0x10;
	v4 =	vld [tilespmem:s3+$0x0];
	v6 =	vand.u32 $0x3F, v3;
	v2 =	vsel vm1, v5, v2  }
0x312: {  	vm0 =	vlt.s32 v3, $0x270F;
	v5 =	vor.u32 $0x1400, v6;
	[tilespmem:s3+$0x2280] =	vst v2;
	v2 =	vld [tilespmem:s2+$0x80]  }
0x313: {  	v7 =	vnsel vm0, $0x270F, v3;
	v5 =	vsel vm1, v3, v5;
	v3 =	vld [tilespmem:s2+$0x0]  }
0x314: {  	v6 =	vadd.s32 v0, v7  }
0x315: {  	[tilespmem:s3+$0x2180] =	vst v6  }
0x316: {  	s4 =	simm.s32 $0x80;
	v4 =	vadd.s32 v0, v4;
	[tilespmem:s3+$0x2200] =	vst v5  }
.LBB2_18:
0x317: {  	s5 =	sshra.s32 s4, $0x2;
	p4 =	sne.s32 s4, $0xC0;
	s4 =	sadd.s32 $0x40, s4;
	vm0 =	vlt.s32 v2, $0x270F;
	v5 =	vand.u32 $0x3F, v2;
	v6 =	vand.u32 $0x7, v2;
	[tilespmem:s3+$0x2100] =	vst v4;
	v7 =	vmovc v2  }
.Ltmp11:
0x318: {  	s3 =	smov.u32 s2;
	v2 =	vld [tilespmem:s5+$0x80];
	vm1 =	vlt.u32 v7, $0x1388;
	v4 =	vshra.s32 v7, $0x3;
	v6 =	vadd.s32 $0x276, v6;
	v8 =	vmovc v3;
	s2 =	smov.u32 s5;
	(pc) =	sbr.rel @p4 .LBB2_18-.Ltmp11, $4  }
0x319: {  	v9 =	vnsel vm0, $0x270F, v7;
	v5 =	vor.u32 $0x1400, v5;
	v3 =	vld [tilespmem:s2+$0x0];
	v6 =	vsel vm1, v4, v6  }
0x31a: {  	v4 =	vadd.s32 v0, v8;
	v8 =	vadd.s32 v0, v9;
	v5 =	vsel vm1, v7, v5;
	[tilespmem:s3+$0x2280] =	vst v6  }
0x31b: {  	[tilespmem:s3+$0x2180] =	vst v8  }
0x31c: {  	[tilespmem:s3+$0x2200] =	vst v5  }
0x31d: {  	vm0 =	vlt.s32 v2, $0x270F;
	v5 =	vand.u32 $0x7, v2;
	vm1 =	vlt.u32 v2, $0x1388  }
0x31e: {  	v6 =	vshra.s32 v2, $0x3;
	[tilespmem:s3+$0x2100] =	vst v4;
	v5 =	vadd.s32 $0x276, v5;
	v3 =	vadd.s32 v0, v3  }
0x31f: {  	v62 =	vand.u32 $0x3F, v2;
	v7 =	vnsel vm0, $0x270F, v2;
	v5 =	vsel vm1, v6, v5;
	[tilespmem:s2+$0x2100] =	vst v3  }
0x320: {  	v4 =	vor.u32 $0x1400, v62;
	v63 =	vadd.s32 v0, v7;
	[tilespmem:s2+$0x2280] =	vst v5  }
.Ltmp12:
0x321: {  	v2 =	vsel vm1, v2, v4;
	[tilespmem:s2+$0x2180] =	vst v63;
	(pc) =	sbr.rel .LBB2_10-.Ltmp12, $4  }
0x322: {  	s18 =	simm.s32 $0x2100;
	s20 =	simm.s32 $0x2300;
	[tilespmem:s2+$0x2200] =	vst v2  }
0x323: {  	[tilespmem:s20], [sflag:$0x3] =	stream.indirect.gather [hbm4b:s16+s9], $0x80, s18, s9, $0xb8;
	[tilespmem:$0x1BC80] =	vst v63  }
0x324: {  	s29 =	simm.s32 $0x2180;
	s30 =	simm.s32 $0x4300;
	s14 =	sadd.s32 $0x1, s14  }
0x325: {  	[tilespmem:s30], [sflag:$0x3] =	stream.indirect.gather [hbm4b:s22+s9], $0x80, s29, s9, $0xb8;
	[tilespmem:$0x1BC80] =	vst v63  }
.LBB2_20:
0x326: {  	_ =	swait.ge [sflag:s1], $0x2000  }
0x327: {  	[sflag:s1] =	ssyncset.done $0x0  }
0x328: {  	[sflag:s1] =	ssyncadd.s32 $0xFFFFE000  }
0x329: {  	_ =	swait.ge [sflag:s10], $0x2000  }
0x32a: {  	[sflag:s10] =	ssyncset.done $0x0  }
0x32b: {  	[sflag:s10] =	ssyncadd.s32 $0xFFFFE000  }
0x32c: {  	[bflag:$0x0] =	sbarrier.arrive $0xFFFF  }
0x32d: {  	s2 =	stileid.u32;
	s4 =	rddreg [dreg:$0x1f]  }
0x32e: {  	s2 =	sshll.u32 s2, $0x6;
	s5 =	rddreg [dreg:$0x5];
	s4 =	sshrl.u32 s4, $0x3  }
0x32f: {  	s3 =	sor.u32 $0x1C07, s2;
	[smem:$0x7E8] =	sst s4  }
0x330: {  	[hbm:s5], [sflag:s3] =	dma.local [spmem:s4], $0x280  }
0x331: {  	s4 =	simm.s32 $0x7  }
0x332: {  	_ =	swait.ge [sflag:s4], $0x280  }
0x333: {  	s12 =	sld [smem:$0x7F3];
	_ =	sdelay $0x2  }
0x334: {  	[sflag:s4] =	ssyncset.done $0x0;
	s13 =	rddreg [dreg:$0x6];
	s5 =	sshrl.u32 s12, $0x3  }
0x335: {  	[sflag:s4] =	ssyncadd.s32 $0xFFFFFD80;
	[smem:$0x7E9] =	sst s5  }
0x336: {  	[hbm:s13], [sflag:s3] =	dma.local [spmem:s5], $0x280  }
0x337: {  	_ =	swait.ge [sflag:s4], $0x280  }
0x338: {  	s14 =	sld [smem:$0x7F4];
	_ =	sdelay $0x2  }
0x339: {  	[sflag:s4] =	ssyncset.done $0x0;
	s18 =	rddreg [dreg:$0x7];
	s15 =	sshrl.u32 s14, $0x3  }
0x33a: {  	[sflag:s4] =	ssyncadd.s32 $0xFFFFFD80;
	[smem:$0x7EA] =	sst s15  }
0x33b: {  	[hbm:s18], [sflag:s3] =	dma.local [spmem:s15], $0x280  }
0x33c: {  	_ =	swait.ge [sflag:s4], $0x280  }
0x33d: {  	s20 =	sld [smem:$0x7F5];
	_ =	sdelay $0x2  }
0x33e: {  	[sflag:s4] =	ssyncset.done $0x0;
	s30 =	rddreg [dreg:$0x8];
	s29 =	sshrl.u32 s20, $0x3  }
0x33f: {  	[sflag:s4] =	ssyncadd.s32 $0xFFFFFD80;
	[smem:$0x7EB] =	sst s29  }
0x340: {  	[hbm:s30], [sflag:s3] =	dma.local [spmem:s29], $0x280  }
0x341: {  	_ =	swait.ge [sflag:s4], $0x280  }
0x342: {  	s5 =	sld [smem:$0x7F6];
	_ =	sdelay $0x2  }
0x343: {  	[sflag:s4] =	ssyncset.done $0x0;
	s13 =	rddreg [dreg:$0x9];
	s12 =	sshrl.u32 s5, $0x3  }
0x344: {  	[sflag:s4] =	ssyncadd.s32 $0xFFFFFD80;
	[smem:$0x7EC] =	sst s12  }
0x345: {  	[hbm:s13], [sflag:s3] =	dma.local [spmem:s12], $0x280  }
0x346: {  	_ =	swait.ge [sflag:s4], $0x280  }
0x347: {  	s14 =	sld [smem:$0x7F7];
	_ =	sdelay $0x2  }
0x348: {  	[sflag:s4] =	ssyncset.done $0x0;
	s18 =	rddreg [dreg:$0xa];
	s15 =	sshrl.u32 s14, $0x3  }
0x349: {  	[sflag:s4] =	ssyncadd.s32 $0xFFFFFD80;
	[smem:$0x7ED] =	sst s15  }
0x34a: {  	[hbm:s18], [sflag:s3] =	dma.local [spmem:s15], $0x280  }
0x34b: {  	_ =	swait.ge [sflag:s4], $0x280  }
0x34c: {  	s20 =	sld [smem:$0x7F8];
	_ =	sdelay $0x2  }
0x34d: {  	[sflag:s4] =	ssyncset.done $0x0;
	s30 =	rddreg [dreg:$0xb];
	s29 =	sshrl.u32 s20, $0x3  }
0x34e: {  	[sflag:s4] =	ssyncadd.s32 $0xFFFFFD80;
	[smem:$0x7EE] =	sst s29  }
0x34f: {  	[hbm:s30], [sflag:s3] =	dma.local [spmem:s29], $0x280  }
0x350: {  	_ =	swait.ge [sflag:s4], $0x280  }
0x351: {  	s2 =	sld [smem:$0x7F9];
	_ =	sdelay $0x2  }
0x352: {  	[sflag:s4] =	ssyncset.done $0x0;
	s5 =	sshrl.u32 @!p1 s2, $0x3;
	s2 =	rddreg [dreg:$0xc]  }
0x353: {  	[sflag:s4] =	ssyncadd.s32 $0xFFFFFD80;
	[smem:$0x7EF] =	sst s5  }
0x354: {  	[hbm:s2], [sflag:s3] =	dma.local @!p1 [spmem:s5], $0x280  }
0x355: {  	s2 =	simm.s32 @!p1 $0x7  }
0x356: {  	_ =	swait.ge @!p1 [sflag:s2], $0x280  }
0x357: {  	[sflag:s2] =	ssyncset.done @!p1 $0x0  }
0x358: {  	[sflag:s2] =	ssyncadd.s32 @!p1 $0xFFFFFD80;
	s2 =	rddreg [dreg:$0x1b]  }
0x359: {  	s5 =	sshrl.u32 @p3 s2, $0x3;
	s2 =	sld [smem:$0x7FA]  }
0x35a: {  	[smem:$0x7F0] =	sst s3  }
0x35b: {  	[smem:$0x7F1] =	sst s5  }
0x35c: {  	[hbm:s2], [sflag:s3] =	dma.local @p3 [spmem:s5], $0x400  }
0x35d: {  	s2 =	simm.s32 @p3 $0x7  }
0x35e: {  	_ =	swait.ge @p3 [sflag:s2], $0x400  }
0x35f: {  	[sflag:s2] =	ssyncset.done @p3 $0x0  }
0x360: {  	[sflag:s2] =	ssyncadd.s32 @p3 $0xFFFFFC00  }
0x361: {  	s3 =	simm.s32 $0x200;
	s2 =	simm.s32 $0x0;
	[bflag:$0x0] =	sbarrier.arrive $0xFFFF  }
.LBB2_21:
0x362: {  	p4 =	sne.s32 s3, $0x7E00;
	[tilespmem:s2+$0xE6F0] =	vst v1  }
0x363: {  	[tilespmem:s2+$0xC680] =	vst v1  }
0x364: {  	[tilespmem:s2+$0xE680] =	vst v1  }
0x365: {  	[tilespmem:s2+$0xC690] =	vst v1  }
0x366: {  	[tilespmem:s2+$0xE690] =	vst v1  }
0x367: {  	[tilespmem:s2+$0xC6A0] =	vst v1  }
0x368: {  	[tilespmem:s2+$0xE6A0] =	vst v1  }
0x369: {  	[tilespmem:s2+$0xC6B0] =	vst v1  }
0x36a: {  	[tilespmem:s2+$0xE6B0] =	vst v1  }
0x36b: {  	[tilespmem:s2+$0xC6C0] =	vst v1  }
0x36c: {  	[tilespmem:s2+$0xE6C0] =	vst v1  }
.Ltmp13:
0x36d: {  	[tilespmem:s2+$0xC6D0] =	vst v1;
	(pc) =	sbr.rel @p4 .LBB2_21-.Ltmp13, $4  }
0x36e: {  	[tilespmem:s2+$0xE6D0] =	vst v1  }
0x36f: {  	[tilespmem:s2+$0xC6E0] =	vst v1  }
0x370: {  	[tilespmem:s2+$0xE6E0] =	vst v1  }
0x371: {  	[tilespmem:s2+$0xC6F0] =	vst v1;
	s2 =	sshra.s32 s3, $0x2;
	s3 =	sadd.s32 $0x200, s3  }
0x372: {  	[tilespmem:s2+$0xE6F0] =	vst v1  }
0x373: {  	[tilespmem:s2+$0xC680] =	vst v1  }
0x374: {  	[tilespmem:s2+$0xE680] =	vst v1  }
0x375: {  	[tilespmem:s2+$0xC690] =	vst v1  }
0x376: {  	[tilespmem:s2+$0xE690] =	vst v1  }
0x377: {  	[tilespmem:s2+$0xC6A0] =	vst v1  }
0x378: {  	[tilespmem:s2+$0xE6A0] =	vst v1  }
0x379: {  	[tilespmem:s2+$0xC6B0] =	vst v1  }
0x37a: {  	[tilespmem:s2+$0xE6B0] =	vst v1  }
0x37b: {  	[tilespmem:s2+$0xC6C0] =	vst v1  }
0x37c: {  	[tilespmem:s2+$0xE6C0] =	vst v1  }
0x37d: {  	[tilespmem:s2+$0xC6D0] =	vst v1  }
0x37e: {  	[tilespmem:s2+$0xE6D0] =	vst v1  }
0x37f: {  	[tilespmem:s2+$0xC6E0] =	vst v1  }
0x380: {  	[tilespmem:s2+$0xE6E0] =	vst v1  }
0x381: {  	[tilespmem:s2+$0xC6F0] =	vst v1;
	s30 =	rddreg [dreg:$0x1a]  }
0x382: {  	[spmem:s30] =	stream.linear.scatter [tilespmem:s6], [sflag:$0x7], $0x2000, $0x38;
	[tilespmem:$0x1BC80] =	vst v63  }
0x383: {  	_ =	swait.ge [sflag:s4], $0x2000  }
0x384: {  	[sflag:s4] =	ssyncset.done $0x0  }
0x385: {  	s3 =	rddreg [dreg:$0x16];
	[sflag:s4] =	ssyncadd.s32 $0xFFFFE000  }
0x386: {  	[spmem:s3] =	stream.linear.scatter [tilespmem:s6], [sflag:$0x7], $0x2000, $0x38;
	[tilespmem:$0x1BC80] =	vst v63  }
0x387: {  	_ =	swait.ge [sflag:s4], $0x2000  }
0x388: {  	[sflag:s4] =	ssyncset.done $0x0  }
0x389: {  	s5 =	rddreg [dreg:$0x17];
	[sflag:s4] =	ssyncadd.s32 $0xFFFFE000  }
0x38a: {  	[spmem:s5] =	stream.linear.scatter [tilespmem:s6], [sflag:$0x7], $0x2000, $0x38;
	[tilespmem:$0x1BC80] =	vst v63  }
0x38b: {  	_ =	swait.ge [sflag:s4], $0x2000  }
0x38c: {  	[sflag:s4] =	ssyncset.done $0x0  }
0x38d: {  	s12 =	rddreg [dreg:$0x18];
	[sflag:s4] =	ssyncadd.s32 $0xFFFFE000  }
0x38e: {  	[spmem:s12] =	stream.linear.scatter [tilespmem:s6], [sflag:$0x7], $0x2000, $0x38;
	[tilespmem:$0x1BC80] =	vst v63  }
0x38f: {  	_ =	swait.ge [sflag:s4], $0x2000  }
0x390: {  	[sflag:s4] =	ssyncset.done $0x0  }
0x391: {  	s13 =	rddreg [dreg:$0x19];
	[sflag:s4] =	ssyncadd.s32 $0xFFFFE000  }
0x392: {  	[spmem:s13] =	stream.linear.scatter [tilespmem:s6], [sflag:$0x7], $0x2000, $0x38;
	[tilespmem:$0x1BC80] =	vst v63  }
0x393: {  	_ =	swait.ge [sflag:s4], $0x2000  }
0x394: {  	s3 =	sld [smem:$0x7FD]  }
0x395: {  	[sflag:s4] =	ssyncset.done $0x0  }
0x396: {  	s2 =	simm.s32 @!p0 $0xC680;
	[sflag:s4] =	ssyncadd.s32 $0xFFFFE000  }
0x397: {  	[spmem:s3] =	stream.linear.scatter @!p0 [tilespmem:s2], [sflag:$0x7], $0x2000, $0x38;
	[tilespmem:$0x1BC80] =	vst v63  }
0x398: {  	s2 =	simm.s32 @!p0 $0x7  }
0x399: {  	_ =	swait.ge @!p0 [sflag:s2], $0x2000  }
0x39a: {  	[sflag:s2] =	ssyncset.done @!p0 $0x0  }
0x39b: {  	s3 =	rddreg [dreg:$0x1b];
	[sflag:s2] =	ssyncadd.s32 @!p0 $0xFFFFE000;
	s2 =	simm.s32 @p3 $0xE680  }
0x39c: {  	[spmem:s3] =	stream.linear.scatter @p3 [tilespmem:s2], [sflag:$0x7], $0x2000, $0x38;
	[tilespmem:$0x1BC80] =	vst v63  }
0x39d: {  	s2 =	simm.s32 @p3 $0x7  }
0x39e: {  	_ =	swait.ge @p3 [sflag:s2], $0x2000  }
0x39f: {  	[sflag:s2] =	ssyncset.done @p3 $0x0  }
0x3a0: {  	[sflag:s2] =	ssyncadd.s32 @p3 $0xFFFFE000  }
0x3a1: {  	[bflag:$0x0] =	sbarrier.arrive $0xFFFF  }
0x3a2: {  	s14 =	simm.s32 $0x0;
	s15 =	rddreg [dreg:$0x1c]  }
0x3a3: {  	[tilespmem:s14], [sflag:$0x1] =	stream.linear.gather [hbm4b:s15+s14], $0x40, $0x38;
	[tilespmem:$0x1BC80] =	vst v63  }
0x3a4: {  	s20 =	simm.s32 $0x80;
	s18 =	rddreg [dreg:$0x1d]  }
0x3a5: {  	[tilespmem:s20], [sflag:$0x1] =	stream.linear.gather [hbm4b:s18+s14], $0x40, $0x38;
	[tilespmem:$0x1BC80] =	vst v63  }
0x3a6: {  	s30 =	simm.s32 $0x100;
	s29 =	rddreg [dreg:$0x1e]  }
0x3a7: {  	[tilespmem:s30], [sflag:$0x1] =	stream.linear.gather [hbm4b:s29+s14], $0x2000, $0x38;
	[tilespmem:$0x1BC80] =	vst v63  }
0x3a8: {  	_ =	swait.ge [sflag:s8], $0x40  }
0x3a9: {  	[sflag:s8] =	ssyncset.done $0x0  }
0x3aa: {  	[sflag:s8] =	ssyncadd.s32 $0xFFFFFFC0  }
0x3ab: {  	_ =	swait.ge [sflag:s8], $0x40  }
0x3ac: {  	[sflag:s8] =	ssyncset.done $0x0  }
0x3ad: {  	[sflag:s8] =	ssyncadd.s32 $0xFFFFFFC0  }
0x3ae: {  	_ =	swait.ge [sflag:s8], $0x2000  }
0x3af: {  	[sflag:s8] =	ssyncset.done $0x0  }
0x3b0: {  	s3 =	simm.s32 $0x0;
	[sflag:s8] =	ssyncadd.s32 $0xFFFFE000  }
0x3b1: {  	v2 =	vld [tilespmem:s3+$0x80];
	_ =	sdelay $0x4  }
0x3b2: {  	vm0 =	vlt.s32 v2, $0x270F;
	v5 =	vadd.s32 $0xFFFFEC78, v2;
	v3 =	vand.u32 $0x7, v2  }
0x3b3: {  	vm1 =	vlt.u32 v5, $0x1388;
	v6 =	vshra.s32 v5, $0x3;
	v3 =	vadd.s32 $0x276, v3  }
0x3b4: {  	s2 =	simm.s32 $0x10;
	v4 =	vld [tilespmem:s3+$0x0];
	v7 =	vnsel vm0, $0x270F, v2;
	v2 =	vand.u32 $0x3F, v2;
	v3 =	vsel vm1, v6, v3  }
0x3b5: {  	v2 =	vor.u32 $0x1400, v2;
	[tilespmem:s3+$0x2280] =	vst v3;
	v3 =	vld [tilespmem:s2+$0x80]  }
0x3b6: {  	v5 =	vsel vm1, v5, v2;
	v2 =	vld [tilespmem:s2+$0x0]  }
0x3b7: {  	v6 =	vadd.s32 v0, v7  }
0x3b8: {  	[tilespmem:s3+$0x2180] =	vst v6  }
0x3b9: {  	s4 =	simm.s32 $0x80;
	v4 =	vadd.s32 v0, v4;
	[tilespmem:s3+$0x2200] =	vst v5  }
.LBB2_23:
0x3ba: {  	s5 =	sshra.s32 s4, $0x2;
	p4 =	sne.s32 s4, $0xC0;
	s4 =	sadd.s32 $0x40, s4;
	vm0 =	vlt.s32 v3, $0x270F;
	v5 =	vadd.s32 $0xFFFFEC78, v3;
	v6 =	vand.u32 $0x7, v3;
	[tilespmem:s3+$0x2100] =	vst v4;
	v4 =	vmovc v3  }
.Ltmp14:
0x3bb: {  	s3 =	smov.u32 s2;
	v3 =	vld [tilespmem:s5+$0x80];
	vm1 =	vlt.u32 v5, $0x1388;
	v7 =	vshra.s32 v5, $0x3;
	v6 =	vadd.s32 $0x276, v6;
	v8 =	vmovc v2;
	s2 =	smov.u32 s5;
	(pc) =	sbr.rel @p4 .LBB2_23-.Ltmp14, $4  }
0x3bc: {  	v9 =	vnsel vm0, $0x270F, v4;
	v10 =	vand.u32 $0x3F, v4;
	v2 =	vld [tilespmem:s2+$0x0];
	v6 =	vsel vm1, v7, v6  }
0x3bd: {  	v4 =	vadd.s32 v0, v8;
	v7 =	vadd.s32 v0, v9;
	v8 =	vor.u32 $0x1400, v10;
	[tilespmem:s3+$0x2280] =	vst v6  }
0x3be: {  	v5 =	vsel vm1, v5, v8;
	[tilespmem:s3+$0x2180] =	vst v7  }
0x3bf: {  	[tilespmem:s3+$0x2200] =	vst v5  }
0x3c0: {  	v5 =	vadd.s32 $0xFFFFEC78, v3  }
0x3c1: {  	vm0 =	vlt.s32 v3, $0x270F;
	v6 =	vand.u32 $0x7, v3;
	vm1 =	vlt.u32 v5, $0x1388  }
0x3c2: {  	[tilespmem:s3+$0x2100] =	vst v4;
	v7 =	vshra.s32 v5, $0x3;
	v6 =	vadd.s32 $0x276, v6;
	v2 =	vadd.s32 v0, v2  }
0x3c3: {  	v63 =	vnsel vm0, $0x270F, v3;
	v3 =	vand.u32 $0x3F, v3;
	v6 =	vsel vm1, v7, v6;
	[tilespmem:s2+$0x2100] =	vst v2  }
0x3c4: {  	v4 =	vadd.s32 v0, v63;
	v3 =	vor.u32 $0x1400, v3;
	[tilespmem:s2+$0x2280] =	vst v6  }
0x3c5: {  	[tilespmem:s2+$0x2180] =	vst v4;
	v3 =	vsel vm1, v5, v3  }
0x3c6: {  	s18 =	simm.s32 $0x2100;
	s20 =	simm.s32 $0x2300;
	[tilespmem:s2+$0x2200] =	vst v3  }
0x3c7: {  	[tilespmem:s20], [sflag:$0x3] =	stream.indirect.gather [hbm4b:s16+s9], $0x80, s18, s9, $0xb8;
	[tilespmem:$0x1BC80] =	vst v63  }
0x3c8: {  	s29 =	simm.s32 $0x2180;
	s30 =	simm.s32 $0x4300;
	s15 =	simm.s32 $0x0  }
0x3c9: {  	[tilespmem:s30], [sflag:$0x3] =	stream.indirect.gather [hbm4b:s22+s9], $0x80, s29, s9, $0xb8;
	[tilespmem:$0x1BC80] =	vst v63  }
.LBB2_25:
0x3ca: {  	s20 =	sshll.u32 s15, $0x1  }
0x3cb: {  	s2 =	sadd.s32 s20, s19  }
0x3cc: {  	s2 =	sadd.s32 $0x1, s2  }
0x3cd: {  	s3 =	sshll.u32 s2, $0x3  }
0x3ce: {  	s5 =	simm.s32 $0x6300;
	s4 =	sadd.s32 s23, s3  }
0x3cf: {  	[tilespmem:s5], [sflag:$0x2] =	stream.linear.gather [hbm4b:s4+s0], $0x40, $0x38;
	[tilespmem:$0x1BC80] =	vst v63  }
0x3d0: {  	s14 =	simm.s32 $0x6380;
	s2 =	sshll.u32 s2, $0xA;
	s3 =	sadd.s32 s24, s3  }
0x3d1: {  	[tilespmem:s14], [sflag:$0x2] =	stream.linear.gather [hbm4b:s3+s0], $0x40, $0x38;
	[tilespmem:$0x1BC80] =	vst v63  }
0x3d2: {  	s18 =	simm.s32 $0x6400;
	p4 =	seq.s32 s15, $0x0;
	s2 =	sadd.s32 s25, s2  }
0x3d3: {  	[tilespmem:s18], [sflag:$0x2] =	stream.linear.gather [hbm4b:s2+s0], $0x2000, $0x38;
	[tilespmem:$0x1BC80] =	vst v63  }
0x3d4: {  	s2 =	simm.s32 @!p4 $0x5  }
0x3d5: {  	_ =	swait.ge @!p4 [sflag:s2], $0x2000  }
0x3d6: {  	[sflag:s2] =	ssyncset.done @!p4 $0x0  }
0x3d7: {  	[sflag:s2] =	ssyncadd.s32 @!p4 $0xFFFFE000;
	s2 =	simm.s32 @!p4 $0x6  }
0x3d8: {  	_ =	swait.ge @!p4 [sflag:s2], $0x2000  }
0x3d9: {  	[sflag:s2] =	ssyncset.done @!p4 $0x0  }
0x3da: {  	[sflag:s2] =	ssyncadd.s32 @!p4 $0xFFFFE000  }
0x3db: {  	_ =	swait.ge [sflag:s28], $0x2000  }
0x3dc: {  	[sflag:s28] =	ssyncset.done $0x0  }
0x3dd: {  	[sflag:s28] =	ssyncadd.s32 $0xFFFFE000  }
0x3de: {  	_ =	swait.ge [sflag:s28], $0x2000  }
0x3df: {  	[sflag:s28] =	ssyncset.done $0x0  }
0x3e0: {  	[sflag:s28] =	ssyncadd.s32 $0xFFFFE000  }
0x3e1: {  	v12 =	vld [tilespmem:$0xC600]  }
0x3e2: {  	s2 =	simm.s32 $0x2380;
	v13 =	vld [tilespmem:$0xC610]  }
0x3e3: {  	s4 =	simm.s32 $0x4380;
	v7 =	vld [tilespmem:s2+$0x30]  }
0x3e4: {  	v5 =	vld [tilespmem:s4+$0x30]  }
0x3e5: {  	v9 =	vld [tilespmem:s2+$0x20]  }
0x3e6: {  	v2 =	vld [tilespmem:s2+$0x60]  }
0x3e7: {  	v6 =	vld [tilespmem:s4+$0x20]  }
0x3e8: {  	v11 =	vld [tilespmem:s2+$0x0]  }
0x3e9: {  	v10 =	vld [tilespmem:s2+$0x10]  }
0x3ea: {  	v8 =	vld [tilespmem:s2+$0x40]  }
0x3eb: {  	v14 =	vld [tilespmem:s4+$0x0]  }
0x3ec: {  	v15 =	vld [tilespmem:s4+$0x10]  }
0x3ed: {  	v4 =	vld [tilespmem:s2+$0x50]  }
0x3ee: {  	v16 =	vld [tilespmem:s4+$0x40]  }
0x3ef: {  	v17 =	vld [tilespmem:s4+$0x50]  }
0x3f0: {  	v18 =	vld [tilespmem:s4+$0x60]  }
0x3f1: {  	v3 =	vld [tilespmem:s2+$0x70];
	v14 =	vadd.f32 v14, v11  }
0x3f2: {  	v19 =	vld [tilespmem:s4+$0x70];
	v15 =	vadd.f32 v15, v10;
	v5 =	vadd.f32 v5, v7  }
0x3f3: {  	v21 =	vld [tilespmem:$0xC620];
	v6 =	vadd.f32 v6, v9;
	v16 =	vadd.f32 v16, v8;
	v20 =	vmul.f32 $2.000000030e-01, v14  }
0x3f4: {  	v28 =	vld [tilespmem:$0xC640];
	v17 =	vadd.f32 v17, v4;
	v22 =	vmul.f32 $2.000000030e-01, v15;
	v23 =	vmul.f32 $2.000000030e-01, v5  }
0x3f5: {  	v31 =	vld [tilespmem:$0xC650];
	v24 =	vmul.f32 $2.000000030e-01, v6;
	v25 =	vmul.f32 $2.000000030e-01, v16  }
0x3f6: {  	v35 =	vld [tilespmem:$0xC630];
	v14 =	vmax.f32 v14, v20;
	v15 =	vmax.f32 v15, v22;
	v20 =	vmul.f32 $2.000000030e-01, v17  }
0x3f7: {  	v18 =	vadd.f32 v18, v2;
	v14 =	vmul.f32 v14, v12;
	v15 =	vmul.f32 v15, v13  }
0x3f8: {  	v36 =	vld [tilespmem:$0xC660];
	v22 =	vadd.f32 v19, v3;
	v6 =	vmax.f32 v6, v24;
	v16 =	vmax.f32 v16, v25  }
0x3f9: {  	v5 =	vmax.f32 v5, v23;
	v6 =	vmul.f32 v6, v21;
	v14 =	vadd.f32 v15, v14  }
0x3fa: {  	v37 =	vld [tilespmem:$0xC670];
	v16 =	vmul.f32 v16, v28;
	v17 =	vmax.f32 v17, v20;
	v15 =	vmul.f32 $2.000000030e-01, v18  }
0x3fb: {  	v27 =	vld [tilespmem:s2+$0xFFFFFF80];
	v5 =	vmul.f32 v5, v35;
	v17 =	vmul.f32 v17, v31;
	v6 =	vadd.f32 v6, v14  }
0x3fc: {  	v34 =	vld [tilespmem:s4+$0xFFFFFFF0];
	v14 =	vmax.f32 v18, v15;
	v15 =	vmul.f32 $2.000000030e-01, v22  }
0x3fd: {  	v19 =	vld [tilespmem:s2+$0xFFFFFFC0];
	v16 =	vadd.f32 v17, v16;
	v14 =	vmul.f32 v14, v36;
	v5 =	vadd.f32 v5, v6  }
0x3fe: {  	v23 =	vld [tilespmem:s2+$0xFFFFFFD0];
	v6 =	vmax.f32 v22, v15  }
0x3ff: {  	v24 =	vld [tilespmem:s2+$0xFFFFFFF0];
	v14 =	vadd.f32 v14, v16;
	v6 =	vmul.f32 v6, v37;
	(xrf2) =	vadd.scan.msk.f32 $0xffff, v5  }
0x400: {  	v20 =	vld [tilespmem:s2+$0xFFFFFF90]  }
0x401: {  	v17 =	vld [tilespmem:s4+$0xFFFFFF80];
	v6 =	vadd.f32 v6, v14  }
0x402: {  	v18 =	vld [tilespmem:s4+$0xFFFFFFE0]  }
0x403: {  	v15 =	vld [tilespmem:s4+$0xFFFFFF90];
	(xrf2) =	vadd.scan.msk.f32 $0xffff, v6  }
0x404: {  	v5 =	vld [tilespmem:s4+$0xFFFFFFD0]  }
0x405: {  	v22 =	vld [tilespmem:s2+$0xFFFFFFE0]  }
0x406: {  	v16 =	vld [tilespmem:s4+$0xFFFFFFC0]  }
0x407: {  	v25 =	vld [tilespmem:s2+$0xFFFFFFA0]  }
0x408: {  	v14 =	vld [tilespmem:s4+$0xFFFFFFA0];
	v17 =	vadd.f32 v17, v27  }
0x409: {  	v26 =	vld [tilespmem:s2+$0xFFFFFFB0];
	v15 =	vadd.f32 v15, v20;
	v33 =	vadd.f32 v5, v23;
	v5, _, _ =	vpop (xrf2)  }
0x40a: {  	s13 =	simm.s32 $0x4480;
	v32 =	vld [tilespmem:s4+$0xFFFFFFB0];
	v40 =	vmul.f32 $2.000000030e-01, v17;
	v18 =	vadd.f32 v18, v22;
	v30 =	vmul.f32 $1.442695020e+00, v5  }
0x40b: {  	v46 =	vld [tilespmem:s13+$0x20];
	v48 =	vadd.f32 v34, v24;
	v16 =	vadd.f32 v16, v19;
	v29 =	vmul.f32 $2.000000030e-01, v15  }
0x40c: {  	v50 =	vld [tilespmem:s13+$0x40];
	v17 =	vmax.f32 v17, v40;
	v47 =	vmul.f32 $2.000000030e-01, v18;
	v30 =	vbroadcast v30, $0xF  }
0x40d: {  	v52 =	vld [tilespmem:s13+$0x60];
	v38 =	vmul.f32 $2.000000030e-01, v16;
	v14 =	vadd.f32 v14, v25;
	v12 =	vmul.f32 v17, v12;
	v41, _, _ =	vpop (xrf2)  }
0x40e: {  	s5 =	simm.s32 $0x2480;
	v53 =	vld [tilespmem:s13+$0x70];
	v15 =	vmax.f32 v15, v29;
	v41 =	vmul.f32 $1.442695020e+00, v41;
	(erf) = vpow2.f32 v30  }
0x40f: {  	v34 =	vld [tilespmem:s5+$0x10];
	v17 =	vadd.f32 v32, v26;
	v39 =	vmul.f32 $2.000000030e-01, v33;
	v13 =	vmul.f32 v15, v13  }
0x410: {  	v6 =	vld [tilespmem:$0xC610];
	v18 =	vmax.f32 v18, v47;
	v16 =	vmax.f32 v16, v38;
	v44 =	vbroadcast v41, $0xF  }
0x411: {  	v32 =	vld [tilespmem:s5+$0x40];
	v45 =	vmul.f32 $2.000000030e-01, v14;
	v12 =	vadd.f32 v13, v12;
	v13 =	vmul.f32 $2.000000030e-01, v17  }
0x412: {  	v29 =	vld [tilespmem:s5+$0x30];
	v16 =	vmul.f32 v16, v28;
	v63 =	vmax.f32 v33, v39;
	(erf) = vpow2.f32 v44  }
0x413: {  	v15 =	vld [tilespmem:s13+$0x30];
	v38 =	vmul.f32 v63, v31;
	v13 =	vmax.f32 v17, v13;
	v17 =	vmul.f32 v18, v36  }
0x414: {  	v33 =	vld [tilespmem:s5+$0x0];
	v14 =	vmax.f32 v14, v45  }
0x415: {  	v31 =	vld [tilespmem:s5+$0x50];
	v14 =	vmul.f32 v14, v21;
	v16 =	vadd.f32 v38, v16  }
0x416: {  	v49 =	vmul.f32 $2.000000030e-01, v48;
	v18 =	vld [tilespmem:s13+$0x0]  }
0x417: {  	v13 =	vmul.f32 v13, v35;
	v12 =	vadd.f32 v14, v12;
	v14 =	vld [tilespmem:s13+$0x10];
	v16 =	vadd.f32 v17, v16;
	v17 =	vpop (erf)  }
0x418: {  	v21 =	vmax.f32 v48, v49;
	v30 =	vld [tilespmem:s5+$0x20];
	v11 =	vmul.f32 v17, v11  }
0x419: {  	s14 =	simm.s32 $0xC700;
	v12 =	vadd.f32 v13, v12;
	v13 =	vadd.f32 v15, v29;
	v15 =	vld [tilespmem:s13+$0x50];
	v10 =	vmul.f32 v17, v10  }
0x41a: {  	v28 =	vld [tilespmem:s5+$0x60];
	v21 =	vmul.f32 v21, v37;
	v9 =	vmul.f32 v17, v9;
	[tilespmem:s14+$0x0] =	vst v11  }
0x41b: {  	v5 =	vld [tilespmem:$0xC600];
	v36 =	vadd.f32 v50, v32;
	v7 =	vmul.f32 v17, v7;
	v11 =	vadd.f32 v18, v33;
	v37 =	vpop (erf);
	[tilespmem:s14+$0x10] =	vst v10  }
0x41c: {  	v38 =	vld [tilespmem:$0xC620];
	v18 =	vmul.f32 $2.000000030e-01, v13;
	v10 =	vadd.f32 v14, v34;
	[tilespmem:s14+$0x20] =	vst v9;
	v8 =	vmul.f32 v37, v8  }
0x41d: {  	v44 =	vld [tilespmem:$0xC630];
	v51 =	vadd.f32 v46, v30;
	[tilespmem:s14+$0x30] =	vst v7;
	v4 =	vmul.f32 v37, v4;
	v2 =	vmul.f32 v37, v2  }
0x41e: {  	v35 =	vld [tilespmem:s5+$0x70];
	v15 =	vadd.f32 v15, v31;
	v9 =	vmul.f32 $2.000000030e-01, v11;
	v7 =	vmul.f32 $2.000000030e-01, v10;
	[tilespmem:s14+$0x40] =	vst v8  }
0x41f: {  	v42 =	vld [tilespmem:$0xC640];
	v14 =	vmul.f32 $2.000000030e-01, v51;
	v3 =	vmul.f32 v37, v3;
	v13 =	vmax.f32 v13, v18;
	[tilespmem:s14+$0x50] =	vst v4  }
0x420: {  	v43 =	vld [tilespmem:$0xC650];
	v8 =	vmul.f32 $2.000000030e-01, v36;
	[tilespmem:s14+$0x60] =	vst v2;
	v4 =	vmax.f32 v11, v9;
	v7 =	vmax.f32 v10, v7  }
0x421: {  	[tilespmem:s14+$0x70] =	vst v3;
	v3 =	vmax.f32 v51, v14;
	v2 =	vmul.f32 v4, v5;
	v4 =	vmul.f32 v7, v6  }
0x422: {  	v40 =	vld [tilespmem:$0xC660];
	v13 =	vmul.f32 v13, v44;
	v9 =	vmul.f32 $2.000000030e-01, v15;
	v10 =	vadd.f32 v52, v28  }
0x423: {  	v7 =	vadd.f32 v53, v35;
	v2 =	vadd.f32 v4, v2;
	v4 =	vmul.f32 v3, v38  }
0x424: {  	v39 =	vld [tilespmem:$0xC670];
	v8 =	vmax.f32 v36, v8;
	v11 =	vmul.f32 $2.000000030e-01, v10;
	v9 =	vmax.f32 v15, v9  }
0x425: {  	v57 =	vld [tilespmem:s13+$0xFFFFFFB0];
	(xrf2) =	vadd.scan.msk.f32 $0xffff, v12;
	v8 =	vmul.f32 v8, v42;
	v9 =	vmul.f32 v9, v43;
	v4 =	vadd.f32 v4, v2  }
0x426: {  	v16 =	vadd.f32 v21, v16;
	v21 =	vld [tilespmem:s5+$0xFFFFFFB0];
	v10 =	vmax.f32 v10, v11;
	v11 =	vmul.f32 $2.000000030e-01, v7  }
0x427: {  	v12 =	vld [tilespmem:s5+$0xFFFFFFD0];
	v8 =	vadd.f32 v9, v8;
	v9 =	vmul.f32 v10, v40;
	v4 =	vadd.f32 v13, v4  }
0x428: {  	(xrf2) =	vadd.scan.msk.f32 $0xffff, v16;
	v18 =	vld [tilespmem:s13+$0xFFFFFFE0];
	v7 =	vmax.f32 v7, v11  }
0x429: {  	v14 =	vld [tilespmem:s5+$0xFFFFFFE0];
	v8 =	vadd.f32 v9, v8;
	v7 =	vmul.f32 v7, v39;
	(xrf2) =	vadd.scan.msk.f32 $0xffff, v4  }
0x42a: {  	v3 =	vld [tilespmem:s5+$0xFFFFFF90]  }
0x42b: {  	v2 =	vld [tilespmem:s5+$0xFFFFFFC0];
	v8 =	vadd.f32 v7, v8  }
0x42c: {  	v11 =	vld [tilespmem:s13+$0xFFFFFF90]  }
0x42d: {  	v10 =	vld [tilespmem:s13+$0xFFFFFF80]  }
0x42e: {  	v9 =	vld [tilespmem:s13+$0xFFFFFFC0];
	(xrf2) =	vadd.scan.msk.f32 $0xffff, v8  }
0x42f: {  	v13 =	vld [tilespmem:s13+$0xFFFFFFD0];
	v8, _, _ =	vpop (xrf2)  }
0x430: {  	s12 =	simm.s32 $0x180;
	v61 =	vadd.f32 v18, v14;
	v7 =	vld [tilespmem:s5+$0xFFFFFF80];
	v8 =	vmul.f32 $1.442695020e+00, v8  }
0x431: {  	v54 =	vld [tilespmem:s12+$0x0];
	v45 =	vadd.f32 v11, v3  }
0x432: {  	v41 =	vadd.f32 v57, v21;
	v15 =	vld [tilespmem:s13+$0xFFFFFFA0];
	v63 =	vmul.f32 $2.000000030e-01, v61;
	v16, _, _ =	vpop (xrf2);
	v8 =	vbroadcast v8, $0xF  }
0x433: {  	v4 =	vld [tilespmem:s5+$0xFFFFFFA0];
	v9 =	vadd.f32 v9, v2;
	v56 =	vmul.f32 $2.000000030e-01, v45;
	v55 =	vmul.f32 $1.442695020e+00, v16;
	v46, _, _ =	vpop (xrf2)  }
0x434: {  	v47 =	vld [tilespmem:s13+$0xFFFFFFF0];
	v13 =	vadd.f32 v13, v12;
	(erf) = vpow2.f32 v8;
	v8 =	vmul.f32 $1.442695020e+00, v46  }
0x435: {  	v10 =	vadd.f32 v10, v7;
	v58 =	vmul.f32 $2.000000030e-01, v9;
	v16 =	vld [tilespmem:s5+$0xFFFFFFF0];
	v11 =	vbroadcast v55, $0xF  }
0x436: {  	vm0 =	veq.f32 v54, $1.000000000e+00;
	v48 =	vmul.f32 $2.000000030e-01, v13;
	v8 =	vbroadcast v8, $0xF  }
0x437: {  	vm1 =	veq.f32 v54, $2.000000000e+00;
	v49 =	vmul.f32 $2.000000030e-01, v10;
	(erf) = vpow2.f32 v11  }
0x438: {  	s30 =	simm.s32 $0x4580;
	v50 =	vadd.f32 v15, v4;
	v45 =	vmax.f32 v45, v56;
	v60, _, _ =	vpop (xrf2);
	(erf) = vpow2.f32 v8  }
0x439: {  	v57 =	vld [tilespmem:s30+$0x10];
	v6 =	vmul.f32 v45, v6;
	v15 =	vmul.f32 $1.442695020e+00, v60;
	v8 =	vmax.f32 v10, v49  }
0x43a: {  	v51 =	vld [tilespmem:s30+$0x30];
	v59 =	vmax.f32 v9, v58;
	v53 =	vadd.f32 v47, v16;
	v5 =	vmul.f32 v8, v5  }
0x43b: {  	v52 =	vld [tilespmem:s30+$0x20];
	v13 =	vmax.f32 v13, v48;
	v42 =	vmul.f32 v59, v42;
	v18 =	vbroadcast v15, $0xF  }
0x43c: {  	v36 =	vld [tilespmem:$0xC610];
	v55 =	vmul.f32 $2.000000030e-01, v53;
	v54 =	vadd.f32 v6, v5;
	v6 =	vmul.f32 $2.000000030e-01, v41  }
0x43d: {  	s29 =	simm.s32 $0x2580;
	v56 =	vld [tilespmem:s30+$0x0];
	v13 =	vmul.f32 v13, v43;
	(erf) = vpow2.f32 v18  }
0x43e: {  	v9 =	vld [tilespmem:s29+$0x30];
	v45 =	vmax.f32 v61, v63;
	v43 =	vmax.f32 v53, v55  }
0x43f: {  	v40 =	vmul.f32 v45, v40;
	v42 =	vadd.f32 v13, v42;
	v15 =	vld [tilespmem:s29+$0x0];
	v5 =	vpop (erf)  }
0x440: {  	v62 =	vmul.f32 $2.000000030e-01, v50;
	v18 =	vld [tilespmem:s29+$0x10];
	v41 =	vmax.f32 v41, v6;
	v6 =	vpop (erf)  }
0x441: {  	v61 =	vld [tilespmem:s30+$0x50];
	v40 =	vadd.f32 v40, v42;
	v39 =	vmul.f32 v43, v39;
	v42 =	vmul.f32 v5, v27;
	v43 =	vpop (erf)  }
0x442: {  	v46 =	vmax.f32 v50, v62;
	v10 =	vld [tilespmem:s29+$0x20];
	v27 =	vmul.f32 v43, v33;
	v34 =	vmul.f32 v43, v34  }
0x443: {  	s18 =	simm.s32 $0xC800;
	v59 =	vld [tilespmem:s30+$0x40];
	v50 =	vnsel vm0, $0x0, v17;
	v17 =	vmul.f32 v46, v38;
	v38 =	vmul.f32 v5, v26  }
0x444: {  	v11 =	vld [tilespmem:$0xC600];
	v26 =	vmul.f32 v43, v29;
	[tilespmem:s18+$0x0] =	vst v27;
	v27 =	vmul.f32 v43, v30;
	v30 =	vadd.f32 v56, v15  }
0x445: {  	v13 =	vld [tilespmem:s29+$0x40];
	v29 =	vadd.f32 v57, v18;
	[tilespmem:s18+$0x10] =	vst v34  }
0x446: {  	v49 =	vld [tilespmem:$0xC640];
	v58 =	vadd.f32 v17, v54;
	v41 =	vmul.f32 v41, v44;
	[tilespmem:s18+$0x30] =	vst v26;
	v34 =	vpop (erf);
	v62 =	vmul.f32 $2.000000030e-01, v30  }
0x447: {  	v63 =	vadd.f32 v52, v10;
	[tilespmem:s18+$0x20] =	vst v27;
	v27 =	vld [tilespmem:$0xC620];
	v26 =	vmul.f32 v34, v31;
	v31 =	vmul.f32 $2.000000030e-01, v29  }
0x448: {  	v8 =	vld [tilespmem:s29+$0x60];
	v54 =	vadd.f32 v51, v9;
	v44 =	vmul.f32 v5, v25;
	v55 =	vmul.f32 v34, v28  }
0x449: {  	v28 =	vld [tilespmem:$0xC630];
	v45 =	vmax.f32 v30, v62;
	[tilespmem:s18+$0x50] =	vst v26;
	v26 =	vmul.f32 $2.000000030e-01, v63;
	v29 =	vmax.f32 v29, v31  }
0x44a: {  	v39 =	vadd.f32 v39, v40;
	v17 =	vld [tilespmem:s29+$0x50];
	v31 =	vmul.f32 v45, v11;
	v56 =	vmul.f32 v29, v36  }
0x44b: {  	v40 =	vld [tilespmem:s30+$0x70];
	v57 =	vmul.f32 $2.000000030e-01, v54;
	v32 =	vmul.f32 v34, v32;
	v26 =	vmax.f32 v63, v26  }
0x44c: {  	v25 =	vld [tilespmem:s30+$0x60];
	v60 =	vadd.f32 v41, v58;
	v31 =	vadd.f32 v56, v31;
	v26 =	vmul.f32 v26, v27  }
0x44d: {  	v47 =	vmul.f32 v5, v20;
	v20 =	vld [tilespmem:s29+$0x70];
	[tilespmem:s18+$0x40] =	vst v32;
	v32 =	vmax.f32 v54, v57  }
0x44e: {  	v46 =	vadd.f32 v59, v13;
	v53 =	vld [tilespmem:s30+$0xFFFFFFA0];
	(xrf2) =	vadd.scan.msk.f32 $0xffff, v60;
	v32 =	vmul.f32 v32, v28;
	v63 =	vadd.f32 v26, v31  }
0x44f: {  	v58 =	vadd.f32 v61, v17;
	v30 =	vld [tilespmem:$0xC650]  }
0x450: {  	v51 =	vmul.f32 v6, v19;
	v19 =	vld [tilespmem:s29+$0xFFFFFFD0];
	v60 =	vmul.f32 $2.000000030e-01, v46;
	(xrf2) =	vadd.scan.msk.f32 $0xffff, v39;
	v32 =	vadd.f32 v32, v63  }
0x451: {  	v61 =	vadd.f32 v25, v8;
	v35 =	vmul.f32 v34, v35;
	v62 =	vmul.f32 $2.000000030e-01, v58;
	v29 =	vld [tilespmem:$0xC660]  }
0x452: {  	v25 =	vld [tilespmem:s29+$0xFFFFFF90];
	v40 =	vadd.f32 v40, v20;
	(xrf2) =	vadd.scan.msk.f32 $0xffff, v32  }
0x453: {  	v33 =	vmax.f32 v46, v60;
	[tilespmem:s18+$0x70] =	vst v35;
	v54 =	vmul.f32 $2.000000030e-01, v61;
	v35 =	vmax.f32 v58, v62;
	v31 =	vld [tilespmem:$0xC670]  }
0x454: {  	s3 =	simm.s32 $0x280;
	v46 =	vld [tilespmem:s30+$0xFFFFFF80];
	v33 =	vmul.f32 v33, v49;
	[tilespmem:s18+$0x60] =	vst v55;
	v35 =	vmul.f32 v35, v30  }
0x455: {  	v37 =	vnsel vm1, $0x0, v37;
	v55 =	vmul.f32 $2.000000030e-01, v40;
	v59 =	vld [tilespmem:s3+$0x0];
	v41 =	vmax.f32 v61, v54  }
0x456: {  	v37 =	vadd.f32 v37, v50;
	v57 =	vld [tilespmem:s30+$0xFFFFFFC0];
	v35 =	vadd.f32 v35, v33;
	v41 =	vmul.f32 v41, v29  }
0x457: {  	s2 =	simm.s32 $0xE700;
	v23 =	vmul.f32 v6, v23;
	v58 =	vmax.f32 v40, v55;
	v56 =	vld [tilespmem:s30+$0xFFFFFF90]  }
0x458: {  	[tilespmem:s2+$0x0] =	vst v37;
	v61, _, _ =	vpop (xrf2);
	v26 =	vld [tilespmem:s29+$0xFFFFFFC0];
	v63 =	vmul.f32 v6, v24;
	v35 =	vadd.f32 v41, v35;
	v37 =	vmul.f32 v58, v31  }
0x459: {  	v60 =	vld [tilespmem:s30+$0xFFFFFFD0];
	v62 =	vmul.f32 v6, v22;
	v50 =	vmul.f32 $1.442695020e+00, v61  }
0x45a: {  	[tilespmem:s14+$0xFFFFFF80] =	vst v42;
	vm14 =	veq.f32 v59, $1.000000000e+00;
	vm15 =	veq.f32 v59, $2.000000000e+00;
	v33 =	vld [tilespmem:s29+$0xFFFFFF80];
	v24, _, _ =	vpop (xrf2);
	v35 =	vadd.f32 v37, v35  }
0x45b: {  	[tilespmem:s14+$0xFFFFFF90] =	vst v47;
	v52 =	vbroadcast v50, $0xF;
	v22 =	vnsel vm15, $0x0, v34;
	v34 =	vld [tilespmem:s29+$0xFFFFFFA0];
	v24 =	vmul.f32 $1.442695020e+00, v24  }
0x45c: {  	v59 =	vnsel vm14, $0x0, v43;
	v32 =	vadd.f32 v56, v25;
	[tilespmem:s14+$0xFFFFFFF0] =	vst v63;
	v63, _, _ =	vpop (xrf2);
	(xrf2) =	vadd.scan.msk.f32 $0xffff, v35  }
0x45d: {  	[tilespmem:s14+$0xFFFFFFA0] =	vst v44;
	v43 =	vadd.f32 v22, v59;
	v22 =	vld [tilespmem:s29+$0xFFFFFFE0];
	v54 =	vadd.f32 v57, v26;
	v55 =	vbroadcast v24, $0xF  }
0x45e: {  	[tilespmem:s14+$0xFFFFFFB0] =	vst v38;
	(erf) = vpow2.f32 v52;
	v57 =	vadd.f32 v60, v19;
	v58 =	vld [tilespmem:s30+$0xFFFFFFE0];
	v56 =	vmul.f32 $2.000000030e-01, v32  }
0x45f: {  	s4 =	simm.s32 $0xE800;
	[tilespmem:s14+$0xFFFFFFD0] =	vst v23;
	v23 =	vld [tilespmem:s29+$0xFFFFFFF0];
	v46 =	vadd.f32 v46, v33;
	v59 =	vmul.f32 $2.000000030e-01, v54;
	(erf) = vpow2.f32 v55  }
0x460: {  	v39 =	vld [tilespmem:s30+$0xFFFFFFB0];
	[tilespmem:s4+$0x0] =	vst v43;
	v60 =	vmul.f32 $2.000000030e-01, v57;
	v43 =	vadd.f32 v53, v34  }
0x461: {  	[tilespmem:s14+$0xFFFFFFE0] =	vst v62;
	v24 =	vld [tilespmem:s29+$0xFFFFFFB0];
	v32 =	vmax.f32 v32, v56;
	v61 =	vmul.f32 $2.000000030e-01, v46;
	v62 =	vmax.f32 v54, v59  }
0x462: {  	s13 =	simm.s32 $0x280;
	[tilespmem:s14+$0xFFFFFFC0] =	vst v51;
	v40 =	vld [tilespmem:s30+$0xFFFFFFF0];
	v37 =	vmul.f32 v32, v36;
	v42 =	vmax.f32 v57, v60;
	v36 =	vmul.f32 v62, v49  }
0x463: {  	s5 =	simm.s32 $0x4;
	s14 =	simm.s32 $0xC800;
	v32 =	vmax.f32 v46, v61;
	v38 =	vadd.f32 v58, v22;
	v35 =	vld [tilespmem:s12+$0xFFFFFF80];
	s12 =	simm.s32 $0xE800;
	v41 =	vmul.f32 $1.442695020e+00, v63  }
.LBB2_26:
0x464: {  	v44 =	vmul.f32 v32, v11;
	v11 =	vld [tilespmem:$0xC600];
	v45 =	vmul.f32 $2.000000030e-01, v43  }
0x465: {  	s29 =	sadd.s32 $0x100, s29;
	v32 =	vld [tilespmem:$0xC610];
	v49 =	vmul.f32 $2.000000030e-01, v38;
	v48 =	vbroadcast v41, $0xF  }
0x466: {  	v30 =	vmul.f32 v42, v30;
	s30 =	sadd.s32 $0x100, s30;
	v47 =	vld [tilespmem:s29+$0x30];
	v43 =	vmax.f32 v43, v45;
	v39 =	vadd.f32 v39, v24;
	v42, _, _ =	vpop (xrf2)  }
0x467: {  	v45 =	vld [tilespmem:s30+$0x30];
	v40 =	vadd.f32 v40, v23;
	v42 =	vmul.f32 $1.442695020e+00, v42;
	(erf) = vpow2.f32 v48;
	v41 =	vpop (erf)  }
0x468: {  	v37 =	vadd.f32 v37, v44;
	v38 =	vmax.f32 v38, v49;
	v48 =	vld [tilespmem:s29+$0x20];
	v44 =	vmul.f32 $2.000000030e-01, v39;
	v46 =	vpop (erf)  }
0x469: {  	v30 =	vadd.f32 v30, v36;
	v49 =	vld [tilespmem:s29+$0x60];
	v36 =	vmul.f32 $2.000000030e-01, v40;
	v42 =	vbroadcast v42, $0xF  }
0x46a: {  	v27 =	vmul.f32 v43, v27;
	v29 =	vmul.f32 v38, v29;
	v50 =	vld [tilespmem:s30+$0x20];
	v39 =	vmax.f32 v39, v44  }
0x46b: {  	v38 =	vld [tilespmem:s29+$0x0];
	v28 =	vmul.f32 v39, v28;
	v36 =	vmax.f32 v40, v36;
	(erf) = vpow2.f32 v42  }
0x46c: {  	v27 =	vadd.f32 v27, v37;
	v29 =	vadd.f32 v29, v30;
	v39 =	vld [tilespmem:s29+$0x10];
	v30 =	vmul.f32 v36, v31  }
0x46d: {  	vm0 =	veq.f32 v35, $1.000000000e+00;
	v37 =	vmul.f32 v41, v3;
	v3 =	vmovc v25;
	v36 =	vmul.f32 v41, v7;
	v7 =	vmovc v33;
	v31 =	vld [tilespmem:s29+$0x40]  }
0x46e: {  	v27 =	vadd.f32 v28, v27;
	v25 =	vld [tilespmem:s29+$0x50];
	v28 =	vadd.f32 v30, v29;
	v29 =	vmul.f32 v41, v4;
	v4 =	vmovc v34  }
0x46f: {  	v21 =	vmul.f32 v41, v21;
	vm1 =	veq.f32 v35, $2.000000000e+00;
	v33 =	vmul.f32 v46, v2;
	v2 =	vmovc v26;
	v30 =	vld [tilespmem:s30+$0x0];
	[tilespmem:s18+$0xFFFFFF80] =	vst v36  }
0x470: {  	v12 =	vmul.f32 v46, v12;
	v14 =	vmul.f32 v46, v14;
	v26 =	vld [tilespmem:s30+$0x10];
	(xrf2) =	vadd.scan.msk.f32 $0xffff, v27;
	v34 =	vpop (erf);
	[tilespmem:s18+$0xFFFFFF90] =	vst v37  }
0x471: {  	v16 =	vmul.f32 v46, v16;
	v36 =	vnsel vm0, $0x0, v5;
	v5 =	vmovc v41;
	v35 =	vld [tilespmem:s30+$0x40];
	v15 =	vmul.f32 v34, v15;
	[tilespmem:s18+$0xFFFFFFA0] =	vst v29  }
0x472: {  	v40 =	vnsel vm1, $0x0, v6;
	v6 =	vmovc v46;
	v37 =	vadd.f32 v45, v47;
	v18 =	vmul.f32 v34, v18;
	s18 =	sadd.s32 $0x100, s18;
	v29 =	vld [tilespmem:s30+$0x50];
	[tilespmem:s14+$0xFFFFFFB0] =	vst v21  }
0x473: {  	v21 =	vadd.f32 v50, v48;
	v50 =	vmul.f32 v34, v10;
	v10 =	vmovc v48;
	v41 =	vld [tilespmem:s30+$0x60];
	[tilespmem:s18+$0x0] =	vst v15;
	(xrf2) =	vadd.scan.msk.f32 $0xffff, v28  }
0x474: {  	v44 =	vmul.f32 $2.000000030e-01, v37;
	v42 =	vld [tilespmem:s29+$0x70];
	v43 =	vadd.f32 v30, v38;
	[tilespmem:s18+$0x10] =	vst v18;
	v18 =	vmul.f32 v34, v9;
	v45 =	vpop (erf)  }
0x475: {  	v46 =	vmul.f32 $2.000000030e-01, v21;
	v9 =	vmovc v47;
	v26 =	vadd.f32 v26, v39;
	v48 =	vld [tilespmem:s30+$0x70];
	[tilespmem:s18+$0x20] =	vst v50;
	v13 =	vmul.f32 v45, v13  }
0x476: {  	v17 =	vmul.f32 v45, v17;
	v15 =	vmovc v38;
	v27 =	vld [tilespmem:$0xC620];
	v47 =	vmul.f32 $2.000000030e-01, v43;
	v35 =	vadd.f32 v35, v31;
	[tilespmem:s18+$0x30] =	vst v18  }
0x477: {  	s5 =	sadd.s32 $0x2, s5;
	v38 =	vld [tilespmem:$0xC640];
	v50 =	vmul.f32 $2.000000030e-01, v26;
	v51 =	vadd.f32 v29, v25;
	[tilespmem:s18+$0x40] =	vst v13;
	v29 =	vmul.f32 v45, v8;
	v8 =	vmovc v49  }
0x478: {  	p4 =	slt.u32 s5, $0x3E;
	v52 =	vmul.f32 v45, v20;
	v30 =	vld [tilespmem:$0xC650];
	v49 =	vmul.f32 $2.000000030e-01, v35;
	v41 =	vadd.f32 v41, v8;
	[tilespmem:s18+$0x50] =	vst v17;
	v18 =	vmovc v39  }
0x479: {  	v20 =	vmax.f32 v43, v47;
	v28 =	vld [tilespmem:$0xC630];
	v26 =	vmax.f32 v26, v50;
	v39 =	vmul.f32 $2.000000030e-01, v51;
	[tilespmem:s18+$0x60] =	vst v29;
	v13 =	vmovc v31  }
0x47a: {  	s3 =	sadd.s32 $0x100, s3;
	v20 =	vmul.f32 v20, v11;
	v29 =	vld [tilespmem:$0xC660];
	v26 =	vmul.f32 v26, v32;
	v43 =	vadd.f32 v48, v42;
	[tilespmem:s18+$0x70] =	vst v52;
	v47, _, _ =	vpop (xrf2)  }
0x47b: {  	v21 =	vmax.f32 v21, v46;
	v17 =	vmovc v25;
	v35 =	vmax.f32 v35, v49;
	v46 =	vmul.f32 $2.000000030e-01, v41;
	v48 =	vld [tilespmem:s3+$0x0];
	[tilespmem:s14+$0xFFFFFFC0] =	vst v33  }
0x47c: {  	v21 =	vmul.f32 v21, v27;
	v25 =	vld [tilespmem:s29+$0xFFFFFF90];
	v49 =	vadd.f32 v26, v20;
	v26 =	vmax.f32 v51, v39;
	[tilespmem:s14+$0xFFFFFFD0] =	vst v12  }
0x47d: {  	v50 =	vmax.f32 v37, v44;
	v33 =	vmul.f32 v35, v38;
	v31 =	vld [tilespmem:$0xC670];
	v35 =	vmul.f32 v26, v30;
	v37, _, _ =	vpop (xrf2);
	[tilespmem:s14+$0xFFFFFFE0] =	vst v14  }
0x47e: {  	v39 =	vmax.f32 v41, v46;
	v26 =	vld [tilespmem:s29+$0xFFFFFFC0];
	v44 =	vadd.f32 v21, v49;
	v49 =	vmul.f32 v50, v28;
	[tilespmem:s14+$0xFFFFFFF0] =	vst v16;
	s14 =	smov.u32 s18  }
0x47f: {  	v46 =	vmul.f32 $2.000000030e-01, v43;
	v12 =	vmovc v19;
	v20 =	vmovc v42;
	v33 =	vadd.f32 v35, v33;
	v35 =	vmul.f32 v39, v29;
	v19 =	vld [tilespmem:s29+$0xFFFFFFD0]  }
0x480: {  	v14 =	vmovc v22;
	v21 =	vmovc v24;
	v39 =	vld [tilespmem:s30+$0xFFFFFF80];
	v41 =	vadd.f32 v49, v44;
	vm0 =	veq.f32 v48, $1.000000000e+00;
	vm1 =	veq.f32 v48, $2.000000000e+00  }
0x481: {  	v22 =	vmax.f32 v43, v46;
	v16 =	vmovc v23;
	v24 =	vld [tilespmem:s30+$0xFFFFFF90];
	v34 =	vnsel vm0, $0x0, v34;
	v42 =	vnsel vm1, $0x0, v45  }
0x482: {  	v35 =	vadd.f32 v35, v33;
	v23 =	vld [tilespmem:s30+$0xFFFFFFC0];
	v22 =	vmul.f32 v22, v31;
	(xrf2) =	vadd.scan.msk.f32 $0xffff, v41;
	v34 =	vadd.f32 v42, v34  }
0x483: {  	s4 =	sadd.s32 $0x100, s4;
	v36 =	vadd.f32 v40, v36;
	v37 =	vmul.f32 $1.442695020e+00, v37;
	v42 =	vmul.f32 $1.442695020e+00, v47;
	v41 =	vld [tilespmem:s30+$0xFFFFFFD0]  }
0x484: {  	v33 =	vld [tilespmem:s29+$0xFFFFFF80];
	v35 =	vadd.f32 v22, v35;
	[tilespmem:s4+$0x0] =	vst v34  }
0x485: {  	v37 =	vbroadcast v37, $0xF;
	v40 =	vbroadcast v42, $0xF;
	v34 =	vld [tilespmem:s29+$0xFFFFFFA0];
	[tilespmem:s2+$0xFFFFFF80] =	vst v36;
	s2 =	smov.u32 s12;
	s12 =	smov.u32 s4  }
0x486: {  	v22 =	vld [tilespmem:s29+$0xFFFFFFE0];
	v36 =	vadd.f32 v24, v25;
	(xrf2) =	vadd.scan.msk.f32 $0xffff, v35  }
0x487: {  	v35 =	vld [tilespmem:s30+$0xFFFFFFA0];
	v42 =	vadd.f32 v23, v26  }
0x488: {  	v43 =	vmul.f32 $2.000000030e-01, v36;
	v41 =	vadd.f32 v41, v19;
	v44 =	vld [tilespmem:s30+$0xFFFFFFE0];
	(erf) = vpow2.f32 v40  }
.Ltmp15:
0x489: {  	v24 =	vld [tilespmem:s29+$0xFFFFFFB0];
	v45 =	vadd.f32 v39, v33;
	v40 =	vmul.f32 $2.000000030e-01, v42;
	(erf) = vpow2.f32 v37;
	(pc) =	sbr.rel @p4 .LBB2_26-.Ltmp15, $4  }
0x48a: {  	v23 =	vld [tilespmem:s29+$0xFFFFFFF0];
	v36 =	vmax.f32 v36, v43;
	v46 =	vmul.f32 $2.000000030e-01, v41  }
0x48b: {  	v47 =	vmul.f32 $2.000000030e-01, v45;
	v37 =	vmul.f32 v36, v32;
	v39 =	vld [tilespmem:s30+$0xFFFFFFB0];
	v32 =	vmax.f32 v42, v40  }
0x48c: {  	v43 =	vadd.f32 v35, v34;
	v36 =	vmul.f32 v32, v38;
	v42 =	vmax.f32 v41, v46;
	v40 =	vld [tilespmem:s30+$0xFFFFFFF0];
	v35, _, _ =	vpop (xrf2)  }
0x48d: {  	v32 =	vmax.f32 v45, v47;
	v38 =	vadd.f32 v44, v22;
	v41 =	vmul.f32 $1.442695020e+00, v35;
	v35 =	vld [tilespmem:s13+$0xFFFFFF80];
	s13 =	smov.u32 s3  }
0x48e: {  	_ =	sdelay $0x1  }
0x48f: {  	v44 =	vmul.f32 $2.000000030e-01, v43;
	v39 =	vadd.f32 v39, v24  }
0x490: {  	v11 =	vmul.f32 v32, v11  }
0x491: {  	v60 =	vmax.f32 v43, v44;
	v61 =	vmul.f32 $2.000000030e-01, v39  }
0x492: {  	v11 =	vadd.f32 v37, v11;
	v27 =	vmul.f32 v60, v27  }
0x493: {  	v62 =	vmul.f32 $2.000000030e-01, v38;
	v39 =	vmax.f32 v39, v61  }
0x494: {  	v63 =	vadd.f32 v40, v23;
	v11 =	vadd.f32 v27, v11;
	v28 =	vmul.f32 v39, v28  }
0x495: {  	v30 =	vmul.f32 v42, v30  }
0x496: {  	v44 =	vmax.f32 v38, v62;
	v45 =	vmul.f32 $2.000000030e-01, v63;
	v11 =	vadd.f32 v28, v11  }
0x497: {  	v30 =	vadd.f32 v30, v36;
	v27 =	vmul.f32 v44, v29  }
0x498: {  	v46 =	vmax.f32 v63, v45;
	(xrf2) =	vadd.scan.msk.f32 $0xffff, v11  }
0x499: {  	v47 =	vbroadcast v41, $0xF;
	v27 =	vadd.f32 v27, v30;
	v28 =	vmul.f32 v46, v31;
	_ =	sdelay $0x1  }
0x49a: {  	v48, _, _ =	vpop (xrf2);
	(erf) = vpow2.f32 v47;
	v27 =	vadd.f32 v28, v27  }
0x49b: {  	v49 =	vmul.f32 $1.442695020e+00, v48  }
0x49c: {  	(xrf2) =	vadd.scan.msk.f32 $0xffff, v27  }
0x49d: {  	v50 =	vbroadcast v49, $0xF;
	_ =	sdelay $0x1  }
0x49e: {  	v51 =	vpop (erf);
	(erf) = vpow2.f32 v50  }
0x49f: {  	v7 =	vmul.f32 v51, v7  }
0x4a0: {  	v52, _, _ =	vpop (xrf2)  }
0x4a1: {  	v53 =	vpop (erf);
	v4 =	vmul.f32 v51, v4;
	[tilespmem:s18+$0xFFFFFF80] =	vst v7;
	v7 =	vmul.f32 $1.442695020e+00, v52  }
0x4a2: {  	v3 =	vmul.f32 v51, v3;
	v21 =	vmul.f32 v51, v21;
	v54 =	vpop (erf)  }
0x4a3: {  	[tilespmem:s18+$0xFFFFFFA0] =	vst v4;
	v4 =	vbroadcast v7, $0xF;
	v7 =	vmul.f32 v54, v18  }
0x4a4: {  	[tilespmem:s18+$0xFFFFFF90] =	vst v3;
	v3 =	vmul.f32 v54, v15  }
0x4a5: {  	s5 =	sadd.s32 $0x100, s18;
	[tilespmem:s14+$0xFFFFFFB0] =	vst v21;
	v55, _, _ =	vpop (xrf2);
	(erf) = vpow2.f32 v4  }
0x4a6: {  	[tilespmem:s5+$0x0] =	vst v3;
	v3 =	vmul.f32 $1.442695020e+00, v55;
	v4 =	vmul.f32 v54, v9  }
0x4a7: {  	v2 =	vmul.f32 v53, v2;
	[tilespmem:s5+$0x10] =	vst v7;
	v7 =	vpop (erf)  }
0x4a8: {  	v3 =	vbroadcast v3, $0xF;
	[tilespmem:s5+$0x30] =	vst v4;
	v4 =	vmul.f32 v7, v17  }
0x4a9: {  	[tilespmem:s14+$0xFFFFFFC0] =	vst v2;
	v2 =	vmul.f32 v53, v16;
	v10 =	vmul.f32 v54, v10  }
0x4aa: {  	(erf) = vpow2.f32 v3;
	[tilespmem:s5+$0x50] =	vst v4;
	v4 =	vmul.f32 v53, v12  }
0x4ab: {  	[tilespmem:s14+$0xFFFFFFF0] =	vst v2;
	v3 =	vmul.f32 v7, v20  }
0x4ac: {  	[tilespmem:s5+$0x20] =	vst v10  }
0x4ad: {  	[tilespmem:s5+$0x70] =	vst v3;
	v3 =	vmul.f32 v53, v14  }
0x4ae: {  	v56 =	vmul.f32 v7, v13;
	[tilespmem:s14+$0xFFFFFFD0] =	vst v4;
	v4 =	vpop (erf)  }
0x4af: {  	v8 =	vmul.f32 v7, v8;
	[tilespmem:s14+$0xFFFFFFE0] =	vst v3;
	v3 =	vmul.f32 v4, v33  }
0x4b0: {  	[tilespmem:s5+$0x40] =	vst v56  }
0x4b1: {  	[tilespmem:s5+$0x60] =	vst v8;
	v2 =	vmul.f32 v4, v25  }
0x4b2: {  	v57 =	vmul.f32 v4, v34;
	[tilespmem:s5+$0xFFFFFF80] =	vst v3  }
0x4b3: {  	v58 =	vmul.f32 v4, v24;
	[tilespmem:s5+$0xFFFFFF90] =	vst v2;
	v3 =	vpop (erf)  }
0x4b4: {  	[tilespmem:s5+$0xFFFFFFA0] =	vst v57;
	v2 =	vmul.f32 v3, v26  }
0x4b5: {  	[tilespmem:s5+$0xFFFFFFB0] =	vst v58;
	v59 =	vmul.f32 v3, v19  }
0x4b6: {  	s3 =	sadd.s32 $0x100, s3;
	v61 =	vmul.f32 v3, v22;
	[tilespmem:s5+$0xFFFFFFC0] =	vst v2  }
0x4b7: {  	v60 =	vld [tilespmem:s3+$0x0];
	v2 =	vmul.f32 v3, v23;
	[tilespmem:s5+$0xFFFFFFD0] =	vst v59  }
0x4b8: {  	v62 =	vld [tilespmem:s13+$0xFFFFFF80];
	[tilespmem:s5+$0xFFFFFFE0] =	vst v61  }
0x4b9: {  	[tilespmem:s5+$0xFFFFFFF0] =	vst v2  }
0x4ba: {  	vm0 =	veq.f32 v35, $1.000000000e+00;
	vm9 =	veq.f32 v35, $2.000000000e+00;
	v2 =	vld [tilespmem:s3+$0xFFFFFF80]  }
0x4bb: {  	v5 =	vnsel vm0, $0x0, v5;
	v6 =	vnsel vm9, $0x0, v6  }
0x4bc: {  	v5 =	vadd.f32 v6, v5;
	vm8 =	veq.f32 v60, $1.000000000e+00;
	vm1 =	veq.f32 v60, $2.000000000e+00  }
0x4bd: {  	v63 =	vnsel vm8, $0x0, v54;
	v7 =	vnsel vm1, $0x0, v7;
	vm10 =	veq.f32 v62, $1.000000000e+00  }
0x4be: {  	v7 =	vadd.f32 v7, v63;
	vm11 =	veq.f32 v62, $2.000000000e+00;
	v6 =	vnsel vm10, $0x0, v51  }
0x4bf: {  	v8 =	vnsel vm11, $0x0, v53;
	vm12 =	veq.f32 v2, $1.000000000e+00;
	vm13 =	veq.f32 v2, $2.000000000e+00  }
0x4c0: {  	s18 =	sadd.s32 $0x100, s4;
	[tilespmem:s2+$0xFFFFFF80] =	vst v5;
	v2 =	vadd.f32 v8, v6;
	v4 =	vnsel vm12, $0x0, v4;
	v3 =	vnsel vm13, $0x0, v3  }
0x4c1: {  	[tilespmem:s18+$0x0] =	vst v7;
	v3 =	vadd.f32 v3, v4  }
0x4c2: {  	[tilespmem:s12+$0xFFFFFF80] =	vst v2  }
0x4c3: {  	s29 =	simm.s32 $0x2200;
	[tilespmem:s18+$0xFFFFFF80] =	vst v3  }
0x4c4: {  	[spmem:s17] =	stream.indirect.scatter.add.f32 [tilespmem:s6], [sflag:$0x5], $0x80, s29, s9, $0xb8;
	[tilespmem:$0x1BC80] =	vst v63  }
0x4c5: {  	s30 =	simm.s32 $0x2280  }
0x4c6: {  	[spmem:s21] =	stream.indirect.scatter.add.f32 [tilespmem:s7], [sflag:$0x6], $0x80, s30, s9, $0xb8;
	[tilespmem:$0x1BC80] =	vst v63  }
0x4c7: {  	_ =	swait.ge [sflag:s31], $0x40  }
0x4c8: {  	[sflag:s31] =	ssyncset.done $0x0  }
0x4c9: {  	[sflag:s31] =	ssyncadd.s32 $0xFFFFFFC0  }
0x4ca: {  	_ =	swait.ge [sflag:s31], $0x40  }
0x4cb: {  	[sflag:s31] =	ssyncset.done $0x0  }
0x4cc: {  	[sflag:s31] =	ssyncadd.s32 $0xFFFFFFC0  }
0x4cd: {  	_ =	swait.ge [sflag:s31], $0x2000  }
0x4ce: {  	[sflag:s31] =	ssyncset.done $0x0  }
0x4cf: {  	s3 =	simm.s32 $0x0;
	[sflag:s31] =	ssyncadd.s32 $0xFFFFE000  }
0x4d0: {  	v2 =	vld [tilespmem:s3+$0x6380];
	_ =	sdelay $0x4  }
0x4d1: {  	vm14 =	vlt.s32 v2, $0x270F;
	v5 =	vadd.s32 $0xFFFFEC78, v2;
	v3 =	vand.u32 $0x7, v2  }
0x4d2: {  	vm15 =	vlt.u32 v5, $0x1388;
	v6 =	vshra.s32 v5, $0x3;
	v3 =	vadd.s32 $0x276, v3  }
0x4d3: {  	s2 =	simm.s32 $0x10;
	v4 =	vld [tilespmem:s3+$0x6300];
	v7 =	vnsel vm14, $0x270F, v2;
	v2 =	vand.u32 $0x3F, v2;
	v3 =	vsel vm15, v6, v3  }
0x4d4: {  	v2 =	vor.u32 $0x1400, v2;
	[tilespmem:s3+$0x8580] =	vst v3;
	v3 =	vld [tilespmem:s2+$0x6380]  }
0x4d5: {  	v5 =	vsel vm15, v5, v2;
	v2 =	vld [tilespmem:s2+$0x6300]  }
0x4d6: {  	v6 =	vadd.s32 v0, v7  }
0x4d7: {  	[tilespmem:s3+$0x8480] =	vst v6  }
0x4d8: {  	s4 =	simm.s32 $0x80;
	v4 =	vadd.s32 v0, v4;
	[tilespmem:s3+$0x8500] =	vst v5  }
.LBB2_28:
0x4d9: {  	s5 =	sshra.s32 s4, $0x2;
	p4 =	sne.s32 s4, $0xC0;
	s4 =	sadd.s32 $0x40, s4;
	vm0 =	vlt.s32 v3, $0x270F;
	v5 =	vadd.s32 $0xFFFFEC78, v3;
	v6 =	vand.u32 $0x7, v3;
	[tilespmem:s3+$0x8400] =	vst v4;
	v4 =	vmovc v3  }
.Ltmp16:
0x4da: {  	s3 =	smov.u32 s2;
	v3 =	vld [tilespmem:s5+$0x6380];
	vm1 =	vlt.u32 v5, $0x1388;
	v7 =	vshra.s32 v5, $0x3;
	v6 =	vadd.s32 $0x276, v6;
	v8 =	vmovc v2;
	s2 =	smov.u32 s5;
	(pc) =	sbr.rel @p4 .LBB2_28-.Ltmp16, $4  }
0x4db: {  	v9 =	vnsel vm0, $0x270F, v4;
	v10 =	vand.u32 $0x3F, v4;
	v2 =	vld [tilespmem:s2+$0x6300];
	v6 =	vsel vm1, v7, v6  }
0x4dc: {  	v4 =	vadd.s32 v0, v8;
	v7 =	vadd.s32 v0, v9;
	v8 =	vor.u32 $0x1400, v10;
	[tilespmem:s3+$0x8580] =	vst v6  }
0x4dd: {  	v5 =	vsel vm1, v5, v8;
	[tilespmem:s3+$0x8480] =	vst v7  }
0x4de: {  	[tilespmem:s3+$0x8500] =	vst v5  }
0x4df: {  	v5 =	vadd.s32 $0xFFFFEC78, v3  }
0x4e0: {  	vm0 =	vlt.s32 v3, $0x270F;
	v6 =	vand.u32 $0x7, v3;
	vm1 =	vlt.u32 v5, $0x1388  }
0x4e1: {  	[tilespmem:s3+$0x8400] =	vst v4;
	v7 =	vshra.s32 v5, $0x3;
	v6 =	vadd.s32 $0x276, v6;
	v2 =	vadd.s32 v0, v2  }
0x4e2: {  	v4 =	vnsel vm0, $0x270F, v3;
	v3 =	vand.u32 $0x3F, v3;
	v6 =	vsel vm1, v7, v6;
	[tilespmem:s2+$0x8400] =	vst v2  }
0x4e3: {  	v4 =	vadd.s32 v0, v4;
	v3 =	vor.u32 $0x1400, v3;
	[tilespmem:s2+$0x8580] =	vst v6  }
0x4e4: {  	p4 =	seq.s32 s15, $0x53;
	[tilespmem:s2+$0x8480] =	vst v4;
	v3 =	vsel vm1, v5, v3  }
0x4e5: {  	s3 =	simm.s32 $0x8400;
	s4 =	simm.s32 $0x8600;
	[tilespmem:s2+$0x8500] =	vst v3;
	s2 =	sadd.s32 @!p4 s20, s26  }
0x4e6: {  	[tilespmem:s4], [sflag:$0x4] =	stream.indirect.gather [hbm4b:s16+s9], $0x80, s3, s9, $0xb8;
	[tilespmem:$0x1BC80] =	vst v63  }
0x4e7: {  	s5 =	simm.s32 $0x8480;
	s12 =	simm.s32 $0xA600;
	s3 =	sshll.u32 @!p4 s2, $0x3  }
0x4e8: {  	[tilespmem:s12], [sflag:$0x4] =	stream.indirect.gather [hbm4b:s22+s9], $0x80, s5, s9, $0xb8;
	[tilespmem:$0x1BC80] =	vst v63  }
0x4e9: {  	s4 =	sadd.s32 @!p4 s23, s3;
	s5 =	simm.s32 @!p4 $0x0  }
0x4ea: {  	[tilespmem:s5], [sflag:$0x1] =	stream.linear.gather @!p4 [hbm4b:s4+s5], $0x40, $0x38;
	[tilespmem:$0x1BC80] =	vst v63  }
0x4eb: {  	s2 =	sshll.u32 @!p4 s2, $0xA;
	s3 =	sadd.s32 @!p4 s24, s3;
	s4 =	simm.s32 @!p4 $0x80  }
0x4ec: {  	[tilespmem:s4], [sflag:$0x1] =	stream.linear.gather @!p4 [hbm4b:s3+s5], $0x40, $0x38;
	[tilespmem:$0x1BC80] =	vst v63  }
0x4ed: {  	s2 =	sadd.s32 @!p4 s25, s2;
	s3 =	simm.s32 @!p4 $0x100  }
0x4ee: {  	[tilespmem:s3], [sflag:$0x1] =	stream.linear.gather @!p4 [hbm4b:s2+s5], $0x2000, $0x38;
	[tilespmem:$0x1BC80] =	vst v63  }
0x4ef: {  	_ =	swait.ge [sflag:s1], $0x2000  }
0x4f0: {  	[sflag:s1] =	ssyncset.done $0x0  }
0x4f1: {  	[sflag:s1] =	ssyncadd.s32 $0xFFFFE000  }
0x4f2: {  	_ =	swait.ge [sflag:s10], $0x2000  }
0x4f3: {  	[sflag:s10] =	ssyncset.done $0x0  }
0x4f4: {  	[sflag:s10] =	ssyncadd.s32 $0xFFFFE000  }
0x4f5: {  	_ =	swait.ge [sflag:s11], $0x2000  }
0x4f6: {  	[sflag:s11] =	ssyncset.done $0x0  }
0x4f7: {  	[sflag:s11] =	ssyncadd.s32 $0xFFFFE000  }
0x4f8: {  	_ =	swait.ge [sflag:s11], $0x2000  }
0x4f9: {  	[sflag:s11] =	ssyncset.done $0x0  }
0x4fa: {  	[sflag:s11] =	ssyncadd.s32 $0xFFFFE000  }
0x4fb: {  	v12 =	vld [tilespmem:$0xC600]  }
0x4fc: {  	s13 =	simm.s32 $0x8680;
	v13 =	vld [tilespmem:$0xC610]  }
0x4fd: {  	s14 =	simm.s32 $0xA680;
	v7 =	vld [tilespmem:s13+$0x30]  }
0x4fe: {  	v5 =	vld [tilespmem:s14+$0x30]  }
0x4ff: {  	v9 =	vld [tilespmem:s13+$0x20]  }
0x500: {  	v2 =	vld [tilespmem:s13+$0x60]  }
0x501: {  	v6 =	vld [tilespmem:s14+$0x20]  }
0x502: {  	v11 =	vld [tilespmem:s13+$0x0]  }
0x503: {  	v10 =	vld [tilespmem:s13+$0x10]  }
0x504: {  	v8 =	vld [tilespmem:s13+$0x40]  }
0x505: {  	v14 =	vld [tilespmem:s14+$0x0]  }
0x506: {  	v15 =	vld [tilespmem:s14+$0x10]  }
0x507: {  	v4 =	vld [tilespmem:s13+$0x50]  }
0x508: {  	v16 =	vld [tilespmem:s14+$0x40]  }
0x509: {  	v17 =	vld [tilespmem:s14+$0x50]  }
0x50a: {  	v18 =	vld [tilespmem:s14+$0x60]  }
0x50b: {  	v3 =	vld [tilespmem:s13+$0x70];
	v14 =	vadd.f32 v14, v11  }
0x50c: {  	v19 =	vld [tilespmem:s14+$0x70];
	v15 =	vadd.f32 v15, v10;
	v5 =	vadd.f32 v5, v7  }
0x50d: {  	v21 =	vld [tilespmem:$0xC620];
	v6 =	vadd.f32 v6, v9;
	v16 =	vadd.f32 v16, v8;
	v20 =	vmul.f32 $2.000000030e-01, v14  }
0x50e: {  	v28 =	vld [tilespmem:$0xC640];
	v17 =	vadd.f32 v17, v4;
	v22 =	vmul.f32 $2.000000030e-01, v15;
	v23 =	vmul.f32 $2.000000030e-01, v5  }
0x50f: {  	v31 =	vld [tilespmem:$0xC650];
	v24 =	vmul.f32 $2.000000030e-01, v6;
	v25 =	vmul.f32 $2.000000030e-01, v16  }
0x510: {  	v35 =	vld [tilespmem:$0xC630];
	v14 =	vmax.f32 v14, v20;
	v15 =	vmax.f32 v15, v22;
	v20 =	vmul.f32 $2.000000030e-01, v17  }
0x511: {  	v18 =	vadd.f32 v18, v2;
	v14 =	vmul.f32 v14, v12;
	v15 =	vmul.f32 v15, v13  }
0x512: {  	v36 =	vld [tilespmem:$0xC660];
	v22 =	vadd.f32 v19, v3;
	v6 =	vmax.f32 v6, v24;
	v16 =	vmax.f32 v16, v25  }
0x513: {  	v5 =	vmax.f32 v5, v23;
	v6 =	vmul.f32 v6, v21;
	v14 =	vadd.f32 v15, v14  }
0x514: {  	v37 =	vld [tilespmem:$0xC670];
	v16 =	vmul.f32 v16, v28;
	v17 =	vmax.f32 v17, v20;
	v15 =	vmul.f32 $2.000000030e-01, v18  }
0x515: {  	v27 =	vld [tilespmem:s13+$0xFFFFFF80];
	v5 =	vmul.f32 v5, v35;
	v17 =	vmul.f32 v17, v31;
	v6 =	vadd.f32 v6, v14  }
0x516: {  	v34 =	vld [tilespmem:s14+$0xFFFFFFF0];
	v14 =	vmax.f32 v18, v15;
	v15 =	vmul.f32 $2.000000030e-01, v22  }
0x517: {  	v19 =	vld [tilespmem:s13+$0xFFFFFFC0];
	v16 =	vadd.f32 v17, v16;
	v14 =	vmul.f32 v14, v36;
	v5 =	vadd.f32 v5, v6  }
0x518: {  	v23 =	vld [tilespmem:s13+$0xFFFFFFD0];
	v6 =	vmax.f32 v22, v15  }
0x519: {  	v24 =	vld [tilespmem:s13+$0xFFFFFFF0];
	v14 =	vadd.f32 v14, v16;
	v6 =	vmul.f32 v6, v37;
	(xrf2) =	vadd.scan.msk.f32 $0xffff, v5  }
0x51a: {  	v20 =	vld [tilespmem:s13+$0xFFFFFF90]  }
0x51b: {  	v17 =	vld [tilespmem:s14+$0xFFFFFF80];
	v6 =	vadd.f32 v6, v14  }
0x51c: {  	v18 =	vld [tilespmem:s14+$0xFFFFFFE0]  }
0x51d: {  	v15 =	vld [tilespmem:s14+$0xFFFFFF90];
	(xrf2) =	vadd.scan.msk.f32 $0xffff, v6  }
0x51e: {  	v5 =	vld [tilespmem:s14+$0xFFFFFFD0]  }
0x51f: {  	v22 =	vld [tilespmem:s13+$0xFFFFFFE0]  }
0x520: {  	v16 =	vld [tilespmem:s14+$0xFFFFFFC0]  }
0x521: {  	v25 =	vld [tilespmem:s13+$0xFFFFFFA0]  }
0x522: {  	v14 =	vld [tilespmem:s14+$0xFFFFFFA0];
	v17 =	vadd.f32 v17, v27  }
0x523: {  	v26 =	vld [tilespmem:s13+$0xFFFFFFB0];
	v15 =	vadd.f32 v15, v20;
	v33 =	vadd.f32 v5, v23;
	v5, _, _ =	vpop (xrf2)  }
0x524: {  	s20 =	simm.s32 $0xA780;
	v32 =	vld [tilespmem:s14+$0xFFFFFFB0];
	v40 =	vmul.f32 $2.000000030e-01, v17;
	v18 =	vadd.f32 v18, v22;
	v30 =	vmul.f32 $1.442695020e+00, v5  }
0x525: {  	v46 =	vld [tilespmem:s20+$0x20];
	v48 =	vadd.f32 v34, v24;
	v16 =	vadd.f32 v16, v19;
	v29 =	vmul.f32 $2.000000030e-01, v15  }
0x526: {  	v50 =	vld [tilespmem:s20+$0x40];
	v17 =	vmax.f32 v17, v40;
	v47 =	vmul.f32 $2.000000030e-01, v18;
	v30 =	vbroadcast v30, $0xF  }
0x527: {  	v52 =	vld [tilespmem:s20+$0x60];
	v38 =	vmul.f32 $2.000000030e-01, v16;
	v14 =	vadd.f32 v14, v25;
	v12 =	vmul.f32 v17, v12;
	v41, _, _ =	vpop (xrf2)  }
0x528: {  	s18 =	simm.s32 $0x8780;
	v53 =	vld [tilespmem:s20+$0x70];
	v15 =	vmax.f32 v15, v29;
	v41 =	vmul.f32 $1.442695020e+00, v41;
	(erf) = vpow2.f32 v30  }
0x529: {  	v34 =	vld [tilespmem:s18+$0x10];
	v17 =	vadd.f32 v32, v26;
	v39 =	vmul.f32 $2.000000030e-01, v33;
	v13 =	vmul.f32 v15, v13  }
0x52a: {  	v6 =	vld [tilespmem:$0xC610];
	v18 =	vmax.f32 v18, v47;
	v16 =	vmax.f32 v16, v38;
	v44 =	vbroadcast v41, $0xF  }
0x52b: {  	v32 =	vld [tilespmem:s18+$0x40];
	v45 =	vmul.f32 $2.000000030e-01, v14;
	v12 =	vadd.f32 v13, v12;
	v13 =	vmul.f32 $2.000000030e-01, v17  }
0x52c: {  	v29 =	vld [tilespmem:s18+$0x30];
	v16 =	vmul.f32 v16, v28;
	v63 =	vmax.f32 v33, v39;
	(erf) = vpow2.f32 v44  }
0x52d: {  	v15 =	vld [tilespmem:s20+$0x30];
	v38 =	vmul.f32 v63, v31;
	v13 =	vmax.f32 v17, v13;
	v17 =	vmul.f32 v18, v36  }
0x52e: {  	v33 =	vld [tilespmem:s18+$0x0];
	v14 =	vmax.f32 v14, v45  }
0x52f: {  	v31 =	vld [tilespmem:s18+$0x50];
	v14 =	vmul.f32 v14, v21;
	v16 =	vadd.f32 v38, v16  }
0x530: {  	v49 =	vmul.f32 $2.000000030e-01, v48;
	v18 =	vld [tilespmem:s20+$0x0]  }
0x531: {  	v13 =	vmul.f32 v13, v35;
	v12 =	vadd.f32 v14, v12;
	v14 =	vld [tilespmem:s20+$0x10];
	v16 =	vadd.f32 v17, v16;
	v17 =	vpop (erf)  }
0x532: {  	v21 =	vmax.f32 v48, v49;
	v30 =	vld [tilespmem:s18+$0x20];
	v11 =	vmul.f32 v17, v11  }
0x533: {  	s30 =	simm.s32 $0xC700;
	v12 =	vadd.f32 v13, v12;
	v13 =	vadd.f32 v15, v29;
	v15 =	vld [tilespmem:s20+$0x50];
	v10 =	vmul.f32 v17, v10  }
0x534: {  	v28 =	vld [tilespmem:s18+$0x60];
	v21 =	vmul.f32 v21, v37;
	v9 =	vmul.f32 v17, v9;
	[tilespmem:s30+$0x0] =	vst v11  }
0x535: {  	v5 =	vld [tilespmem:$0xC600];
	v36 =	vadd.f32 v50, v32;
	v7 =	vmul.f32 v17, v7;
	v11 =	vadd.f32 v18, v33;
	v37 =	vpop (erf);
	[tilespmem:s30+$0x10] =	vst v10  }
0x536: {  	v38 =	vld [tilespmem:$0xC620];
	v18 =	vmul.f32 $2.000000030e-01, v13;
	v10 =	vadd.f32 v14, v34;
	[tilespmem:s30+$0x20] =	vst v9;
	v8 =	vmul.f32 v37, v8  }
0x537: {  	v44 =	vld [tilespmem:$0xC630];
	v51 =	vadd.f32 v46, v30;
	[tilespmem:s30+$0x30] =	vst v7;
	v4 =	vmul.f32 v37, v4;
	v2 =	vmul.f32 v37, v2  }
0x538: {  	v35 =	vld [tilespmem:s18+$0x70];
	v15 =	vadd.f32 v15, v31;
	v9 =	vmul.f32 $2.000000030e-01, v11;
	v7 =	vmul.f32 $2.000000030e-01, v10;
	[tilespmem:s30+$0x40] =	vst v8  }
0x539: {  	v42 =	vld [tilespmem:$0xC640];
	v14 =	vmul.f32 $2.000000030e-01, v51;
	v3 =	vmul.f32 v37, v3;
	v13 =	vmax.f32 v13, v18;
	[tilespmem:s30+$0x50] =	vst v4  }
0x53a: {  	v43 =	vld [tilespmem:$0xC650];
	v8 =	vmul.f32 $2.000000030e-01, v36;
	[tilespmem:s30+$0x60] =	vst v2;
	v4 =	vmax.f32 v11, v9;
	v7 =	vmax.f32 v10, v7  }
0x53b: {  	[tilespmem:s30+$0x70] =	vst v3;
	v3 =	vmax.f32 v51, v14;
	v2 =	vmul.f32 v4, v5;
	v4 =	vmul.f32 v7, v6  }
0x53c: {  	v40 =	vld [tilespmem:$0xC660];
	v13 =	vmul.f32 v13, v44;
	v9 =	vmul.f32 $2.000000030e-01, v15;
	v10 =	vadd.f32 v52, v28  }
0x53d: {  	v7 =	vadd.f32 v53, v35;
	v2 =	vadd.f32 v4, v2;
	v4 =	vmul.f32 v3, v38  }
0x53e: {  	v39 =	vld [tilespmem:$0xC670];
	v8 =	vmax.f32 v36, v8;
	v11 =	vmul.f32 $2.000000030e-01, v10;
	v9 =	vmax.f32 v15, v9  }
0x53f: {  	v57 =	vld [tilespmem:s20+$0xFFFFFFB0];
	(xrf2) =	vadd.scan.msk.f32 $0xffff, v12;
	v8 =	vmul.f32 v8, v42;
	v9 =	vmul.f32 v9, v43;
	v4 =	vadd.f32 v4, v2  }
0x540: {  	v16 =	vadd.f32 v21, v16;
	v21 =	vld [tilespmem:s18+$0xFFFFFFB0];
	v10 =	vmax.f32 v10, v11;
	v11 =	vmul.f32 $2.000000030e-01, v7  }
0x541: {  	v12 =	vld [tilespmem:s18+$0xFFFFFFD0];
	v8 =	vadd.f32 v9, v8;
	v9 =	vmul.f32 v10, v40;
	v4 =	vadd.f32 v13, v4  }
0x542: {  	(xrf2) =	vadd.scan.msk.f32 $0xffff, v16;
	v18 =	vld [tilespmem:s20+$0xFFFFFFE0];
	v7 =	vmax.f32 v7, v11  }
0x543: {  	v14 =	vld [tilespmem:s18+$0xFFFFFFE0];
	v8 =	vadd.f32 v9, v8;
	v7 =	vmul.f32 v7, v39;
	(xrf2) =	vadd.scan.msk.f32 $0xffff, v4  }
0x544: {  	v3 =	vld [tilespmem:s18+$0xFFFFFF90]  }
0x545: {  	v2 =	vld [tilespmem:s18+$0xFFFFFFC0];
	v8 =	vadd.f32 v7, v8  }
0x546: {  	v11 =	vld [tilespmem:s20+$0xFFFFFF90]  }
0x547: {  	v10 =	vld [tilespmem:s20+$0xFFFFFF80]  }
0x548: {  	v9 =	vld [tilespmem:s20+$0xFFFFFFC0];
	(xrf2) =	vadd.scan.msk.f32 $0xffff, v8  }
0x549: {  	v13 =	vld [tilespmem:s20+$0xFFFFFFD0];
	v8, _, _ =	vpop (xrf2)  }
0x54a: {  	s12 =	simm.s32 $0x6480;
	v61 =	vadd.f32 v18, v14;
	v7 =	vld [tilespmem:s18+$0xFFFFFF80];
	v8 =	vmul.f32 $1.442695020e+00, v8  }
0x54b: {  	v54 =	vld [tilespmem:s12+$0x0];
	v45 =	vadd.f32 v11, v3  }
0x54c: {  	v41 =	vadd.f32 v57, v21;
	v15 =	vld [tilespmem:s20+$0xFFFFFFA0];
	v63 =	vmul.f32 $2.000000030e-01, v61;
	v16, _, _ =	vpop (xrf2);
	v8 =	vbroadcast v8, $0xF  }
0x54d: {  	v4 =	vld [tilespmem:s18+$0xFFFFFFA0];
	v9 =	vadd.f32 v9, v2;
	v56 =	vmul.f32 $2.000000030e-01, v45;
	v55 =	vmul.f32 $1.442695020e+00, v16;
	v46, _, _ =	vpop (xrf2)  }
0x54e: {  	v47 =	vld [tilespmem:s20+$0xFFFFFFF0];
	v13 =	vadd.f32 v13, v12;
	(erf) = vpow2.f32 v8;
	v8 =	vmul.f32 $1.442695020e+00, v46  }
0x54f: {  	v10 =	vadd.f32 v10, v7;
	v58 =	vmul.f32 $2.000000030e-01, v9;
	v16 =	vld [tilespmem:s18+$0xFFFFFFF0];
	v11 =	vbroadcast v55, $0xF  }
0x550: {  	vm12 =	veq.f32 v54, $1.000000000e+00;
	v48 =	vmul.f32 $2.000000030e-01, v13;
	v8 =	vbroadcast v8, $0xF  }
0x551: {  	vm13 =	veq.f32 v54, $2.000000000e+00;
	v49 =	vmul.f32 $2.000000030e-01, v10;
	(erf) = vpow2.f32 v11  }
0x552: {  	s29 =	simm.s32 $0xA880;
	v50 =	vadd.f32 v15, v4;
	v45 =	vmax.f32 v45, v56;
	v60, _, _ =	vpop (xrf2);
	(erf) = vpow2.f32 v8  }
0x553: {  	v57 =	vld [tilespmem:s29+$0x10];
	v6 =	vmul.f32 v45, v6;
	v15 =	vmul.f32 $1.442695020e+00, v60;
	v8 =	vmax.f32 v10, v49  }
0x554: {  	v51 =	vld [tilespmem:s29+$0x30];
	v59 =	vmax.f32 v9, v58;
	v53 =	vadd.f32 v47, v16;
	v5 =	vmul.f32 v8, v5  }
0x555: {  	v52 =	vld [tilespmem:s29+$0x20];
	v13 =	vmax.f32 v13, v48;
	v42 =	vmul.f32 v59, v42;
	v18 =	vbroadcast v15, $0xF  }
0x556: {  	v36 =	vld [tilespmem:$0xC610];
	v55 =	vmul.f32 $2.000000030e-01, v53;
	v54 =	vadd.f32 v6, v5;
	v6 =	vmul.f32 $2.000000030e-01, v41  }
0x557: {  	s20 =	simm.s32 $0x8880;
	v56 =	vld [tilespmem:s29+$0x0];
	v13 =	vmul.f32 v13, v43;
	(erf) = vpow2.f32 v18  }
0x558: {  	v9 =	vld [tilespmem:s20+$0x30];
	v45 =	vmax.f32 v61, v63;
	v43 =	vmax.f32 v53, v55  }
0x559: {  	v40 =	vmul.f32 v45, v40;
	v42 =	vadd.f32 v13, v42;
	v15 =	vld [tilespmem:s20+$0x0];
	v5 =	vpop (erf)  }
0x55a: {  	v62 =	vmul.f32 $2.000000030e-01, v50;
	v18 =	vld [tilespmem:s20+$0x10];
	v41 =	vmax.f32 v41, v6;
	v6 =	vpop (erf)  }
0x55b: {  	v61 =	vld [tilespmem:s29+$0x50];
	v40 =	vadd.f32 v40, v42;
	v39 =	vmul.f32 v43, v39;
	v42 =	vmul.f32 v5, v27;
	v43 =	vpop (erf)  }
0x55c: {  	v46 =	vmax.f32 v50, v62;
	v10 =	vld [tilespmem:s20+$0x20];
	v27 =	vmul.f32 v43, v33;
	v34 =	vmul.f32 v43, v34  }
0x55d: {  	s18 =	simm.s32 $0xC800;
	v59 =	vld [tilespmem:s29+$0x40];
	v50 =	vnsel vm12, $0x0, v17;
	v17 =	vmul.f32 v46, v38;
	v38 =	vmul.f32 v5, v26  }
0x55e: {  	v11 =	vld [tilespmem:$0xC600];
	v26 =	vmul.f32 v43, v29;
	[tilespmem:s18+$0x0] =	vst v27;
	v27 =	vmul.f32 v43, v30;
	v30 =	vadd.f32 v56, v15  }
0x55f: {  	v13 =	vld [tilespmem:s20+$0x40];
	v29 =	vadd.f32 v57, v18;
	[tilespmem:s18+$0x10] =	vst v34  }
0x560: {  	v49 =	vld [tilespmem:$0xC640];
	v58 =	vadd.f32 v17, v54;
	v41 =	vmul.f32 v41, v44;
	[tilespmem:s18+$0x30] =	vst v26;
	v34 =	vpop (erf);
	v62 =	vmul.f32 $2.000000030e-01, v30  }
0x561: {  	v63 =	vadd.f32 v52, v10;
	[tilespmem:s18+$0x20] =	vst v27;
	v27 =	vld [tilespmem:$0xC620];
	v26 =	vmul.f32 v34, v31;
	v31 =	vmul.f32 $2.000000030e-01, v29  }
0x562: {  	v8 =	vld [tilespmem:s20+$0x60];
	v54 =	vadd.f32 v51, v9;
	v44 =	vmul.f32 v5, v25;
	v55 =	vmul.f32 v34, v28  }
0x563: {  	v28 =	vld [tilespmem:$0xC630];
	v45 =	vmax.f32 v30, v62;
	[tilespmem:s18+$0x50] =	vst v26;
	v26 =	vmul.f32 $2.000000030e-01, v63;
	v29 =	vmax.f32 v29, v31  }
0x564: {  	v39 =	vadd.f32 v39, v40;
	v17 =	vld [tilespmem:s20+$0x50];
	v31 =	vmul.f32 v45, v11;
	v56 =	vmul.f32 v29, v36  }
0x565: {  	v40 =	vld [tilespmem:s29+$0x70];
	v57 =	vmul.f32 $2.000000030e-01, v54;
	v32 =	vmul.f32 v34, v32;
	v26 =	vmax.f32 v63, v26  }
0x566: {  	v25 =	vld [tilespmem:s29+$0x60];
	v60 =	vadd.f32 v41, v58;
	v31 =	vadd.f32 v56, v31;
	v26 =	vmul.f32 v26, v27  }
0x567: {  	v47 =	vmul.f32 v5, v20;
	v20 =	vld [tilespmem:s20+$0x70];
	[tilespmem:s18+$0x40] =	vst v32;
	v32 =	vmax.f32 v54, v57  }
0x568: {  	v46 =	vadd.f32 v59, v13;
	v53 =	vld [tilespmem:s29+$0xFFFFFFA0];
	(xrf2) =	vadd.scan.msk.f32 $0xffff, v60;
	v32 =	vmul.f32 v32, v28;
	v63 =	vadd.f32 v26, v31  }
0x569: {  	v58 =	vadd.f32 v61, v17;
	v30 =	vld [tilespmem:$0xC650]  }
0x56a: {  	v51 =	vmul.f32 v6, v19;
	v19 =	vld [tilespmem:s20+$0xFFFFFFD0];
	v60 =	vmul.f32 $2.000000030e-01, v46;
	(xrf2) =	vadd.scan.msk.f32 $0xffff, v39;
	v32 =	vadd.f32 v32, v63  }
0x56b: {  	v61 =	vadd.f32 v25, v8;
	v35 =	vmul.f32 v34, v35;
	v62 =	vmul.f32 $2.000000030e-01, v58;
	v29 =	vld [tilespmem:$0xC660]  }
0x56c: {  	v25 =	vld [tilespmem:s20+$0xFFFFFF90];
	v40 =	vadd.f32 v40, v20;
	(xrf2) =	vadd.scan.msk.f32 $0xffff, v32  }
0x56d: {  	v33 =	vmax.f32 v46, v60;
	[tilespmem:s18+$0x70] =	vst v35;
	v54 =	vmul.f32 $2.000000030e-01, v61;
	v35 =	vmax.f32 v58, v62;
	v31 =	vld [tilespmem:$0xC670]  }
0x56e: {  	s3 =	simm.s32 $0x6580;
	v46 =	vld [tilespmem:s29+$0xFFFFFF80];
	v33 =	vmul.f32 v33, v49;
	[tilespmem:s18+$0x60] =	vst v55;
	v35 =	vmul.f32 v35, v30  }
0x56f: {  	v37 =	vnsel vm13, $0x0, v37;
	v55 =	vmul.f32 $2.000000030e-01, v40;
	v59 =	vld [tilespmem:s3+$0x0];
	v41 =	vmax.f32 v61, v54  }
0x570: {  	v37 =	vadd.f32 v37, v50;
	v57 =	vld [tilespmem:s29+$0xFFFFFFC0];
	v35 =	vadd.f32 v35, v33;
	v41 =	vmul.f32 v41, v29  }
0x571: {  	s2 =	simm.s32 $0xE700;
	v23 =	vmul.f32 v6, v23;
	v58 =	vmax.f32 v40, v55;
	v56 =	vld [tilespmem:s29+$0xFFFFFF90]  }
0x572: {  	[tilespmem:s2+$0x0] =	vst v37;
	v61, _, _ =	vpop (xrf2);
	v26 =	vld [tilespmem:s20+$0xFFFFFFC0];
	v63 =	vmul.f32 v6, v24;
	v35 =	vadd.f32 v41, v35;
	v37 =	vmul.f32 v58, v31  }
0x573: {  	v60 =	vld [tilespmem:s29+$0xFFFFFFD0];
	v62 =	vmul.f32 v6, v22;
	v50 =	vmul.f32 $1.442695020e+00, v61  }
0x574: {  	[tilespmem:s30+$0xFFFFFF80] =	vst v42;
	vm14 =	veq.f32 v59, $1.000000000e+00;
	vm15 =	veq.f32 v59, $2.000000000e+00;
	v33 =	vld [tilespmem:s20+$0xFFFFFF80];
	v24, _, _ =	vpop (xrf2);
	v35 =	vadd.f32 v37, v35  }
0x575: {  	[tilespmem:s30+$0xFFFFFF90] =	vst v47;
	v52 =	vbroadcast v50, $0xF;
	v22 =	vnsel vm15, $0x0, v34;
	v34 =	vld [tilespmem:s20+$0xFFFFFFA0];
	v24 =	vmul.f32 $1.442695020e+00, v24  }
0x576: {  	v59 =	vnsel vm14, $0x0, v43;
	v32 =	vadd.f32 v56, v25;
	[tilespmem:s30+$0xFFFFFFF0] =	vst v63;
	v63, _, _ =	vpop (xrf2);
	(xrf2) =	vadd.scan.msk.f32 $0xffff, v35  }
0x577: {  	[tilespmem:s30+$0xFFFFFFA0] =	vst v44;
	v43 =	vadd.f32 v22, v59;
	v22 =	vld [tilespmem:s20+$0xFFFFFFE0];
	v54 =	vadd.f32 v57, v26;
	v55 =	vbroadcast v24, $0xF  }
0x578: {  	[tilespmem:s30+$0xFFFFFFB0] =	vst v38;
	(erf) = vpow2.f32 v52;
	v57 =	vadd.f32 v60, v19;
	v58 =	vld [tilespmem:s29+$0xFFFFFFE0];
	v56 =	vmul.f32 $2.000000030e-01, v32  }
0x579: {  	s4 =	simm.s32 $0xE800;
	[tilespmem:s30+$0xFFFFFFD0] =	vst v23;
	v23 =	vld [tilespmem:s20+$0xFFFFFFF0];
	v46 =	vadd.f32 v46, v33;
	v59 =	vmul.f32 $2.000000030e-01, v54;
	(erf) = vpow2.f32 v55  }
0x57a: {  	v39 =	vld [tilespmem:s29+$0xFFFFFFB0];
	[tilespmem:s4+$0x0] =	vst v43;
	v60 =	vmul.f32 $2.000000030e-01, v57;
	v43 =	vadd.f32 v53, v34  }
0x57b: {  	[tilespmem:s30+$0xFFFFFFE0] =	vst v62;
	v24 =	vld [tilespmem:s20+$0xFFFFFFB0];
	v32 =	vmax.f32 v32, v56;
	v61 =	vmul.f32 $2.000000030e-01, v46;
	v62 =	vmax.f32 v54, v59  }
0x57c: {  	s5 =	simm.s32 $0x4;
	[tilespmem:s30+$0xFFFFFFC0] =	vst v51;
	v40 =	vld [tilespmem:s29+$0xFFFFFFF0];
	v37 =	vmul.f32 v32, v36;
	v42 =	vmax.f32 v57, v60;
	v36 =	vmul.f32 v62, v49  }
0x57d: {  	s13 =	simm.s32 $0x6580;
	s14 =	simm.s32 $0xC800;
	v32 =	vmax.f32 v46, v61;
	v38 =	vadd.f32 v58, v22;
	v35 =	vld [tilespmem:s12+$0xFFFFFF80];
	s12 =	simm.s32 $0xE800;
	v41 =	vmul.f32 $1.442695020e+00, v63  }
.LBB2_30:
0x57e: {  	v44 =	vmul.f32 v32, v11;
	v11 =	vld [tilespmem:$0xC600];
	v45 =	vmul.f32 $2.000000030e-01, v43  }
0x57f: {  	s20 =	sadd.s32 $0x100, s20;
	v32 =	vld [tilespmem:$0xC610];
	v49 =	vmul.f32 $2.000000030e-01, v38;
	v48 =	vbroadcast v41, $0xF  }
0x580: {  	v30 =	vmul.f32 v42, v30;
	s29 =	sadd.s32 $0x100, s29;
	v47 =	vld [tilespmem:s20+$0x30];
	v43 =	vmax.f32 v43, v45;
	v39 =	vadd.f32 v39, v24;
	v42, _, _ =	vpop (xrf2)  }
0x581: {  	v45 =	vld [tilespmem:s29+$0x30];
	v40 =	vadd.f32 v40, v23;
	v42 =	vmul.f32 $1.442695020e+00, v42;
	(erf) = vpow2.f32 v48;
	v41 =	vpop (erf)  }
0x582: {  	v37 =	vadd.f32 v37, v44;
	v38 =	vmax.f32 v38, v49;
	v48 =	vld [tilespmem:s20+$0x20];
	v44 =	vmul.f32 $2.000000030e-01, v39;
	v46 =	vpop (erf)  }
0x583: {  	v30 =	vadd.f32 v30, v36;
	v49 =	vld [tilespmem:s20+$0x60];
	v36 =	vmul.f32 $2.000000030e-01, v40;
	v42 =	vbroadcast v42, $0xF  }
0x584: {  	v27 =	vmul.f32 v43, v27;
	v29 =	vmul.f32 v38, v29;
	v50 =	vld [tilespmem:s29+$0x20];
	v39 =	vmax.f32 v39, v44  }
0x585: {  	v38 =	vld [tilespmem:s20+$0x0];
	v28 =	vmul.f32 v39, v28;
	v36 =	vmax.f32 v40, v36;
	(erf) = vpow2.f32 v42  }
0x586: {  	v27 =	vadd.f32 v27, v37;
	v29 =	vadd.f32 v29, v30;
	v39 =	vld [tilespmem:s20+$0x10];
	v30 =	vmul.f32 v36, v31  }
0x587: {  	vm0 =	veq.f32 v35, $1.000000000e+00;
	v37 =	vmul.f32 v41, v3;
	v3 =	vmovc v25;
	v36 =	vmul.f32 v41, v7;
	v7 =	vmovc v33;
	v31 =	vld [tilespmem:s20+$0x40]  }
0x588: {  	v27 =	vadd.f32 v28, v27;
	v25 =	vld [tilespmem:s20+$0x50];
	v28 =	vadd.f32 v30, v29;
	v29 =	vmul.f32 v41, v4;
	v4 =	vmovc v34  }
0x589: {  	v21 =	vmul.f32 v41, v21;
	vm1 =	veq.f32 v35, $2.000000000e+00;
	v33 =	vmul.f32 v46, v2;
	v2 =	vmovc v26;
	v30 =	vld [tilespmem:s29+$0x0];
	[tilespmem:s18+$0xFFFFFF80] =	vst v36  }
0x58a: {  	v12 =	vmul.f32 v46, v12;
	v14 =	vmul.f32 v46, v14;
	v26 =	vld [tilespmem:s29+$0x10];
	(xrf2) =	vadd.scan.msk.f32 $0xffff, v27;
	v34 =	vpop (erf);
	[tilespmem:s18+$0xFFFFFF90] =	vst v37  }
0x58b: {  	v16 =	vmul.f32 v46, v16;
	v36 =	vnsel vm0, $0x0, v5;
	v5 =	vmovc v41;
	v35 =	vld [tilespmem:s29+$0x40];
	v15 =	vmul.f32 v34, v15;
	[tilespmem:s18+$0xFFFFFFA0] =	vst v29  }
0x58c: {  	v40 =	vnsel vm1, $0x0, v6;
	v6 =	vmovc v46;
	v37 =	vadd.f32 v45, v47;
	v18 =	vmul.f32 v34, v18;
	s18 =	sadd.s32 $0x100, s18;
	v29 =	vld [tilespmem:s29+$0x50];
	[tilespmem:s14+$0xFFFFFFB0] =	vst v21  }
0x58d: {  	v21 =	vadd.f32 v50, v48;
	v50 =	vmul.f32 v34, v10;
	v10 =	vmovc v48;
	v41 =	vld [tilespmem:s29+$0x60];
	[tilespmem:s18+$0x0] =	vst v15;
	(xrf2) =	vadd.scan.msk.f32 $0xffff, v28  }
0x58e: {  	v44 =	vmul.f32 $2.000000030e-01, v37;
	v42 =	vld [tilespmem:s20+$0x70];
	v43 =	vadd.f32 v30, v38;
	[tilespmem:s18+$0x10] =	vst v18;
	v18 =	vmul.f32 v34, v9;
	v45 =	vpop (erf)  }
0x58f: {  	v46 =	vmul.f32 $2.000000030e-01, v21;
	v9 =	vmovc v47;
	v26 =	vadd.f32 v26, v39;
	v48 =	vld [tilespmem:s29+$0x70];
	[tilespmem:s18+$0x20] =	vst v50;
	v13 =	vmul.f32 v45, v13  }
0x590: {  	v17 =	vmul.f32 v45, v17;
	v15 =	vmovc v38;
	v27 =	vld [tilespmem:$0xC620];
	v47 =	vmul.f32 $2.000000030e-01, v43;
	v35 =	vadd.f32 v35, v31;
	[tilespmem:s18+$0x30] =	vst v18  }
0x591: {  	s5 =	sadd.s32 $0x2, s5;
	v38 =	vld [tilespmem:$0xC640];
	v50 =	vmul.f32 $2.000000030e-01, v26;
	v51 =	vadd.f32 v29, v25;
	[tilespmem:s18+$0x40] =	vst v13;
	v29 =	vmul.f32 v45, v8;
	v8 =	vmovc v49  }
0x592: {  	p5 =	slt.u32 s5, $0x3E;
	v52 =	vmul.f32 v45, v20;
	v30 =	vld [tilespmem:$0xC650];
	v49 =	vmul.f32 $2.000000030e-01, v35;
	v41 =	vadd.f32 v41, v8;
	[tilespmem:s18+$0x50] =	vst v17;
	v18 =	vmovc v39  }
0x593: {  	v20 =	vmax.f32 v43, v47;
	v28 =	vld [tilespmem:$0xC630];
	v26 =	vmax.f32 v26, v50;
	v39 =	vmul.f32 $2.000000030e-01, v51;
	[tilespmem:s18+$0x60] =	vst v29;
	v13 =	vmovc v31  }
0x594: {  	s3 =	sadd.s32 $0x100, s3;
	v20 =	vmul.f32 v20, v11;
	v29 =	vld [tilespmem:$0xC660];
	v26 =	vmul.f32 v26, v32;
	v43 =	vadd.f32 v48, v42;
	[tilespmem:s18+$0x70] =	vst v52;
	v47, _, _ =	vpop (xrf2)  }
0x595: {  	v21 =	vmax.f32 v21, v46;
	v17 =	vmovc v25;
	v35 =	vmax.f32 v35, v49;
	v46 =	vmul.f32 $2.000000030e-01, v41;
	v48 =	vld [tilespmem:s3+$0x0];
	[tilespmem:s14+$0xFFFFFFC0] =	vst v33  }
0x596: {  	v21 =	vmul.f32 v21, v27;
	v25 =	vld [tilespmem:s20+$0xFFFFFF90];
	v49 =	vadd.f32 v26, v20;
	v26 =	vmax.f32 v51, v39;
	[tilespmem:s14+$0xFFFFFFD0] =	vst v12  }
0x597: {  	v50 =	vmax.f32 v37, v44;
	v33 =	vmul.f32 v35, v38;
	v31 =	vld [tilespmem:$0xC670];
	v35 =	vmul.f32 v26, v30;
	v37, _, _ =	vpop (xrf2);
	[tilespmem:s14+$0xFFFFFFE0] =	vst v14  }
0x598: {  	v39 =	vmax.f32 v41, v46;
	v26 =	vld [tilespmem:s20+$0xFFFFFFC0];
	v44 =	vadd.f32 v21, v49;
	v49 =	vmul.f32 v50, v28;
	[tilespmem:s14+$0xFFFFFFF0] =	vst v16;
	s14 =	smov.u32 s18  }
0x599: {  	v46 =	vmul.f32 $2.000000030e-01, v43;
	v12 =	vmovc v19;
	v20 =	vmovc v42;
	v33 =	vadd.f32 v35, v33;
	v35 =	vmul.f32 v39, v29;
	v19 =	vld [tilespmem:s20+$0xFFFFFFD0]  }
0x59a: {  	v14 =	vmovc v22;
	v21 =	vmovc v24;
	v39 =	vld [tilespmem:s29+$0xFFFFFF80];
	v41 =	vadd.f32 v49, v44;
	vm0 =	veq.f32 v48, $1.000000000e+00;
	vm1 =	veq.f32 v48, $2.000000000e+00  }
0x59b: {  	v22 =	vmax.f32 v43, v46;
	v16 =	vmovc v23;
	v24 =	vld [tilespmem:s29+$0xFFFFFF90];
	v34 =	vnsel vm0, $0x0, v34;
	v42 =	vnsel vm1, $0x0, v45  }
0x59c: {  	v35 =	vadd.f32 v35, v33;
	v23 =	vld [tilespmem:s29+$0xFFFFFFC0];
	v22 =	vmul.f32 v22, v31;
	(xrf2) =	vadd.scan.msk.f32 $0xffff, v41;
	v34 =	vadd.f32 v42, v34  }
0x59d: {  	s4 =	sadd.s32 $0x100, s4;
	v36 =	vadd.f32 v40, v36;
	v37 =	vmul.f32 $1.442695020e+00, v37;
	v42 =	vmul.f32 $1.442695020e+00, v47;
	v41 =	vld [tilespmem:s29+$0xFFFFFFD0]  }
0x59e: {  	v33 =	vld [tilespmem:s20+$0xFFFFFF80];
	v35 =	vadd.f32 v22, v35;
	[tilespmem:s4+$0x0] =	vst v34  }
0x59f: {  	v37 =	vbroadcast v37, $0xF;
	v40 =	vbroadcast v42, $0xF;
	v34 =	vld [tilespmem:s20+$0xFFFFFFA0];
	[tilespmem:s2+$0xFFFFFF80] =	vst v36;
	s2 =	smov.u32 s12;
	s12 =	smov.u32 s4  }
0x5a0: {  	v22 =	vld [tilespmem:s20+$0xFFFFFFE0];
	v36 =	vadd.f32 v24, v25;
	(xrf2) =	vadd.scan.msk.f32 $0xffff, v35  }
0x5a1: {  	v35 =	vld [tilespmem:s29+$0xFFFFFFA0];
	v42 =	vadd.f32 v23, v26  }
0x5a2: {  	v43 =	vmul.f32 $2.000000030e-01, v36;
	v41 =	vadd.f32 v41, v19;
	v44 =	vld [tilespmem:s29+$0xFFFFFFE0];
	(erf) = vpow2.f32 v40  }
.Ltmp17:
0x5a3: {  	v24 =	vld [tilespmem:s20+$0xFFFFFFB0];
	v45 =	vadd.f32 v39, v33;
	v40 =	vmul.f32 $2.000000030e-01, v42;
	(erf) = vpow2.f32 v37;
	(pc) =	sbr.rel @p5 .LBB2_30-.Ltmp17, $4  }
0x5a4: {  	v23 =	vld [tilespmem:s20+$0xFFFFFFF0];
	v36 =	vmax.f32 v36, v43;
	v46 =	vmul.f32 $2.000000030e-01, v41  }
0x5a5: {  	v47 =	vmul.f32 $2.000000030e-01, v45;
	v37 =	vmul.f32 v36, v32;
	v39 =	vld [tilespmem:s29+$0xFFFFFFB0];
	v32 =	vmax.f32 v42, v40  }
0x5a6: {  	v43 =	vadd.f32 v35, v34;
	v36 =	vmul.f32 v32, v38;
	v42 =	vmax.f32 v41, v46;
	v40 =	vld [tilespmem:s29+$0xFFFFFFF0];
	v35, _, _ =	vpop (xrf2)  }
0x5a7: {  	v32 =	vmax.f32 v45, v47;
	v38 =	vadd.f32 v44, v22;
	v41 =	vmul.f32 $1.442695020e+00, v35;
	v35 =	vld [tilespmem:s13+$0xFFFFFF80];
	s13 =	smov.u32 s3  }
0x5a8: {  	_ =	sdelay $0x1  }
0x5a9: {  	v44 =	vmul.f32 $2.000000030e-01, v43;
	v39 =	vadd.f32 v39, v24  }
0x5aa: {  	v11 =	vmul.f32 v32, v11  }
0x5ab: {  	v58 =	vmax.f32 v43, v44;
	v59 =	vmul.f32 $2.000000030e-01, v39  }
0x5ac: {  	v11 =	vadd.f32 v37, v11;
	v27 =	vmul.f32 v58, v27  }
0x5ad: {  	v60 =	vmul.f32 $2.000000030e-01, v38;
	v39 =	vmax.f32 v39, v59  }
0x5ae: {  	v61 =	vadd.f32 v40, v23;
	v11 =	vadd.f32 v27, v11;
	v28 =	vmul.f32 v39, v28  }
0x5af: {  	v30 =	vmul.f32 v42, v30  }
0x5b0: {  	v62 =	vmax.f32 v38, v60;
	v63 =	vmul.f32 $2.000000030e-01, v61;
	v11 =	vadd.f32 v28, v11  }
0x5b1: {  	v30 =	vadd.f32 v30, v36;
	v27 =	vmul.f32 v62, v29  }
0x5b2: {  	v37 =	vmax.f32 v61, v63;
	(xrf2) =	vadd.scan.msk.f32 $0xffff, v11  }
0x5b3: {  	v27 =	vadd.f32 v27, v30;
	v28 =	vmul.f32 v37, v31  }
0x5b4: {  	v38 =	vbroadcast v41, $0xF  }
0x5b5: {  	v27 =	vadd.f32 v28, v27  }
0x5b6: {  	(erf) = vpow2.f32 v38  }
0x5b7: {  	v39, _, _ =	vpop (xrf2);
	(xrf2) =	vadd.scan.msk.f32 $0xffff, v27;
	_ =	sdelay $0x1  }
0x5b8: {  	v40 =	vmul.f32 $1.442695020e+00, v39;
	_ =	sdelay $0x1  }
0x5b9: {  	v42 =	vpop (erf);
	v41 =	vbroadcast v40, $0xF  }
0x5ba: {  	v7 =	vmul.f32 v42, v7;
	v3 =	vmul.f32 v42, v3;
	v43, _, _ =	vpop (xrf2)  }
0x5bb: {  	(erf) = vpow2.f32 v41;
	v45 =	vmul.f32 $1.442695020e+00, v43  }
0x5bc: {  	v44 =	vpop (erf);
	v4 =	vmul.f32 v42, v4;
	[tilespmem:s18+$0xFFFFFF80] =	vst v7  }
0x5bd: {  	v21 =	vmul.f32 v42, v21;
	[tilespmem:s18+$0xFFFFFF90] =	vst v3;
	v46 =	vpop (erf);
	v47 =	vbroadcast v45, $0xF  }
0x5be: {  	[tilespmem:s18+$0xFFFFFFA0] =	vst v4;
	v3 =	vmul.f32 v46, v15  }
0x5bf: {  	s5 =	sadd.s32 $0x100, s18;
	v2 =	vmul.f32 v44, v2;
	[tilespmem:s14+$0xFFFFFFB0] =	vst v21;
	v49, _, _ =	vpop (xrf2);
	(erf) = vpow2.f32 v47  }
0x5c0: {  	v54 =	vmul.f32 v44, v12;
	[tilespmem:s5+$0x0] =	vst v3;
	v3 =	vmul.f32 $1.442695020e+00, v49  }
0x5c1: {  	[tilespmem:s14+$0xFFFFFFC0] =	vst v2;
	v2 =	vmul.f32 v44, v16  }
0x5c2: {  	[tilespmem:s14+$0xFFFFFFD0] =	vst v54;
	v48 =	vmul.f32 v46, v18;
	v3 =	vbroadcast v3, $0xF  }
0x5c3: {  	[tilespmem:s14+$0xFFFFFFF0] =	vst v2;
	v10 =	vmul.f32 v46, v10  }
0x5c4: {  	v50 =	vmul.f32 v46, v9;
	[tilespmem:s5+$0x10] =	vst v48;
	v51 =	vpop (erf);
	(erf) = vpow2.f32 v3  }
0x5c5: {  	[tilespmem:s5+$0x20] =	vst v10;
	v3 =	vmul.f32 v51, v20  }
0x5c6: {  	[tilespmem:s5+$0x30] =	vst v50;
	v52 =	vmul.f32 v51, v13  }
0x5c7: {  	[tilespmem:s5+$0x70] =	vst v3;
	v3 =	vmul.f32 v44, v14  }
0x5c8: {  	v53 =	vmul.f32 v51, v17;
	[tilespmem:s5+$0x40] =	vst v52;
	v55 =	vpop (erf)  }
0x5c9: {  	v8 =	vmul.f32 v51, v8;
	[tilespmem:s14+$0xFFFFFFE0] =	vst v3;
	v3 =	vmul.f32 v55, v33  }
0x5ca: {  	[tilespmem:s5+$0x50] =	vst v53  }
0x5cb: {  	[tilespmem:s5+$0x60] =	vst v8;
	v2 =	vmul.f32 v55, v25  }
0x5cc: {  	v56 =	vmul.f32 v55, v34;
	[tilespmem:s5+$0xFFFFFF80] =	vst v3  }
0x5cd: {  	v57 =	vmul.f32 v55, v24;
	[tilespmem:s5+$0xFFFFFF90] =	vst v2;
	v3 =	vpop (erf)  }
0x5ce: {  	[tilespmem:s5+$0xFFFFFFA0] =	vst v56;
	v2 =	vmul.f32 v3, v26  }
0x5cf: {  	[tilespmem:s5+$0xFFFFFFB0] =	vst v57;
	v58 =	vmul.f32 v3, v19  }
0x5d0: {  	s3 =	sadd.s32 $0x100, s3;
	v60 =	vmul.f32 v3, v22;
	[tilespmem:s5+$0xFFFFFFC0] =	vst v2  }
0x5d1: {  	v59 =	vld [tilespmem:s3+$0x0];
	v2 =	vmul.f32 v3, v23;
	[tilespmem:s5+$0xFFFFFFD0] =	vst v58  }
0x5d2: {  	v61 =	vld [tilespmem:s13+$0xFFFFFF80];
	[tilespmem:s5+$0xFFFFFFE0] =	vst v60  }
0x5d3: {  	[tilespmem:s5+$0xFFFFFFF0] =	vst v2  }
0x5d4: {  	vm0 =	veq.f32 v35, $1.000000000e+00;
	vm11 =	veq.f32 v35, $2.000000000e+00;
	v2 =	vld [tilespmem:s3+$0xFFFFFF80]  }
0x5d5: {  	v5 =	vnsel vm0, $0x0, v5;
	v6 =	vnsel vm11, $0x0, v6  }
0x5d6: {  	v5 =	vadd.f32 v6, v5;
	vm10 =	veq.f32 v59, $1.000000000e+00;
	vm1 =	veq.f32 v59, $2.000000000e+00  }
0x5d7: {  	v62 =	vnsel vm10, $0x0, v46;
	v7 =	vnsel vm1, $0x0, v51;
	vm12 =	veq.f32 v61, $1.000000000e+00  }
0x5d8: {  	v7 =	vadd.f32 v7, v62;
	vm13 =	veq.f32 v61, $2.000000000e+00;
	v63 =	vnsel vm12, $0x0, v42  }
0x5d9: {  	v8 =	vnsel vm13, $0x0, v44;
	vm14 =	veq.f32 v2, $1.000000000e+00;
	vm15 =	veq.f32 v2, $2.000000000e+00  }
0x5da: {  	s20 =	sadd.s32 $0x100, s4;
	[tilespmem:s2+$0xFFFFFF80] =	vst v5;
	v2 =	vadd.f32 v8, v63;
	v4 =	vnsel vm14, $0x0, v55;
	v3 =	vnsel vm15, $0x0, v3  }
0x5db: {  	[tilespmem:s20+$0x0] =	vst v7;
	v3 =	vadd.f32 v3, v4  }
.Ltmp18:
0x5dc: {  	[tilespmem:s12+$0xFFFFFF80] =	vst v2;
	(pc) =	sbr.rel @p4 .LBB2_35-.Ltmp18, $4  }
0x5dd: {  	s29 =	simm.s32 $0x8500;
	[tilespmem:s20+$0xFFFFFF80] =	vst v3  }
0x5de: {  	[spmem:s17] =	stream.indirect.scatter.add.f32 [tilespmem:s6], [sflag:$0x5], $0x80, s29, s9, $0xb8;
	[tilespmem:$0x1BC80] =	vst v63  }
0x5df: {  	s30 =	simm.s32 $0x8580  }
0x5e0: {  	[spmem:s21] =	stream.indirect.scatter.add.f32 [tilespmem:s7], [sflag:$0x6], $0x80, s30, s9, $0xb8;
	[tilespmem:$0x1BC80] =	vst v63  }
0x5e1: {  	_ =	swait.ge [sflag:s8], $0x40  }
0x5e2: {  	[sflag:s8] =	ssyncset.done $0x0  }
0x5e3: {  	[sflag:s8] =	ssyncadd.s32 $0xFFFFFFC0  }
0x5e4: {  	_ =	swait.ge [sflag:s8], $0x40  }
0x5e5: {  	[sflag:s8] =	ssyncset.done $0x0  }
0x5e6: {  	[sflag:s8] =	ssyncadd.s32 $0xFFFFFFC0  }
0x5e7: {  	_ =	swait.ge [sflag:s8], $0x2000  }
0x5e8: {  	[sflag:s8] =	ssyncset.done $0x0  }
0x5e9: {  	s3 =	simm.s32 $0x0;
	[sflag:s8] =	ssyncadd.s32 $0xFFFFE000  }
0x5ea: {  	v2 =	vld [tilespmem:s3+$0x80];
	_ =	sdelay $0x4  }
0x5eb: {  	vm0 =	vlt.s32 v2, $0x270F;
	v5 =	vadd.s32 $0xFFFFEC78, v2;
	v3 =	vand.u32 $0x7, v2  }
0x5ec: {  	vm1 =	vlt.u32 v5, $0x1388;
	v6 =	vshra.s32 v5, $0x3;
	v3 =	vadd.s32 $0x276, v3  }
0x5ed: {  	s2 =	simm.s32 $0x10;
	v4 =	vld [tilespmem:s3+$0x0];
	v7 =	vnsel vm0, $0x270F, v2;
	v2 =	vand.u32 $0x3F, v2;
	v3 =	vsel vm1, v6, v3  }
0x5ee: {  	v2 =	vor.u32 $0x1400, v2;
	[tilespmem:s3+$0x2280] =	vst v3;
	v3 =	vld [tilespmem:s2+$0x80]  }
0x5ef: {  	v5 =	vsel vm1, v5, v2;
	v2 =	vld [tilespmem:s2+$0x0]  }
0x5f0: {  	v6 =	vadd.s32 v0, v7  }
0x5f1: {  	[tilespmem:s3+$0x2180] =	vst v6  }
0x5f2: {  	s4 =	simm.s32 $0x80;
	v4 =	vadd.s32 v0, v4;
	[tilespmem:s3+$0x2200] =	vst v5  }
.LBB2_33:
0x5f3: {  	s5 =	sshra.s32 s4, $0x2;
	p4 =	sne.s32 s4, $0xC0;
	s4 =	sadd.s32 $0x40, s4;
	vm0 =	vlt.s32 v3, $0x270F;
	v5 =	vadd.s32 $0xFFFFEC78, v3;
	v6 =	vand.u32 $0x7, v3;
	[tilespmem:s3+$0x2100] =	vst v4;
	v4 =	vmovc v3  }
.Ltmp19:
0x5f4: {  	s3 =	smov.u32 s2;
	v3 =	vld [tilespmem:s5+$0x80];
	vm1 =	vlt.u32 v5, $0x1388;
	v7 =	vshra.s32 v5, $0x3;
	v6 =	vadd.s32 $0x276, v6;
	v8 =	vmovc v2;
	s2 =	smov.u32 s5;
	(pc) =	sbr.rel @p4 .LBB2_33-.Ltmp19, $4  }
0x5f5: {  	v9 =	vnsel vm0, $0x270F, v4;
	v10 =	vand.u32 $0x3F, v4;
	v2 =	vld [tilespmem:s2+$0x0];
	v6 =	vsel vm1, v7, v6  }
0x5f6: {  	v4 =	vadd.s32 v0, v8;
	v7 =	vadd.s32 v0, v9;
	v8 =	vor.u32 $0x1400, v10;
	[tilespmem:s3+$0x2280] =	vst v6  }
0x5f7: {  	v5 =	vsel vm1, v5, v8;
	[tilespmem:s3+$0x2180] =	vst v7  }
0x5f8: {  	[tilespmem:s3+$0x2200] =	vst v5  }
0x5f9: {  	v5 =	vadd.s32 $0xFFFFEC78, v3  }
0x5fa: {  	vm0 =	vlt.s32 v3, $0x270F;
	v6 =	vand.u32 $0x7, v3;
	vm1 =	vlt.u32 v5, $0x1388  }
0x5fb: {  	[tilespmem:s3+$0x2100] =	vst v4;
	v7 =	vshra.s32 v5, $0x3;
	v6 =	vadd.s32 $0x276, v6;
	v2 =	vadd.s32 v0, v2  }
0x5fc: {  	v63 =	vnsel vm0, $0x270F, v3;
	v3 =	vand.u32 $0x3F, v3;
	v6 =	vsel vm1, v7, v6;
	[tilespmem:s2+$0x2100] =	vst v2  }
0x5fd: {  	v4 =	vadd.s32 v0, v63;
	v3 =	vor.u32 $0x1400, v3;
	[tilespmem:s2+$0x2280] =	vst v6  }
.Ltmp20:
0x5fe: {  	[tilespmem:s2+$0x2180] =	vst v4;
	v3 =	vsel vm1, v5, v3;
	(pc) =	sbr.rel .LBB2_25-.Ltmp20, $4  }
0x5ff: {  	s18 =	simm.s32 $0x2100;
	s20 =	simm.s32 $0x2300;
	[tilespmem:s2+$0x2200] =	vst v3  }
0x600: {  	[tilespmem:s20], [sflag:$0x3] =	stream.indirect.gather [hbm4b:s16+s9], $0x80, s18, s9, $0xb8;
	[tilespmem:$0x1BC80] =	vst v63  }
0x601: {  	s29 =	simm.s32 $0x2180;
	s30 =	simm.s32 $0x4300;
	s15 =	sadd.s32 $0x1, s15  }
0x602: {  	[tilespmem:s30], [sflag:$0x3] =	stream.indirect.gather [hbm4b:s22+s9], $0x80, s29, s9, $0xb8;
	[tilespmem:$0x1BC80] =	vst v63  }
.LBB2_36:
0x603: {  	_ =	sfence.sel $0x180000  }
0x604: {  	[bflag:$0x0] =	sbarrier.arrive $0xFFFF  }
0x605: {  	_ =	strace $0x90000047  }
0x606: {  	[bflag:$0x2] =	sbarrier.arrive $0xFFFF  }
0x607: {  	s0 =	rddreg [dreg:$0x4]  }
0x608: {  	s0 =	sadd.s32 @!p0 $0x100000, s0  }
0x609: {  	[sflag:s0] =	ssyncadd.tile.s32 @!p0 $0x1;
	_ =	shalt  }
.Lfunc_end2:
_tile_overlayer_lowered:
.L_overlay_start_2:
0x60a: {  	(tag) =	ssettag $0x2  }
0x60b: {  	s0 =	rddreg [dreg:$0x0];
	s2 =	stileid.u32  }
0x60c: {  	s1 =	rddreg [dreg:$0x1];
	p0 =	sne.s32 s2, $0x0  }
0x60d: {  	s3 =	rddreg [dreg:$0x2];
	[bflag:$0x3] =	sbarrier.arrive $0xFFFF;
	s2 =	simm.s32 @!p0 $0x1C07  }
0x60e: {  	[timem:s3], [sflag:s2] =	dma.local @!p0 [hbm:s0], s1  }
0x60f: {  	s0 =	simm.s32 @!p0 $0x7  }
0x610: {  	_ =	swait.ge @!p0 [sflag:s0], s1  }
0x611: {  	s1 =	ssub.s32 @!p0 $0x0, s1;
	[sflag:s0] =	ssyncset.done @!p0 $0x0  }
0x612: {  	[sflag:s0] =	ssyncadd.s32 @!p0 s1  }
0x613: {  	[bflag:$0x3] =	sbarrier.arrive $0xFFFF  }
0x614: {  	_ =	shalt  }

</sc_bundles>
